<compile_context>
chip_gen: v7x
topology: tpu7x:2x2x1
jax: 0.10.2.dev20260603
libtpu: 0.0.44.dev20260713+nightly
codegen_flags: <defaults>
</compile_context>

<pallas_src>
import functools

import jax
import jax.numpy as jnp
from jax import lax
from jax.experimental import pallas as pl
from jax.experimental.pallas import tpu as pltpu
from jax.experimental.pallas import tpu_sc as plsc

N_HEADS = 16
MAX_WINDOW = 2048
ROW_PAD = 4112
TT_PER_CORE = (MAX_WINDOW // 8) // 2
N_DIAG = 368
NBUF = 2


def _sc_body(table_hbm, out_hbm, row_v, *scratch):
    bufs = scratch[:NBUF]
    sems = scratch[NBUF:]
    c = lax.axis_index("c")
    s = lax.axis_index("s")
    h = s
    tt0 = c * TT_PER_CORE
    wmin = 129 - tt0

    pltpu.sync_copy(table_hbm.at[h], row_v)

    def silu_step(i, carry):
        x = row_v[pl.ds(i * 16, 16)]
        row_v[pl.ds(i * 16, 16)] = x / (1.0 + jnp.exp(-x))
        return carry

    lax.fori_loop(0, ROW_PAD // 16, silu_step, 0)

    def fanout(w, nb, issue):
        stl = (w + tt0 - 256 + 15) // 16
        for j in range(8):
            st = stl + j
            tt = 256 + 16 * st - w
            valid = (
                (st >= 0) & (st < 16) & (tt >= tt0) & (tt < tt0 + TT_PER_CORE)
            )
            dma = pltpu.make_async_copy(
                bufs[nb],
                out_hbm.at[
                    h,
                    pl.ds(pl.multiple_of(8 * tt, 8), 8),
                    pl.ds(pl.multiple_of(128 * st, 8), 128),
                ],
                sems[nb],
            )
            if issue:
                @pl.when(valid)
                def _go(dma=dma):
                    dma.start()
            else:
                @pl.when(valid)
                def _drain(dma=dma):
                    dma.wait()

    def diag_step(g, carry):
        for nb in range(NBUF):
            m = g * NBUF + nb
            w = wmin + m

            @pl.when(g > 0)
            def _reclaim(w=w, nb=nb):
                fanout(w - NBUF, nb, issue=False)

            base = 8 * w
            for i in range(8):
                vals = [
                    row_v[pl.ds(base - i + 16 * k, 16)] for k in range(8)
                ]
                for k in range(8):
                    bufs[nb][i, pl.ds(16 * k, 16)] = vals[k]

            fanout(w, nb, issue=True)
        return carry

    lax.fori_loop(0, N_DIAG // NBUF, diag_step, 0)

    for nb in range(NBUF):
        fanout(wmin + N_DIAG - NBUF + nb, nb, issue=False)


def kernel(context_win, memory_win, embeddings_table):
    del context_win, memory_win
    table_t = jnp.transpose(embeddings_table)
    table_t = jnp.pad(table_t, ((0, 0), (0, ROW_PAD - table_t.shape[1])))

    mesh = plsc.VectorSubcoreMesh(core_axis_name="c", subcore_axis_name="s")
    run = functools.partial(
        pl.kernel,
        mesh=mesh,
        out_type=jax.ShapeDtypeStruct(
            (N_HEADS, MAX_WINDOW, MAX_WINDOW), jnp.float32
        ),
        scratch_types=[
            pltpu.VMEM((ROW_PAD,), jnp.float32),
            *[pltpu.VMEM((8, 128), jnp.float32) for _ in range(NBUF)],
            *[pltpu.SemaphoreType.DMA for _ in range(NBUF)],
        ],
    )(_sc_body)
    return run(table_t)

# --- scband reference (transcript-rebuilt; emitter-appended) ---
"""Pipeline reference for scband-relative-position1-d-42700564857052 (READ-ONLY COPY).

The authoritative reference and input builder live on the scoring server;
editing this copy changes nothing except your own understanding.
"""

import jax, jax.numpy as jnp
import numpy as np

N_HEADS = 16
MAX_WINDOW = 2048

def setup_inputs(seed: int = 0) -> dict:
    key = jax.random.key(seed)
    # Xavier-uniform init for embeddings_table [2*max_window+1, n_heads]
    fan_in, fan_out = MAX_WINDOW * 2 + 1, N_HEADS
    limit = float(np.sqrt(6.0 / (fan_in + fan_out)))
    table = jax.random.uniform(key, (MAX_WINDOW * 2 + 1, N_HEADS), dtype=jnp.float32, minval=-limit, maxval=limit)
    return {"context_win": 2048, "memory_win": 2048, "embeddings_table": table}

def reference(context_win, memory_win, embeddings_table):
    max_window = (embeddings_table.shape[0] - 1) // 2
    ctx = jnp.arange(max_window) + (context_win - context_win)
    mem = jnp.arange(max_window) + (memory_win - memory_win)
    distance_mat = mem[None, :] - ctx[:, None]
    distance_clipped = jnp.clip(distance_mat, -max_window, max_window)
    relative_position_index = distance_clipped + max_window
    embeddings = jnp.take(embeddings_table, relative_position_index, axis=0)  # [t, s, h]
    activated = embeddings * jax.nn.sigmoid(embeddings)  # SiLU
    return jnp.transpose(activated, (2, 0, 1))  # [h, t, s]

if __name__ == "__main__":
    import jax
    _d = setup_inputs()
    print(jax.jit(kernel)(*tuple(_d.values())))

</pallas_src>

<mosaic_0001>
#map = affine_map<(d0, d1) -> (0, 0)>
#map1 = affine_map<(d0, d1) -> (0, 0, 0)>
module attributes {stable_mosaic.version = 14 : i64} {
  func.func @_sc_body(%arg0: i32, %arg1: i32, %arg2: memref<16x4112xf32, #tpu.memory_space<hbm>>, %arg3: memref<16x2048x2048xf32, #tpu.memory_space<hbm>>, %arg4: memref<4112xf32, #tpu.memory_space<vmem>>, %arg5: memref<8x128xf32, #tpu.memory_space<vmem>>, %arg6: memref<8x128xf32, #tpu.memory_space<vmem>>, %arg7: memref<!tpu.dma_semaphore, #tpu.memory_space<semaphore_mem>>, %arg8: memref<!tpu.dma_semaphore, #tpu.memory_space<semaphore_mem>>) attributes {dimension_semantics = [#tpu.dimension_semantics<core_parallel>, #tpu.dimension_semantics<subcore_parallel>], iteration_bounds = array<i64: 2, 16>, scalar_prefetch = 0 : i64, scratch_operands = 5 : i64, tpu.core_type = #tpu.core_type<sc_vector_subcore>, window_params = [{transform_indices = #map}, {transform_indices = #map1}]} {
    %mul3A = arith.constant 128 : i32
    %mul3A_0 = arith.muli %arg0, %mul3A : i32
    %sub3A = arith.constant 129 : i32
    %sub3A_1 = arith.subi %sub3A, %mul3A_0 : i32
    "tpu.region"() ({
      %run_scoped3A = tpu.sem_alloc : memref<!tpu.dma_semaphore, #tpu.memory_space<semaphore_mem>>
      %dma_start3A = arith.constant 0 : i32
      %dma_start3A_502 = tpu.memref_slice %arg2[%arg1, %dma_start3A] : memref<16x4112xf32, #tpu.memory_space<hbm>> -> memref<1x4112xf32, #tpu.memory_space<hbm>>
      %dma_start3A_503 = tpu.memref_squeeze %dma_start3A_502 : memref<1x4112xf32, #tpu.memory_space<hbm>> -> memref<4112xf32, #tpu.memory_space<hbm>>
      %dma_start3A_504 = arith.constant 0 : i32
      %dma_start3A_505 = tpu.memref_slice %arg2[%arg1, %dma_start3A_504] : memref<16x4112xf32, #tpu.memory_space<hbm>> -> memref<1x4112xf32, #tpu.memory_space<hbm>>
      %dma_start3A_506 = tpu.memref_squeeze %dma_start3A_505 : memref<1x4112xf32, #tpu.memory_space<hbm>> -> memref<4112xf32, #tpu.memory_space<hbm>>
      tpu.enqueue_dma source(%dma_start3A_506 : memref<4112xf32, #tpu.memory_space<hbm>>) target(%arg4 : memref<4112xf32, #tpu.memory_space<vmem>>) target_semaphore(%run_scoped3A : memref<!tpu.dma_semaphore, #tpu.memory_space<semaphore_mem>>)
      %dma_wait3A = arith.constant 0 : i32
      %dma_wait3A_507 = tpu.memref_slice %arg2[%arg1, %dma_wait3A] : memref<16x4112xf32, #tpu.memory_space<hbm>> -> memref<1x4112xf32, #tpu.memory_space<hbm>>
      %dma_wait3A_508 = tpu.memref_squeeze %dma_wait3A_507 : memref<1x4112xf32, #tpu.memory_space<hbm>> -> memref<4112xf32, #tpu.memory_space<hbm>>
      %dma_wait3A_509 = arith.constant 0 : i32
      %dma_wait3A_510 = tpu.memref_slice %arg2[%arg1, %dma_wait3A_509] : memref<16x4112xf32, #tpu.memory_space<hbm>> -> memref<1x4112xf32, #tpu.memory_space<hbm>>
      %dma_wait3A_511 = tpu.memref_squeeze %dma_wait3A_510 : memref<1x4112xf32, #tpu.memory_space<hbm>> -> memref<4112xf32, #tpu.memory_space<hbm>>
      tpu.wait_dma2 semaphore(%run_scoped3A : memref<!tpu.dma_semaphore, #tpu.memory_space<semaphore_mem>>) src(%dma_wait3A_511 : memref<4112xf32, #tpu.memory_space<hbm>>) dst(%arg4 : memref<4112xf32, #tpu.memory_space<vmem>>)
      tpu.yield
    }) : () -> ()
    %scan3A = arith.constant 0 : i32
    %scan3A_2 = arith.constant 0 : i32
    %scan3A_3 = arith.constant 257 : i32
    %scan3A_4 = arith.addi %scan3A_2, %scan3A_3 : i32
    %scan3A_5 = arith.constant 1 : i32
    scf.for %scan3A_502 = %scan3A_2 to %scan3A_4 step %scan3A_5  : i32 {
      %mul3A_503 = arith.constant 16 : i32
      %mul3A_504 = arith.muli %scan3A_502, %mul3A_503 : i32
      %get3A = arith.index_cast %mul3A_504 : i32 to index
      %get3A_505 = tpu.vector_load %arg4[%get3A] {strides = array<i32>} : memref<4112xf32, #tpu.memory_space<vmem>>, vector<16xf32>,
      %get3A_506 = vector.shape_cast %get3A_505 : vector<16xf32> to vector<16xf32>
      %neg3A = arith.constant 0.000000e+00 : f32
      %neg3A_507 = vector.broadcast %neg3A : f32 to vector<16xf32>
      %neg3A_508 = arith.subf %neg3A_507, %get3A_506 : vector<16xf32>
      %exp3A = math.exp %neg3A_508 : vector<16xf32>
      %add3A_509 = arith.constant 1.000000e+00 : f32
      %add3A_510 = vector.broadcast %add3A_509 : f32 to vector<16xf32>
      %add3A_511 = arith.addf %add3A_510, %exp3A : vector<16xf32>
      %div3A_512 = arith.divf %get3A_506, %add3A_511 : vector<16xf32>
      %mul3A_513 = arith.constant 16 : i32
      %mul3A_514 = arith.muli %scan3A_502, %mul3A_513 : i32
      %swap3A = arith.index_cast %mul3A_514 : i32 to index
      %swap3A_515 = tpu.vector_load %arg4[%swap3A] {strides = array<i32>} : memref<4112xf32, #tpu.memory_space<vmem>>, vector<16xf32>,
      %swap3A_516 = vector.shape_cast %swap3A_515 : vector<16xf32> to vector<16xf32>
      %swap3A_517 = vector.shape_cast %div3A_512 : vector<16xf32> to vector<16xf32>
      tpu.vector_store %arg4[%swap3A], %swap3A_517 {strides = array<i32>} : memref<4112xf32, #tpu.memory_space<vmem>>, vector<16xf32>,
    }
    %scan3A_6 = arith.constant 257 : i32
    %scan3A_7 = arith.constant 0 : i32
    %scan3A_8 = arith.constant 0 : i32
    %scan3A_9 = arith.constant 184 : i32
    %scan3A_10 = arith.addi %scan3A_8, %scan3A_9 : i32
    %scan3A_11 = arith.constant 1 : i32
    scf.for %scan3A_502 = %scan3A_8 to %scan3A_10 step %scan3A_11  : i32 {
      %mul3A_503 = arith.constant 2 : i32
      %mul3A_504 = arith.muli %scan3A_502, %mul3A_503 : i32
      %add3A_505 = arith.constant 0 : i32
      %add3A_506 = arith.addi %mul3A_504, %add3A_505 : i32
      %add3A_507 = arith.addi %sub3A_1, %add3A_506 : i32
      %gt3A = arith.constant 0 : i32
      %gt3A_508 = arith.cmpi sgt, %scan3A_502, %gt3A : i32
      %convert_element_type3A_509 = arith.extui %gt3A_508 : i1 to i32
      %cond3A_510 = arith.constant 0 : i32
      %cond3A_511 = arith.cmpi ne, %convert_element_type3A_509, %cond3A_510 : i32
      scf.if %cond3A_511 {
        %sub3A_2678 = arith.constant 2 : i32
        %sub3A_2679 = arith.subi %add3A_507, %sub3A_2678 : i32
        %add3A_2680 = arith.addi %sub3A_2679, %mul3A_0 : i32
        %sub3A_2681 = arith.constant 256 : i32
        %sub3A_2682 = arith.subi %add3A_2680, %sub3A_2681 : i32
        %add3A_2683 = arith.constant 15 : i32
        %add3A_2684 = arith.addi %sub3A_2682, %add3A_2683 : i32
        %jit3A_2685 = arith.constant 16 : i32
        %div3A_2686 = arith.divsi %add3A_2684, %jit3A_2685 : i32
        %sign3A_2687 = arith.constant 0 : i32
        %sign3A_2688 = arith.cmpi sgt, %add3A_2684, %sign3A_2687 : i32
        %sign3A_2689 = arith.extui %sign3A_2688 : i1 to i32
        %sign3A_2690 = arith.constant 0 : i32
        %sign3A_2691 = arith.cmpi slt, %add3A_2684, %sign3A_2690 : i32
        %sign3A_2692 = arith.extui %sign3A_2691 : i1 to i32
        %sign3A_2693 = arith.subi %sign3A_2689, %sign3A_2692 : i32
        %sign3A_2694 = arith.constant 0 : i32
        %sign3A_2695 = arith.cmpi sgt, %jit3A_2685, %sign3A_2694 : i32
        %sign3A_2696 = arith.extui %sign3A_2695 : i1 to i32
        %sign3A_2697 = arith.constant 0 : i32
        %sign3A_2698 = arith.cmpi slt, %jit3A_2685, %sign3A_2697 : i32
        %sign3A_2699 = arith.extui %sign3A_2698 : i1 to i32
        %sign3A_2700 = arith.subi %sign3A_2696, %sign3A_2699 : i32
        %ne3A_2701 = arith.cmpi ne, %sign3A_2693, %sign3A_2700 : i32
        %rem3A_2702 = arith.remsi %add3A_2684, %jit3A_2685 : i32
        %ne3A_2703 = arith.constant 0 : i32
        %ne3A_2704 = arith.cmpi ne, %rem3A_2702, %ne3A_2703 : i32
        %and3A_2705 = arith.andi %ne3A_2701, %ne3A_2704 : i1
        %sub3A_2706 = arith.constant 1 : i32
        %sub3A_2707 = arith.subi %div3A_2686, %sub3A_2706 : i32
        %select_n3A_2708 = arith.select %and3A_2705, %sub3A_2707, %div3A_2686 : i32
        %add3A_2709 = arith.constant 0 : i32
        %add3A_2710 = arith.addi %select_n3A_2708, %add3A_2709 : i32
        %mul3A_2711 = arith.constant 16 : i32
        %mul3A_2712 = arith.muli %mul3A_2711, %add3A_2710 : i32
        %add3A_2713 = arith.constant 256 : i32
        %add3A_2714 = arith.addi %add3A_2713, %mul3A_2712 : i32
        %sub3A_2715 = arith.subi %add3A_2714, %sub3A_2679 : i32
        %ge3A_2716 = arith.constant 0 : i32
        %ge3A_2717 = arith.cmpi sge, %add3A_2710, %ge3A_2716 : i32
        %lt3A_2718 = arith.constant 16 : i32
        %lt3A_2719 = arith.cmpi slt, %add3A_2710, %lt3A_2718 : i32
        %and3A_2720 = arith.andi %ge3A_2717, %lt3A_2719 : i1
        %ge3A_2721 = arith.cmpi sge, %sub3A_2715, %mul3A_0 : i32
        %and3A_2722 = arith.andi %and3A_2720, %ge3A_2721 : i1
        %add3A_2723 = arith.constant 128 : i32
        %add3A_2724 = arith.addi %mul3A_0, %add3A_2723 : i32
        %lt3A_2725 = arith.cmpi slt, %sub3A_2715, %add3A_2724 : i32
        %and3A_2726 = arith.andi %and3A_2722, %lt3A_2725 : i1
        %mul3A_2727 = arith.constant 8 : i32
        %mul3A_2728 = arith.muli %mul3A_2727, %sub3A_2715 : i32
        %multiple_of3A_2729 = tpu.assume_multiple %mul3A_2728, 8 : i32
        %mul3A_2730 = arith.constant 128 : i32
        %mul3A_2731 = arith.muli %mul3A_2730, %add3A_2710 : i32
        %multiple_of3A_2732 = tpu.assume_multiple %mul3A_2731, 8 : i32
        %convert_element_type3A_2733 = arith.extui %and3A_2726 : i1 to i32
        %cond3A_2734 = arith.constant 0 : i32
        %cond3A_2735 = arith.cmpi ne, %convert_element_type3A_2733, %cond3A_2734 : i32
        scf.if %cond3A_2735 {
          %dma_wait3A = tpu.memref_slice %arg3[%arg1, %multiple_of3A_2729, %multiple_of3A_2732] : memref<16x2048x2048xf32, #tpu.memory_space<hbm>> -> memref<1x8x128xf32, #tpu.memory_space<hbm>>
          %dma_wait3A_2925 = tpu.memref_squeeze %dma_wait3A : memref<1x8x128xf32, #tpu.memory_space<hbm>> -> memref<8x128xf32, #tpu.memory_space<hbm>>
          %dma_wait3A_2926 = tpu.memref_slice %arg3[%arg1, %multiple_of3A_2729, %multiple_of3A_2732] : memref<16x2048x2048xf32, #tpu.memory_space<hbm>> -> memref<1x8x128xf32, #tpu.memory_space<hbm>>
          %dma_wait3A_2927 = tpu.memref_squeeze %dma_wait3A_2926 : memref<1x8x128xf32, #tpu.memory_space<hbm>> -> memref<8x128xf32, #tpu.memory_space<hbm>>
          tpu.wait_dma2 semaphore(%arg7 : memref<!tpu.dma_semaphore, #tpu.memory_space<semaphore_mem>>) src(%arg5 : memref<8x128xf32, #tpu.memory_space<vmem>>) dst(%dma_wait3A_2927 : memref<8x128xf32, #tpu.memory_space<hbm>>)
        } else {
        }
        %add3A_2736 = arith.constant 1 : i32
        %add3A_2737 = arith.addi %select_n3A_2708, %add3A_2736 : i32
        %mul3A_2738 = arith.constant 16 : i32
        %mul3A_2739 = arith.muli %mul3A_2738, %add3A_2737 : i32
        %add3A_2740 = arith.constant 256 : i32
        %add3A_2741 = arith.addi %add3A_2740, %mul3A_2739 : i32
        %sub3A_2742 = arith.subi %add3A_2741, %sub3A_2679 : i32
        %ge3A_2743 = arith.constant 0 : i32
        %ge3A_2744 = arith.cmpi sge, %add3A_2737, %ge3A_2743 : i32
        %lt3A_2745 = arith.constant 16 : i32
        %lt3A_2746 = arith.cmpi slt, %add3A_2737, %lt3A_2745 : i32
        %and3A_2747 = arith.andi %ge3A_2744, %lt3A_2746 : i1
        %ge3A_2748 = arith.cmpi sge, %sub3A_2742, %mul3A_0 : i32
        %and3A_2749 = arith.andi %and3A_2747, %ge3A_2748 : i1
        %add3A_2750 = arith.constant 128 : i32
        %add3A_2751 = arith.addi %mul3A_0, %add3A_2750 : i32
        %lt3A_2752 = arith.cmpi slt, %sub3A_2742, %add3A_2751 : i32
        %and3A_2753 = arith.andi %and3A_2749, %lt3A_2752 : i1
        %mul3A_2754 = arith.constant 8 : i32
        %mul3A_2755 = arith.muli %mul3A_2754, %sub3A_2742 : i32
        %multiple_of3A_2756 = tpu.assume_multiple %mul3A_2755, 8 : i32
        %mul3A_2757 = arith.constant 128 : i32
        %mul3A_2758 = arith.muli %mul3A_2757, %add3A_2737 : i32
        %multiple_of3A_2759 = tpu.assume_multiple %mul3A_2758, 8 : i32
        %convert_element_type3A_2760 = arith.extui %and3A_2753 : i1 to i32
        %cond3A_2761 = arith.constant 0 : i32
        %cond3A_2762 = arith.cmpi ne, %convert_element_type3A_2760, %cond3A_2761 : i32
        scf.if %cond3A_2762 {
          %dma_wait3A = tpu.memref_slice %arg3[%arg1, %multiple_of3A_2756, %multiple_of3A_2759] : memref<16x2048x2048xf32, #tpu.memory_space<hbm>> -> memref<1x8x128xf32, #tpu.memory_space<hbm>>
          %dma_wait3A_2925 = tpu.memref_squeeze %dma_wait3A : memref<1x8x128xf32, #tpu.memory_space<hbm>> -> memref<8x128xf32, #tpu.memory_space<hbm>>
          %dma_wait3A_2926 = tpu.memref_slice %arg3[%arg1, %multiple_of3A_2756, %multiple_of3A_2759] : memref<16x2048x2048xf32, #tpu.memory_space<hbm>> -> memref<1x8x128xf32, #tpu.memory_space<hbm>>
          %dma_wait3A_2927 = tpu.memref_squeeze %dma_wait3A_2926 : memref<1x8x128xf32, #tpu.memory_space<hbm>> -> memref<8x128xf32, #tpu.memory_space<hbm>>
          tpu.wait_dma2 semaphore(%arg7 : memref<!tpu.dma_semaphore, #tpu.memory_space<semaphore_mem>>) src(%arg5 : memref<8x128xf32, #tpu.memory_space<vmem>>) dst(%dma_wait3A_2927 : memref<8x128xf32, #tpu.memory_space<hbm>>)
        } else {
        }
        %add3A_2763 = arith.constant 2 : i32
        %add3A_2764 = arith.addi %select_n3A_2708, %add3A_2763 : i32
        %mul3A_2765 = arith.constant 16 : i32
        %mul3A_2766 = arith.muli %mul3A_2765, %add3A_2764 : i32
        %add3A_2767 = arith.constant 256 : i32
        %add3A_2768 = arith.addi %add3A_2767, %mul3A_2766 : i32
        %sub3A_2769 = arith.subi %add3A_2768, %sub3A_2679 : i32
        %ge3A_2770 = arith.constant 0 : i32
        %ge3A_2771 = arith.cmpi sge, %add3A_2764, %ge3A_2770 : i32
        %lt3A_2772 = arith.constant 16 : i32
        %lt3A_2773 = arith.cmpi slt, %add3A_2764, %lt3A_2772 : i32
        %and3A_2774 = arith.andi %ge3A_2771, %lt3A_2773 : i1
        %ge3A_2775 = arith.cmpi sge, %sub3A_2769, %mul3A_0 : i32
        %and3A_2776 = arith.andi %and3A_2774, %ge3A_2775 : i1
        %add3A_2777 = arith.constant 128 : i32
        %add3A_2778 = arith.addi %mul3A_0, %add3A_2777 : i32
        %lt3A_2779 = arith.cmpi slt, %sub3A_2769, %add3A_2778 : i32
        %and3A_2780 = arith.andi %and3A_2776, %lt3A_2779 : i1
        %mul3A_2781 = arith.constant 8 : i32
        %mul3A_2782 = arith.muli %mul3A_2781, %sub3A_2769 : i32
        %multiple_of3A_2783 = tpu.assume_multiple %mul3A_2782, 8 : i32
        %mul3A_2784 = arith.constant 128 : i32
        %mul3A_2785 = arith.muli %mul3A_2784, %add3A_2764 : i32
        %multiple_of3A_2786 = tpu.assume_multiple %mul3A_2785, 8 : i32
        %convert_element_type3A_2787 = arith.extui %and3A_2780 : i1 to i32
        %cond3A_2788 = arith.constant 0 : i32
        %cond3A_2789 = arith.cmpi ne, %convert_element_type3A_2787, %cond3A_2788 : i32
        scf.if %cond3A_2789 {
          %dma_wait3A = tpu.memref_slice %arg3[%arg1, %multiple_of3A_2783, %multiple_of3A_2786] : memref<16x2048x2048xf32, #tpu.memory_space<hbm>> -> memref<1x8x128xf32, #tpu.memory_space<hbm>>
          %dma_wait3A_2925 = tpu.memref_squeeze %dma_wait3A : memref<1x8x128xf32, #tpu.memory_space<hbm>> -> memref<8x128xf32, #tpu.memory_space<hbm>>
          %dma_wait3A_2926 = tpu.memref_slice %arg3[%arg1, %multiple_of3A_2783, %multiple_of3A_2786] : memref<16x2048x2048xf32, #tpu.memory_space<hbm>> -> memref<1x8x128xf32, #tpu.memory_space<hbm>>
          %dma_wait3A_2927 = tpu.memref_squeeze %dma_wait3A_2926 : memref<1x8x128xf32, #tpu.memory_space<hbm>> -> memref<8x128xf32, #tpu.memory_space<hbm>>
          tpu.wait_dma2 semaphore(%arg7 : memref<!tpu.dma_semaphore, #tpu.memory_space<semaphore_mem>>) src(%arg5 : memref<8x128xf32, #tpu.memory_space<vmem>>) dst(%dma_wait3A_2927 : memref<8x128xf32, #tpu.memory_space<hbm>>)
        } else {
        }
        %add3A_2790 = arith.constant 3 : i32
        %add3A_2791 = arith.addi %select_n3A_2708, %add3A_2790 : i32
        %mul3A_2792 = arith.constant 16 : i32
        %mul3A_2793 = arith.muli %mul3A_2792, %add3A_2791 : i32
        %add3A_2794 = arith.constant 256 : i32
        %add3A_2795 = arith.addi %add3A_2794, %mul3A_2793 : i32
        %sub3A_2796 = arith.subi %add3A_2795, %sub3A_2679 : i32
        %ge3A_2797 = arith.constant 0 : i32
        %ge3A_2798 = arith.cmpi sge, %add3A_2791, %ge3A_2797 : i32
        %lt3A_2799 = arith.constant 16 : i32
        %lt3A_2800 = arith.cmpi slt, %add3A_2791, %lt3A_2799 : i32
        %and3A_2801 = arith.andi %ge3A_2798, %lt3A_2800 : i1
        %ge3A_2802 = arith.cmpi sge, %sub3A_2796, %mul3A_0 : i32
        %and3A_2803 = arith.andi %and3A_2801, %ge3A_2802 : i1
        %add3A_2804 = arith.constant 128 : i32
        %add3A_2805 = arith.addi %mul3A_0, %add3A_2804 : i32
        %lt3A_2806 = arith.cmpi slt, %sub3A_2796, %add3A_2805 : i32
        %and3A_2807 = arith.andi %and3A_2803, %lt3A_2806 : i1
        %mul3A_2808 = arith.constant 8 : i32
        %mul3A_2809 = arith.muli %mul3A_2808, %sub3A_2796 : i32
        %multiple_of3A_2810 = tpu.assume_multiple %mul3A_2809, 8 : i32
        %mul3A_2811 = arith.constant 128 : i32
        %mul3A_2812 = arith.muli %mul3A_2811, %add3A_2791 : i32
        %multiple_of3A_2813 = tpu.assume_multiple %mul3A_2812, 8 : i32
        %convert_element_type3A_2814 = arith.extui %and3A_2807 : i1 to i32
        %cond3A_2815 = arith.constant 0 : i32
        %cond3A_2816 = arith.cmpi ne, %convert_element_type3A_2814, %cond3A_2815 : i32
        scf.if %cond3A_2816 {
          %dma_wait3A = tpu.memref_slice %arg3[%arg1, %multiple_of3A_2810, %multiple_of3A_2813] : memref<16x2048x2048xf32, #tpu.memory_space<hbm>> -> memref<1x8x128xf32, #tpu.memory_space<hbm>>
          %dma_wait3A_2925 = tpu.memref_squeeze %dma_wait3A : memref<1x8x128xf32, #tpu.memory_space<hbm>> -> memref<8x128xf32, #tpu.memory_space<hbm>>
          %dma_wait3A_2926 = tpu.memref_slice %arg3[%arg1, %multiple_of3A_2810, %multiple_of3A_2813] : memref<16x2048x2048xf32, #tpu.memory_space<hbm>> -> memref<1x8x128xf32, #tpu.memory_space<hbm>>
          %dma_wait3A_2927 = tpu.memref_squeeze %dma_wait3A_2926 : memref<1x8x128xf32, #tpu.memory_space<hbm>> -> memref<8x128xf32, #tpu.memory_space<hbm>>
          tpu.wait_dma2 semaphore(%arg7 : memref<!tpu.dma_semaphore, #tpu.memory_space<semaphore_mem>>) src(%arg5 : memref<8x128xf32, #tpu.memory_space<vmem>>) dst(%dma_wait3A_2927 : memref<8x128xf32, #tpu.memory_space<hbm>>)
        } else {
        }
        %add3A_2817 = arith.constant 4 : i32
        %add3A_2818 = arith.addi %select_n3A_2708, %add3A_2817 : i32
        %mul3A_2819 = arith.constant 16 : i32
        %mul3A_2820 = arith.muli %mul3A_2819, %add3A_2818 : i32
        %add3A_2821 = arith.constant 256 : i32
        %add3A_2822 = arith.addi %add3A_2821, %mul3A_2820 : i32
        %sub3A_2823 = arith.subi %add3A_2822, %sub3A_2679 : i32
        %ge3A_2824 = arith.constant 0 : i32
        %ge3A_2825 = arith.cmpi sge, %add3A_2818, %ge3A_2824 : i32
        %lt3A_2826 = arith.constant 16 : i32
        %lt3A_2827 = arith.cmpi slt, %add3A_2818, %lt3A_2826 : i32
        %and3A_2828 = arith.andi %ge3A_2825, %lt3A_2827 : i1
        %ge3A_2829 = arith.cmpi sge, %sub3A_2823, %mul3A_0 : i32
        %and3A_2830 = arith.andi %and3A_2828, %ge3A_2829 : i1
        %add3A_2831 = arith.constant 128 : i32
        %add3A_2832 = arith.addi %mul3A_0, %add3A_2831 : i32
        %lt3A_2833 = arith.cmpi slt, %sub3A_2823, %add3A_2832 : i32
        %and3A_2834 = arith.andi %and3A_2830, %lt3A_2833 : i1
        %mul3A_2835 = arith.constant 8 : i32
        %mul3A_2836 = arith.muli %mul3A_2835, %sub3A_2823 : i32
        %multiple_of3A_2837 = tpu.assume_multiple %mul3A_2836, 8 : i32
        %mul3A_2838 = arith.constant 128 : i32
        %mul3A_2839 = arith.muli %mul3A_2838, %add3A_2818 : i32
        %multiple_of3A_2840 = tpu.assume_multiple %mul3A_2839, 8 : i32
        %convert_element_type3A_2841 = arith.extui %and3A_2834 : i1 to i32
        %cond3A_2842 = arith.constant 0 : i32
        %cond3A_2843 = arith.cmpi ne, %convert_element_type3A_2841, %cond3A_2842 : i32
        scf.if %cond3A_2843 {
          %dma_wait3A = tpu.memref_slice %arg3[%arg1, %multiple_of3A_2837, %multiple_of3A_2840] : memref<16x2048x2048xf32, #tpu.memory_space<hbm>> -> memref<1x8x128xf32, #tpu.memory_space<hbm>>
          %dma_wait3A_2925 = tpu.memref_squeeze %dma_wait3A : memref<1x8x128xf32, #tpu.memory_space<hbm>> -> memref<8x128xf32, #tpu.memory_space<hbm>>
          %dma_wait3A_2926 = tpu.memref_slice %arg3[%arg1, %multiple_of3A_2837, %multiple_of3A_2840] : memref<16x2048x2048xf32, #tpu.memory_space<hbm>> -> memref<1x8x128xf32, #tpu.memory_space<hbm>>
          %dma_wait3A_2927 = tpu.memref_squeeze %dma_wait3A_2926 : memref<1x8x128xf32, #tpu.memory_space<hbm>> -> memref<8x128xf32, #tpu.memory_space<hbm>>
          tpu.wait_dma2 semaphore(%arg7 : memref<!tpu.dma_semaphore, #tpu.memory_space<semaphore_mem>>) src(%arg5 : memref<8x128xf32, #tpu.memory_space<vmem>>) dst(%dma_wait3A_2927 : memref<8x128xf32, #tpu.memory_space<hbm>>)
        } else {
        }
        %add3A_2844 = arith.constant 5 : i32
        %add3A_2845 = arith.addi %select_n3A_2708, %add3A_2844 : i32
        %mul3A_2846 = arith.constant 16 : i32
        %mul3A_2847 = arith.muli %mul3A_2846, %add3A_2845 : i32
        %add3A_2848 = arith.constant 256 : i32
        %add3A_2849 = arith.addi %add3A_2848, %mul3A_2847 : i32
        %sub3A_2850 = arith.subi %add3A_2849, %sub3A_2679 : i32
        %ge3A_2851 = arith.constant 0 : i32
        %ge3A_2852 = arith.cmpi sge, %add3A_2845, %ge3A_2851 : i32
        %lt3A_2853 = arith.constant 16 : i32
        %lt3A_2854 = arith.cmpi slt, %add3A_2845, %lt3A_2853 : i32
        %and3A_2855 = arith.andi %ge3A_2852, %lt3A_2854 : i1
        %ge3A_2856 = arith.cmpi sge, %sub3A_2850, %mul3A_0 : i32
        %and3A_2857 = arith.andi %and3A_2855, %ge3A_2856 : i1
        %add3A_2858 = arith.constant 128 : i32
        %add3A_2859 = arith.addi %mul3A_0, %add3A_2858 : i32
        %lt3A_2860 = arith.cmpi slt, %sub3A_2850, %add3A_2859 : i32
        %and3A_2861 = arith.andi %and3A_2857, %lt3A_2860 : i1
        %mul3A_2862 = arith.constant 8 : i32
        %mul3A_2863 = arith.muli %mul3A_2862, %sub3A_2850 : i32
        %multiple_of3A_2864 = tpu.assume_multiple %mul3A_2863, 8 : i32
        %mul3A_2865 = arith.constant 128 : i32
        %mul3A_2866 = arith.muli %mul3A_2865, %add3A_2845 : i32
        %multiple_of3A_2867 = tpu.assume_multiple %mul3A_2866, 8 : i32
        %convert_element_type3A_2868 = arith.extui %and3A_2861 : i1 to i32
        %cond3A_2869 = arith.constant 0 : i32
        %cond3A_2870 = arith.cmpi ne, %convert_element_type3A_2868, %cond3A_2869 : i32
        scf.if %cond3A_2870 {
          %dma_wait3A = tpu.memref_slice %arg3[%arg1, %multiple_of3A_2864, %multiple_of3A_2867] : memref<16x2048x2048xf32, #tpu.memory_space<hbm>> -> memref<1x8x128xf32, #tpu.memory_space<hbm>>
          %dma_wait3A_2925 = tpu.memref_squeeze %dma_wait3A : memref<1x8x128xf32, #tpu.memory_space<hbm>> -> memref<8x128xf32, #tpu.memory_space<hbm>>
          %dma_wait3A_2926 = tpu.memref_slice %arg3[%arg1, %multiple_of3A_2864, %multiple_of3A_2867] : memref<16x2048x2048xf32, #tpu.memory_space<hbm>> -> memref<1x8x128xf32, #tpu.memory_space<hbm>>
          %dma_wait3A_2927 = tpu.memref_squeeze %dma_wait3A_2926 : memref<1x8x128xf32, #tpu.memory_space<hbm>> -> memref<8x128xf32, #tpu.memory_space<hbm>>
          tpu.wait_dma2 semaphore(%arg7 : memref<!tpu.dma_semaphore, #tpu.memory_space<semaphore_mem>>) src(%arg5 : memref<8x128xf32, #tpu.memory_space<vmem>>) dst(%dma_wait3A_2927 : memref<8x128xf32, #tpu.memory_space<hbm>>)
        } else {
        }
        %add3A_2871 = arith.constant 6 : i32
        %add3A_2872 = arith.addi %select_n3A_2708, %add3A_2871 : i32
        %mul3A_2873 = arith.constant 16 : i32
        %mul3A_2874 = arith.muli %mul3A_2873, %add3A_2872 : i32
        %add3A_2875 = arith.constant 256 : i32
        %add3A_2876 = arith.addi %add3A_2875, %mul3A_2874 : i32
        %sub3A_2877 = arith.subi %add3A_2876, %sub3A_2679 : i32
        %ge3A_2878 = arith.constant 0 : i32
        %ge3A_2879 = arith.cmpi sge, %add3A_2872, %ge3A_2878 : i32
        %lt3A_2880 = arith.constant 16 : i32
        %lt3A_2881 = arith.cmpi slt, %add3A_2872, %lt3A_2880 : i32
        %and3A_2882 = arith.andi %ge3A_2879, %lt3A_2881 : i1
        %ge3A_2883 = arith.cmpi sge, %sub3A_2877, %mul3A_0 : i32
        %and3A_2884 = arith.andi %and3A_2882, %ge3A_2883 : i1
        %add3A_2885 = arith.constant 128 : i32
        %add3A_2886 = arith.addi %mul3A_0, %add3A_2885 : i32
        %lt3A_2887 = arith.cmpi slt, %sub3A_2877, %add3A_2886 : i32
        %and3A_2888 = arith.andi %and3A_2884, %lt3A_2887 : i1
        %mul3A_2889 = arith.constant 8 : i32
        %mul3A_2890 = arith.muli %mul3A_2889, %sub3A_2877 : i32
        %multiple_of3A_2891 = tpu.assume_multiple %mul3A_2890, 8 : i32
        %mul3A_2892 = arith.constant 128 : i32
        %mul3A_2893 = arith.muli %mul3A_2892, %add3A_2872 : i32
        %multiple_of3A_2894 = tpu.assume_multiple %mul3A_2893, 8 : i32
        %convert_element_type3A_2895 = arith.extui %and3A_2888 : i1 to i32
        %cond3A_2896 = arith.constant 0 : i32
        %cond3A_2897 = arith.cmpi ne, %convert_element_type3A_2895, %cond3A_2896 : i32
        scf.if %cond3A_2897 {
          %dma_wait3A = tpu.memref_slice %arg3[%arg1, %multiple_of3A_2891, %multiple_of3A_2894] : memref<16x2048x2048xf32, #tpu.memory_space<hbm>> -> memref<1x8x128xf32, #tpu.memory_space<hbm>>
          %dma_wait3A_2925 = tpu.memref_squeeze %dma_wait3A : memref<1x8x128xf32, #tpu.memory_space<hbm>> -> memref<8x128xf32, #tpu.memory_space<hbm>>
          %dma_wait3A_2926 = tpu.memref_slice %arg3[%arg1, %multiple_of3A_2891, %multiple_of3A_2894] : memref<16x2048x2048xf32, #tpu.memory_space<hbm>> -> memref<1x8x128xf32, #tpu.memory_space<hbm>>
          %dma_wait3A_2927 = tpu.memref_squeeze %dma_wait3A_2926 : memref<1x8x128xf32, #tpu.memory_space<hbm>> -> memref<8x128xf32, #tpu.memory_space<hbm>>
          tpu.wait_dma2 semaphore(%arg7 : memref<!tpu.dma_semaphore, #tpu.memory_space<semaphore_mem>>) src(%arg5 : memref<8x128xf32, #tpu.memory_space<vmem>>) dst(%dma_wait3A_2927 : memref<8x128xf32, #tpu.memory_space<hbm>>)
        } else {
        }
        %add3A_2898 = arith.constant 7 : i32
        %add3A_2899 = arith.addi %select_n3A_2708, %add3A_2898 : i32
        %mul3A_2900 = arith.constant 16 : i32
        %mul3A_2901 = arith.muli %mul3A_2900, %add3A_2899 : i32
        %add3A_2902 = arith.constant 256 : i32
        %add3A_2903 = arith.addi %add3A_2902, %mul3A_2901 : i32
        %sub3A_2904 = arith.subi %add3A_2903, %sub3A_2679 : i32
        %ge3A_2905 = arith.constant 0 : i32
        %ge3A_2906 = arith.cmpi sge, %add3A_2899, %ge3A_2905 : i32
        %lt3A_2907 = arith.constant 16 : i32
        %lt3A_2908 = arith.cmpi slt, %add3A_2899, %lt3A_2907 : i32
        %and3A_2909 = arith.andi %ge3A_2906, %lt3A_2908 : i1
        %ge3A_2910 = arith.cmpi sge, %sub3A_2904, %mul3A_0 : i32
        %and3A_2911 = arith.andi %and3A_2909, %ge3A_2910 : i1
        %add3A_2912 = arith.constant 128 : i32
        %add3A_2913 = arith.addi %mul3A_0, %add3A_2912 : i32
        %lt3A_2914 = arith.cmpi slt, %sub3A_2904, %add3A_2913 : i32
        %and3A_2915 = arith.andi %and3A_2911, %lt3A_2914 : i1
        %mul3A_2916 = arith.constant 8 : i32
        %mul3A_2917 = arith.muli %mul3A_2916, %sub3A_2904 : i32
        %multiple_of3A_2918 = tpu.assume_multiple %mul3A_2917, 8 : i32
        %mul3A_2919 = arith.constant 128 : i32
        %mul3A_2920 = arith.muli %mul3A_2919, %add3A_2899 : i32
        %multiple_of3A_2921 = tpu.assume_multiple %mul3A_2920, 8 : i32
        %convert_element_type3A_2922 = arith.extui %and3A_2915 : i1 to i32
        %cond3A_2923 = arith.constant 0 : i32
        %cond3A_2924 = arith.cmpi ne, %convert_element_type3A_2922, %cond3A_2923 : i32
        scf.if %cond3A_2924 {
          %dma_wait3A = tpu.memref_slice %arg3[%arg1, %multiple_of3A_2918, %multiple_of3A_2921] : memref<16x2048x2048xf32, #tpu.memory_space<hbm>> -> memref<1x8x128xf32, #tpu.memory_space<hbm>>
          %dma_wait3A_2925 = tpu.memref_squeeze %dma_wait3A : memref<1x8x128xf32, #tpu.memory_space<hbm>> -> memref<8x128xf32, #tpu.memory_space<hbm>>
          %dma_wait3A_2926 = tpu.memref_slice %arg3[%arg1, %multiple_of3A_2918, %multiple_of3A_2921] : memref<16x2048x2048xf32, #tpu.memory_space<hbm>> -> memref<1x8x128xf32, #tpu.memory_space<hbm>>
          %dma_wait3A_2927 = tpu.memref_squeeze %dma_wait3A_2926 : memref<1x8x128xf32, #tpu.memory_space<hbm>> -> memref<8x128xf32, #tpu.memory_space<hbm>>
          tpu.wait_dma2 semaphore(%arg7 : memref<!tpu.dma_semaphore, #tpu.memory_space<semaphore_mem>>) src(%arg5 : memref<8x128xf32, #tpu.memory_space<vmem>>) dst(%dma_wait3A_2927 : memref<8x128xf32, #tpu.memory_space<hbm>>)
        } else {
        }
      } else {
      }
      %mul3A_512 = arith.constant 8 : i32
      %mul3A_513 = arith.muli %mul3A_512, %add3A_507 : i32
      %sub3A_514 = arith.constant 0 : i32
      %sub3A_515 = arith.subi %mul3A_513, %sub3A_514 : i32
      %add3A_516 = arith.constant 0 : i32
      %add3A_517 = arith.addi %sub3A_515, %add3A_516 : i32
      %get3A = arith.index_cast %add3A_517 : i32 to index
      %get3A_518 = tpu.vector_load %arg4[%get3A] {strides = array<i32>} : memref<4112xf32, #tpu.memory_space<vmem>>, vector<16xf32>,
      %get3A_519 = vector.shape_cast %get3A_518 : vector<16xf32> to vector<16xf32>
      %sub3A_520 = arith.constant 0 : i32
      %sub3A_521 = arith.subi %mul3A_513, %sub3A_520 : i32
      %add3A_522 = arith.constant 16 : i32
      %add3A_523 = arith.addi %sub3A_521, %add3A_522 : i32
      %get3A_524 = arith.index_cast %add3A_523 : i32 to index
      %get3A_525 = tpu.vector_load %arg4[%get3A_524] {strides = array<i32>} : memref<4112xf32, #tpu.memory_space<vmem>>, vector<16xf32>,
      %get3A_526 = vector.shape_cast %get3A_525 : vector<16xf32> to vector<16xf32>
      %sub3A_527 = arith.constant 0 : i32
      %sub3A_528 = arith.subi %mul3A_513, %sub3A_527 : i32
      %add3A_529 = arith.constant 32 : i32
      %add3A_530 = arith.addi %sub3A_528, %add3A_529 : i32
      %get3A_531 = arith.index_cast %add3A_530 : i32 to index
      %get3A_532 = tpu.vector_load %arg4[%get3A_531] {strides = array<i32>} : memref<4112xf32, #tpu.memory_space<vmem>>, vector<16xf32>,
      %get3A_533 = vector.shape_cast %get3A_532 : vector<16xf32> to vector<16xf32>
      %sub3A_534 = arith.constant 0 : i32
      %sub3A_535 = arith.subi %mul3A_513, %sub3A_534 : i32
      %add3A_536 = arith.constant 48 : i32
      %add3A_537 = arith.addi %sub3A_535, %add3A_536 : i32
      %get3A_538 = arith.index_cast %add3A_537 : i32 to index
      %get3A_539 = tpu.vector_load %arg4[%get3A_538] {strides = array<i32>} : memref<4112xf32, #tpu.memory_space<vmem>>, vector<16xf32>,
      %get3A_540 = vector.shape_cast %get3A_539 : vector<16xf32> to vector<16xf32>
      %sub3A_541 = arith.constant 0 : i32
      %sub3A_542 = arith.subi %mul3A_513, %sub3A_541 : i32
      %add3A_543 = arith.constant 64 : i32
      %add3A_544 = arith.addi %sub3A_542, %add3A_543 : i32
      %get3A_545 = arith.index_cast %add3A_544 : i32 to index
      %get3A_546 = tpu.vector_load %arg4[%get3A_545] {strides = array<i32>} : memref<4112xf32, #tpu.memory_space<vmem>>, vector<16xf32>,
      %get3A_547 = vector.shape_cast %get3A_546 : vector<16xf32> to vector<16xf32>
      %sub3A_548 = arith.constant 0 : i32
      %sub3A_549 = arith.subi %mul3A_513, %sub3A_548 : i32
      %add3A_550 = arith.constant 80 : i32
      %add3A_551 = arith.addi %sub3A_549, %add3A_550 : i32
      %get3A_552 = arith.index_cast %add3A_551 : i32 to index
      %get3A_553 = tpu.vector_load %arg4[%get3A_552] {strides = array<i32>} : memref<4112xf32, #tpu.memory_space<vmem>>, vector<16xf32>,
      %get3A_554 = vector.shape_cast %get3A_553 : vector<16xf32> to vector<16xf32>
      %sub3A_555 = arith.constant 0 : i32
      %sub3A_556 = arith.subi %mul3A_513, %sub3A_555 : i32
      %add3A_557 = arith.constant 96 : i32
      %add3A_558 = arith.addi %sub3A_556, %add3A_557 : i32
      %get3A_559 = arith.index_cast %add3A_558 : i32 to index
      %get3A_560 = tpu.vector_load %arg4[%get3A_559] {strides = array<i32>} : memref<4112xf32, #tpu.memory_space<vmem>>, vector<16xf32>,
      %get3A_561 = vector.shape_cast %get3A_560 : vector<16xf32> to vector<16xf32>
      %sub3A_562 = arith.constant 0 : i32
      %sub3A_563 = arith.subi %mul3A_513, %sub3A_562 : i32
      %add3A_564 = arith.constant 112 : i32
      %add3A_565 = arith.addi %sub3A_563, %add3A_564 : i32
      %get3A_566 = arith.index_cast %add3A_565 : i32 to index
      %get3A_567 = tpu.vector_load %arg4[%get3A_566] {strides = array<i32>} : memref<4112xf32, #tpu.memory_space<vmem>>, vector<16xf32>,
      %get3A_568 = vector.shape_cast %get3A_567 : vector<16xf32> to vector<16xf32>
      %swap3A = arith.constant 0 : i32
      %swap3A_569 = arith.index_cast %swap3A : i32 to index
      %swap3A_570 = arith.constant 0 : index
      %swap3A_571 = tpu.vector_load %arg5[%swap3A_569, %swap3A_570] {strides = array<i32>} : memref<8x128xf32, #tpu.memory_space<vmem>>, vector<1x16xf32>,
      %swap3A_572 = vector.shape_cast %swap3A_571 : vector<1x16xf32> to vector<16xf32>
      %swap3A_573 = vector.shape_cast %get3A_519 : vector<16xf32> to vector<1x16xf32>
      tpu.vector_store %arg5[%swap3A_569, %swap3A_570], %swap3A_573 {strides = array<i32>} : memref<8x128xf32, #tpu.memory_space<vmem>>, vector<1x16xf32>,
      %swap3A_574 = arith.constant 0 : i32
      %swap3A_575 = arith.index_cast %swap3A_574 : i32 to index
      %swap3A_576 = arith.constant 16 : index
      %swap3A_577 = tpu.vector_load %arg5[%swap3A_575, %swap3A_576] {strides = array<i32>} : memref<8x128xf32, #tpu.memory_space<vmem>>, vector<1x16xf32>,
      %swap3A_578 = vector.shape_cast %swap3A_577 : vector<1x16xf32> to vector<16xf32>
      %swap3A_579 = vector.shape_cast %get3A_526 : vector<16xf32> to vector<1x16xf32>
      tpu.vector_store %arg5[%swap3A_575, %swap3A_576], %swap3A_579 {strides = array<i32>} : memref<8x128xf32, #tpu.memory_space<vmem>>, vector<1x16xf32>,
      %swap3A_580 = arith.constant 0 : i32
      %swap3A_581 = arith.index_cast %swap3A_580 : i32 to index
      %swap3A_582 = arith.constant 32 : index
      %swap3A_583 = tpu.vector_load %arg5[%swap3A_581, %swap3A_582] {strides = array<i32>} : memref<8x128xf32, #tpu.memory_space<vmem>>, vector<1x16xf32>,
      %swap3A_584 = vector.shape_cast %swap3A_583 : vector<1x16xf32> to vector<16xf32>
      %swap3A_585 = vector.shape_cast %get3A_533 : vector<16xf32> to vector<1x16xf32>
      tpu.vector_store %arg5[%swap3A_581, %swap3A_582], %swap3A_585 {strides = array<i32>} : memref<8x128xf32, #tpu.memory_space<vmem>>, vector<1x16xf32>,
      %swap3A_586 = arith.constant 0 : i32
      %swap3A_587 = arith.index_cast %swap3A_586 : i32 to index
      %swap3A_588 = arith.constant 48 : index
      %swap3A_589 = tpu.vector_load %arg5[%swap3A_587, %swap3A_588] {strides = array<i32>} : memref<8x128xf32, #tpu.memory_space<vmem>>, vector<1x16xf32>,
      %swap3A_590 = vector.shape_cast %swap3A_589 : vector<1x16xf32> to vector<16xf32>
      %swap3A_591 = vector.shape_cast %get3A_540 : vector<16xf32> to vector<1x16xf32>
      tpu.vector_store %arg5[%swap3A_587, %swap3A_588], %swap3A_591 {strides = array<i32>} : memref<8x128xf32, #tpu.memory_space<vmem>>, vector<1x16xf32>,
      %swap3A_592 = arith.constant 0 : i32
      %swap3A_593 = arith.index_cast %swap3A_592 : i32 to index
      %swap3A_594 = arith.constant 64 : index
      %swap3A_595 = tpu.vector_load %arg5[%swap3A_593, %swap3A_594] {strides = array<i32>} : memref<8x128xf32, #tpu.memory_space<vmem>>, vector<1x16xf32>,
      %swap3A_596 = vector.shape_cast %swap3A_595 : vector<1x16xf32> to vector<16xf32>
      %swap3A_597 = vector.shape_cast %get3A_547 : vector<16xf32> to vector<1x16xf32>
      tpu.vector_store %arg5[%swap3A_593, %swap3A_594], %swap3A_597 {strides = array<i32>} : memref<8x128xf32, #tpu.memory_space<vmem>>, vector<1x16xf32>,
      %swap3A_598 = arith.constant 0 : i32
      %swap3A_599 = arith.index_cast %swap3A_598 : i32 to index
      %swap3A_600 = arith.constant 80 : index
      %swap3A_601 = tpu.vector_load %arg5[%swap3A_599, %swap3A_600] {strides = array<i32>} : memref<8x128xf32, #tpu.memory_space<vmem>>, vector<1x16xf32>,
      %swap3A_602 = vector.shape_cast %swap3A_601 : vector<1x16xf32> to vector<16xf32>
      %swap3A_603 = vector.shape_cast %get3A_554 : vector<16xf32> to vector<1x16xf32>
      tpu.vector_store %arg5[%swap3A_599, %swap3A_600], %swap3A_603 {strides = array<i32>} : memref<8x128xf32, #tpu.memory_space<vmem>>, vector<1x16xf32>,
      %swap3A_604 = arith.constant 0 : i32
      %swap3A_605 = arith.index_cast %swap3A_604 : i32 to index
      %swap3A_606 = arith.constant 96 : index
      %swap3A_607 = tpu.vector_load %arg5[%swap3A_605, %swap3A_606] {strides = array<i32>} : memref<8x128xf32, #tpu.memory_space<vmem>>, vector<1x16xf32>,
      %swap3A_608 = vector.shape_cast %swap3A_607 : vector<1x16xf32> to vector<16xf32>
      %swap3A_609 = vector.shape_cast %get3A_561 : vector<16xf32> to vector<1x16xf32>
      tpu.vector_store %arg5[%swap3A_605, %swap3A_606], %swap3A_609 {strides = array<i32>} : memref<8x128xf32, #tpu.memory_space<vmem>>, vector<1x16xf32>,
      %swap3A_610 = arith.constant 0 : i32
      %swap3A_611 = arith.index_cast %swap3A_610 : i32 to index
      %swap3A_612 = arith.constant 112 : index
      %swap3A_613 = tpu.vector_load %arg5[%swap3A_611, %swap3A_612] {strides = array<i32>} : memref<8x128xf32, #tpu.memory_space<vmem>>, vector<1x16xf32>,
      %swap3A_614 = vector.shape_cast %swap3A_613 : vector<1x16xf32> to vector<16xf32>
      %swap3A_615 = vector.shape_cast %get3A_568 : vector<16xf32> to vector<1x16xf32>
      tpu.vector_store %arg5[%swap3A_611, %swap3A_612], %swap3A_615 {strides = array<i32>} : memref<8x128xf32, #tpu.memory_space<vmem>>, vector<1x16xf32>,
      %sub3A_616 = arith.constant 1 : i32
      %sub3A_617 = arith.subi %mul3A_513, %sub3A_616 : i32
      %add3A_618 = arith.constant 0 : i32
      %add3A_619 = arith.addi %sub3A_617, %add3A_618 : i32
      %get3A_620 = arith.index_cast %add3A_619 : i32 to index
      %get3A_621 = tpu.vector_load %arg4[%get3A_620] {strides = array<i32>} : memref<4112xf32, #tpu.memory_space<vmem>>, vector<16xf32>,
      %get3A_622 = vector.shape_cast %get3A_621 : vector<16xf32> to vector<16xf32>
      %sub3A_623 = arith.constant 1 : i32
      %sub3A_624 = arith.subi %mul3A_513, %sub3A_623 : i32
      %add3A_625 = arith.constant 16 : i32
      %add3A_626 = arith.addi %sub3A_624, %add3A_625 : i32
      %get3A_627 = arith.index_cast %add3A_626 : i32 to index
      %get3A_628 = tpu.vector_load %arg4[%get3A_627] {strides = array<i32>} : memref<4112xf32, #tpu.memory_space<vmem>>, vector<16xf32>,
      %get3A_629 = vector.shape_cast %get3A_628 : vector<16xf32> to vector<16xf32>
      %sub3A_630 = arith.constant 1 : i32
      %sub3A_631 = arith.subi %mul3A_513, %sub3A_630 : i32
      %add3A_632 = arith.constant 32 : i32
      %add3A_633 = arith.addi %sub3A_631, %add3A_632 : i32
      %get3A_634 = arith.index_cast %add3A_633 : i32 to index
      %get3A_635 = tpu.vector_load %arg4[%get3A_634] {strides = array<i32>} : memref<4112xf32, #tpu.memory_space<vmem>>, vector<16xf32>,
      %get3A_636 = vector.shape_cast %get3A_635 : vector<16xf32> to vector<16xf32>
      %sub3A_637 = arith.constant 1 : i32
      %sub3A_638 = arith.subi %mul3A_513, %sub3A_637 : i32
      %add3A_639 = arith.constant 48 : i32
      %add3A_640 = arith.addi %sub3A_638, %add3A_639 : i32
      %get3A_641 = arith.index_cast %add3A_640 : i32 to index
      %get3A_642 = tpu.vector_load %arg4[%get3A_641] {strides = array<i32>} : memref<4112xf32, #tpu.memory_space<vmem>>, vector<16xf32>,
      %get3A_643 = vector.shape_cast %get3A_642 : vector<16xf32> to vector<16xf32>
      %sub3A_644 = arith.constant 1 : i32
      %sub3A_645 = arith.subi %mul3A_513, %sub3A_644 : i32
      %add3A_646 = arith.constant 64 : i32
      %add3A_647 = arith.addi %sub3A_645, %add3A_646 : i32
      %get3A_648 = arith.index_cast %add3A_647 : i32 to index
      %get3A_649 = tpu.vector_load %arg4[%get3A_648] {strides = array<i32>} : memref<4112xf32, #tpu.memory_space<vmem>>, vector<16xf32>,
      %get3A_650 = vector.shape_cast %get3A_649 : vector<16xf32> to vector<16xf32>
      %sub3A_651 = arith.constant 1 : i32
      %sub3A_652 = arith.subi %mul3A_513, %sub3A_651 : i32
      %add3A_653 = arith.constant 80 : i32
      %add3A_654 = arith.addi %sub3A_652, %add3A_653 : i32
      %get3A_655 = arith.index_cast %add3A_654 : i32 to index
      %get3A_656 = tpu.vector_load %arg4[%get3A_655] {strides = array<i32>} : memref<4112xf32, #tpu.memory_space<vmem>>, vector<16xf32>,
      %get3A_657 = vector.shape_cast %get3A_656 : vector<16xf32> to vector<16xf32>
      %sub3A_658 = arith.constant 1 : i32
      %sub3A_659 = arith.subi %mul3A_513, %sub3A_658 : i32
      %add3A_660 = arith.constant 96 : i32
      %add3A_661 = arith.addi %sub3A_659, %add3A_660 : i32
      %get3A_662 = arith.index_cast %add3A_661 : i32 to index
      %get3A_663 = tpu.vector_load %arg4[%get3A_662] {strides = array<i32>} : memref<4112xf32, #tpu.memory_space<vmem>>, vector<16xf32>,
      %get3A_664 = vector.shape_cast %get3A_663 : vector<16xf32> to vector<16xf32>
      %sub3A_665 = arith.constant 1 : i32
      %sub3A_666 = arith.subi %mul3A_513, %sub3A_665 : i32
      %add3A_667 = arith.constant 112 : i32
      %add3A_668 = arith.addi %sub3A_666, %add3A_667 : i32
      %get3A_669 = arith.index_cast %add3A_668 : i32 to index
      %get3A_670 = tpu.vector_load %arg4[%get3A_669] {strides = array<i32>} : memref<4112xf32, #tpu.memory_space<vmem>>, vector<16xf32>,
      %get3A_671 = vector.shape_cast %get3A_670 : vector<16xf32> to vector<16xf32>
      %swap3A_672 = arith.constant 1 : i32
      %swap3A_673 = arith.index_cast %swap3A_672 : i32 to index
      %swap3A_674 = arith.constant 0 : index
      %swap3A_675 = tpu.vector_load %arg5[%swap3A_673, %swap3A_674] {strides = array<i32>} : memref<8x128xf32, #tpu.memory_space<vmem>>, vector<1x16xf32>,
      %swap3A_676 = vector.shape_cast %swap3A_675 : vector<1x16xf32> to vector<16xf32>
      %swap3A_677 = vector.shape_cast %get3A_622 : vector<16xf32> to vector<1x16xf32>
      tpu.vector_store %arg5[%swap3A_673, %swap3A_674], %swap3A_677 {strides = array<i32>} : memref<8x128xf32, #tpu.memory_space<vmem>>, vector<1x16xf32>,
      %swap3A_678 = arith.constant 1 : i32
      %swap3A_679 = arith.index_cast %swap3A_678 : i32 to index
      %swap3A_680 = arith.constant 16 : index
      %swap3A_681 = tpu.vector_load %arg5[%swap3A_679, %swap3A_680] {strides = array<i32>} : memref<8x128xf32, #tpu.memory_space<vmem>>, vector<1x16xf32>,
      %swap3A_682 = vector.shape_cast %swap3A_681 : vector<1x16xf32> to vector<16xf32>
      %swap3A_683 = vector.shape_cast %get3A_629 : vector<16xf32> to vector<1x16xf32>
      tpu.vector_store %arg5[%swap3A_679, %swap3A_680], %swap3A_683 {strides = array<i32>} : memref<8x128xf32, #tpu.memory_space<vmem>>, vector<1x16xf32>,
      %swap3A_684 = arith.constant 1 : i32
      %swap3A_685 = arith.index_cast %swap3A_684 : i32 to index
      %swap3A_686 = arith.constant 32 : index
      %swap3A_687 = tpu.vector_load %arg5[%swap3A_685, %swap3A_686] {strides = array<i32>} : memref<8x128xf32, #tpu.memory_space<vmem>>, vector<1x16xf32>,
      %swap3A_688 = vector.shape_cast %swap3A_687 : vector<1x16xf32> to vector<16xf32>
      %swap3A_689 = vector.shape_cast %get3A_636 : vector<16xf32> to vector<1x16xf32>
      tpu.vector_store %arg5[%swap3A_685, %swap3A_686], %swap3A_689 {strides = array<i32>} : memref<8x128xf32, #tpu.memory_space<vmem>>, vector<1x16xf32>,
      %swap3A_690 = arith.constant 1 : i32
      %swap3A_691 = arith.index_cast %swap3A_690 : i32 to index
      %swap3A_692 = arith.constant 48 : index
      %swap3A_693 = tpu.vector_load %arg5[%swap3A_691, %swap3A_692] {strides = array<i32>} : memref<8x128xf32, #tpu.memory_space<vmem>>, vector<1x16xf32>,
      %swap3A_694 = vector.shape_cast %swap3A_693 : vector<1x16xf32> to vector<16xf32>
      %swap3A_695 = vector.shape_cast %get3A_643 : vector<16xf32> to vector<1x16xf32>
      tpu.vector_store %arg5[%swap3A_691, %swap3A_692], %swap3A_695 {strides = array<i32>} : memref<8x128xf32, #tpu.memory_space<vmem>>, vector<1x16xf32>,
      %swap3A_696 = arith.constant 1 : i32
      %swap3A_697 = arith.index_cast %swap3A_696 : i32 to index
      %swap3A_698 = arith.constant 64 : index
      %swap3A_699 = tpu.vector_load %arg5[%swap3A_697, %swap3A_698] {strides = array<i32>} : memref<8x128xf32, #tpu.memory_space<vmem>>, vector<1x16xf32>,
      %swap3A_700 = vector.shape_cast %swap3A_699 : vector<1x16xf32> to vector<16xf32>
      %swap3A_701 = vector.shape_cast %get3A_650 : vector<16xf32> to vector<1x16xf32>
      tpu.vector_store %arg5[%swap3A_697, %swap3A_698], %swap3A_701 {strides = array<i32>} : memref<8x128xf32, #tpu.memory_space<vmem>>, vector<1x16xf32>,
      %swap3A_702 = arith.constant 1 : i32
      %swap3A_703 = arith.index_cast %swap3A_702 : i32 to index
      %swap3A_704 = arith.constant 80 : index
      %swap3A_705 = tpu.vector_load %arg5[%swap3A_703, %swap3A_704] {strides = array<i32>} : memref<8x128xf32, #tpu.memory_space<vmem>>, vector<1x16xf32>,
      %swap3A_706 = vector.shape_cast %swap3A_705 : vector<1x16xf32> to vector<16xf32>
      %swap3A_707 = vector.shape_cast %get3A_657 : vector<16xf32> to vector<1x16xf32>
      tpu.vector_store %arg5[%swap3A_703, %swap3A_704], %swap3A_707 {strides = array<i32>} : memref<8x128xf32, #tpu.memory_space<vmem>>, vector<1x16xf32>,
      %swap3A_708 = arith.constant 1 : i32
      %swap3A_709 = arith.index_cast %swap3A_708 : i32 to index
      %swap3A_710 = arith.constant 96 : index
      %swap3A_711 = tpu.vector_load %arg5[%swap3A_709, %swap3A_710] {strides = array<i32>} : memref<8x128xf32, #tpu.memory_space<vmem>>, vector<1x16xf32>,
      %swap3A_712 = vector.shape_cast %swap3A_711 : vector<1x16xf32> to vector<16xf32>
      %swap3A_713 = vector.shape_cast %get3A_664 : vector<16xf32> to vector<1x16xf32>
      tpu.vector_store %arg5[%swap3A_709, %swap3A_710], %swap3A_713 {strides = array<i32>} : memref<8x128xf32, #tpu.memory_space<vmem>>, vector<1x16xf32>,
      %swap3A_714 = arith.constant 1 : i32
      %swap3A_715 = arith.index_cast %swap3A_714 : i32 to index
      %swap3A_716 = arith.constant 112 : index
      %swap3A_717 = tpu.vector_load %arg5[%swap3A_715, %swap3A_716] {strides = array<i32>} : memref<8x128xf32, #tpu.memory_space<vmem>>, vector<1x16xf32>,
      %swap3A_718 = vector.shape_cast %swap3A_717 : vector<1x16xf32> to vector<16xf32>
      %swap3A_719 = vector.shape_cast %get3A_671 : vector<16xf32> to vector<1x16xf32>
      tpu.vector_store %arg5[%swap3A_715, %swap3A_716], %swap3A_719 {strides = array<i32>} : memref<8x128xf32, #tpu.memory_space<vmem>>, vector<1x16xf32>,
      %sub3A_720 = arith.constant 2 : i32
      %sub3A_721 = arith.subi %mul3A_513, %sub3A_720 : i32
      %add3A_722 = arith.constant 0 : i32
      %add3A_723 = arith.addi %sub3A_721, %add3A_722 : i32
      %get3A_724 = arith.index_cast %add3A_723 : i32 to index
      %get3A_725 = tpu.vector_load %arg4[%get3A_724] {strides = array<i32>} : memref<4112xf32, #tpu.memory_space<vmem>>, vector<16xf32>,
      %get3A_726 = vector.shape_cast %get3A_725 : vector<16xf32> to vector<16xf32>
      %sub3A_727 = arith.constant 2 : i32
      %sub3A_728 = arith.subi %mul3A_513, %sub3A_727 : i32
      %add3A_729 = arith.constant 16 : i32
      %add3A_730 = arith.addi %sub3A_728, %add3A_729 : i32
      %get3A_731 = arith.index_cast %add3A_730 : i32 to index
      %get3A_732 = tpu.vector_load %arg4[%get3A_731] {strides = array<i32>} : memref<4112xf32, #tpu.memory_space<vmem>>, vector<16xf32>,
      %get3A_733 = vector.shape_cast %get3A_732 : vector<16xf32> to vector<16xf32>
      %sub3A_734 = arith.constant 2 : i32
      %sub3A_735 = arith.subi %mul3A_513, %sub3A_734 : i32
      %add3A_736 = arith.constant 32 : i32
      %add3A_737 = arith.addi %sub3A_735, %add3A_736 : i32
      %get3A_738 = arith.index_cast %add3A_737 : i32 to index
      %get3A_739 = tpu.vector_load %arg4[%get3A_738] {strides = array<i32>} : memref<4112xf32, #tpu.memory_space<vmem>>, vector<16xf32>,
      %get3A_740 = vector.shape_cast %get3A_739 : vector<16xf32> to vector<16xf32>
      %sub3A_741 = arith.constant 2 : i32
      %sub3A_742 = arith.subi %mul3A_513, %sub3A_741 : i32
      %add3A_743 = arith.constant 48 : i32
      %add3A_744 = arith.addi %sub3A_742, %add3A_743 : i32
      %get3A_745 = arith.index_cast %add3A_744 : i32 to index
      %get3A_746 = tpu.vector_load %arg4[%get3A_745] {strides = array<i32>} : memref<4112xf32, #tpu.memory_space<vmem>>, vector<16xf32>,
      %get3A_747 = vector.shape_cast %get3A_746 : vector<16xf32> to vector<16xf32>
      %sub3A_748 = arith.constant 2 : i32
      %sub3A_749 = arith.subi %mul3A_513, %sub3A_748 : i32
      %add3A_750 = arith.constant 64 : i32
      %add3A_751 = arith.addi %sub3A_749, %add3A_750 : i32
      %get3A_752 = arith.index_cast %add3A_751 : i32 to index
      %get3A_753 = tpu.vector_load %arg4[%get3A_752] {strides = array<i32>} : memref<4112xf32, #tpu.memory_space<vmem>>, vector<16xf32>,
      %get3A_754 = vector.shape_cast %get3A_753 : vector<16xf32> to vector<16xf32>
      %sub3A_755 = arith.constant 2 : i32
      %sub3A_756 = arith.subi %mul3A_513, %sub3A_755 : i32
      %add3A_757 = arith.constant 80 : i32
      %add3A_758 = arith.addi %sub3A_756, %add3A_757 : i32
      %get3A_759 = arith.index_cast %add3A_758 : i32 to index
      %get3A_760 = tpu.vector_load %arg4[%get3A_759] {strides = array<i32>} : memref<4112xf32, #tpu.memory_space<vmem>>, vector<16xf32>,
      %get3A_761 = vector.shape_cast %get3A_760 : vector<16xf32> to vector<16xf32>
      %sub3A_762 = arith.constant 2 : i32
      %sub3A_763 = arith.subi %mul3A_513, %sub3A_762 : i32
      %add3A_764 = arith.constant 96 : i32
      %add3A_765 = arith.addi %sub3A_763, %add3A_764 : i32
      %get3A_766 = arith.index_cast %add3A_765 : i32 to index
      %get3A_767 = tpu.vector_load %arg4[%get3A_766] {strides = array<i32>} : memref<4112xf32, #tpu.memory_space<vmem>>, vector<16xf32>,
      %get3A_768 = vector.shape_cast %get3A_767 : vector<16xf32> to vector<16xf32>
      %sub3A_769 = arith.constant 2 : i32
      %sub3A_770 = arith.subi %mul3A_513, %sub3A_769 : i32
      %add3A_771 = arith.constant 112 : i32
      %add3A_772 = arith.addi %sub3A_770, %add3A_771 : i32
      %get3A_773 = arith.index_cast %add3A_772 : i32 to index
      %get3A_774 = tpu.vector_load %arg4[%get3A_773] {strides = array<i32>} : memref<4112xf32, #tpu.memory_space<vmem>>, vector<16xf32>,
      %get3A_775 = vector.shape_cast %get3A_774 : vector<16xf32> to vector<16xf32>
      %swap3A_776 = arith.constant 2 : i32
      %swap3A_777 = arith.index_cast %swap3A_776 : i32 to index
      %swap3A_778 = arith.constant 0 : index
      %swap3A_779 = tpu.vector_load %arg5[%swap3A_777, %swap3A_778] {strides = array<i32>} : memref<8x128xf32, #tpu.memory_space<vmem>>, vector<1x16xf32>,
      %swap3A_780 = vector.shape_cast %swap3A_779 : vector<1x16xf32> to vector<16xf32>
      %swap3A_781 = vector.shape_cast %get3A_726 : vector<16xf32> to vector<1x16xf32>
      tpu.vector_store %arg5[%swap3A_777, %swap3A_778], %swap3A_781 {strides = array<i32>} : memref<8x128xf32, #tpu.memory_space<vmem>>, vector<1x16xf32>,
      %swap3A_782 = arith.constant 2 : i32
      %swap3A_783 = arith.index_cast %swap3A_782 : i32 to index
      %swap3A_784 = arith.constant 16 : index
      %swap3A_785 = tpu.vector_load %arg5[%swap3A_783, %swap3A_784] {strides = array<i32>} : memref<8x128xf32, #tpu.memory_space<vmem>>, vector<1x16xf32>,
      %swap3A_786 = vector.shape_cast %swap3A_785 : vector<1x16xf32> to vector<16xf32>
      %swap3A_787 = vector.shape_cast %get3A_733 : vector<16xf32> to vector<1x16xf32>
      tpu.vector_store %arg5[%swap3A_783, %swap3A_784], %swap3A_787 {strides = array<i32>} : memref<8x128xf32, #tpu.memory_space<vmem>>, vector<1x16xf32>,
      %swap3A_788 = arith.constant 2 : i32
      %swap3A_789 = arith.index_cast %swap3A_788 : i32 to index
      %swap3A_790 = arith.constant 32 : index
      %swap3A_791 = tpu.vector_load %arg5[%swap3A_789, %swap3A_790] {strides = array<i32>} : memref<8x128xf32, #tpu.memory_space<vmem>>, vector<1x16xf32>,
      %swap3A_792 = vector.shape_cast %swap3A_791 : vector<1x16xf32> to vector<16xf32>
      %swap3A_793 = vector.shape_cast %get3A_740 : vector<16xf32> to vector<1x16xf32>
      tpu.vector_store %arg5[%swap3A_789, %swap3A_790], %swap3A_793 {strides = array<i32>} : memref<8x128xf32, #tpu.memory_space<vmem>>, vector<1x16xf32>,
      %swap3A_794 = arith.constant 2 : i32
      %swap3A_795 = arith.index_cast %swap3A_794 : i32 to index
      %swap3A_796 = arith.constant 48 : index
      %swap3A_797 = tpu.vector_load %arg5[%swap3A_795, %swap3A_796] {strides = array<i32>} : memref<8x128xf32, #tpu.memory_space<vmem>>, vector<1x16xf32>,
      %swap3A_798 = vector.shape_cast %swap3A_797 : vector<1x16xf32> to vector<16xf32>
      %swap3A_799 = vector.shape_cast %get3A_747 : vector<16xf32> to vector<1x16xf32>
      tpu.vector_store %arg5[%swap3A_795, %swap3A_796], %swap3A_799 {strides = array<i32>} : memref<8x128xf32, #tpu.memory_space<vmem>>, vector<1x16xf32>,
      %swap3A_800 = arith.constant 2 : i32
      %swap3A_801 = arith.index_cast %swap3A_800 : i32 to index
      %swap3A_802 = arith.constant 64 : index
      %swap3A_803 = tpu.vector_load %arg5[%swap3A_801, %swap3A_802] {strides = array<i32>} : memref<8x128xf32, #tpu.memory_space<vmem>>, vector<1x16xf32>,
      %swap3A_804 = vector.shape_cast %swap3A_803 : vector<1x16xf32> to vector<16xf32>
      %swap3A_805 = vector.shape_cast %get3A_754 : vector<16xf32> to vector<1x16xf32>
      tpu.vector_store %arg5[%swap3A_801, %swap3A_802], %swap3A_805 {strides = array<i32>} : memref<8x128xf32, #tpu.memory_space<vmem>>, vector<1x16xf32>,
      %swap3A_806 = arith.constant 2 : i32
      %swap3A_807 = arith.index_cast %swap3A_806 : i32 to index
      %swap3A_808 = arith.constant 80 : index
      %swap3A_809 = tpu.vector_load %arg5[%swap3A_807, %swap3A_808] {strides = array<i32>} : memref<8x128xf32, #tpu.memory_space<vmem>>, vector<1x16xf32>,
      %swap3A_810 = vector.shape_cast %swap3A_809 : vector<1x16xf32> to vector<16xf32>
      %swap3A_811 = vector.shape_cast %get3A_761 : vector<16xf32> to vector<1x16xf32>
      tpu.vector_store %arg5[%swap3A_807, %swap3A_808], %swap3A_811 {strides = array<i32>} : memref<8x128xf32, #tpu.memory_space<vmem>>, vector<1x16xf32>,
      %swap3A_812 = arith.constant 2 : i32
      %swap3A_813 = arith.index_cast %swap3A_812 : i32 to index
      %swap3A_814 = arith.constant 96 : index
      %swap3A_815 = tpu.vector_load %arg5[%swap3A_813, %swap3A_814] {strides = array<i32>} : memref<8x128xf32, #tpu.memory_space<vmem>>, vector<1x16xf32>,
      %swap3A_816 = vector.shape_cast %swap3A_815 : vector<1x16xf32> to vector<16xf32>
      %swap3A_817 = vector.shape_cast %get3A_768 : vector<16xf32> to vector<1x16xf32>
      tpu.vector_store %arg5[%swap3A_813, %swap3A_814], %swap3A_817 {strides = array<i32>} : memref<8x128xf32, #tpu.memory_space<vmem>>, vector<1x16xf32>,
      %swap3A_818 = arith.constant 2 : i32
      %swap3A_819 = arith.index_cast %swap3A_818 : i32 to index
      %swap3A_820 = arith.constant 112 : index
      %swap3A_821 = tpu.vector_load %arg5[%swap3A_819, %swap3A_820] {strides = array<i32>} : memref<8x128xf32, #tpu.memory_space<vmem>>, vector<1x16xf32>,
      %swap3A_822 = vector.shape_cast %swap3A_821 : vector<1x16xf32> to vector<16xf32>
      %swap3A_823 = vector.shape_cast %get3A_775 : vector<16xf32> to vector<1x16xf32>
      tpu.vector_store %arg5[%swap3A_819, %swap3A_820], %swap3A_823 {strides = array<i32>} : memref<8x128xf32, #tpu.memory_space<vmem>>, vector<1x16xf32>,
      %sub3A_824 = arith.constant 3 : i32
      %sub3A_825 = arith.subi %mul3A_513, %sub3A_824 : i32
      %add3A_826 = arith.constant 0 : i32
      %add3A_827 = arith.addi %sub3A_825, %add3A_826 : i32
      %get3A_828 = arith.index_cast %add3A_827 : i32 to index
      %get3A_829 = tpu.vector_load %arg4[%get3A_828] {strides = array<i32>} : memref<4112xf32, #tpu.memory_space<vmem>>, vector<16xf32>,
      %get3A_830 = vector.shape_cast %get3A_829 : vector<16xf32> to vector<16xf32>
      %sub3A_831 = arith.constant 3 : i32
      %sub3A_832 = arith.subi %mul3A_513, %sub3A_831 : i32
      %add3A_833 = arith.constant 16 : i32
      %add3A_834 = arith.addi %sub3A_832, %add3A_833 : i32
      %get3A_835 = arith.index_cast %add3A_834 : i32 to index
      %get3A_836 = tpu.vector_load %arg4[%get3A_835] {strides = array<i32>} : memref<4112xf32, #tpu.memory_space<vmem>>, vector<16xf32>,
      %get3A_837 = vector.shape_cast %get3A_836 : vector<16xf32> to vector<16xf32>
      %sub3A_838 = arith.constant 3 : i32
      %sub3A_839 = arith.subi %mul3A_513, %sub3A_838 : i32
      %add3A_840 = arith.constant 32 : i32
      %add3A_841 = arith.addi %sub3A_839, %add3A_840 : i32
      %get3A_842 = arith.index_cast %add3A_841 : i32 to index
      %get3A_843 = tpu.vector_load %arg4[%get3A_842] {strides = array<i32>} : memref<4112xf32, #tpu.memory_space<vmem>>, vector<16xf32>,
      %get3A_844 = vector.shape_cast %get3A_843 : vector<16xf32> to vector<16xf32>
      %sub3A_845 = arith.constant 3 : i32
      %sub3A_846 = arith.subi %mul3A_513, %sub3A_845 : i32
      %add3A_847 = arith.constant 48 : i32
      %add3A_848 = arith.addi %sub3A_846, %add3A_847 : i32
      %get3A_849 = arith.index_cast %add3A_848 : i32 to index
      %get3A_850 = tpu.vector_load %arg4[%get3A_849] {strides = array<i32>} : memref<4112xf32, #tpu.memory_space<vmem>>, vector<16xf32>,
      %get3A_851 = vector.shape_cast %get3A_850 : vector<16xf32> to vector<16xf32>
      %sub3A_852 = arith.constant 3 : i32
      %sub3A_853 = arith.subi %mul3A_513, %sub3A_852 : i32
      %add3A_854 = arith.constant 64 : i32
      %add3A_855 = arith.addi %sub3A_853, %add3A_854 : i32
      %get3A_856 = arith.index_cast %add3A_855 : i32 to index
      %get3A_857 = tpu.vector_load %arg4[%get3A_856] {strides = array<i32>} : memref<4112xf32, #tpu.memory_space<vmem>>, vector<16xf32>,
      %get3A_858 = vector.shape_cast %get3A_857 : vector<16xf32> to vector<16xf32>
      %sub3A_859 = arith.constant 3 : i32
      %sub3A_860 = arith.subi %mul3A_513, %sub3A_859 : i32
      %add3A_861 = arith.constant 80 : i32
      %add3A_862 = arith.addi %sub3A_860, %add3A_861 : i32
      %get3A_863 = arith.index_cast %add3A_862 : i32 to index
      %get3A_864 = tpu.vector_load %arg4[%get3A_863] {strides = array<i32>} : memref<4112xf32, #tpu.memory_space<vmem>>, vector<16xf32>,
      %get3A_865 = vector.shape_cast %get3A_864 : vector<16xf32> to vector<16xf32>
      %sub3A_866 = arith.constant 3 : i32
      %sub3A_867 = arith.subi %mul3A_513, %sub3A_866 : i32
      %add3A_868 = arith.constant 96 : i32
      %add3A_869 = arith.addi %sub3A_867, %add3A_868 : i32
      %get3A_870 = arith.index_cast %add3A_869 : i32 to index
      %get3A_871 = tpu.vector_load %arg4[%get3A_870] {strides = array<i32>} : memref<4112xf32, #tpu.memory_space<vmem>>, vector<16xf32>,
      %get3A_872 = vector.shape_cast %get3A_871 : vector<16xf32> to vector<16xf32>
      %sub3A_873 = arith.constant 3 : i32
      %sub3A_874 = arith.subi %mul3A_513, %sub3A_873 : i32
      %add3A_875 = arith.constant 112 : i32
      %add3A_876 = arith.addi %sub3A_874, %add3A_875 : i32
      %get3A_877 = arith.index_cast %add3A_876 : i32 to index
      %get3A_878 = tpu.vector_load %arg4[%get3A_877] {strides = array<i32>} : memref<4112xf32, #tpu.memory_space<vmem>>, vector<16xf32>,
      %get3A_879 = vector.shape_cast %get3A_878 : vector<16xf32> to vector<16xf32>
      %swap3A_880 = arith.constant 3 : i32
      %swap3A_881 = arith.index_cast %swap3A_880 : i32 to index
      %swap3A_882 = arith.constant 0 : index
      %swap3A_883 = tpu.vector_load %arg5[%swap3A_881, %swap3A_882] {strides = array<i32>} : memref<8x128xf32, #tpu.memory_space<vmem>>, vector<1x16xf32>,
      %swap3A_884 = vector.shape_cast %swap3A_883 : vector<1x16xf32> to vector<16xf32>
      %swap3A_885 = vector.shape_cast %get3A_830 : vector<16xf32> to vector<1x16xf32>
      tpu.vector_store %arg5[%swap3A_881, %swap3A_882], %swap3A_885 {strides = array<i32>} : memref<8x128xf32, #tpu.memory_space<vmem>>, vector<1x16xf32>,
      %swap3A_886 = arith.constant 3 : i32
      %swap3A_887 = arith.index_cast %swap3A_886 : i32 to index
      %swap3A_888 = arith.constant 16 : index
      %swap3A_889 = tpu.vector_load %arg5[%swap3A_887, %swap3A_888] {strides = array<i32>} : memref<8x128xf32, #tpu.memory_space<vmem>>, vector<1x16xf32>,
      %swap3A_890 = vector.shape_cast %swap3A_889 : vector<1x16xf32> to vector<16xf32>
      %swap3A_891 = vector.shape_cast %get3A_837 : vector<16xf32> to vector<1x16xf32>
      tpu.vector_store %arg5[%swap3A_887, %swap3A_888], %swap3A_891 {strides = array<i32>} : memref<8x128xf32, #tpu.memory_space<vmem>>, vector<1x16xf32>,
      %swap3A_892 = arith.constant 3 : i32
      %swap3A_893 = arith.index_cast %swap3A_892 : i32 to index
      %swap3A_894 = arith.constant 32 : index
      %swap3A_895 = tpu.vector_load %arg5[%swap3A_893, %swap3A_894] {strides = array<i32>} : memref<8x128xf32, #tpu.memory_space<vmem>>, vector<1x16xf32>,
      %swap3A_896 = vector.shape_cast %swap3A_895 : vector<1x16xf32> to vector<16xf32>
      %swap3A_897 = vector.shape_cast %get3A_844 : vector<16xf32> to vector<1x16xf32>
      tpu.vector_store %arg5[%swap3A_893, %swap3A_894], %swap3A_897 {strides = array<i32>} : memref<8x128xf32, #tpu.memory_space<vmem>>, vector<1x16xf32>,
      %swap3A_898 = arith.constant 3 : i32
      %swap3A_899 = arith.index_cast %swap3A_898 : i32 to index
      %swap3A_900 = arith.constant 48 : index
      %swap3A_901 = tpu.vector_load %arg5[%swap3A_899, %swap3A_900] {strides = array<i32>} : memref<8x128xf32, #tpu.memory_space<vmem>>, vector<1x16xf32>,
      %swap3A_902 = vector.shape_cast %swap3A_901 : vector<1x16xf32> to vector<16xf32>
      %swap3A_903 = vector.shape_cast %get3A_851 : vector<16xf32> to vector<1x16xf32>
      tpu.vector_store %arg5[%swap3A_899, %swap3A_900], %swap3A_903 {strides = array<i32>} : memref<8x128xf32, #tpu.memory_space<vmem>>, vector<1x16xf32>,
      %swap3A_904 = arith.constant 3 : i32
      %swap3A_905 = arith.index_cast %swap3A_904 : i32 to index
      %swap3A_906 = arith.constant 64 : index
      %swap3A_907 = tpu.vector_load %arg5[%swap3A_905, %swap3A_906] {strides = array<i32>} : memref<8x128xf32, #tpu.memory_space<vmem>>, vector<1x16xf32>,
      %swap3A_908 = vector.shape_cast %swap3A_907 : vector<1x16xf32> to vector<16xf32>
      %swap3A_909 = vector.shape_cast %get3A_858 : vector<16xf32> to vector<1x16xf32>
      tpu.vector_store %arg5[%swap3A_905, %swap3A_906], %swap3A_909 {strides = array<i32>} : memref<8x128xf32, #tpu.memory_space<vmem>>, vector<1x16xf32>,
      %swap3A_910 = arith.constant 3 : i32
      %swap3A_911 = arith.index_cast %swap3A_910 : i32 to index
      %swap3A_912 = arith.constant 80 : index
      %swap3A_913 = tpu.vector_load %arg5[%swap3A_911, %swap3A_912] {strides = array<i32>} : memref<8x128xf32, #tpu.memory_space<vmem>>, vector<1x16xf32>,
      %swap3A_914 = vector.shape_cast %swap3A_913 : vector<1x16xf32> to vector<16xf32>
      %swap3A_915 = vector.shape_cast %get3A_865 : vector<16xf32> to vector<1x16xf32>
      tpu.vector_store %arg5[%swap3A_911, %swap3A_912], %swap3A_915 {strides = array<i32>} : memref<8x128xf32, #tpu.memory_space<vmem>>, vector<1x16xf32>,
      %swap3A_916 = arith.constant 3 : i32
      %swap3A_917 = arith.index_cast %swap3A_916 : i32 to index
      %swap3A_918 = arith.constant 96 : index
      %swap3A_919 = tpu.vector_load %arg5[%swap3A_917, %swap3A_918] {strides = array<i32>} : memref<8x128xf32, #tpu.memory_space<vmem>>, vector<1x16xf32>,
      %swap3A_920 = vector.shape_cast %swap3A_919 : vector<1x16xf32> to vector<16xf32>
      %swap3A_921 = vector.shape_cast %get3A_872 : vector<16xf32> to vector<1x16xf32>
      tpu.vector_store %arg5[%swap3A_917, %swap3A_918], %swap3A_921 {strides = array<i32>} : memref<8x128xf32, #tpu.memory_space<vmem>>, vector<1x16xf32>,
      %swap3A_922 = arith.constant 3 : i32
      %swap3A_923 = arith.index_cast %swap3A_922 : i32 to index
      %swap3A_924 = arith.constant 112 : index
      %swap3A_925 = tpu.vector_load %arg5[%swap3A_923, %swap3A_924] {strides = array<i32>} : memref<8x128xf32, #tpu.memory_space<vmem>>, vector<1x16xf32>,
      %swap3A_926 = vector.shape_cast %swap3A_925 : vector<1x16xf32> to vector<16xf32>
      %swap3A_927 = vector.shape_cast %get3A_879 : vector<16xf32> to vector<1x16xf32>
      tpu.vector_store %arg5[%swap3A_923, %swap3A_924], %swap3A_927 {strides = array<i32>} : memref<8x128xf32, #tpu.memory_space<vmem>>, vector<1x16xf32>,
      %sub3A_928 = arith.constant 4 : i32
      %sub3A_929 = arith.subi %mul3A_513, %sub3A_928 : i32
      %add3A_930 = arith.constant 0 : i32
      %add3A_931 = arith.addi %sub3A_929, %add3A_930 : i32
      %get3A_932 = arith.index_cast %add3A_931 : i32 to index
      %get3A_933 = tpu.vector_load %arg4[%get3A_932] {strides = array<i32>} : memref<4112xf32, #tpu.memory_space<vmem>>, vector<16xf32>,
      %get3A_934 = vector.shape_cast %get3A_933 : vector<16xf32> to vector<16xf32>
      %sub3A_935 = arith.constant 4 : i32
      %sub3A_936 = arith.subi %mul3A_513, %sub3A_935 : i32
      %add3A_937 = arith.constant 16 : i32
      %add3A_938 = arith.addi %sub3A_936, %add3A_937 : i32
      %get3A_939 = arith.index_cast %add3A_938 : i32 to index
      %get3A_940 = tpu.vector_load %arg4[%get3A_939] {strides = array<i32>} : memref<4112xf32, #tpu.memory_space<vmem>>, vector<16xf32>,
      %get3A_941 = vector.shape_cast %get3A_940 : vector<16xf32> to vector<16xf32>
      %sub3A_942 = arith.constant 4 : i32
      %sub3A_943 = arith.subi %mul3A_513, %sub3A_942 : i32
      %add3A_944 = arith.constant 32 : i32
      %add3A_945 = arith.addi %sub3A_943, %add3A_944 : i32
      %get3A_946 = arith.index_cast %add3A_945 : i32 to index
      %get3A_947 = tpu.vector_load %arg4[%get3A_946] {strides = array<i32>} : memref<4112xf32, #tpu.memory_space<vmem>>, vector<16xf32>,
      %get3A_948 = vector.shape_cast %get3A_947 : vector<16xf32> to vector<16xf32>
      %sub3A_949 = arith.constant 4 : i32
      %sub3A_950 = arith.subi %mul3A_513, %sub3A_949 : i32
      %add3A_951 = arith.constant 48 : i32
      %add3A_952 = arith.addi %sub3A_950, %add3A_951 : i32
      %get3A_953 = arith.index_cast %add3A_952 : i32 to index
      %get3A_954 = tpu.vector_load %arg4[%get3A_953] {strides = array<i32>} : memref<4112xf32, #tpu.memory_space<vmem>>, vector<16xf32>,
      %get3A_955 = vector.shape_cast %get3A_954 : vector<16xf32> to vector<16xf32>
      %sub3A_956 = arith.constant 4 : i32
      %sub3A_957 = arith.subi %mul3A_513, %sub3A_956 : i32
      %add3A_958 = arith.constant 64 : i32
      %add3A_959 = arith.addi %sub3A_957, %add3A_958 : i32
      %get3A_960 = arith.index_cast %add3A_959 : i32 to index
      %get3A_961 = tpu.vector_load %arg4[%get3A_960] {strides = array<i32>} : memref<4112xf32, #tpu.memory_space<vmem>>, vector<16xf32>,
      %get3A_962 = vector.shape_cast %get3A_961 : vector<16xf32> to vector<16xf32>
      %sub3A_963 = arith.constant 4 : i32
      %sub3A_964 = arith.subi %mul3A_513, %sub3A_963 : i32
      %add3A_965 = arith.constant 80 : i32
      %add3A_966 = arith.addi %sub3A_964, %add3A_965 : i32
      %get3A_967 = arith.index_cast %add3A_966 : i32 to index
      %get3A_968 = tpu.vector_load %arg4[%get3A_967] {strides = array<i32>} : memref<4112xf32, #tpu.memory_space<vmem>>, vector<16xf32>,
      %get3A_969 = vector.shape_cast %get3A_968 : vector<16xf32> to vector<16xf32>
      %sub3A_970 = arith.constant 4 : i32
      %sub3A_971 = arith.subi %mul3A_513, %sub3A_970 : i32
      %add3A_972 = arith.constant 96 : i32
      %add3A_973 = arith.addi %sub3A_971, %add3A_972 : i32
      %get3A_974 = arith.index_cast %add3A_973 : i32 to index
      %get3A_975 = tpu.vector_load %arg4[%get3A_974] {strides = array<i32>} : memref<4112xf32, #tpu.memory_space<vmem>>, vector<16xf32>,
      %get3A_976 = vector.shape_cast %get3A_975 : vector<16xf32> to vector<16xf32>
      %sub3A_977 = arith.constant 4 : i32
      %sub3A_978 = arith.subi %mul3A_513, %sub3A_977 : i32
      %add3A_979 = arith.constant 112 : i32
      %add3A_980 = arith.addi %sub3A_978, %add3A_979 : i32
      %get3A_981 = arith.index_cast %add3A_980 : i32 to index
      %get3A_982 = tpu.vector_load %arg4[%get3A_981] {strides = array<i32>} : memref<4112xf32, #tpu.memory_space<vmem>>, vector<16xf32>,
      %get3A_983 = vector.shape_cast %get3A_982 : vector<16xf32> to vector<16xf32>
      %swap3A_984 = arith.constant 4 : i32
      %swap3A_985 = arith.index_cast %swap3A_984 : i32 to index
      %swap3A_986 = arith.constant 0 : index
      %swap3A_987 = tpu.vector_load %arg5[%swap3A_985, %swap3A_986] {strides = array<i32>} : memref<8x128xf32, #tpu.memory_space<vmem>>, vector<1x16xf32>,
      %swap3A_988 = vector.shape_cast %swap3A_987 : vector<1x16xf32> to vector<16xf32>
      %swap3A_989 = vector.shape_cast %get3A_934 : vector<16xf32> to vector<1x16xf32>
      tpu.vector_store %arg5[%swap3A_985, %swap3A_986], %swap3A_989 {strides = array<i32>} : memref<8x128xf32, #tpu.memory_space<vmem>>, vector<1x16xf32>,
      %swap3A_990 = arith.constant 4 : i32
      %swap3A_991 = arith.index_cast %swap3A_990 : i32 to index
      %swap3A_992 = arith.constant 16 : index
      %swap3A_993 = tpu.vector_load %arg5[%swap3A_991, %swap3A_992] {strides = array<i32>} : memref<8x128xf32, #tpu.memory_space<vmem>>, vector<1x16xf32>,
      %swap3A_994 = vector.shape_cast %swap3A_993 : vector<1x16xf32> to vector<16xf32>
      %swap3A_995 = vector.shape_cast %get3A_941 : vector<16xf32> to vector<1x16xf32>
      tpu.vector_store %arg5[%swap3A_991, %swap3A_992], %swap3A_995 {strides = array<i32>} : memref<8x128xf32, #tpu.memory_space<vmem>>, vector<1x16xf32>,
      %swap3A_996 = arith.constant 4 : i32
      %swap3A_997 = arith.index_cast %swap3A_996 : i32 to index
      %swap3A_998 = arith.constant 32 : index
      %swap3A_999 = tpu.vector_load %arg5[%swap3A_997, %swap3A_998] {strides = array<i32>} : memref<8x128xf32, #tpu.memory_space<vmem>>, vector<1x16xf32>,
      %swap3A_1000 = vector.shape_cast %swap3A_999 : vector<1x16xf32> to vector<16xf32>
      %swap3A_1001 = vector.shape_cast %get3A_948 : vector<16xf32> to vector<1x16xf32>
      tpu.vector_store %arg5[%swap3A_997, %swap3A_998], %swap3A_1001 {strides = array<i32>} : memref<8x128xf32, #tpu.memory_space<vmem>>, vector<1x16xf32>,
      %swap3A_1002 = arith.constant 4 : i32
      %swap3A_1003 = arith.index_cast %swap3A_1002 : i32 to index
      %swap3A_1004 = arith.constant 48 : index
      %swap3A_1005 = tpu.vector_load %arg5[%swap3A_1003, %swap3A_1004] {strides = array<i32>} : memref<8x128xf32, #tpu.memory_space<vmem>>, vector<1x16xf32>,
      %swap3A_1006 = vector.shape_cast %swap3A_1005 : vector<1x16xf32> to vector<16xf32>
      %swap3A_1007 = vector.shape_cast %get3A_955 : vector<16xf32> to vector<1x16xf32>
      tpu.vector_store %arg5[%swap3A_1003, %swap3A_1004], %swap3A_1007 {strides = array<i32>} : memref<8x128xf32, #tpu.memory_space<vmem>>, vector<1x16xf32>,
      %swap3A_1008 = arith.constant 4 : i32
      %swap3A_1009 = arith.index_cast %swap3A_1008 : i32 to index
      %swap3A_1010 = arith.constant 64 : index
      %swap3A_1011 = tpu.vector_load %arg5[%swap3A_1009, %swap3A_1010] {strides = array<i32>} : memref<8x128xf32, #tpu.memory_space<vmem>>, vector<1x16xf32>,
      %swap3A_1012 = vector.shape_cast %swap3A_1011 : vector<1x16xf32> to vector<16xf32>
      %swap3A_1013 = vector.shape_cast %get3A_962 : vector<16xf32> to vector<1x16xf32>
      tpu.vector_store %arg5[%swap3A_1009, %swap3A_1010], %swap3A_1013 {strides = array<i32>} : memref<8x128xf32, #tpu.memory_space<vmem>>, vector<1x16xf32>,
      %swap3A_1014 = arith.constant 4 : i32
      %swap3A_1015 = arith.index_cast %swap3A_1014 : i32 to index
      %swap3A_1016 = arith.constant 80 : index
      %swap3A_1017 = tpu.vector_load %arg5[%swap3A_1015, %swap3A_1016] {strides = array<i32>} : memref<8x128xf32, #tpu.memory_space<vmem>>, vector<1x16xf32>,
      %swap3A_1018 = vector.shape_cast %swap3A_1017 : vector<1x16xf32> to vector<16xf32>
      %swap3A_1019 = vector.shape_cast %get3A_969 : vector<16xf32> to vector<1x16xf32>
      tpu.vector_store %arg5[%swap3A_1015, %swap3A_1016], %swap3A_1019 {strides = array<i32>} : memref<8x128xf32, #tpu.memory_space<vmem>>, vector<1x16xf32>,
      %swap3A_1020 = arith.constant 4 : i32
      %swap3A_1021 = arith.index_cast %swap3A_1020 : i32 to index
      %swap3A_1022 = arith.constant 96 : index
      %swap3A_1023 = tpu.vector_load %arg5[%swap3A_1021, %swap3A_1022] {strides = array<i32>} : memref<8x128xf32, #tpu.memory_space<vmem>>, vector<1x16xf32>,
      %swap3A_1024 = vector.shape_cast %swap3A_1023 : vector<1x16xf32> to vector<16xf32>
      %swap3A_1025 = vector.shape_cast %get3A_976 : vector<16xf32> to vector<1x16xf32>
      tpu.vector_store %arg5[%swap3A_1021, %swap3A_1022], %swap3A_1025 {strides = array<i32>} : memref<8x128xf32, #tpu.memory_space<vmem>>, vector<1x16xf32>,
      %swap3A_1026 = arith.constant 4 : i32
      %swap3A_1027 = arith.index_cast %swap3A_1026 : i32 to index
      %swap3A_1028 = arith.constant 112 : index
      %swap3A_1029 = tpu.vector_load %arg5[%swap3A_1027, %swap3A_1028] {strides = array<i32>} : memref<8x128xf32, #tpu.memory_space<vmem>>, vector<1x16xf32>,
      %swap3A_1030 = vector.shape_cast %swap3A_1029 : vector<1x16xf32> to vector<16xf32>
      %swap3A_1031 = vector.shape_cast %get3A_983 : vector<16xf32> to vector<1x16xf32>
      tpu.vector_store %arg5[%swap3A_1027, %swap3A_1028], %swap3A_1031 {strides = array<i32>} : memref<8x128xf32, #tpu.memory_space<vmem>>, vector<1x16xf32>,
      %sub3A_1032 = arith.constant 5 : i32
      %sub3A_1033 = arith.subi %mul3A_513, %sub3A_1032 : i32
      %add3A_1034 = arith.constant 0 : i32
      %add3A_1035 = arith.addi %sub3A_1033, %add3A_1034 : i32
      %get3A_1036 = arith.index_cast %add3A_1035 : i32 to index
      %get3A_1037 = tpu.vector_load %arg4[%get3A_1036] {strides = array<i32>} : memref<4112xf32, #tpu.memory_space<vmem>>, vector<16xf32>,
      %get3A_1038 = vector.shape_cast %get3A_1037 : vector<16xf32> to vector<16xf32>
      %sub3A_1039 = arith.constant 5 : i32
      %sub3A_1040 = arith.subi %mul3A_513, %sub3A_1039 : i32
      %add3A_1041 = arith.constant 16 : i32
      %add3A_1042 = arith.addi %sub3A_1040, %add3A_1041 : i32
      %get3A_1043 = arith.index_cast %add3A_1042 : i32 to index
      %get3A_1044 = tpu.vector_load %arg4[%get3A_1043] {strides = array<i32>} : memref<4112xf32, #tpu.memory_space<vmem>>, vector<16xf32>,
      %get3A_1045 = vector.shape_cast %get3A_1044 : vector<16xf32> to vector<16xf32>
      %sub3A_1046 = arith.constant 5 : i32
      %sub3A_1047 = arith.subi %mul3A_513, %sub3A_1046 : i32
      %add3A_1048 = arith.constant 32 : i32
      %add3A_1049 = arith.addi %sub3A_1047, %add3A_1048 : i32
      %get3A_1050 = arith.index_cast %add3A_1049 : i32 to index
      %get3A_1051 = tpu.vector_load %arg4[%get3A_1050] {strides = array<i32>} : memref<4112xf32, #tpu.memory_space<vmem>>, vector<16xf32>,
      %get3A_1052 = vector.shape_cast %get3A_1051 : vector<16xf32> to vector<16xf32>
      %sub3A_1053 = arith.constant 5 : i32
      %sub3A_1054 = arith.subi %mul3A_513, %sub3A_1053 : i32
      %add3A_1055 = arith.constant 48 : i32
      %add3A_1056 = arith.addi %sub3A_1054, %add3A_1055 : i32
      %get3A_1057 = arith.index_cast %add3A_1056 : i32 to index
      %get3A_1058 = tpu.vector_load %arg4[%get3A_1057] {strides = array<i32>} : memref<4112xf32, #tpu.memory_space<vmem>>, vector<16xf32>,
      %get3A_1059 = vector.shape_cast %get3A_1058 : vector<16xf32> to vector<16xf32>
      %sub3A_1060 = arith.constant 5 : i32
      %sub3A_1061 = arith.subi %mul3A_513, %sub3A_1060 : i32
      %add3A_1062 = arith.constant 64 : i32
      %add3A_1063 = arith.addi %sub3A_1061, %add3A_1062 : i32
      %get3A_1064 = arith.index_cast %add3A_1063 : i32 to index
      %get3A_1065 = tpu.vector_load %arg4[%get3A_1064] {strides = array<i32>} : memref<4112xf32, #tpu.memory_space<vmem>>, vector<16xf32>,
      %get3A_1066 = vector.shape_cast %get3A_1065 : vector<16xf32> to vector<16xf32>
      %sub3A_1067 = arith.constant 5 : i32
      %sub3A_1068 = arith.subi %mul3A_513, %sub3A_1067 : i32
      %add3A_1069 = arith.constant 80 : i32
      %add3A_1070 = arith.addi %sub3A_1068, %add3A_1069 : i32
      %get3A_1071 = arith.index_cast %add3A_1070 : i32 to index
      %get3A_1072 = tpu.vector_load %arg4[%get3A_1071] {strides = array<i32>} : memref<4112xf32, #tpu.memory_space<vmem>>, vector<16xf32>,
      %get3A_1073 = vector.shape_cast %get3A_1072 : vector<16xf32> to vector<16xf32>
      %sub3A_1074 = arith.constant 5 : i32
      %sub3A_1075 = arith.subi %mul3A_513, %sub3A_1074 : i32
      %add3A_1076 = arith.constant 96 : i32
      %add3A_1077 = arith.addi %sub3A_1075, %add3A_1076 : i32
      %get3A_1078 = arith.index_cast %add3A_1077 : i32 to index
      %get3A_1079 = tpu.vector_load %arg4[%get3A_1078] {strides = array<i32>} : memref<4112xf32, #tpu.memory_space<vmem>>, vector<16xf32>,
      %get3A_1080 = vector.shape_cast %get3A_1079 : vector<16xf32> to vector<16xf32>
      %sub3A_1081 = arith.constant 5 : i32
      %sub3A_1082 = arith.subi %mul3A_513, %sub3A_1081 : i32
      %add3A_1083 = arith.constant 112 : i32
      %add3A_1084 = arith.addi %sub3A_1082, %add3A_1083 : i32
      %get3A_1085 = arith.index_cast %add3A_1084 : i32 to index
      %get3A_1086 = tpu.vector_load %arg4[%get3A_1085] {strides = array<i32>} : memref<4112xf32, #tpu.memory_space<vmem>>, vector<16xf32>,
      %get3A_1087 = vector.shape_cast %get3A_1086 : vector<16xf32> to vector<16xf32>
      %swap3A_1088 = arith.constant 5 : i32
      %swap3A_1089 = arith.index_cast %swap3A_1088 : i32 to index
      %swap3A_1090 = arith.constant 0 : index
      %swap3A_1091 = tpu.vector_load %arg5[%swap3A_1089, %swap3A_1090] {strides = array<i32>} : memref<8x128xf32, #tpu.memory_space<vmem>>, vector<1x16xf32>,
      %swap3A_1092 = vector.shape_cast %swap3A_1091 : vector<1x16xf32> to vector<16xf32>
      %swap3A_1093 = vector.shape_cast %get3A_1038 : vector<16xf32> to vector<1x16xf32>
      tpu.vector_store %arg5[%swap3A_1089, %swap3A_1090], %swap3A_1093 {strides = array<i32>} : memref<8x128xf32, #tpu.memory_space<vmem>>, vector<1x16xf32>,
      %swap3A_1094 = arith.constant 5 : i32
      %swap3A_1095 = arith.index_cast %swap3A_1094 : i32 to index
      %swap3A_1096 = arith.constant 16 : index
      %swap3A_1097 = tpu.vector_load %arg5[%swap3A_1095, %swap3A_1096] {strides = array<i32>} : memref<8x128xf32, #tpu.memory_space<vmem>>, vector<1x16xf32>,
      %swap3A_1098 = vector.shape_cast %swap3A_1097 : vector<1x16xf32> to vector<16xf32>
      %swap3A_1099 = vector.shape_cast %get3A_1045 : vector<16xf32> to vector<1x16xf32>
      tpu.vector_store %arg5[%swap3A_1095, %swap3A_1096], %swap3A_1099 {strides = array<i32>} : memref<8x128xf32, #tpu.memory_space<vmem>>, vector<1x16xf32>,
      %swap3A_1100 = arith.constant 5 : i32
      %swap3A_1101 = arith.index_cast %swap3A_1100 : i32 to index
      %swap3A_1102 = arith.constant 32 : index
      %swap3A_1103 = tpu.vector_load %arg5[%swap3A_1101, %swap3A_1102] {strides = array<i32>} : memref<8x128xf32, #tpu.memory_space<vmem>>, vector<1x16xf32>,
      %swap3A_1104 = vector.shape_cast %swap3A_1103 : vector<1x16xf32> to vector<16xf32>
      %swap3A_1105 = vector.shape_cast %get3A_1052 : vector<16xf32> to vector<1x16xf32>
      tpu.vector_store %arg5[%swap3A_1101, %swap3A_1102], %swap3A_1105 {strides = array<i32>} : memref<8x128xf32, #tpu.memory_space<vmem>>, vector<1x16xf32>,
      %swap3A_1106 = arith.constant 5 : i32
      %swap3A_1107 = arith.index_cast %swap3A_1106 : i32 to index
      %swap3A_1108 = arith.constant 48 : index
      %swap3A_1109 = tpu.vector_load %arg5[%swap3A_1107, %swap3A_1108] {strides = array<i32>} : memref<8x128xf32, #tpu.memory_space<vmem>>, vector<1x16xf32>,
      %swap3A_1110 = vector.shape_cast %swap3A_1109 : vector<1x16xf32> to vector<16xf32>
      %swap3A_1111 = vector.shape_cast %get3A_1059 : vector<16xf32> to vector<1x16xf32>
      tpu.vector_store %arg5[%swap3A_1107, %swap3A_1108], %swap3A_1111 {strides = array<i32>} : memref<8x128xf32, #tpu.memory_space<vmem>>, vector<1x16xf32>,
      %swap3A_1112 = arith.constant 5 : i32
      %swap3A_1113 = arith.index_cast %swap3A_1112 : i32 to index
      %swap3A_1114 = arith.constant 64 : index
      %swap3A_1115 = tpu.vector_load %arg5[%swap3A_1113, %swap3A_1114] {strides = array<i32>} : memref<8x128xf32, #tpu.memory_space<vmem>>, vector<1x16xf32>,
      %swap3A_1116 = vector.shape_cast %swap3A_1115 : vector<1x16xf32> to vector<16xf32>
      %swap3A_1117 = vector.shape_cast %get3A_1066 : vector<16xf32> to vector<1x16xf32>
      tpu.vector_store %arg5[%swap3A_1113, %swap3A_1114], %swap3A_1117 {strides = array<i32>} : memref<8x128xf32, #tpu.memory_space<vmem>>, vector<1x16xf32>,
      %swap3A_1118 = arith.constant 5 : i32
      %swap3A_1119 = arith.index_cast %swap3A_1118 : i32 to index
      %swap3A_1120 = arith.constant 80 : index
      %swap3A_1121 = tpu.vector_load %arg5[%swap3A_1119, %swap3A_1120] {strides = array<i32>} : memref<8x128xf32, #tpu.memory_space<vmem>>, vector<1x16xf32>,
      %swap3A_1122 = vector.shape_cast %swap3A_1121 : vector<1x16xf32> to vector<16xf32>
      %swap3A_1123 = vector.shape_cast %get3A_1073 : vector<16xf32> to vector<1x16xf32>
      tpu.vector_store %arg5[%swap3A_1119, %swap3A_1120], %swap3A_1123 {strides = array<i32>} : memref<8x128xf32, #tpu.memory_space<vmem>>, vector<1x16xf32>,
      %swap3A_1124 = arith.constant 5 : i32
      %swap3A_1125 = arith.index_cast %swap3A_1124 : i32 to index
      %swap3A_1126 = arith.constant 96 : index
      %swap3A_1127 = tpu.vector_load %arg5[%swap3A_1125, %swap3A_1126] {strides = array<i32>} : memref<8x128xf32, #tpu.memory_space<vmem>>, vector<1x16xf32>,
      %swap3A_1128 = vector.shape_cast %swap3A_1127 : vector<1x16xf32> to vector<16xf32>
      %swap3A_1129 = vector.shape_cast %get3A_1080 : vector<16xf32> to vector<1x16xf32>
      tpu.vector_store %arg5[%swap3A_1125, %swap3A_1126], %swap3A_1129 {strides = array<i32>} : memref<8x128xf32, #tpu.memory_space<vmem>>, vector<1x16xf32>,
      %swap3A_1130 = arith.constant 5 : i32
      %swap3A_1131 = arith.index_cast %swap3A_1130 : i32 to index
      %swap3A_1132 = arith.constant 112 : index
      %swap3A_1133 = tpu.vector_load %arg5[%swap3A_1131, %swap3A_1132] {strides = array<i32>} : memref<8x128xf32, #tpu.memory_space<vmem>>, vector<1x16xf32>,
      %swap3A_1134 = vector.shape_cast %swap3A_1133 : vector<1x16xf32> to vector<16xf32>
      %swap3A_1135 = vector.shape_cast %get3A_1087 : vector<16xf32> to vector<1x16xf32>
      tpu.vector_store %arg5[%swap3A_1131, %swap3A_1132], %swap3A_1135 {strides = array<i32>} : memref<8x128xf32, #tpu.memory_space<vmem>>, vector<1x16xf32>,
      %sub3A_1136 = arith.constant 6 : i32
      %sub3A_1137 = arith.subi %mul3A_513, %sub3A_1136 : i32
      %add3A_1138 = arith.constant 0 : i32
      %add3A_1139 = arith.addi %sub3A_1137, %add3A_1138 : i32
      %get3A_1140 = arith.index_cast %add3A_1139 : i32 to index
      %get3A_1141 = tpu.vector_load %arg4[%get3A_1140] {strides = array<i32>} : memref<4112xf32, #tpu.memory_space<vmem>>, vector<16xf32>,
      %get3A_1142 = vector.shape_cast %get3A_1141 : vector<16xf32> to vector<16xf32>
      %sub3A_1143 = arith.constant 6 : i32
      %sub3A_1144 = arith.subi %mul3A_513, %sub3A_1143 : i32
      %add3A_1145 = arith.constant 16 : i32
      %add3A_1146 = arith.addi %sub3A_1144, %add3A_1145 : i32
      %get3A_1147 = arith.index_cast %add3A_1146 : i32 to index
      %get3A_1148 = tpu.vector_load %arg4[%get3A_1147] {strides = array<i32>} : memref<4112xf32, #tpu.memory_space<vmem>>, vector<16xf32>,
      %get3A_1149 = vector.shape_cast %get3A_1148 : vector<16xf32> to vector<16xf32>
      %sub3A_1150 = arith.constant 6 : i32
      %sub3A_1151 = arith.subi %mul3A_513, %sub3A_1150 : i32
      %add3A_1152 = arith.constant 32 : i32
      %add3A_1153 = arith.addi %sub3A_1151, %add3A_1152 : i32
      %get3A_1154 = arith.index_cast %add3A_1153 : i32 to index
      %get3A_1155 = tpu.vector_load %arg4[%get3A_1154] {strides = array<i32>} : memref<4112xf32, #tpu.memory_space<vmem>>, vector<16xf32>,
      %get3A_1156 = vector.shape_cast %get3A_1155 : vector<16xf32> to vector<16xf32>
      %sub3A_1157 = arith.constant 6 : i32
      %sub3A_1158 = arith.subi %mul3A_513, %sub3A_1157 : i32
      %add3A_1159 = arith.constant 48 : i32
      %add3A_1160 = arith.addi %sub3A_1158, %add3A_1159 : i32
      %get3A_1161 = arith.index_cast %add3A_1160 : i32 to index
      %get3A_1162 = tpu.vector_load %arg4[%get3A_1161] {strides = array<i32>} : memref<4112xf32, #tpu.memory_space<vmem>>, vector<16xf32>,
      %get3A_1163 = vector.shape_cast %get3A_1162 : vector<16xf32> to vector<16xf32>
      %sub3A_1164 = arith.constant 6 : i32
      %sub3A_1165 = arith.subi %mul3A_513, %sub3A_1164 : i32
      %add3A_1166 = arith.constant 64 : i32
      %add3A_1167 = arith.addi %sub3A_1165, %add3A_1166 : i32
      %get3A_1168 = arith.index_cast %add3A_1167 : i32 to index
      %get3A_1169 = tpu.vector_load %arg4[%get3A_1168] {strides = array<i32>} : memref<4112xf32, #tpu.memory_space<vmem>>, vector<16xf32>,
      %get3A_1170 = vector.shape_cast %get3A_1169 : vector<16xf32> to vector<16xf32>
      %sub3A_1171 = arith.constant 6 : i32
      %sub3A_1172 = arith.subi %mul3A_513, %sub3A_1171 : i32
      %add3A_1173 = arith.constant 80 : i32
      %add3A_1174 = arith.addi %sub3A_1172, %add3A_1173 : i32
      %get3A_1175 = arith.index_cast %add3A_1174 : i32 to index
      %get3A_1176 = tpu.vector_load %arg4[%get3A_1175] {strides = array<i32>} : memref<4112xf32, #tpu.memory_space<vmem>>, vector<16xf32>,
      %get3A_1177 = vector.shape_cast %get3A_1176 : vector<16xf32> to vector<16xf32>
      %sub3A_1178 = arith.constant 6 : i32
      %sub3A_1179 = arith.subi %mul3A_513, %sub3A_1178 : i32
      %add3A_1180 = arith.constant 96 : i32
      %add3A_1181 = arith.addi %sub3A_1179, %add3A_1180 : i32
      %get3A_1182 = arith.index_cast %add3A_1181 : i32 to index
      %get3A_1183 = tpu.vector_load %arg4[%get3A_1182] {strides = array<i32>} : memref<4112xf32, #tpu.memory_space<vmem>>, vector<16xf32>,
      %get3A_1184 = vector.shape_cast %get3A_1183 : vector<16xf32> to vector<16xf32>
      %sub3A_1185 = arith.constant 6 : i32
      %sub3A_1186 = arith.subi %mul3A_513, %sub3A_1185 : i32
      %add3A_1187 = arith.constant 112 : i32
      %add3A_1188 = arith.addi %sub3A_1186, %add3A_1187 : i32
      %get3A_1189 = arith.index_cast %add3A_1188 : i32 to index
      %get3A_1190 = tpu.vector_load %arg4[%get3A_1189] {strides = array<i32>} : memref<4112xf32, #tpu.memory_space<vmem>>, vector<16xf32>,
      %get3A_1191 = vector.shape_cast %get3A_1190 : vector<16xf32> to vector<16xf32>
      %swap3A_1192 = arith.constant 6 : i32
      %swap3A_1193 = arith.index_cast %swap3A_1192 : i32 to index
      %swap3A_1194 = arith.constant 0 : index
      %swap3A_1195 = tpu.vector_load %arg5[%swap3A_1193, %swap3A_1194] {strides = array<i32>} : memref<8x128xf32, #tpu.memory_space<vmem>>, vector<1x16xf32>,
      %swap3A_1196 = vector.shape_cast %swap3A_1195 : vector<1x16xf32> to vector<16xf32>
      %swap3A_1197 = vector.shape_cast %get3A_1142 : vector<16xf32> to vector<1x16xf32>
      tpu.vector_store %arg5[%swap3A_1193, %swap3A_1194], %swap3A_1197 {strides = array<i32>} : memref<8x128xf32, #tpu.memory_space<vmem>>, vector<1x16xf32>,
      %swap3A_1198 = arith.constant 6 : i32
      %swap3A_1199 = arith.index_cast %swap3A_1198 : i32 to index
      %swap3A_1200 = arith.constant 16 : index
      %swap3A_1201 = tpu.vector_load %arg5[%swap3A_1199, %swap3A_1200] {strides = array<i32>} : memref<8x128xf32, #tpu.memory_space<vmem>>, vector<1x16xf32>,
      %swap3A_1202 = vector.shape_cast %swap3A_1201 : vector<1x16xf32> to vector<16xf32>
      %swap3A_1203 = vector.shape_cast %get3A_1149 : vector<16xf32> to vector<1x16xf32>
      tpu.vector_store %arg5[%swap3A_1199, %swap3A_1200], %swap3A_1203 {strides = array<i32>} : memref<8x128xf32, #tpu.memory_space<vmem>>, vector<1x16xf32>,
      %swap3A_1204 = arith.constant 6 : i32
      %swap3A_1205 = arith.index_cast %swap3A_1204 : i32 to index
      %swap3A_1206 = arith.constant 32 : index
      %swap3A_1207 = tpu.vector_load %arg5[%swap3A_1205, %swap3A_1206] {strides = array<i32>} : memref<8x128xf32, #tpu.memory_space<vmem>>, vector<1x16xf32>,
      %swap3A_1208 = vector.shape_cast %swap3A_1207 : vector<1x16xf32> to vector<16xf32>
      %swap3A_1209 = vector.shape_cast %get3A_1156 : vector<16xf32> to vector<1x16xf32>
      tpu.vector_store %arg5[%swap3A_1205, %swap3A_1206], %swap3A_1209 {strides = array<i32>} : memref<8x128xf32, #tpu.memory_space<vmem>>, vector<1x16xf32>,
      %swap3A_1210 = arith.constant 6 : i32
      %swap3A_1211 = arith.index_cast %swap3A_1210 : i32 to index
      %swap3A_1212 = arith.constant 48 : index
      %swap3A_1213 = tpu.vector_load %arg5[%swap3A_1211, %swap3A_1212] {strides = array<i32>} : memref<8x128xf32, #tpu.memory_space<vmem>>, vector<1x16xf32>,
      %swap3A_1214 = vector.shape_cast %swap3A_1213 : vector<1x16xf32> to vector<16xf32>
      %swap3A_1215 = vector.shape_cast %get3A_1163 : vector<16xf32> to vector<1x16xf32>
      tpu.vector_store %arg5[%swap3A_1211, %swap3A_1212], %swap3A_1215 {strides = array<i32>} : memref<8x128xf32, #tpu.memory_space<vmem>>, vector<1x16xf32>,
      %swap3A_1216 = arith.constant 6 : i32
      %swap3A_1217 = arith.index_cast %swap3A_1216 : i32 to index
      %swap3A_1218 = arith.constant 64 : index
      %swap3A_1219 = tpu.vector_load %arg5[%swap3A_1217, %swap3A_1218] {strides = array<i32>} : memref<8x128xf32, #tpu.memory_space<vmem>>, vector<1x16xf32>,
      %swap3A_1220 = vector.shape_cast %swap3A_1219 : vector<1x16xf32> to vector<16xf32>
      %swap3A_1221 = vector.shape_cast %get3A_1170 : vector<16xf32> to vector<1x16xf32>
      tpu.vector_store %arg5[%swap3A_1217, %swap3A_1218], %swap3A_1221 {strides = array<i32>} : memref<8x128xf32, #tpu.memory_space<vmem>>, vector<1x16xf32>,
      %swap3A_1222 = arith.constant 6 : i32
      %swap3A_1223 = arith.index_cast %swap3A_1222 : i32 to index
      %swap3A_1224 = arith.constant 80 : index
      %swap3A_1225 = tpu.vector_load %arg5[%swap3A_1223, %swap3A_1224] {strides = array<i32>} : memref<8x128xf32, #tpu.memory_space<vmem>>, vector<1x16xf32>,
      %swap3A_1226 = vector.shape_cast %swap3A_1225 : vector<1x16xf32> to vector<16xf32>
      %swap3A_1227 = vector.shape_cast %get3A_1177 : vector<16xf32> to vector<1x16xf32>
      tpu.vector_store %arg5[%swap3A_1223, %swap3A_1224], %swap3A_1227 {strides = array<i32>} : memref<8x128xf32, #tpu.memory_space<vmem>>, vector<1x16xf32>,
      %swap3A_1228 = arith.constant 6 : i32
      %swap3A_1229 = arith.index_cast %swap3A_1228 : i32 to index
      %swap3A_1230 = arith.constant 96 : index
      %swap3A_1231 = tpu.vector_load %arg5[%swap3A_1229, %swap3A_1230] {strides = array<i32>} : memref<8x128xf32, #tpu.memory_space<vmem>>, vector<1x16xf32>,
      %swap3A_1232 = vector.shape_cast %swap3A_1231 : vector<1x16xf32> to vector<16xf32>
      %swap3A_1233 = vector.shape_cast %get3A_1184 : vector<16xf32> to vector<1x16xf32>
      tpu.vector_store %arg5[%swap3A_1229, %swap3A_1230], %swap3A_1233 {strides = array<i32>} : memref<8x128xf32, #tpu.memory_space<vmem>>, vector<1x16xf32>,
      %swap3A_1234 = arith.constant 6 : i32
      %swap3A_1235 = arith.index_cast %swap3A_1234 : i32 to index
      %swap3A_1236 = arith.constant 112 : index
      %swap3A_1237 = tpu.vector_load %arg5[%swap3A_1235, %swap3A_1236] {strides = array<i32>} : memref<8x128xf32, #tpu.memory_space<vmem>>, vector<1x16xf32>,
      %swap3A_1238 = vector.shape_cast %swap3A_1237 : vector<1x16xf32> to vector<16xf32>
      %swap3A_1239 = vector.shape_cast %get3A_1191 : vector<16xf32> to vector<1x16xf32>
      tpu.vector_store %arg5[%swap3A_1235, %swap3A_1236], %swap3A_1239 {strides = array<i32>} : memref<8x128xf32, #tpu.memory_space<vmem>>, vector<1x16xf32>,
      %sub3A_1240 = arith.constant 7 : i32
      %sub3A_1241 = arith.subi %mul3A_513, %sub3A_1240 : i32
      %add3A_1242 = arith.constant 0 : i32
      %add3A_1243 = arith.addi %sub3A_1241, %add3A_1242 : i32
      %get3A_1244 = arith.index_cast %add3A_1243 : i32 to index
      %get3A_1245 = tpu.vector_load %arg4[%get3A_1244] {strides = array<i32>} : memref<4112xf32, #tpu.memory_space<vmem>>, vector<16xf32>,
      %get3A_1246 = vector.shape_cast %get3A_1245 : vector<16xf32> to vector<16xf32>
      %sub3A_1247 = arith.constant 7 : i32
      %sub3A_1248 = arith.subi %mul3A_513, %sub3A_1247 : i32
      %add3A_1249 = arith.constant 16 : i32
      %add3A_1250 = arith.addi %sub3A_1248, %add3A_1249 : i32
      %get3A_1251 = arith.index_cast %add3A_1250 : i32 to index
      %get3A_1252 = tpu.vector_load %arg4[%get3A_1251] {strides = array<i32>} : memref<4112xf32, #tpu.memory_space<vmem>>, vector<16xf32>,
      %get3A_1253 = vector.shape_cast %get3A_1252 : vector<16xf32> to vector<16xf32>
      %sub3A_1254 = arith.constant 7 : i32
      %sub3A_1255 = arith.subi %mul3A_513, %sub3A_1254 : i32
      %add3A_1256 = arith.constant 32 : i32
      %add3A_1257 = arith.addi %sub3A_1255, %add3A_1256 : i32
      %get3A_1258 = arith.index_cast %add3A_1257 : i32 to index
      %get3A_1259 = tpu.vector_load %arg4[%get3A_1258] {strides = array<i32>} : memref<4112xf32, #tpu.memory_space<vmem>>, vector<16xf32>,
      %get3A_1260 = vector.shape_cast %get3A_1259 : vector<16xf32> to vector<16xf32>
      %sub3A_1261 = arith.constant 7 : i32
      %sub3A_1262 = arith.subi %mul3A_513, %sub3A_1261 : i32
      %add3A_1263 = arith.constant 48 : i32
      %add3A_1264 = arith.addi %sub3A_1262, %add3A_1263 : i32
      %get3A_1265 = arith.index_cast %add3A_1264 : i32 to index
      %get3A_1266 = tpu.vector_load %arg4[%get3A_1265] {strides = array<i32>} : memref<4112xf32, #tpu.memory_space<vmem>>, vector<16xf32>,
      %get3A_1267 = vector.shape_cast %get3A_1266 : vector<16xf32> to vector<16xf32>
      %sub3A_1268 = arith.constant 7 : i32
      %sub3A_1269 = arith.subi %mul3A_513, %sub3A_1268 : i32
      %add3A_1270 = arith.constant 64 : i32
      %add3A_1271 = arith.addi %sub3A_1269, %add3A_1270 : i32
      %get3A_1272 = arith.index_cast %add3A_1271 : i32 to index
      %get3A_1273 = tpu.vector_load %arg4[%get3A_1272] {strides = array<i32>} : memref<4112xf32, #tpu.memory_space<vmem>>, vector<16xf32>,
      %get3A_1274 = vector.shape_cast %get3A_1273 : vector<16xf32> to vector<16xf32>
      %sub3A_1275 = arith.constant 7 : i32
      %sub3A_1276 = arith.subi %mul3A_513, %sub3A_1275 : i32
      %add3A_1277 = arith.constant 80 : i32
      %add3A_1278 = arith.addi %sub3A_1276, %add3A_1277 : i32
      %get3A_1279 = arith.index_cast %add3A_1278 : i32 to index
      %get3A_1280 = tpu.vector_load %arg4[%get3A_1279] {strides = array<i32>} : memref<4112xf32, #tpu.memory_space<vmem>>, vector<16xf32>,
      %get3A_1281 = vector.shape_cast %get3A_1280 : vector<16xf32> to vector<16xf32>
      %sub3A_1282 = arith.constant 7 : i32
      %sub3A_1283 = arith.subi %mul3A_513, %sub3A_1282 : i32
      %add3A_1284 = arith.constant 96 : i32
      %add3A_1285 = arith.addi %sub3A_1283, %add3A_1284 : i32
      %get3A_1286 = arith.index_cast %add3A_1285 : i32 to index
      %get3A_1287 = tpu.vector_load %arg4[%get3A_1286] {strides = array<i32>} : memref<4112xf32, #tpu.memory_space<vmem>>, vector<16xf32>,
      %get3A_1288 = vector.shape_cast %get3A_1287 : vector<16xf32> to vector<16xf32>
      %sub3A_1289 = arith.constant 7 : i32
      %sub3A_1290 = arith.subi %mul3A_513, %sub3A_1289 : i32
      %add3A_1291 = arith.constant 112 : i32
      %add3A_1292 = arith.addi %sub3A_1290, %add3A_1291 : i32
      %get3A_1293 = arith.index_cast %add3A_1292 : i32 to index
      %get3A_1294 = tpu.vector_load %arg4[%get3A_1293] {strides = array<i32>} : memref<4112xf32, #tpu.memory_space<vmem>>, vector<16xf32>,
      %get3A_1295 = vector.shape_cast %get3A_1294 : vector<16xf32> to vector<16xf32>
      %swap3A_1296 = arith.constant 7 : i32
      %swap3A_1297 = arith.index_cast %swap3A_1296 : i32 to index
      %swap3A_1298 = arith.constant 0 : index
      %swap3A_1299 = tpu.vector_load %arg5[%swap3A_1297, %swap3A_1298] {strides = array<i32>} : memref<8x128xf32, #tpu.memory_space<vmem>>, vector<1x16xf32>,
      %swap3A_1300 = vector.shape_cast %swap3A_1299 : vector<1x16xf32> to vector<16xf32>
      %swap3A_1301 = vector.shape_cast %get3A_1246 : vector<16xf32> to vector<1x16xf32>
      tpu.vector_store %arg5[%swap3A_1297, %swap3A_1298], %swap3A_1301 {strides = array<i32>} : memref<8x128xf32, #tpu.memory_space<vmem>>, vector<1x16xf32>,
      %swap3A_1302 = arith.constant 7 : i32
      %swap3A_1303 = arith.index_cast %swap3A_1302 : i32 to index
      %swap3A_1304 = arith.constant 16 : index
      %swap3A_1305 = tpu.vector_load %arg5[%swap3A_1303, %swap3A_1304] {strides = array<i32>} : memref<8x128xf32, #tpu.memory_space<vmem>>, vector<1x16xf32>,
      %swap3A_1306 = vector.shape_cast %swap3A_1305 : vector<1x16xf32> to vector<16xf32>
      %swap3A_1307 = vector.shape_cast %get3A_1253 : vector<16xf32> to vector<1x16xf32>
      tpu.vector_store %arg5[%swap3A_1303, %swap3A_1304], %swap3A_1307 {strides = array<i32>} : memref<8x128xf32, #tpu.memory_space<vmem>>, vector<1x16xf32>,
      %swap3A_1308 = arith.constant 7 : i32
      %swap3A_1309 = arith.index_cast %swap3A_1308 : i32 to index
      %swap3A_1310 = arith.constant 32 : index
      %swap3A_1311 = tpu.vector_load %arg5[%swap3A_1309, %swap3A_1310] {strides = array<i32>} : memref<8x128xf32, #tpu.memory_space<vmem>>, vector<1x16xf32>,
      %swap3A_1312 = vector.shape_cast %swap3A_1311 : vector<1x16xf32> to vector<16xf32>
      %swap3A_1313 = vector.shape_cast %get3A_1260 : vector<16xf32> to vector<1x16xf32>
      tpu.vector_store %arg5[%swap3A_1309, %swap3A_1310], %swap3A_1313 {strides = array<i32>} : memref<8x128xf32, #tpu.memory_space<vmem>>, vector<1x16xf32>,
      %swap3A_1314 = arith.constant 7 : i32
      %swap3A_1315 = arith.index_cast %swap3A_1314 : i32 to index
      %swap3A_1316 = arith.constant 48 : index
      %swap3A_1317 = tpu.vector_load %arg5[%swap3A_1315, %swap3A_1316] {strides = array<i32>} : memref<8x128xf32, #tpu.memory_space<vmem>>, vector<1x16xf32>,
      %swap3A_1318 = vector.shape_cast %swap3A_1317 : vector<1x16xf32> to vector<16xf32>
      %swap3A_1319 = vector.shape_cast %get3A_1267 : vector<16xf32> to vector<1x16xf32>
      tpu.vector_store %arg5[%swap3A_1315, %swap3A_1316], %swap3A_1319 {strides = array<i32>} : memref<8x128xf32, #tpu.memory_space<vmem>>, vector<1x16xf32>,
      %swap3A_1320 = arith.constant 7 : i32
      %swap3A_1321 = arith.index_cast %swap3A_1320 : i32 to index
      %swap3A_1322 = arith.constant 64 : index
      %swap3A_1323 = tpu.vector_load %arg5[%swap3A_1321, %swap3A_1322] {strides = array<i32>} : memref<8x128xf32, #tpu.memory_space<vmem>>, vector<1x16xf32>,
      %swap3A_1324 = vector.shape_cast %swap3A_1323 : vector<1x16xf32> to vector<16xf32>
      %swap3A_1325 = vector.shape_cast %get3A_1274 : vector<16xf32> to vector<1x16xf32>
      tpu.vector_store %arg5[%swap3A_1321, %swap3A_1322], %swap3A_1325 {strides = array<i32>} : memref<8x128xf32, #tpu.memory_space<vmem>>, vector<1x16xf32>,
      %swap3A_1326 = arith.constant 7 : i32
      %swap3A_1327 = arith.index_cast %swap3A_1326 : i32 to index
      %swap3A_1328 = arith.constant 80 : index
      %swap3A_1329 = tpu.vector_load %arg5[%swap3A_1327, %swap3A_1328] {strides = array<i32>} : memref<8x128xf32, #tpu.memory_space<vmem>>, vector<1x16xf32>,
      %swap3A_1330 = vector.shape_cast %swap3A_1329 : vector<1x16xf32> to vector<16xf32>
      %swap3A_1331 = vector.shape_cast %get3A_1281 : vector<16xf32> to vector<1x16xf32>
      tpu.vector_store %arg5[%swap3A_1327, %swap3A_1328], %swap3A_1331 {strides = array<i32>} : memref<8x128xf32, #tpu.memory_space<vmem>>, vector<1x16xf32>,
      %swap3A_1332 = arith.constant 7 : i32
      %swap3A_1333 = arith.index_cast %swap3A_1332 : i32 to index
      %swap3A_1334 = arith.constant 96 : index
      %swap3A_1335 = tpu.vector_load %arg5[%swap3A_1333, %swap3A_1334] {strides = array<i32>} : memref<8x128xf32, #tpu.memory_space<vmem>>, vector<1x16xf32>,
      %swap3A_1336 = vector.shape_cast %swap3A_1335 : vector<1x16xf32> to vector<16xf32>
      %swap3A_1337 = vector.shape_cast %get3A_1288 : vector<16xf32> to vector<1x16xf32>
      tpu.vector_store %arg5[%swap3A_1333, %swap3A_1334], %swap3A_1337 {strides = array<i32>} : memref<8x128xf32, #tpu.memory_space<vmem>>, vector<1x16xf32>,
      %swap3A_1338 = arith.constant 7 : i32
      %swap3A_1339 = arith.index_cast %swap3A_1338 : i32 to index
      %swap3A_1340 = arith.constant 112 : index
      %swap3A_1341 = tpu.vector_load %arg5[%swap3A_1339, %swap3A_1340] {strides = array<i32>} : memref<8x128xf32, #tpu.memory_space<vmem>>, vector<1x16xf32>,
      %swap3A_1342 = vector.shape_cast %swap3A_1341 : vector<1x16xf32> to vector<16xf32>
      %swap3A_1343 = vector.shape_cast %get3A_1295 : vector<16xf32> to vector<1x16xf32>
      tpu.vector_store %arg5[%swap3A_1339, %swap3A_1340], %swap3A_1343 {strides = array<i32>} : memref<8x128xf32, #tpu.memory_space<vmem>>, vector<1x16xf32>,
      %add3A_1344 = arith.addi %add3A_507, %mul3A_0 : i32
      %sub3A_1345 = arith.constant 256 : i32
      %sub3A_1346 = arith.subi %add3A_1344, %sub3A_1345 : i32
      %add3A_1347 = arith.constant 15 : i32
      %add3A_1348 = arith.addi %sub3A_1346, %add3A_1347 : i32
      %jit3A_1349 = arith.constant 16 : i32
      %div3A_1350 = arith.divsi %add3A_1348, %jit3A_1349 : i32
      %sign3A_1351 = arith.constant 0 : i32
      %sign3A_1352 = arith.cmpi sgt, %add3A_1348, %sign3A_1351 : i32
      %sign3A_1353 = arith.extui %sign3A_1352 : i1 to i32
      %sign3A_1354 = arith.constant 0 : i32
      %sign3A_1355 = arith.cmpi slt, %add3A_1348, %sign3A_1354 : i32
      %sign3A_1356 = arith.extui %sign3A_1355 : i1 to i32
      %sign3A_1357 = arith.subi %sign3A_1353, %sign3A_1356 : i32
      %sign3A_1358 = arith.constant 0 : i32
      %sign3A_1359 = arith.cmpi sgt, %jit3A_1349, %sign3A_1358 : i32
      %sign3A_1360 = arith.extui %sign3A_1359 : i1 to i32
      %sign3A_1361 = arith.constant 0 : i32
      %sign3A_1362 = arith.cmpi slt, %jit3A_1349, %sign3A_1361 : i32
      %sign3A_1363 = arith.extui %sign3A_1362 : i1 to i32
      %sign3A_1364 = arith.subi %sign3A_1360, %sign3A_1363 : i32
      %ne3A_1365 = arith.cmpi ne, %sign3A_1357, %sign3A_1364 : i32
      %rem3A_1366 = arith.remsi %add3A_1348, %jit3A_1349 : i32
      %ne3A_1367 = arith.constant 0 : i32
      %ne3A_1368 = arith.cmpi ne, %rem3A_1366, %ne3A_1367 : i32
      %and3A_1369 = arith.andi %ne3A_1365, %ne3A_1368 : i1
      %sub3A_1370 = arith.constant 1 : i32
      %sub3A_1371 = arith.subi %div3A_1350, %sub3A_1370 : i32
      %select_n3A_1372 = arith.select %and3A_1369, %sub3A_1371, %div3A_1350 : i32
      %add3A_1373 = arith.constant 0 : i32
      %add3A_1374 = arith.addi %select_n3A_1372, %add3A_1373 : i32
      %mul3A_1375 = arith.constant 16 : i32
      %mul3A_1376 = arith.muli %mul3A_1375, %add3A_1374 : i32
      %add3A_1377 = arith.constant 256 : i32
      %add3A_1378 = arith.addi %add3A_1377, %mul3A_1376 : i32
      %sub3A_1379 = arith.subi %add3A_1378, %add3A_507 : i32
      %ge3A_1380 = arith.constant 0 : i32
      %ge3A_1381 = arith.cmpi sge, %add3A_1374, %ge3A_1380 : i32
      %lt3A_1382 = arith.constant 16 : i32
      %lt3A_1383 = arith.cmpi slt, %add3A_1374, %lt3A_1382 : i32
      %and3A_1384 = arith.andi %ge3A_1381, %lt3A_1383 : i1
      %ge3A_1385 = arith.cmpi sge, %sub3A_1379, %mul3A_0 : i32
      %and3A_1386 = arith.andi %and3A_1384, %ge3A_1385 : i1
      %add3A_1387 = arith.constant 128 : i32
      %add3A_1388 = arith.addi %mul3A_0, %add3A_1387 : i32
      %lt3A_1389 = arith.cmpi slt, %sub3A_1379, %add3A_1388 : i32
      %and3A_1390 = arith.andi %and3A_1386, %lt3A_1389 : i1
      %mul3A_1391 = arith.constant 8 : i32
      %mul3A_1392 = arith.muli %mul3A_1391, %sub3A_1379 : i32
      %multiple_of3A_1393 = tpu.assume_multiple %mul3A_1392, 8 : i32
      %mul3A_1394 = arith.constant 128 : i32
      %mul3A_1395 = arith.muli %mul3A_1394, %add3A_1374 : i32
      %multiple_of3A_1396 = tpu.assume_multiple %mul3A_1395, 8 : i32
      %convert_element_type3A_1397 = arith.extui %and3A_1390 : i1 to i32
      %cond3A_1398 = arith.constant 0 : i32
      %cond3A_1399 = arith.cmpi ne, %convert_element_type3A_1397, %cond3A_1398 : i32
      scf.if %cond3A_1399 {
        %dma_start3A = tpu.memref_slice %arg3[%arg1, %multiple_of3A_1393, %multiple_of3A_1396] : memref<16x2048x2048xf32, #tpu.memory_space<hbm>> -> memref<1x8x128xf32, #tpu.memory_space<hbm>>
        %dma_start3A_2678 = tpu.memref_squeeze %dma_start3A : memref<1x8x128xf32, #tpu.memory_space<hbm>> -> memref<8x128xf32, #tpu.memory_space<hbm>>
        %dma_start3A_2679 = tpu.memref_slice %arg3[%arg1, %multiple_of3A_1393, %multiple_of3A_1396] : memref<16x2048x2048xf32, #tpu.memory_space<hbm>> -> memref<1x8x128xf32, #tpu.memory_space<hbm>>
        %dma_start3A_2680 = tpu.memref_squeeze %dma_start3A_2679 : memref<1x8x128xf32, #tpu.memory_space<hbm>> -> memref<8x128xf32, #tpu.memory_space<hbm>>
        tpu.enqueue_dma source(%arg5 : memref<8x128xf32, #tpu.memory_space<vmem>>) target(%dma_start3A_2680 : memref<8x128xf32, #tpu.memory_space<hbm>>) target_semaphore(%arg7 : memref<!tpu.dma_semaphore, #tpu.memory_space<semaphore_mem>>)
      } else {
      }
      %add3A_1400 = arith.constant 1 : i32
      %add3A_1401 = arith.addi %select_n3A_1372, %add3A_1400 : i32
      %mul3A_1402 = arith.constant 16 : i32
      %mul3A_1403 = arith.muli %mul3A_1402, %add3A_1401 : i32
      %add3A_1404 = arith.constant 256 : i32
      %add3A_1405 = arith.addi %add3A_1404, %mul3A_1403 : i32
      %sub3A_1406 = arith.subi %add3A_1405, %add3A_507 : i32
      %ge3A_1407 = arith.constant 0 : i32
      %ge3A_1408 = arith.cmpi sge, %add3A_1401, %ge3A_1407 : i32
      %lt3A_1409 = arith.constant 16 : i32
      %lt3A_1410 = arith.cmpi slt, %add3A_1401, %lt3A_1409 : i32
      %and3A_1411 = arith.andi %ge3A_1408, %lt3A_1410 : i1
      %ge3A_1412 = arith.cmpi sge, %sub3A_1406, %mul3A_0 : i32
      %and3A_1413 = arith.andi %and3A_1411, %ge3A_1412 : i1
      %add3A_1414 = arith.constant 128 : i32
      %add3A_1415 = arith.addi %mul3A_0, %add3A_1414 : i32
      %lt3A_1416 = arith.cmpi slt, %sub3A_1406, %add3A_1415 : i32
      %and3A_1417 = arith.andi %and3A_1413, %lt3A_1416 : i1
      %mul3A_1418 = arith.constant 8 : i32
      %mul3A_1419 = arith.muli %mul3A_1418, %sub3A_1406 : i32
      %multiple_of3A_1420 = tpu.assume_multiple %mul3A_1419, 8 : i32
      %mul3A_1421 = arith.constant 128 : i32
      %mul3A_1422 = arith.muli %mul3A_1421, %add3A_1401 : i32
      %multiple_of3A_1423 = tpu.assume_multiple %mul3A_1422, 8 : i32
      %convert_element_type3A_1424 = arith.extui %and3A_1417 : i1 to i32
      %cond3A_1425 = arith.constant 0 : i32
      %cond3A_1426 = arith.cmpi ne, %convert_element_type3A_1424, %cond3A_1425 : i32
      scf.if %cond3A_1426 {
        %dma_start3A = tpu.memref_slice %arg3[%arg1, %multiple_of3A_1420, %multiple_of3A_1423] : memref<16x2048x2048xf32, #tpu.memory_space<hbm>> -> memref<1x8x128xf32, #tpu.memory_space<hbm>>
        %dma_start3A_2678 = tpu.memref_squeeze %dma_start3A : memref<1x8x128xf32, #tpu.memory_space<hbm>> -> memref<8x128xf32, #tpu.memory_space<hbm>>
        %dma_start3A_2679 = tpu.memref_slice %arg3[%arg1, %multiple_of3A_1420, %multiple_of3A_1423] : memref<16x2048x2048xf32, #tpu.memory_space<hbm>> -> memref<1x8x128xf32, #tpu.memory_space<hbm>>
        %dma_start3A_2680 = tpu.memref_squeeze %dma_start3A_2679 : memref<1x8x128xf32, #tpu.memory_space<hbm>> -> memref<8x128xf32, #tpu.memory_space<hbm>>
        tpu.enqueue_dma source(%arg5 : memref<8x128xf32, #tpu.memory_space<vmem>>) target(%dma_start3A_2680 : memref<8x128xf32, #tpu.memory_space<hbm>>) target_semaphore(%arg7 : memref<!tpu.dma_semaphore, #tpu.memory_space<semaphore_mem>>)
      } else {
      }
      %add3A_1427 = arith.constant 2 : i32
      %add3A_1428 = arith.addi %select_n3A_1372, %add3A_1427 : i32
      %mul3A_1429 = arith.constant 16 : i32
      %mul3A_1430 = arith.muli %mul3A_1429, %add3A_1428 : i32
      %add3A_1431 = arith.constant 256 : i32
      %add3A_1432 = arith.addi %add3A_1431, %mul3A_1430 : i32
      %sub3A_1433 = arith.subi %add3A_1432, %add3A_507 : i32
      %ge3A_1434 = arith.constant 0 : i32
      %ge3A_1435 = arith.cmpi sge, %add3A_1428, %ge3A_1434 : i32
      %lt3A_1436 = arith.constant 16 : i32
      %lt3A_1437 = arith.cmpi slt, %add3A_1428, %lt3A_1436 : i32
      %and3A_1438 = arith.andi %ge3A_1435, %lt3A_1437 : i1
      %ge3A_1439 = arith.cmpi sge, %sub3A_1433, %mul3A_0 : i32
      %and3A_1440 = arith.andi %and3A_1438, %ge3A_1439 : i1
      %add3A_1441 = arith.constant 128 : i32
      %add3A_1442 = arith.addi %mul3A_0, %add3A_1441 : i32
      %lt3A_1443 = arith.cmpi slt, %sub3A_1433, %add3A_1442 : i32
      %and3A_1444 = arith.andi %and3A_1440, %lt3A_1443 : i1
      %mul3A_1445 = arith.constant 8 : i32
      %mul3A_1446 = arith.muli %mul3A_1445, %sub3A_1433 : i32
      %multiple_of3A_1447 = tpu.assume_multiple %mul3A_1446, 8 : i32
      %mul3A_1448 = arith.constant 128 : i32
      %mul3A_1449 = arith.muli %mul3A_1448, %add3A_1428 : i32
      %multiple_of3A_1450 = tpu.assume_multiple %mul3A_1449, 8 : i32
      %convert_element_type3A_1451 = arith.extui %and3A_1444 : i1 to i32
      %cond3A_1452 = arith.constant 0 : i32
      %cond3A_1453 = arith.cmpi ne, %convert_element_type3A_1451, %cond3A_1452 : i32
      scf.if %cond3A_1453 {
        %dma_start3A = tpu.memref_slice %arg3[%arg1, %multiple_of3A_1447, %multiple_of3A_1450] : memref<16x2048x2048xf32, #tpu.memory_space<hbm>> -> memref<1x8x128xf32, #tpu.memory_space<hbm>>
        %dma_start3A_2678 = tpu.memref_squeeze %dma_start3A : memref<1x8x128xf32, #tpu.memory_space<hbm>> -> memref<8x128xf32, #tpu.memory_space<hbm>>
        %dma_start3A_2679 = tpu.memref_slice %arg3[%arg1, %multiple_of3A_1447, %multiple_of3A_1450] : memref<16x2048x2048xf32, #tpu.memory_space<hbm>> -> memref<1x8x128xf32, #tpu.memory_space<hbm>>
        %dma_start3A_2680 = tpu.memref_squeeze %dma_start3A_2679 : memref<1x8x128xf32, #tpu.memory_space<hbm>> -> memref<8x128xf32, #tpu.memory_space<hbm>>
        tpu.enqueue_dma source(%arg5 : memref<8x128xf32, #tpu.memory_space<vmem>>) target(%dma_start3A_2680 : memref<8x128xf32, #tpu.memory_space<hbm>>) target_semaphore(%arg7 : memref<!tpu.dma_semaphore, #tpu.memory_space<semaphore_mem>>)
      } else {
      }
      %add3A_1454 = arith.constant 3 : i32
      %add3A_1455 = arith.addi %select_n3A_1372, %add3A_1454 : i32
      %mul3A_1456 = arith.constant 16 : i32
      %mul3A_1457 = arith.muli %mul3A_1456, %add3A_1455 : i32
      %add3A_1458 = arith.constant 256 : i32
      %add3A_1459 = arith.addi %add3A_1458, %mul3A_1457 : i32
      %sub3A_1460 = arith.subi %add3A_1459, %add3A_507 : i32
      %ge3A_1461 = arith.constant 0 : i32
      %ge3A_1462 = arith.cmpi sge, %add3A_1455, %ge3A_1461 : i32
      %lt3A_1463 = arith.constant 16 : i32
      %lt3A_1464 = arith.cmpi slt, %add3A_1455, %lt3A_1463 : i32
      %and3A_1465 = arith.andi %ge3A_1462, %lt3A_1464 : i1
      %ge3A_1466 = arith.cmpi sge, %sub3A_1460, %mul3A_0 : i32
      %and3A_1467 = arith.andi %and3A_1465, %ge3A_1466 : i1
      %add3A_1468 = arith.constant 128 : i32
      %add3A_1469 = arith.addi %mul3A_0, %add3A_1468 : i32
      %lt3A_1470 = arith.cmpi slt, %sub3A_1460, %add3A_1469 : i32
      %and3A_1471 = arith.andi %and3A_1467, %lt3A_1470 : i1
      %mul3A_1472 = arith.constant 8 : i32
      %mul3A_1473 = arith.muli %mul3A_1472, %sub3A_1460 : i32
      %multiple_of3A_1474 = tpu.assume_multiple %mul3A_1473, 8 : i32
      %mul3A_1475 = arith.constant 128 : i32
      %mul3A_1476 = arith.muli %mul3A_1475, %add3A_1455 : i32
      %multiple_of3A_1477 = tpu.assume_multiple %mul3A_1476, 8 : i32
      %convert_element_type3A_1478 = arith.extui %and3A_1471 : i1 to i32
      %cond3A_1479 = arith.constant 0 : i32
      %cond3A_1480 = arith.cmpi ne, %convert_element_type3A_1478, %cond3A_1479 : i32
      scf.if %cond3A_1480 {
        %dma_start3A = tpu.memref_slice %arg3[%arg1, %multiple_of3A_1474, %multiple_of3A_1477] : memref<16x2048x2048xf32, #tpu.memory_space<hbm>> -> memref<1x8x128xf32, #tpu.memory_space<hbm>>
        %dma_start3A_2678 = tpu.memref_squeeze %dma_start3A : memref<1x8x128xf32, #tpu.memory_space<hbm>> -> memref<8x128xf32, #tpu.memory_space<hbm>>
        %dma_start3A_2679 = tpu.memref_slice %arg3[%arg1, %multiple_of3A_1474, %multiple_of3A_1477] : memref<16x2048x2048xf32, #tpu.memory_space<hbm>> -> memref<1x8x128xf32, #tpu.memory_space<hbm>>
        %dma_start3A_2680 = tpu.memref_squeeze %dma_start3A_2679 : memref<1x8x128xf32, #tpu.memory_space<hbm>> -> memref<8x128xf32, #tpu.memory_space<hbm>>
        tpu.enqueue_dma source(%arg5 : memref<8x128xf32, #tpu.memory_space<vmem>>) target(%dma_start3A_2680 : memref<8x128xf32, #tpu.memory_space<hbm>>) target_semaphore(%arg7 : memref<!tpu.dma_semaphore, #tpu.memory_space<semaphore_mem>>)
      } else {
      }
      %add3A_1481 = arith.constant 4 : i32
      %add3A_1482 = arith.addi %select_n3A_1372, %add3A_1481 : i32
      %mul3A_1483 = arith.constant 16 : i32
      %mul3A_1484 = arith.muli %mul3A_1483, %add3A_1482 : i32
      %add3A_1485 = arith.constant 256 : i32
      %add3A_1486 = arith.addi %add3A_1485, %mul3A_1484 : i32
      %sub3A_1487 = arith.subi %add3A_1486, %add3A_507 : i32
      %ge3A_1488 = arith.constant 0 : i32
      %ge3A_1489 = arith.cmpi sge, %add3A_1482, %ge3A_1488 : i32
      %lt3A_1490 = arith.constant 16 : i32
      %lt3A_1491 = arith.cmpi slt, %add3A_1482, %lt3A_1490 : i32
      %and3A_1492 = arith.andi %ge3A_1489, %lt3A_1491 : i1
      %ge3A_1493 = arith.cmpi sge, %sub3A_1487, %mul3A_0 : i32
      %and3A_1494 = arith.andi %and3A_1492, %ge3A_1493 : i1
      %add3A_1495 = arith.constant 128 : i32
      %add3A_1496 = arith.addi %mul3A_0, %add3A_1495 : i32
      %lt3A_1497 = arith.cmpi slt, %sub3A_1487, %add3A_1496 : i32
      %and3A_1498 = arith.andi %and3A_1494, %lt3A_1497 : i1
      %mul3A_1499 = arith.constant 8 : i32
      %mul3A_1500 = arith.muli %mul3A_1499, %sub3A_1487 : i32
      %multiple_of3A_1501 = tpu.assume_multiple %mul3A_1500, 8 : i32
      %mul3A_1502 = arith.constant 128 : i32
      %mul3A_1503 = arith.muli %mul3A_1502, %add3A_1482 : i32
      %multiple_of3A_1504 = tpu.assume_multiple %mul3A_1503, 8 : i32
      %convert_element_type3A_1505 = arith.extui %and3A_1498 : i1 to i32
      %cond3A_1506 = arith.constant 0 : i32
      %cond3A_1507 = arith.cmpi ne, %convert_element_type3A_1505, %cond3A_1506 : i32
      scf.if %cond3A_1507 {
        %dma_start3A = tpu.memref_slice %arg3[%arg1, %multiple_of3A_1501, %multiple_of3A_1504] : memref<16x2048x2048xf32, #tpu.memory_space<hbm>> -> memref<1x8x128xf32, #tpu.memory_space<hbm>>
        %dma_start3A_2678 = tpu.memref_squeeze %dma_start3A : memref<1x8x128xf32, #tpu.memory_space<hbm>> -> memref<8x128xf32, #tpu.memory_space<hbm>>
        %dma_start3A_2679 = tpu.memref_slice %arg3[%arg1, %multiple_of3A_1501, %multiple_of3A_1504] : memref<16x2048x2048xf32, #tpu.memory_space<hbm>> -> memref<1x8x128xf32, #tpu.memory_space<hbm>>
        %dma_start3A_2680 = tpu.memref_squeeze %dma_start3A_2679 : memref<1x8x128xf32, #tpu.memory_space<hbm>> -> memref<8x128xf32, #tpu.memory_space<hbm>>
        tpu.enqueue_dma source(%arg5 : memref<8x128xf32, #tpu.memory_space<vmem>>) target(%dma_start3A_2680 : memref<8x128xf32, #tpu.memory_space<hbm>>) target_semaphore(%arg7 : memref<!tpu.dma_semaphore, #tpu.memory_space<semaphore_mem>>)
      } else {
      }
      %add3A_1508 = arith.constant 5 : i32
      %add3A_1509 = arith.addi %select_n3A_1372, %add3A_1508 : i32
      %mul3A_1510 = arith.constant 16 : i32
      %mul3A_1511 = arith.muli %mul3A_1510, %add3A_1509 : i32
      %add3A_1512 = arith.constant 256 : i32
      %add3A_1513 = arith.addi %add3A_1512, %mul3A_1511 : i32
      %sub3A_1514 = arith.subi %add3A_1513, %add3A_507 : i32
      %ge3A_1515 = arith.constant 0 : i32
      %ge3A_1516 = arith.cmpi sge, %add3A_1509, %ge3A_1515 : i32
      %lt3A_1517 = arith.constant 16 : i32
      %lt3A_1518 = arith.cmpi slt, %add3A_1509, %lt3A_1517 : i32
      %and3A_1519 = arith.andi %ge3A_1516, %lt3A_1518 : i1
      %ge3A_1520 = arith.cmpi sge, %sub3A_1514, %mul3A_0 : i32
      %and3A_1521 = arith.andi %and3A_1519, %ge3A_1520 : i1
      %add3A_1522 = arith.constant 128 : i32
      %add3A_1523 = arith.addi %mul3A_0, %add3A_1522 : i32
      %lt3A_1524 = arith.cmpi slt, %sub3A_1514, %add3A_1523 : i32
      %and3A_1525 = arith.andi %and3A_1521, %lt3A_1524 : i1
      %mul3A_1526 = arith.constant 8 : i32
      %mul3A_1527 = arith.muli %mul3A_1526, %sub3A_1514 : i32
      %multiple_of3A_1528 = tpu.assume_multiple %mul3A_1527, 8 : i32
      %mul3A_1529 = arith.constant 128 : i32
      %mul3A_1530 = arith.muli %mul3A_1529, %add3A_1509 : i32
      %multiple_of3A_1531 = tpu.assume_multiple %mul3A_1530, 8 : i32
      %convert_element_type3A_1532 = arith.extui %and3A_1525 : i1 to i32
      %cond3A_1533 = arith.constant 0 : i32
      %cond3A_1534 = arith.cmpi ne, %convert_element_type3A_1532, %cond3A_1533 : i32
      scf.if %cond3A_1534 {
        %dma_start3A = tpu.memref_slice %arg3[%arg1, %multiple_of3A_1528, %multiple_of3A_1531] : memref<16x2048x2048xf32, #tpu.memory_space<hbm>> -> memref<1x8x128xf32, #tpu.memory_space<hbm>>
        %dma_start3A_2678 = tpu.memref_squeeze %dma_start3A : memref<1x8x128xf32, #tpu.memory_space<hbm>> -> memref<8x128xf32, #tpu.memory_space<hbm>>
        %dma_start3A_2679 = tpu.memref_slice %arg3[%arg1, %multiple_of3A_1528, %multiple_of3A_1531] : memref<16x2048x2048xf32, #tpu.memory_space<hbm>> -> memref<1x8x128xf32, #tpu.memory_space<hbm>>
        %dma_start3A_2680 = tpu.memref_squeeze %dma_start3A_2679 : memref<1x8x128xf32, #tpu.memory_space<hbm>> -> memref<8x128xf32, #tpu.memory_space<hbm>>
        tpu.enqueue_dma source(%arg5 : memref<8x128xf32, #tpu.memory_space<vmem>>) target(%dma_start3A_2680 : memref<8x128xf32, #tpu.memory_space<hbm>>) target_semaphore(%arg7 : memref<!tpu.dma_semaphore, #tpu.memory_space<semaphore_mem>>)
      } else {
      }
      %add3A_1535 = arith.constant 6 : i32
      %add3A_1536 = arith.addi %select_n3A_1372, %add3A_1535 : i32
      %mul3A_1537 = arith.constant 16 : i32
      %mul3A_1538 = arith.muli %mul3A_1537, %add3A_1536 : i32
      %add3A_1539 = arith.constant 256 : i32
      %add3A_1540 = arith.addi %add3A_1539, %mul3A_1538 : i32
      %sub3A_1541 = arith.subi %add3A_1540, %add3A_507 : i32
      %ge3A_1542 = arith.constant 0 : i32
      %ge3A_1543 = arith.cmpi sge, %add3A_1536, %ge3A_1542 : i32
      %lt3A_1544 = arith.constant 16 : i32
      %lt3A_1545 = arith.cmpi slt, %add3A_1536, %lt3A_1544 : i32
      %and3A_1546 = arith.andi %ge3A_1543, %lt3A_1545 : i1
      %ge3A_1547 = arith.cmpi sge, %sub3A_1541, %mul3A_0 : i32
      %and3A_1548 = arith.andi %and3A_1546, %ge3A_1547 : i1
      %add3A_1549 = arith.constant 128 : i32
      %add3A_1550 = arith.addi %mul3A_0, %add3A_1549 : i32
      %lt3A_1551 = arith.cmpi slt, %sub3A_1541, %add3A_1550 : i32
      %and3A_1552 = arith.andi %and3A_1548, %lt3A_1551 : i1
      %mul3A_1553 = arith.constant 8 : i32
      %mul3A_1554 = arith.muli %mul3A_1553, %sub3A_1541 : i32
      %multiple_of3A_1555 = tpu.assume_multiple %mul3A_1554, 8 : i32
      %mul3A_1556 = arith.constant 128 : i32
      %mul3A_1557 = arith.muli %mul3A_1556, %add3A_1536 : i32
      %multiple_of3A_1558 = tpu.assume_multiple %mul3A_1557, 8 : i32
      %convert_element_type3A_1559 = arith.extui %and3A_1552 : i1 to i32
      %cond3A_1560 = arith.constant 0 : i32
      %cond3A_1561 = arith.cmpi ne, %convert_element_type3A_1559, %cond3A_1560 : i32
      scf.if %cond3A_1561 {
        %dma_start3A = tpu.memref_slice %arg3[%arg1, %multiple_of3A_1555, %multiple_of3A_1558] : memref<16x2048x2048xf32, #tpu.memory_space<hbm>> -> memref<1x8x128xf32, #tpu.memory_space<hbm>>
        %dma_start3A_2678 = tpu.memref_squeeze %dma_start3A : memref<1x8x128xf32, #tpu.memory_space<hbm>> -> memref<8x128xf32, #tpu.memory_space<hbm>>
        %dma_start3A_2679 = tpu.memref_slice %arg3[%arg1, %multiple_of3A_1555, %multiple_of3A_1558] : memref<16x2048x2048xf32, #tpu.memory_space<hbm>> -> memref<1x8x128xf32, #tpu.memory_space<hbm>>
        %dma_start3A_2680 = tpu.memref_squeeze %dma_start3A_2679 : memref<1x8x128xf32, #tpu.memory_space<hbm>> -> memref<8x128xf32, #tpu.memory_space<hbm>>
        tpu.enqueue_dma source(%arg5 : memref<8x128xf32, #tpu.memory_space<vmem>>) target(%dma_start3A_2680 : memref<8x128xf32, #tpu.memory_space<hbm>>) target_semaphore(%arg7 : memref<!tpu.dma_semaphore, #tpu.memory_space<semaphore_mem>>)
      } else {
      }
      %add3A_1562 = arith.constant 7 : i32
      %add3A_1563 = arith.addi %select_n3A_1372, %add3A_1562 : i32
      %mul3A_1564 = arith.constant 16 : i32
      %mul3A_1565 = arith.muli %mul3A_1564, %add3A_1563 : i32
      %add3A_1566 = arith.constant 256 : i32
      %add3A_1567 = arith.addi %add3A_1566, %mul3A_1565 : i32
      %sub3A_1568 = arith.subi %add3A_1567, %add3A_507 : i32
      %ge3A_1569 = arith.constant 0 : i32
      %ge3A_1570 = arith.cmpi sge, %add3A_1563, %ge3A_1569 : i32
      %lt3A_1571 = arith.constant 16 : i32
      %lt3A_1572 = arith.cmpi slt, %add3A_1563, %lt3A_1571 : i32
      %and3A_1573 = arith.andi %ge3A_1570, %lt3A_1572 : i1
      %ge3A_1574 = arith.cmpi sge, %sub3A_1568, %mul3A_0 : i32
      %and3A_1575 = arith.andi %and3A_1573, %ge3A_1574 : i1
      %add3A_1576 = arith.constant 128 : i32
      %add3A_1577 = arith.addi %mul3A_0, %add3A_1576 : i32
      %lt3A_1578 = arith.cmpi slt, %sub3A_1568, %add3A_1577 : i32
      %and3A_1579 = arith.andi %and3A_1575, %lt3A_1578 : i1
      %mul3A_1580 = arith.constant 8 : i32
      %mul3A_1581 = arith.muli %mul3A_1580, %sub3A_1568 : i32
      %multiple_of3A_1582 = tpu.assume_multiple %mul3A_1581, 8 : i32
      %mul3A_1583 = arith.constant 128 : i32
      %mul3A_1584 = arith.muli %mul3A_1583, %add3A_1563 : i32
      %multiple_of3A_1585 = tpu.assume_multiple %mul3A_1584, 8 : i32
      %convert_element_type3A_1586 = arith.extui %and3A_1579 : i1 to i32
      %cond3A_1587 = arith.constant 0 : i32
      %cond3A_1588 = arith.cmpi ne, %convert_element_type3A_1586, %cond3A_1587 : i32
      scf.if %cond3A_1588 {
        %dma_start3A = tpu.memref_slice %arg3[%arg1, %multiple_of3A_1582, %multiple_of3A_1585] : memref<16x2048x2048xf32, #tpu.memory_space<hbm>> -> memref<1x8x128xf32, #tpu.memory_space<hbm>>
        %dma_start3A_2678 = tpu.memref_squeeze %dma_start3A : memref<1x8x128xf32, #tpu.memory_space<hbm>> -> memref<8x128xf32, #tpu.memory_space<hbm>>
        %dma_start3A_2679 = tpu.memref_slice %arg3[%arg1, %multiple_of3A_1582, %multiple_of3A_1585] : memref<16x2048x2048xf32, #tpu.memory_space<hbm>> -> memref<1x8x128xf32, #tpu.memory_space<hbm>>
        %dma_start3A_2680 = tpu.memref_squeeze %dma_start3A_2679 : memref<1x8x128xf32, #tpu.memory_space<hbm>> -> memref<8x128xf32, #tpu.memory_space<hbm>>
        tpu.enqueue_dma source(%arg5 : memref<8x128xf32, #tpu.memory_space<vmem>>) target(%dma_start3A_2680 : memref<8x128xf32, #tpu.memory_space<hbm>>) target_semaphore(%arg7 : memref<!tpu.dma_semaphore, #tpu.memory_space<semaphore_mem>>)
      } else {
      }
      %mul3A_1589 = arith.constant 2 : i32
      %mul3A_1590 = arith.muli %scan3A_502, %mul3A_1589 : i32
      %add3A_1591 = arith.constant 1 : i32
      %add3A_1592 = arith.addi %mul3A_1590, %add3A_1591 : i32
      %add3A_1593 = arith.addi %sub3A_1, %add3A_1592 : i32
      %gt3A_1594 = arith.constant 0 : i32
      %gt3A_1595 = arith.cmpi sgt, %scan3A_502, %gt3A_1594 : i32
      %convert_element_type3A_1596 = arith.extui %gt3A_1595 : i1 to i32
      %cond3A_1597 = arith.constant 0 : i32
      %cond3A_1598 = arith.cmpi ne, %convert_element_type3A_1596, %cond3A_1597 : i32
      scf.if %cond3A_1598 {
        %sub3A_2678 = arith.constant 2 : i32
        %sub3A_2679 = arith.subi %add3A_1593, %sub3A_2678 : i32
        %add3A_2680 = arith.addi %sub3A_2679, %mul3A_0 : i32
        %sub3A_2681 = arith.constant 256 : i32
        %sub3A_2682 = arith.subi %add3A_2680, %sub3A_2681 : i32
        %add3A_2683 = arith.constant 15 : i32
        %add3A_2684 = arith.addi %sub3A_2682, %add3A_2683 : i32
        %jit3A_2685 = arith.constant 16 : i32
        %div3A_2686 = arith.divsi %add3A_2684, %jit3A_2685 : i32
        %sign3A_2687 = arith.constant 0 : i32
        %sign3A_2688 = arith.cmpi sgt, %add3A_2684, %sign3A_2687 : i32
        %sign3A_2689 = arith.extui %sign3A_2688 : i1 to i32
        %sign3A_2690 = arith.constant 0 : i32
        %sign3A_2691 = arith.cmpi slt, %add3A_2684, %sign3A_2690 : i32
        %sign3A_2692 = arith.extui %sign3A_2691 : i1 to i32
        %sign3A_2693 = arith.subi %sign3A_2689, %sign3A_2692 : i32
        %sign3A_2694 = arith.constant 0 : i32
        %sign3A_2695 = arith.cmpi sgt, %jit3A_2685, %sign3A_2694 : i32
        %sign3A_2696 = arith.extui %sign3A_2695 : i1 to i32
        %sign3A_2697 = arith.constant 0 : i32
        %sign3A_2698 = arith.cmpi slt, %jit3A_2685, %sign3A_2697 : i32
        %sign3A_2699 = arith.extui %sign3A_2698 : i1 to i32
        %sign3A_2700 = arith.subi %sign3A_2696, %sign3A_2699 : i32
        %ne3A_2701 = arith.cmpi ne, %sign3A_2693, %sign3A_2700 : i32
        %rem3A_2702 = arith.remsi %add3A_2684, %jit3A_2685 : i32
        %ne3A_2703 = arith.constant 0 : i32
        %ne3A_2704 = arith.cmpi ne, %rem3A_2702, %ne3A_2703 : i32
        %and3A_2705 = arith.andi %ne3A_2701, %ne3A_2704 : i1
        %sub3A_2706 = arith.constant 1 : i32
        %sub3A_2707 = arith.subi %div3A_2686, %sub3A_2706 : i32
        %select_n3A_2708 = arith.select %and3A_2705, %sub3A_2707, %div3A_2686 : i32
        %add3A_2709 = arith.constant 0 : i32
        %add3A_2710 = arith.addi %select_n3A_2708, %add3A_2709 : i32
        %mul3A_2711 = arith.constant 16 : i32
        %mul3A_2712 = arith.muli %mul3A_2711, %add3A_2710 : i32
        %add3A_2713 = arith.constant 256 : i32
        %add3A_2714 = arith.addi %add3A_2713, %mul3A_2712 : i32
        %sub3A_2715 = arith.subi %add3A_2714, %sub3A_2679 : i32
        %ge3A_2716 = arith.constant 0 : i32
        %ge3A_2717 = arith.cmpi sge, %add3A_2710, %ge3A_2716 : i32
        %lt3A_2718 = arith.constant 16 : i32
        %lt3A_2719 = arith.cmpi slt, %add3A_2710, %lt3A_2718 : i32
        %and3A_2720 = arith.andi %ge3A_2717, %lt3A_2719 : i1
        %ge3A_2721 = arith.cmpi sge, %sub3A_2715, %mul3A_0 : i32
        %and3A_2722 = arith.andi %and3A_2720, %ge3A_2721 : i1
        %add3A_2723 = arith.constant 128 : i32
        %add3A_2724 = arith.addi %mul3A_0, %add3A_2723 : i32
        %lt3A_2725 = arith.cmpi slt, %sub3A_2715, %add3A_2724 : i32
        %and3A_2726 = arith.andi %and3A_2722, %lt3A_2725 : i1
        %mul3A_2727 = arith.constant 8 : i32
        %mul3A_2728 = arith.muli %mul3A_2727, %sub3A_2715 : i32
        %multiple_of3A_2729 = tpu.assume_multiple %mul3A_2728, 8 : i32
        %mul3A_2730 = arith.constant 128 : i32
        %mul3A_2731 = arith.muli %mul3A_2730, %add3A_2710 : i32
        %multiple_of3A_2732 = tpu.assume_multiple %mul3A_2731, 8 : i32
        %convert_element_type3A_2733 = arith.extui %and3A_2726 : i1 to i32
        %cond3A_2734 = arith.constant 0 : i32
        %cond3A_2735 = arith.cmpi ne, %convert_element_type3A_2733, %cond3A_2734 : i32
        scf.if %cond3A_2735 {
          %dma_wait3A = tpu.memref_slice %arg3[%arg1, %multiple_of3A_2729, %multiple_of3A_2732] : memref<16x2048x2048xf32, #tpu.memory_space<hbm>> -> memref<1x8x128xf32, #tpu.memory_space<hbm>>
          %dma_wait3A_2925 = tpu.memref_squeeze %dma_wait3A : memref<1x8x128xf32, #tpu.memory_space<hbm>> -> memref<8x128xf32, #tpu.memory_space<hbm>>
          %dma_wait3A_2926 = tpu.memref_slice %arg3[%arg1, %multiple_of3A_2729, %multiple_of3A_2732] : memref<16x2048x2048xf32, #tpu.memory_space<hbm>> -> memref<1x8x128xf32, #tpu.memory_space<hbm>>
          %dma_wait3A_2927 = tpu.memref_squeeze %dma_wait3A_2926 : memref<1x8x128xf32, #tpu.memory_space<hbm>> -> memref<8x128xf32, #tpu.memory_space<hbm>>
          tpu.wait_dma2 semaphore(%arg8 : memref<!tpu.dma_semaphore, #tpu.memory_space<semaphore_mem>>) src(%arg6 : memref<8x128xf32, #tpu.memory_space<vmem>>) dst(%dma_wait3A_2927 : memref<8x128xf32, #tpu.memory_space<hbm>>)
        } else {
        }
        %add3A_2736 = arith.constant 1 : i32
        %add3A_2737 = arith.addi %select_n3A_2708, %add3A_2736 : i32
        %mul3A_2738 = arith.constant 16 : i32
        %mul3A_2739 = arith.muli %mul3A_2738, %add3A_2737 : i32
        %add3A_2740 = arith.constant 256 : i32
        %add3A_2741 = arith.addi %add3A_2740, %mul3A_2739 : i32
        %sub3A_2742 = arith.subi %add3A_2741, %sub3A_2679 : i32
        %ge3A_2743 = arith.constant 0 : i32
        %ge3A_2744 = arith.cmpi sge, %add3A_2737, %ge3A_2743 : i32
        %lt3A_2745 = arith.constant 16 : i32
        %lt3A_2746 = arith.cmpi slt, %add3A_2737, %lt3A_2745 : i32
        %and3A_2747 = arith.andi %ge3A_2744, %lt3A_2746 : i1
        %ge3A_2748 = arith.cmpi sge, %sub3A_2742, %mul3A_0 : i32
        %and3A_2749 = arith.andi %and3A_2747, %ge3A_2748 : i1
        %add3A_2750 = arith.constant 128 : i32
        %add3A_2751 = arith.addi %mul3A_0, %add3A_2750 : i32
        %lt3A_2752 = arith.cmpi slt, %sub3A_2742, %add3A_2751 : i32
        %and3A_2753 = arith.andi %and3A_2749, %lt3A_2752 : i1
        %mul3A_2754 = arith.constant 8 : i32
        %mul3A_2755 = arith.muli %mul3A_2754, %sub3A_2742 : i32
        %multiple_of3A_2756 = tpu.assume_multiple %mul3A_2755, 8 : i32
        %mul3A_2757 = arith.constant 128 : i32
        %mul3A_2758 = arith.muli %mul3A_2757, %add3A_2737 : i32
        %multiple_of3A_2759 = tpu.assume_multiple %mul3A_2758, 8 : i32
        %convert_element_type3A_2760 = arith.extui %and3A_2753 : i1 to i32
        %cond3A_2761 = arith.constant 0 : i32
        %cond3A_2762 = arith.cmpi ne, %convert_element_type3A_2760, %cond3A_2761 : i32
        scf.if %cond3A_2762 {
          %dma_wait3A = tpu.memref_slice %arg3[%arg1, %multiple_of3A_2756, %multiple_of3A_2759] : memref<16x2048x2048xf32, #tpu.memory_space<hbm>> -> memref<1x8x128xf32, #tpu.memory_space<hbm>>
          %dma_wait3A_2925 = tpu.memref_squeeze %dma_wait3A : memref<1x8x128xf32, #tpu.memory_space<hbm>> -> memref<8x128xf32, #tpu.memory_space<hbm>>
          %dma_wait3A_2926 = tpu.memref_slice %arg3[%arg1, %multiple_of3A_2756, %multiple_of3A_2759] : memref<16x2048x2048xf32, #tpu.memory_space<hbm>> -> memref<1x8x128xf32, #tpu.memory_space<hbm>>
          %dma_wait3A_2927 = tpu.memref_squeeze %dma_wait3A_2926 : memref<1x8x128xf32, #tpu.memory_space<hbm>> -> memref<8x128xf32, #tpu.memory_space<hbm>>
          tpu.wait_dma2 semaphore(%arg8 : memref<!tpu.dma_semaphore, #tpu.memory_space<semaphore_mem>>) src(%arg6 : memref<8x128xf32, #tpu.memory_space<vmem>>) dst(%dma_wait3A_2927 : memref<8x128xf32, #tpu.memory_space<hbm>>)
        } else {
        }
        %add3A_2763 = arith.constant 2 : i32
        %add3A_2764 = arith.addi %select_n3A_2708, %add3A_2763 : i32
        %mul3A_2765 = arith.constant 16 : i32
        %mul3A_2766 = arith.muli %mul3A_2765, %add3A_2764 : i32
        %add3A_2767 = arith.constant 256 : i32
        %add3A_2768 = arith.addi %add3A_2767, %mul3A_2766 : i32
        %sub3A_2769 = arith.subi %add3A_2768, %sub3A_2679 : i32
        %ge3A_2770 = arith.constant 0 : i32
        %ge3A_2771 = arith.cmpi sge, %add3A_2764, %ge3A_2770 : i32
        %lt3A_2772 = arith.constant 16 : i32
        %lt3A_2773 = arith.cmpi slt, %add3A_2764, %lt3A_2772 : i32
        %and3A_2774 = arith.andi %ge3A_2771, %lt3A_2773 : i1
        %ge3A_2775 = arith.cmpi sge, %sub3A_2769, %mul3A_0 : i32
        %and3A_2776 = arith.andi %and3A_2774, %ge3A_2775 : i1
        %add3A_2777 = arith.constant 128 : i32
        %add3A_2778 = arith.addi %mul3A_0, %add3A_2777 : i32
        %lt3A_2779 = arith.cmpi slt, %sub3A_2769, %add3A_2778 : i32
        %and3A_2780 = arith.andi %and3A_2776, %lt3A_2779 : i1
        %mul3A_2781 = arith.constant 8 : i32
        %mul3A_2782 = arith.muli %mul3A_2781, %sub3A_2769 : i32
        %multiple_of3A_2783 = tpu.assume_multiple %mul3A_2782, 8 : i32
        %mul3A_2784 = arith.constant 128 : i32
        %mul3A_2785 = arith.muli %mul3A_2784, %add3A_2764 : i32
        %multiple_of3A_2786 = tpu.assume_multiple %mul3A_2785, 8 : i32
        %convert_element_type3A_2787 = arith.extui %and3A_2780 : i1 to i32
        %cond3A_2788 = arith.constant 0 : i32
        %cond3A_2789 = arith.cmpi ne, %convert_element_type3A_2787, %cond3A_2788 : i32
        scf.if %cond3A_2789 {
          %dma_wait3A = tpu.memref_slice %arg3[%arg1, %multiple_of3A_2783, %multiple_of3A_2786] : memref<16x2048x2048xf32, #tpu.memory_space<hbm>> -> memref<1x8x128xf32, #tpu.memory_space<hbm>>
          %dma_wait3A_2925 = tpu.memref_squeeze %dma_wait3A : memref<1x8x128xf32, #tpu.memory_space<hbm>> -> memref<8x128xf32, #tpu.memory_space<hbm>>
          %dma_wait3A_2926 = tpu.memref_slice %arg3[%arg1, %multiple_of3A_2783, %multiple_of3A_2786] : memref<16x2048x2048xf32, #tpu.memory_space<hbm>> -> memref<1x8x128xf32, #tpu.memory_space<hbm>>
          %dma_wait3A_2927 = tpu.memref_squeeze %dma_wait3A_2926 : memref<1x8x128xf32, #tpu.memory_space<hbm>> -> memref<8x128xf32, #tpu.memory_space<hbm>>
          tpu.wait_dma2 semaphore(%arg8 : memref<!tpu.dma_semaphore, #tpu.memory_space<semaphore_mem>>) src(%arg6 : memref<8x128xf32, #tpu.memory_space<vmem>>) dst(%dma_wait3A_2927 : memref<8x128xf32, #tpu.memory_space<hbm>>)
        } else {
        }
        %add3A_2790 = arith.constant 3 : i32
        %add3A_2791 = arith.addi %select_n3A_2708, %add3A_2790 : i32
        %mul3A_2792 = arith.constant 16 : i32
        %mul3A_2793 = arith.muli %mul3A_2792, %add3A_2791 : i32
        %add3A_2794 = arith.constant 256 : i32
        %add3A_2795 = arith.addi %add3A_2794, %mul3A_2793 : i32
        %sub3A_2796 = arith.subi %add3A_2795, %sub3A_2679 : i32
        %ge3A_2797 = arith.constant 0 : i32
        %ge3A_2798 = arith.cmpi sge, %add3A_2791, %ge3A_2797 : i32
        %lt3A_2799 = arith.constant 16 : i32
        %lt3A_2800 = arith.cmpi slt, %add3A_2791, %lt3A_2799 : i32
        %and3A_2801 = arith.andi %ge3A_2798, %lt3A_2800 : i1
        %ge3A_2802 = arith.cmpi sge, %sub3A_2796, %mul3A_0 : i32
        %and3A_2803 = arith.andi %and3A_2801, %ge3A_2802 : i1
        %add3A_2804 = arith.constant 128 : i32
        %add3A_2805 = arith.addi %mul3A_0, %add3A_2804 : i32
        %lt3A_2806 = arith.cmpi slt, %sub3A_2796, %add3A_2805 : i32
        %and3A_2807 = arith.andi %and3A_2803, %lt3A_2806 : i1
        %mul3A_2808 = arith.constant 8 : i32
        %mul3A_2809 = arith.muli %mul3A_2808, %sub3A_2796 : i32
        %multiple_of3A_2810 = tpu.assume_multiple %mul3A_2809, 8 : i32
        %mul3A_2811 = arith.constant 128 : i32
        %mul3A_2812 = arith.muli %mul3A_2811, %add3A_2791 : i32
        %multiple_of3A_2813 = tpu.assume_multiple %mul3A_2812, 8 : i32
        %convert_element_type3A_2814 = arith.extui %and3A_2807 : i1 to i32
        %cond3A_2815 = arith.constant 0 : i32
        %cond3A_2816 = arith.cmpi ne, %convert_element_type3A_2814, %cond3A_2815 : i32
        scf.if %cond3A_2816 {
          %dma_wait3A = tpu.memref_slice %arg3[%arg1, %multiple_of3A_2810, %multiple_of3A_2813] : memref<16x2048x2048xf32, #tpu.memory_space<hbm>> -> memref<1x8x128xf32, #tpu.memory_space<hbm>>
          %dma_wait3A_2925 = tpu.memref_squeeze %dma_wait3A : memref<1x8x128xf32, #tpu.memory_space<hbm>> -> memref<8x128xf32, #tpu.memory_space<hbm>>
          %dma_wait3A_2926 = tpu.memref_slice %arg3[%arg1, %multiple_of3A_2810, %multiple_of3A_2813] : memref<16x2048x2048xf32, #tpu.memory_space<hbm>> -> memref<1x8x128xf32, #tpu.memory_space<hbm>>
          %dma_wait3A_2927 = tpu.memref_squeeze %dma_wait3A_2926 : memref<1x8x128xf32, #tpu.memory_space<hbm>> -> memref<8x128xf32, #tpu.memory_space<hbm>>
          tpu.wait_dma2 semaphore(%arg8 : memref<!tpu.dma_semaphore, #tpu.memory_space<semaphore_mem>>) src(%arg6 : memref<8x128xf32, #tpu.memory_space<vmem>>) dst(%dma_wait3A_2927 : memref<8x128xf32, #tpu.memory_space<hbm>>)
        } else {
        }
        %add3A_2817 = arith.constant 4 : i32
        %add3A_2818 = arith.addi %select_n3A_2708, %add3A_2817 : i32
        %mul3A_2819 = arith.constant 16 : i32
        %mul3A_2820 = arith.muli %mul3A_2819, %add3A_2818 : i32
        %add3A_2821 = arith.constant 256 : i32
        %add3A_2822 = arith.addi %add3A_2821, %mul3A_2820 : i32
        %sub3A_2823 = arith.subi %add3A_2822, %sub3A_2679 : i32
        %ge3A_2824 = arith.constant 0 : i32
        %ge3A_2825 = arith.cmpi sge, %add3A_2818, %ge3A_2824 : i32
        %lt3A_2826 = arith.constant 16 : i32
        %lt3A_2827 = arith.cmpi slt, %add3A_2818, %lt3A_2826 : i32
        %and3A_2828 = arith.andi %ge3A_2825, %lt3A_2827 : i1
        %ge3A_2829 = arith.cmpi sge, %sub3A_2823, %mul3A_0 : i32
        %and3A_2830 = arith.andi %and3A_2828, %ge3A_2829 : i1
        %add3A_2831 = arith.constant 128 : i32
        %add3A_2832 = arith.addi %mul3A_0, %add3A_2831 : i32
        %lt3A_2833 = arith.cmpi slt, %sub3A_2823, %add3A_2832 : i32
        %and3A_2834 = arith.andi %and3A_2830, %lt3A_2833 : i1
        %mul3A_2835 = arith.constant 8 : i32
        %mul3A_2836 = arith.muli %mul3A_2835, %sub3A_2823 : i32
        %multiple_of3A_2837 = tpu.assume_multiple %mul3A_2836, 8 : i32
        %mul3A_2838 = arith.constant 128 : i32
        %mul3A_2839 = arith.muli %mul3A_2838, %add3A_2818 : i32
        %multiple_of3A_2840 = tpu.assume_multiple %mul3A_2839, 8 : i32
        %convert_element_type3A_2841 = arith.extui %and3A_2834 : i1 to i32
        %cond3A_2842 = arith.constant 0 : i32
        %cond3A_2843 = arith.cmpi ne, %convert_element_type3A_2841, %cond3A_2842 : i32
        scf.if %cond3A_2843 {
          %dma_wait3A = tpu.memref_slice %arg3[%arg1, %multiple_of3A_2837, %multiple_of3A_2840] : memref<16x2048x2048xf32, #tpu.memory_space<hbm>> -> memref<1x8x128xf32, #tpu.memory_space<hbm>>
          %dma_wait3A_2925 = tpu.memref_squeeze %dma_wait3A : memref<1x8x128xf32, #tpu.memory_space<hbm>> -> memref<8x128xf32, #tpu.memory_space<hbm>>
          %dma_wait3A_2926 = tpu.memref_slice %arg3[%arg1, %multiple_of3A_2837, %multiple_of3A_2840] : memref<16x2048x2048xf32, #tpu.memory_space<hbm>> -> memref<1x8x128xf32, #tpu.memory_space<hbm>>
          %dma_wait3A_2927 = tpu.memref_squeeze %dma_wait3A_2926 : memref<1x8x128xf32, #tpu.memory_space<hbm>> -> memref<8x128xf32, #tpu.memory_space<hbm>>
          tpu.wait_dma2 semaphore(%arg8 : memref<!tpu.dma_semaphore, #tpu.memory_space<semaphore_mem>>) src(%arg6 : memref<8x128xf32, #tpu.memory_space<vmem>>) dst(%dma_wait3A_2927 : memref<8x128xf32, #tpu.memory_space<hbm>>)
        } else {
        }
        %add3A_2844 = arith.constant 5 : i32
        %add3A_2845 = arith.addi %select_n3A_2708, %add3A_2844 : i32
        %mul3A_2846 = arith.constant 16 : i32
        %mul3A_2847 = arith.muli %mul3A_2846, %add3A_2845 : i32
        %add3A_2848 = arith.constant 256 : i32
        %add3A_2849 = arith.addi %add3A_2848, %mul3A_2847 : i32
        %sub3A_2850 = arith.subi %add3A_2849, %sub3A_2679 : i32
        %ge3A_2851 = arith.constant 0 : i32
        %ge3A_2852 = arith.cmpi sge, %add3A_2845, %ge3A_2851 : i32
        %lt3A_2853 = arith.constant 16 : i32
        %lt3A_2854 = arith.cmpi slt, %add3A_2845, %lt3A_2853 : i32
        %and3A_2855 = arith.andi %ge3A_2852, %lt3A_2854 : i1
        %ge3A_2856 = arith.cmpi sge, %sub3A_2850, %mul3A_0 : i32
        %and3A_2857 = arith.andi %and3A_2855, %ge3A_2856 : i1
        %add3A_2858 = arith.constant 128 : i32
        %add3A_2859 = arith.addi %mul3A_0, %add3A_2858 : i32
        %lt3A_2860 = arith.cmpi slt, %sub3A_2850, %add3A_2859 : i32
        %and3A_2861 = arith.andi %and3A_2857, %lt3A_2860 : i1
        %mul3A_2862 = arith.constant 8 : i32
        %mul3A_2863 = arith.muli %mul3A_2862, %sub3A_2850 : i32
        %multiple_of3A_2864 = tpu.assume_multiple %mul3A_2863, 8 : i32
        %mul3A_2865 = arith.constant 128 : i32
        %mul3A_2866 = arith.muli %mul3A_2865, %add3A_2845 : i32
        %multiple_of3A_2867 = tpu.assume_multiple %mul3A_2866, 8 : i32
        %convert_element_type3A_2868 = arith.extui %and3A_2861 : i1 to i32
        %cond3A_2869 = arith.constant 0 : i32
        %cond3A_2870 = arith.cmpi ne, %convert_element_type3A_2868, %cond3A_2869 : i32
        scf.if %cond3A_2870 {
          %dma_wait3A = tpu.memref_slice %arg3[%arg1, %multiple_of3A_2864, %multiple_of3A_2867] : memref<16x2048x2048xf32, #tpu.memory_space<hbm>> -> memref<1x8x128xf32, #tpu.memory_space<hbm>>
          %dma_wait3A_2925 = tpu.memref_squeeze %dma_wait3A : memref<1x8x128xf32, #tpu.memory_space<hbm>> -> memref<8x128xf32, #tpu.memory_space<hbm>>
          %dma_wait3A_2926 = tpu.memref_slice %arg3[%arg1, %multiple_of3A_2864, %multiple_of3A_2867] : memref<16x2048x2048xf32, #tpu.memory_space<hbm>> -> memref<1x8x128xf32, #tpu.memory_space<hbm>>
          %dma_wait3A_2927 = tpu.memref_squeeze %dma_wait3A_2926 : memref<1x8x128xf32, #tpu.memory_space<hbm>> -> memref<8x128xf32, #tpu.memory_space<hbm>>
          tpu.wait_dma2 semaphore(%arg8 : memref<!tpu.dma_semaphore, #tpu.memory_space<semaphore_mem>>) src(%arg6 : memref<8x128xf32, #tpu.memory_space<vmem>>) dst(%dma_wait3A_2927 : memref<8x128xf32, #tpu.memory_space<hbm>>)
        } else {
        }
        %add3A_2871 = arith.constant 6 : i32
        %add3A_2872 = arith.addi %select_n3A_2708, %add3A_2871 : i32
        %mul3A_2873 = arith.constant 16 : i32
        %mul3A_2874 = arith.muli %mul3A_2873, %add3A_2872 : i32
        %add3A_2875 = arith.constant 256 : i32
        %add3A_2876 = arith.addi %add3A_2875, %mul3A_2874 : i32
        %sub3A_2877 = arith.subi %add3A_2876, %sub3A_2679 : i32
        %ge3A_2878 = arith.constant 0 : i32
        %ge3A_2879 = arith.cmpi sge, %add3A_2872, %ge3A_2878 : i32
        %lt3A_2880 = arith.constant 16 : i32
        %lt3A_2881 = arith.cmpi slt, %add3A_2872, %lt3A_2880 : i32
        %and3A_2882 = arith.andi %ge3A_2879, %lt3A_2881 : i1
        %ge3A_2883 = arith.cmpi sge, %sub3A_2877, %mul3A_0 : i32
        %and3A_2884 = arith.andi %and3A_2882, %ge3A_2883 : i1
        %add3A_2885 = arith.constant 128 : i32
        %add3A_2886 = arith.addi %mul3A_0, %add3A_2885 : i32
        %lt3A_2887 = arith.cmpi slt, %sub3A_2877, %add3A_2886 : i32
        %and3A_2888 = arith.andi %and3A_2884, %lt3A_2887 : i1
        %mul3A_2889 = arith.constant 8 : i32
        %mul3A_2890 = arith.muli %mul3A_2889, %sub3A_2877 : i32
        %multiple_of3A_2891 = tpu.assume_multiple %mul3A_2890, 8 : i32
        %mul3A_2892 = arith.constant 128 : i32
        %mul3A_2893 = arith.muli %mul3A_2892, %add3A_2872 : i32
        %multiple_of3A_2894 = tpu.assume_multiple %mul3A_2893, 8 : i32
        %convert_element_type3A_2895 = arith.extui %and3A_2888 : i1 to i32
        %cond3A_2896 = arith.constant 0 : i32
        %cond3A_2897 = arith.cmpi ne, %convert_element_type3A_2895, %cond3A_2896 : i32
        scf.if %cond3A_2897 {
          %dma_wait3A = tpu.memref_slice %arg3[%arg1, %multiple_of3A_2891, %multiple_of3A_2894] : memref<16x2048x2048xf32, #tpu.memory_space<hbm>> -> memref<1x8x128xf32, #tpu.memory_space<hbm>>
          %dma_wait3A_2925 = tpu.memref_squeeze %dma_wait3A : memref<1x8x128xf32, #tpu.memory_space<hbm>> -> memref<8x128xf32, #tpu.memory_space<hbm>>
          %dma_wait3A_2926 = tpu.memref_slice %arg3[%arg1, %multiple_of3A_2891, %multiple_of3A_2894] : memref<16x2048x2048xf32, #tpu.memory_space<hbm>> -> memref<1x8x128xf32, #tpu.memory_space<hbm>>
          %dma_wait3A_2927 = tpu.memref_squeeze %dma_wait3A_2926 : memref<1x8x128xf32, #tpu.memory_space<hbm>> -> memref<8x128xf32, #tpu.memory_space<hbm>>
          tpu.wait_dma2 semaphore(%arg8 : memref<!tpu.dma_semaphore, #tpu.memory_space<semaphore_mem>>) src(%arg6 : memref<8x128xf32, #tpu.memory_space<vmem>>) dst(%dma_wait3A_2927 : memref<8x128xf32, #tpu.memory_space<hbm>>)
        } else {
        }
        %add3A_2898 = arith.constant 7 : i32
        %add3A_2899 = arith.addi %select_n3A_2708, %add3A_2898 : i32
        %mul3A_2900 = arith.constant 16 : i32
        %mul3A_2901 = arith.muli %mul3A_2900, %add3A_2899 : i32
        %add3A_2902 = arith.constant 256 : i32
        %add3A_2903 = arith.addi %add3A_2902, %mul3A_2901 : i32
        %sub3A_2904 = arith.subi %add3A_2903, %sub3A_2679 : i32
        %ge3A_2905 = arith.constant 0 : i32
        %ge3A_2906 = arith.cmpi sge, %add3A_2899, %ge3A_2905 : i32
        %lt3A_2907 = arith.constant 16 : i32
        %lt3A_2908 = arith.cmpi slt, %add3A_2899, %lt3A_2907 : i32
        %and3A_2909 = arith.andi %ge3A_2906, %lt3A_2908 : i1
        %ge3A_2910 = arith.cmpi sge, %sub3A_2904, %mul3A_0 : i32
        %and3A_2911 = arith.andi %and3A_2909, %ge3A_2910 : i1
        %add3A_2912 = arith.constant 128 : i32
        %add3A_2913 = arith.addi %mul3A_0, %add3A_2912 : i32
        %lt3A_2914 = arith.cmpi slt, %sub3A_2904, %add3A_2913 : i32
        %and3A_2915 = arith.andi %and3A_2911, %lt3A_2914 : i1
        %mul3A_2916 = arith.constant 8 : i32
        %mul3A_2917 = arith.muli %mul3A_2916, %sub3A_2904 : i32
        %multiple_of3A_2918 = tpu.assume_multiple %mul3A_2917, 8 : i32
        %mul3A_2919 = arith.constant 128 : i32
        %mul3A_2920 = arith.muli %mul3A_2919, %add3A_2899 : i32
        %multiple_of3A_2921 = tpu.assume_multiple %mul3A_2920, 8 : i32
        %convert_element_type3A_2922 = arith.extui %and3A_2915 : i1 to i32
        %cond3A_2923 = arith.constant 0 : i32
        %cond3A_2924 = arith.cmpi ne, %convert_element_type3A_2922, %cond3A_2923 : i32
        scf.if %cond3A_2924 {
          %dma_wait3A = tpu.memref_slice %arg3[%arg1, %multiple_of3A_2918, %multiple_of3A_2921] : memref<16x2048x2048xf32, #tpu.memory_space<hbm>> -> memref<1x8x128xf32, #tpu.memory_space<hbm>>
          %dma_wait3A_2925 = tpu.memref_squeeze %dma_wait3A : memref<1x8x128xf32, #tpu.memory_space<hbm>> -> memref<8x128xf32, #tpu.memory_space<hbm>>
          %dma_wait3A_2926 = tpu.memref_slice %arg3[%arg1, %multiple_of3A_2918, %multiple_of3A_2921] : memref<16x2048x2048xf32, #tpu.memory_space<hbm>> -> memref<1x8x128xf32, #tpu.memory_space<hbm>>
          %dma_wait3A_2927 = tpu.memref_squeeze %dma_wait3A_2926 : memref<1x8x128xf32, #tpu.memory_space<hbm>> -> memref<8x128xf32, #tpu.memory_space<hbm>>
          tpu.wait_dma2 semaphore(%arg8 : memref<!tpu.dma_semaphore, #tpu.memory_space<semaphore_mem>>) src(%arg6 : memref<8x128xf32, #tpu.memory_space<vmem>>) dst(%dma_wait3A_2927 : memref<8x128xf32, #tpu.memory_space<hbm>>)
        } else {
        }
      } else {
      }
      %mul3A_1599 = arith.constant 8 : i32
      %mul3A_1600 = arith.muli %mul3A_1599, %add3A_1593 : i32
      %sub3A_1601 = arith.constant 0 : i32
      %sub3A_1602 = arith.subi %mul3A_1600, %sub3A_1601 : i32
      %add3A_1603 = arith.constant 0 : i32
      %add3A_1604 = arith.addi %sub3A_1602, %add3A_1603 : i32
      %get3A_1605 = arith.index_cast %add3A_1604 : i32 to index
      %get3A_1606 = tpu.vector_load %arg4[%get3A_1605] {strides = array<i32>} : memref<4112xf32, #tpu.memory_space<vmem>>, vector<16xf32>,
      %get3A_1607 = vector.shape_cast %get3A_1606 : vector<16xf32> to vector<16xf32>
      %sub3A_1608 = arith.constant 0 : i32
      %sub3A_1609 = arith.subi %mul3A_1600, %sub3A_1608 : i32
      %add3A_1610 = arith.constant 16 : i32
      %add3A_1611 = arith.addi %sub3A_1609, %add3A_1610 : i32
      %get3A_1612 = arith.index_cast %add3A_1611 : i32 to index
      %get3A_1613 = tpu.vector_load %arg4[%get3A_1612] {strides = array<i32>} : memref<4112xf32, #tpu.memory_space<vmem>>, vector<16xf32>,
      %get3A_1614 = vector.shape_cast %get3A_1613 : vector<16xf32> to vector<16xf32>
      %sub3A_1615 = arith.constant 0 : i32
      %sub3A_1616 = arith.subi %mul3A_1600, %sub3A_1615 : i32
      %add3A_1617 = arith.constant 32 : i32
      %add3A_1618 = arith.addi %sub3A_1616, %add3A_1617 : i32
      %get3A_1619 = arith.index_cast %add3A_1618 : i32 to index
      %get3A_1620 = tpu.vector_load %arg4[%get3A_1619] {strides = array<i32>} : memref<4112xf32, #tpu.memory_space<vmem>>, vector<16xf32>,
      %get3A_1621 = vector.shape_cast %get3A_1620 : vector<16xf32> to vector<16xf32>
      %sub3A_1622 = arith.constant 0 : i32
      %sub3A_1623 = arith.subi %mul3A_1600, %sub3A_1622 : i32
      %add3A_1624 = arith.constant 48 : i32
      %add3A_1625 = arith.addi %sub3A_1623, %add3A_1624 : i32
      %get3A_1626 = arith.index_cast %add3A_1625 : i32 to index
      %get3A_1627 = tpu.vector_load %arg4[%get3A_1626] {strides = array<i32>} : memref<4112xf32, #tpu.memory_space<vmem>>, vector<16xf32>,
      %get3A_1628 = vector.shape_cast %get3A_1627 : vector<16xf32> to vector<16xf32>
      %sub3A_1629 = arith.constant 0 : i32
      %sub3A_1630 = arith.subi %mul3A_1600, %sub3A_1629 : i32
      %add3A_1631 = arith.constant 64 : i32
      %add3A_1632 = arith.addi %sub3A_1630, %add3A_1631 : i32
      %get3A_1633 = arith.index_cast %add3A_1632 : i32 to index
      %get3A_1634 = tpu.vector_load %arg4[%get3A_1633] {strides = array<i32>} : memref<4112xf32, #tpu.memory_space<vmem>>, vector<16xf32>,
      %get3A_1635 = vector.shape_cast %get3A_1634 : vector<16xf32> to vector<16xf32>
      %sub3A_1636 = arith.constant 0 : i32
      %sub3A_1637 = arith.subi %mul3A_1600, %sub3A_1636 : i32
      %add3A_1638 = arith.constant 80 : i32
      %add3A_1639 = arith.addi %sub3A_1637, %add3A_1638 : i32
      %get3A_1640 = arith.index_cast %add3A_1639 : i32 to index
      %get3A_1641 = tpu.vector_load %arg4[%get3A_1640] {strides = array<i32>} : memref<4112xf32, #tpu.memory_space<vmem>>, vector<16xf32>,
      %get3A_1642 = vector.shape_cast %get3A_1641 : vector<16xf32> to vector<16xf32>
      %sub3A_1643 = arith.constant 0 : i32
      %sub3A_1644 = arith.subi %mul3A_1600, %sub3A_1643 : i32
      %add3A_1645 = arith.constant 96 : i32
      %add3A_1646 = arith.addi %sub3A_1644, %add3A_1645 : i32
      %get3A_1647 = arith.index_cast %add3A_1646 : i32 to index
      %get3A_1648 = tpu.vector_load %arg4[%get3A_1647] {strides = array<i32>} : memref<4112xf32, #tpu.memory_space<vmem>>, vector<16xf32>,
      %get3A_1649 = vector.shape_cast %get3A_1648 : vector<16xf32> to vector<16xf32>
      %sub3A_1650 = arith.constant 0 : i32
      %sub3A_1651 = arith.subi %mul3A_1600, %sub3A_1650 : i32
      %add3A_1652 = arith.constant 112 : i32
      %add3A_1653 = arith.addi %sub3A_1651, %add3A_1652 : i32
      %get3A_1654 = arith.index_cast %add3A_1653 : i32 to index
      %get3A_1655 = tpu.vector_load %arg4[%get3A_1654] {strides = array<i32>} : memref<4112xf32, #tpu.memory_space<vmem>>, vector<16xf32>,
      %get3A_1656 = vector.shape_cast %get3A_1655 : vector<16xf32> to vector<16xf32>
      %swap3A_1657 = arith.constant 0 : i32
      %swap3A_1658 = arith.index_cast %swap3A_1657 : i32 to index
      %swap3A_1659 = arith.constant 0 : index
      %swap3A_1660 = tpu.vector_load %arg6[%swap3A_1658, %swap3A_1659] {strides = array<i32>} : memref<8x128xf32, #tpu.memory_space<vmem>>, vector<1x16xf32>,
      %swap3A_1661 = vector.shape_cast %swap3A_1660 : vector<1x16xf32> to vector<16xf32>
      %swap3A_1662 = vector.shape_cast %get3A_1607 : vector<16xf32> to vector<1x16xf32>
      tpu.vector_store %arg6[%swap3A_1658, %swap3A_1659], %swap3A_1662 {strides = array<i32>} : memref<8x128xf32, #tpu.memory_space<vmem>>, vector<1x16xf32>,
      %swap3A_1663 = arith.constant 0 : i32
      %swap3A_1664 = arith.index_cast %swap3A_1663 : i32 to index
      %swap3A_1665 = arith.constant 16 : index
      %swap3A_1666 = tpu.vector_load %arg6[%swap3A_1664, %swap3A_1665] {strides = array<i32>} : memref<8x128xf32, #tpu.memory_space<vmem>>, vector<1x16xf32>,
      %swap3A_1667 = vector.shape_cast %swap3A_1666 : vector<1x16xf32> to vector<16xf32>
      %swap3A_1668 = vector.shape_cast %get3A_1614 : vector<16xf32> to vector<1x16xf32>
      tpu.vector_store %arg6[%swap3A_1664, %swap3A_1665], %swap3A_1668 {strides = array<i32>} : memref<8x128xf32, #tpu.memory_space<vmem>>, vector<1x16xf32>,
      %swap3A_1669 = arith.constant 0 : i32
      %swap3A_1670 = arith.index_cast %swap3A_1669 : i32 to index
      %swap3A_1671 = arith.constant 32 : index
      %swap3A_1672 = tpu.vector_load %arg6[%swap3A_1670, %swap3A_1671] {strides = array<i32>} : memref<8x128xf32, #tpu.memory_space<vmem>>, vector<1x16xf32>,
      %swap3A_1673 = vector.shape_cast %swap3A_1672 : vector<1x16xf32> to vector<16xf32>
      %swap3A_1674 = vector.shape_cast %get3A_1621 : vector<16xf32> to vector<1x16xf32>
      tpu.vector_store %arg6[%swap3A_1670, %swap3A_1671], %swap3A_1674 {strides = array<i32>} : memref<8x128xf32, #tpu.memory_space<vmem>>, vector<1x16xf32>,
      %swap3A_1675 = arith.constant 0 : i32
      %swap3A_1676 = arith.index_cast %swap3A_1675 : i32 to index
      %swap3A_1677 = arith.constant 48 : index
      %swap3A_1678 = tpu.vector_load %arg6[%swap3A_1676, %swap3A_1677] {strides = array<i32>} : memref<8x128xf32, #tpu.memory_space<vmem>>, vector<1x16xf32>,
      %swap3A_1679 = vector.shape_cast %swap3A_1678 : vector<1x16xf32> to vector<16xf32>
      %swap3A_1680 = vector.shape_cast %get3A_1628 : vector<16xf32> to vector<1x16xf32>
      tpu.vector_store %arg6[%swap3A_1676, %swap3A_1677], %swap3A_1680 {strides = array<i32>} : memref<8x128xf32, #tpu.memory_space<vmem>>, vector<1x16xf32>,
      %swap3A_1681 = arith.constant 0 : i32
      %swap3A_1682 = arith.index_cast %swap3A_1681 : i32 to index
      %swap3A_1683 = arith.constant 64 : index
      %swap3A_1684 = tpu.vector_load %arg6[%swap3A_1682, %swap3A_1683] {strides = array<i32>} : memref<8x128xf32, #tpu.memory_space<vmem>>, vector<1x16xf32>,
      %swap3A_1685 = vector.shape_cast %swap3A_1684 : vector<1x16xf32> to vector<16xf32>
      %swap3A_1686 = vector.shape_cast %get3A_1635 : vector<16xf32> to vector<1x16xf32>
      tpu.vector_store %arg6[%swap3A_1682, %swap3A_1683], %swap3A_1686 {strides = array<i32>} : memref<8x128xf32, #tpu.memory_space<vmem>>, vector<1x16xf32>,
      %swap3A_1687 = arith.constant 0 : i32
      %swap3A_1688 = arith.index_cast %swap3A_1687 : i32 to index
      %swap3A_1689 = arith.constant 80 : index
      %swap3A_1690 = tpu.vector_load %arg6[%swap3A_1688, %swap3A_1689] {strides = array<i32>} : memref<8x128xf32, #tpu.memory_space<vmem>>, vector<1x16xf32>,
      %swap3A_1691 = vector.shape_cast %swap3A_1690 : vector<1x16xf32> to vector<16xf32>
      %swap3A_1692 = vector.shape_cast %get3A_1642 : vector<16xf32> to vector<1x16xf32>
      tpu.vector_store %arg6[%swap3A_1688, %swap3A_1689], %swap3A_1692 {strides = array<i32>} : memref<8x128xf32, #tpu.memory_space<vmem>>, vector<1x16xf32>,
      %swap3A_1693 = arith.constant 0 : i32
      %swap3A_1694 = arith.index_cast %swap3A_1693 : i32 to index
      %swap3A_1695 = arith.constant 96 : index
      %swap3A_1696 = tpu.vector_load %arg6[%swap3A_1694, %swap3A_1695] {strides = array<i32>} : memref<8x128xf32, #tpu.memory_space<vmem>>, vector<1x16xf32>,
      %swap3A_1697 = vector.shape_cast %swap3A_1696 : vector<1x16xf32> to vector<16xf32>
      %swap3A_1698 = vector.shape_cast %get3A_1649 : vector<16xf32> to vector<1x16xf32>
      tpu.vector_store %arg6[%swap3A_1694, %swap3A_1695], %swap3A_1698 {strides = array<i32>} : memref<8x128xf32, #tpu.memory_space<vmem>>, vector<1x16xf32>,
      %swap3A_1699 = arith.constant 0 : i32
      %swap3A_1700 = arith.index_cast %swap3A_1699 : i32 to index
      %swap3A_1701 = arith.constant 112 : index
      %swap3A_1702 = tpu.vector_load %arg6[%swap3A_1700, %swap3A_1701] {strides = array<i32>} : memref<8x128xf32, #tpu.memory_space<vmem>>, vector<1x16xf32>,
      %swap3A_1703 = vector.shape_cast %swap3A_1702 : vector<1x16xf32> to vector<16xf32>
      %swap3A_1704 = vector.shape_cast %get3A_1656 : vector<16xf32> to vector<1x16xf32>
      tpu.vector_store %arg6[%swap3A_1700, %swap3A_1701], %swap3A_1704 {strides = array<i32>} : memref<8x128xf32, #tpu.memory_space<vmem>>, vector<1x16xf32>,
      %sub3A_1705 = arith.constant 1 : i32
      %sub3A_1706 = arith.subi %mul3A_1600, %sub3A_1705 : i32
      %add3A_1707 = arith.constant 0 : i32
      %add3A_1708 = arith.addi %sub3A_1706, %add3A_1707 : i32
      %get3A_1709 = arith.index_cast %add3A_1708 : i32 to index
      %get3A_1710 = tpu.vector_load %arg4[%get3A_1709] {strides = array<i32>} : memref<4112xf32, #tpu.memory_space<vmem>>, vector<16xf32>,
      %get3A_1711 = vector.shape_cast %get3A_1710 : vector<16xf32> to vector<16xf32>
      %sub3A_1712 = arith.constant 1 : i32
      %sub3A_1713 = arith.subi %mul3A_1600, %sub3A_1712 : i32
      %add3A_1714 = arith.constant 16 : i32
      %add3A_1715 = arith.addi %sub3A_1713, %add3A_1714 : i32
      %get3A_1716 = arith.index_cast %add3A_1715 : i32 to index
      %get3A_1717 = tpu.vector_load %arg4[%get3A_1716] {strides = array<i32>} : memref<4112xf32, #tpu.memory_space<vmem>>, vector<16xf32>,
      %get3A_1718 = vector.shape_cast %get3A_1717 : vector<16xf32> to vector<16xf32>
      %sub3A_1719 = arith.constant 1 : i32
      %sub3A_1720 = arith.subi %mul3A_1600, %sub3A_1719 : i32
      %add3A_1721 = arith.constant 32 : i32
      %add3A_1722 = arith.addi %sub3A_1720, %add3A_1721 : i32
      %get3A_1723 = arith.index_cast %add3A_1722 : i32 to index
      %get3A_1724 = tpu.vector_load %arg4[%get3A_1723] {strides = array<i32>} : memref<4112xf32, #tpu.memory_space<vmem>>, vector<16xf32>,
      %get3A_1725 = vector.shape_cast %get3A_1724 : vector<16xf32> to vector<16xf32>
      %sub3A_1726 = arith.constant 1 : i32
      %sub3A_1727 = arith.subi %mul3A_1600, %sub3A_1726 : i32
      %add3A_1728 = arith.constant 48 : i32
      %add3A_1729 = arith.addi %sub3A_1727, %add3A_1728 : i32
      %get3A_1730 = arith.index_cast %add3A_1729 : i32 to index
      %get3A_1731 = tpu.vector_load %arg4[%get3A_1730] {strides = array<i32>} : memref<4112xf32, #tpu.memory_space<vmem>>, vector<16xf32>,
      %get3A_1732 = vector.shape_cast %get3A_1731 : vector<16xf32> to vector<16xf32>
      %sub3A_1733 = arith.constant 1 : i32
      %sub3A_1734 = arith.subi %mul3A_1600, %sub3A_1733 : i32
      %add3A_1735 = arith.constant 64 : i32
      %add3A_1736 = arith.addi %sub3A_1734, %add3A_1735 : i32
      %get3A_1737 = arith.index_cast %add3A_1736 : i32 to index
      %get3A_1738 = tpu.vector_load %arg4[%get3A_1737] {strides = array<i32>} : memref<4112xf32, #tpu.memory_space<vmem>>, vector<16xf32>,
      %get3A_1739 = vector.shape_cast %get3A_1738 : vector<16xf32> to vector<16xf32>
      %sub3A_1740 = arith.constant 1 : i32
      %sub3A_1741 = arith.subi %mul3A_1600, %sub3A_1740 : i32
      %add3A_1742 = arith.constant 80 : i32
      %add3A_1743 = arith.addi %sub3A_1741, %add3A_1742 : i32
      %get3A_1744 = arith.index_cast %add3A_1743 : i32 to index
      %get3A_1745 = tpu.vector_load %arg4[%get3A_1744] {strides = array<i32>} : memref<4112xf32, #tpu.memory_space<vmem>>, vector<16xf32>,
      %get3A_1746 = vector.shape_cast %get3A_1745 : vector<16xf32> to vector<16xf32>
      %sub3A_1747 = arith.constant 1 : i32
      %sub3A_1748 = arith.subi %mul3A_1600, %sub3A_1747 : i32
      %add3A_1749 = arith.constant 96 : i32
      %add3A_1750 = arith.addi %sub3A_1748, %add3A_1749 : i32
      %get3A_1751 = arith.index_cast %add3A_1750 : i32 to index
      %get3A_1752 = tpu.vector_load %arg4[%get3A_1751] {strides = array<i32>} : memref<4112xf32, #tpu.memory_space<vmem>>, vector<16xf32>,
      %get3A_1753 = vector.shape_cast %get3A_1752 : vector<16xf32> to vector<16xf32>
      %sub3A_1754 = arith.constant 1 : i32
      %sub3A_1755 = arith.subi %mul3A_1600, %sub3A_1754 : i32
      %add3A_1756 = arith.constant 112 : i32
      %add3A_1757 = arith.addi %sub3A_1755, %add3A_1756 : i32
      %get3A_1758 = arith.index_cast %add3A_1757 : i32 to index
      %get3A_1759 = tpu.vector_load %arg4[%get3A_1758] {strides = array<i32>} : memref<4112xf32, #tpu.memory_space<vmem>>, vector<16xf32>,
      %get3A_1760 = vector.shape_cast %get3A_1759 : vector<16xf32> to vector<16xf32>
      %swap3A_1761 = arith.constant 1 : i32
      %swap3A_1762 = arith.index_cast %swap3A_1761 : i32 to index
      %swap3A_1763 = arith.constant 0 : index
      %swap3A_1764 = tpu.vector_load %arg6[%swap3A_1762, %swap3A_1763] {strides = array<i32>} : memref<8x128xf32, #tpu.memory_space<vmem>>, vector<1x16xf32>,
      %swap3A_1765 = vector.shape_cast %swap3A_1764 : vector<1x16xf32> to vector<16xf32>
      %swap3A_1766 = vector.shape_cast %get3A_1711 : vector<16xf32> to vector<1x16xf32>
      tpu.vector_store %arg6[%swap3A_1762, %swap3A_1763], %swap3A_1766 {strides = array<i32>} : memref<8x128xf32, #tpu.memory_space<vmem>>, vector<1x16xf32>,
      %swap3A_1767 = arith.constant 1 : i32
      %swap3A_1768 = arith.index_cast %swap3A_1767 : i32 to index
      %swap3A_1769 = arith.constant 16 : index
      %swap3A_1770 = tpu.vector_load %arg6[%swap3A_1768, %swap3A_1769] {strides = array<i32>} : memref<8x128xf32, #tpu.memory_space<vmem>>, vector<1x16xf32>,
      %swap3A_1771 = vector.shape_cast %swap3A_1770 : vector<1x16xf32> to vector<16xf32>
      %swap3A_1772 = vector.shape_cast %get3A_1718 : vector<16xf32> to vector<1x16xf32>
      tpu.vector_store %arg6[%swap3A_1768, %swap3A_1769], %swap3A_1772 {strides = array<i32>} : memref<8x128xf32, #tpu.memory_space<vmem>>, vector<1x16xf32>,
      %swap3A_1773 = arith.constant 1 : i32
      %swap3A_1774 = arith.index_cast %swap3A_1773 : i32 to index
      %swap3A_1775 = arith.constant 32 : index
      %swap3A_1776 = tpu.vector_load %arg6[%swap3A_1774, %swap3A_1775] {strides = array<i32>} : memref<8x128xf32, #tpu.memory_space<vmem>>, vector<1x16xf32>,
      %swap3A_1777 = vector.shape_cast %swap3A_1776 : vector<1x16xf32> to vector<16xf32>
      %swap3A_1778 = vector.shape_cast %get3A_1725 : vector<16xf32> to vector<1x16xf32>
      tpu.vector_store %arg6[%swap3A_1774, %swap3A_1775], %swap3A_1778 {strides = array<i32>} : memref<8x128xf32, #tpu.memory_space<vmem>>, vector<1x16xf32>,
      %swap3A_1779 = arith.constant 1 : i32
      %swap3A_1780 = arith.index_cast %swap3A_1779 : i32 to index
      %swap3A_1781 = arith.constant 48 : index
      %swap3A_1782 = tpu.vector_load %arg6[%swap3A_1780, %swap3A_1781] {strides = array<i32>} : memref<8x128xf32, #tpu.memory_space<vmem>>, vector<1x16xf32>,
      %swap3A_1783 = vector.shape_cast %swap3A_1782 : vector<1x16xf32> to vector<16xf32>
      %swap3A_1784 = vector.shape_cast %get3A_1732 : vector<16xf32> to vector<1x16xf32>
      tpu.vector_store %arg6[%swap3A_1780, %swap3A_1781], %swap3A_1784 {strides = array<i32>} : memref<8x128xf32, #tpu.memory_space<vmem>>, vector<1x16xf32>,
      %swap3A_1785 = arith.constant 1 : i32
      %swap3A_1786 = arith.index_cast %swap3A_1785 : i32 to index
      %swap3A_1787 = arith.constant 64 : index
      %swap3A_1788 = tpu.vector_load %arg6[%swap3A_1786, %swap3A_1787] {strides = array<i32>} : memref<8x128xf32, #tpu.memory_space<vmem>>, vector<1x16xf32>,
      %swap3A_1789 = vector.shape_cast %swap3A_1788 : vector<1x16xf32> to vector<16xf32>
      %swap3A_1790 = vector.shape_cast %get3A_1739 : vector<16xf32> to vector<1x16xf32>
      tpu.vector_store %arg6[%swap3A_1786, %swap3A_1787], %swap3A_1790 {strides = array<i32>} : memref<8x128xf32, #tpu.memory_space<vmem>>, vector<1x16xf32>,
      %swap3A_1791 = arith.constant 1 : i32
      %swap3A_1792 = arith.index_cast %swap3A_1791 : i32 to index
      %swap3A_1793 = arith.constant 80 : index
      %swap3A_1794 = tpu.vector_load %arg6[%swap3A_1792, %swap3A_1793] {strides = array<i32>} : memref<8x128xf32, #tpu.memory_space<vmem>>, vector<1x16xf32>,
      %swap3A_1795 = vector.shape_cast %swap3A_1794 : vector<1x16xf32> to vector<16xf32>
      %swap3A_1796 = vector.shape_cast %get3A_1746 : vector<16xf32> to vector<1x16xf32>
      tpu.vector_store %arg6[%swap3A_1792, %swap3A_1793], %swap3A_1796 {strides = array<i32>} : memref<8x128xf32, #tpu.memory_space<vmem>>, vector<1x16xf32>,
      %swap3A_1797 = arith.constant 1 : i32
      %swap3A_1798 = arith.index_cast %swap3A_1797 : i32 to index
      %swap3A_1799 = arith.constant 96 : index
      %swap3A_1800 = tpu.vector_load %arg6[%swap3A_1798, %swap3A_1799] {strides = array<i32>} : memref<8x128xf32, #tpu.memory_space<vmem>>, vector<1x16xf32>,
      %swap3A_1801 = vector.shape_cast %swap3A_1800 : vector<1x16xf32> to vector<16xf32>
      %swap3A_1802 = vector.shape_cast %get3A_1753 : vector<16xf32> to vector<1x16xf32>
      tpu.vector_store %arg6[%swap3A_1798, %swap3A_1799], %swap3A_1802 {strides = array<i32>} : memref<8x128xf32, #tpu.memory_space<vmem>>, vector<1x16xf32>,
      %swap3A_1803 = arith.constant 1 : i32
      %swap3A_1804 = arith.index_cast %swap3A_1803 : i32 to index
      %swap3A_1805 = arith.constant 112 : index
      %swap3A_1806 = tpu.vector_load %arg6[%swap3A_1804, %swap3A_1805] {strides = array<i32>} : memref<8x128xf32, #tpu.memory_space<vmem>>, vector<1x16xf32>,
      %swap3A_1807 = vector.shape_cast %swap3A_1806 : vector<1x16xf32> to vector<16xf32>
      %swap3A_1808 = vector.shape_cast %get3A_1760 : vector<16xf32> to vector<1x16xf32>
      tpu.vector_store %arg6[%swap3A_1804, %swap3A_1805], %swap3A_1808 {strides = array<i32>} : memref<8x128xf32, #tpu.memory_space<vmem>>, vector<1x16xf32>,
      %sub3A_1809 = arith.constant 2 : i32
      %sub3A_1810 = arith.subi %mul3A_1600, %sub3A_1809 : i32
      %add3A_1811 = arith.constant 0 : i32
      %add3A_1812 = arith.addi %sub3A_1810, %add3A_1811 : i32
      %get3A_1813 = arith.index_cast %add3A_1812 : i32 to index
      %get3A_1814 = tpu.vector_load %arg4[%get3A_1813] {strides = array<i32>} : memref<4112xf32, #tpu.memory_space<vmem>>, vector<16xf32>,
      %get3A_1815 = vector.shape_cast %get3A_1814 : vector<16xf32> to vector<16xf32>
      %sub3A_1816 = arith.constant 2 : i32
      %sub3A_1817 = arith.subi %mul3A_1600, %sub3A_1816 : i32
      %add3A_1818 = arith.constant 16 : i32
      %add3A_1819 = arith.addi %sub3A_1817, %add3A_1818 : i32
      %get3A_1820 = arith.index_cast %add3A_1819 : i32 to index
      %get3A_1821 = tpu.vector_load %arg4[%get3A_1820] {strides = array<i32>} : memref<4112xf32, #tpu.memory_space<vmem>>, vector<16xf32>,
      %get3A_1822 = vector.shape_cast %get3A_1821 : vector<16xf32> to vector<16xf32>
      %sub3A_1823 = arith.constant 2 : i32
      %sub3A_1824 = arith.subi %mul3A_1600, %sub3A_1823 : i32
      %add3A_1825 = arith.constant 32 : i32
      %add3A_1826 = arith.addi %sub3A_1824, %add3A_1825 : i32
      %get3A_1827 = arith.index_cast %add3A_1826 : i32 to index
      %get3A_1828 = tpu.vector_load %arg4[%get3A_1827] {strides = array<i32>} : memref<4112xf32, #tpu.memory_space<vmem>>, vector<16xf32>,
      %get3A_1829 = vector.shape_cast %get3A_1828 : vector<16xf32> to vector<16xf32>
      %sub3A_1830 = arith.constant 2 : i32
      %sub3A_1831 = arith.subi %mul3A_1600, %sub3A_1830 : i32
      %add3A_1832 = arith.constant 48 : i32
      %add3A_1833 = arith.addi %sub3A_1831, %add3A_1832 : i32
      %get3A_1834 = arith.index_cast %add3A_1833 : i32 to index
      %get3A_1835 = tpu.vector_load %arg4[%get3A_1834] {strides = array<i32>} : memref<4112xf32, #tpu.memory_space<vmem>>, vector<16xf32>,
      %get3A_1836 = vector.shape_cast %get3A_1835 : vector<16xf32> to vector<16xf32>
      %sub3A_1837 = arith.constant 2 : i32
      %sub3A_1838 = arith.subi %mul3A_1600, %sub3A_1837 : i32
      %add3A_1839 = arith.constant 64 : i32
      %add3A_1840 = arith.addi %sub3A_1838, %add3A_1839 : i32
      %get3A_1841 = arith.index_cast %add3A_1840 : i32 to index
      %get3A_1842 = tpu.vector_load %arg4[%get3A_1841] {strides = array<i32>} : memref<4112xf32, #tpu.memory_space<vmem>>, vector<16xf32>,
      %get3A_1843 = vector.shape_cast %get3A_1842 : vector<16xf32> to vector<16xf32>
      %sub3A_1844 = arith.constant 2 : i32
      %sub3A_1845 = arith.subi %mul3A_1600, %sub3A_1844 : i32
      %add3A_1846 = arith.constant 80 : i32
      %add3A_1847 = arith.addi %sub3A_1845, %add3A_1846 : i32
      %get3A_1848 = arith.index_cast %add3A_1847 : i32 to index
      %get3A_1849 = tpu.vector_load %arg4[%get3A_1848] {strides = array<i32>} : memref<4112xf32, #tpu.memory_space<vmem>>, vector<16xf32>,
      %get3A_1850 = vector.shape_cast %get3A_1849 : vector<16xf32> to vector<16xf32>
      %sub3A_1851 = arith.constant 2 : i32
      %sub3A_1852 = arith.subi %mul3A_1600, %sub3A_1851 : i32
      %add3A_1853 = arith.constant 96 : i32
      %add3A_1854 = arith.addi %sub3A_1852, %add3A_1853 : i32
      %get3A_1855 = arith.index_cast %add3A_1854 : i32 to index
      %get3A_1856 = tpu.vector_load %arg4[%get3A_1855] {strides = array<i32>} : memref<4112xf32, #tpu.memory_space<vmem>>, vector<16xf32>,
      %get3A_1857 = vector.shape_cast %get3A_1856 : vector<16xf32> to vector<16xf32>
      %sub3A_1858 = arith.constant 2 : i32
      %sub3A_1859 = arith.subi %mul3A_1600, %sub3A_1858 : i32
      %add3A_1860 = arith.constant 112 : i32
      %add3A_1861 = arith.addi %sub3A_1859, %add3A_1860 : i32
      %get3A_1862 = arith.index_cast %add3A_1861 : i32 to index
      %get3A_1863 = tpu.vector_load %arg4[%get3A_1862] {strides = array<i32>} : memref<4112xf32, #tpu.memory_space<vmem>>, vector<16xf32>,
      %get3A_1864 = vector.shape_cast %get3A_1863 : vector<16xf32> to vector<16xf32>
      %swap3A_1865 = arith.constant 2 : i32
      %swap3A_1866 = arith.index_cast %swap3A_1865 : i32 to index
      %swap3A_1867 = arith.constant 0 : index
      %swap3A_1868 = tpu.vector_load %arg6[%swap3A_1866, %swap3A_1867] {strides = array<i32>} : memref<8x128xf32, #tpu.memory_space<vmem>>, vector<1x16xf32>,
      %swap3A_1869 = vector.shape_cast %swap3A_1868 : vector<1x16xf32> to vector<16xf32>
      %swap3A_1870 = vector.shape_cast %get3A_1815 : vector<16xf32> to vector<1x16xf32>
      tpu.vector_store %arg6[%swap3A_1866, %swap3A_1867], %swap3A_1870 {strides = array<i32>} : memref<8x128xf32, #tpu.memory_space<vmem>>, vector<1x16xf32>,
      %swap3A_1871 = arith.constant 2 : i32
      %swap3A_1872 = arith.index_cast %swap3A_1871 : i32 to index
      %swap3A_1873 = arith.constant 16 : index
      %swap3A_1874 = tpu.vector_load %arg6[%swap3A_1872, %swap3A_1873] {strides = array<i32>} : memref<8x128xf32, #tpu.memory_space<vmem>>, vector<1x16xf32>,
      %swap3A_1875 = vector.shape_cast %swap3A_1874 : vector<1x16xf32> to vector<16xf32>
      %swap3A_1876 = vector.shape_cast %get3A_1822 : vector<16xf32> to vector<1x16xf32>
      tpu.vector_store %arg6[%swap3A_1872, %swap3A_1873], %swap3A_1876 {strides = array<i32>} : memref<8x128xf32, #tpu.memory_space<vmem>>, vector<1x16xf32>,
      %swap3A_1877 = arith.constant 2 : i32
      %swap3A_1878 = arith.index_cast %swap3A_1877 : i32 to index
      %swap3A_1879 = arith.constant 32 : index
      %swap3A_1880 = tpu.vector_load %arg6[%swap3A_1878, %swap3A_1879] {strides = array<i32>} : memref<8x128xf32, #tpu.memory_space<vmem>>, vector<1x16xf32>,
      %swap3A_1881 = vector.shape_cast %swap3A_1880 : vector<1x16xf32> to vector<16xf32>
      %swap3A_1882 = vector.shape_cast %get3A_1829 : vector<16xf32> to vector<1x16xf32>
      tpu.vector_store %arg6[%swap3A_1878, %swap3A_1879], %swap3A_1882 {strides = array<i32>} : memref<8x128xf32, #tpu.memory_space<vmem>>, vector<1x16xf32>,
      %swap3A_1883 = arith.constant 2 : i32
      %swap3A_1884 = arith.index_cast %swap3A_1883 : i32 to index
      %swap3A_1885 = arith.constant 48 : index
      %swap3A_1886 = tpu.vector_load %arg6[%swap3A_1884, %swap3A_1885] {strides = array<i32>} : memref<8x128xf32, #tpu.memory_space<vmem>>, vector<1x16xf32>,
      %swap3A_1887 = vector.shape_cast %swap3A_1886 : vector<1x16xf32> to vector<16xf32>
      %swap3A_1888 = vector.shape_cast %get3A_1836 : vector<16xf32> to vector<1x16xf32>
      tpu.vector_store %arg6[%swap3A_1884, %swap3A_1885], %swap3A_1888 {strides = array<i32>} : memref<8x128xf32, #tpu.memory_space<vmem>>, vector<1x16xf32>,
      %swap3A_1889 = arith.constant 2 : i32
      %swap3A_1890 = arith.index_cast %swap3A_1889 : i32 to index
      %swap3A_1891 = arith.constant 64 : index
      %swap3A_1892 = tpu.vector_load %arg6[%swap3A_1890, %swap3A_1891] {strides = array<i32>} : memref<8x128xf32, #tpu.memory_space<vmem>>, vector<1x16xf32>,
      %swap3A_1893 = vector.shape_cast %swap3A_1892 : vector<1x16xf32> to vector<16xf32>
      %swap3A_1894 = vector.shape_cast %get3A_1843 : vector<16xf32> to vector<1x16xf32>
      tpu.vector_store %arg6[%swap3A_1890, %swap3A_1891], %swap3A_1894 {strides = array<i32>} : memref<8x128xf32, #tpu.memory_space<vmem>>, vector<1x16xf32>,
      %swap3A_1895 = arith.constant 2 : i32
      %swap3A_1896 = arith.index_cast %swap3A_1895 : i32 to index
      %swap3A_1897 = arith.constant 80 : index
      %swap3A_1898 = tpu.vector_load %arg6[%swap3A_1896, %swap3A_1897] {strides = array<i32>} : memref<8x128xf32, #tpu.memory_space<vmem>>, vector<1x16xf32>,
      %swap3A_1899 = vector.shape_cast %swap3A_1898 : vector<1x16xf32> to vector<16xf32>
      %swap3A_1900 = vector.shape_cast %get3A_1850 : vector<16xf32> to vector<1x16xf32>
      tpu.vector_store %arg6[%swap3A_1896, %swap3A_1897], %swap3A_1900 {strides = array<i32>} : memref<8x128xf32, #tpu.memory_space<vmem>>, vector<1x16xf32>,
      %swap3A_1901 = arith.constant 2 : i32
      %swap3A_1902 = arith.index_cast %swap3A_1901 : i32 to index
      %swap3A_1903 = arith.constant 96 : index
      %swap3A_1904 = tpu.vector_load %arg6[%swap3A_1902, %swap3A_1903] {strides = array<i32>} : memref<8x128xf32, #tpu.memory_space<vmem>>, vector<1x16xf32>,
      %swap3A_1905 = vector.shape_cast %swap3A_1904 : vector<1x16xf32> to vector<16xf32>
      %swap3A_1906 = vector.shape_cast %get3A_1857 : vector<16xf32> to vector<1x16xf32>
      tpu.vector_store %arg6[%swap3A_1902, %swap3A_1903], %swap3A_1906 {strides = array<i32>} : memref<8x128xf32, #tpu.memory_space<vmem>>, vector<1x16xf32>,
      %swap3A_1907 = arith.constant 2 : i32
      %swap3A_1908 = arith.index_cast %swap3A_1907 : i32 to index
      %swap3A_1909 = arith.constant 112 : index
      %swap3A_1910 = tpu.vector_load %arg6[%swap3A_1908, %swap3A_1909] {strides = array<i32>} : memref<8x128xf32, #tpu.memory_space<vmem>>, vector<1x16xf32>,
      %swap3A_1911 = vector.shape_cast %swap3A_1910 : vector<1x16xf32> to vector<16xf32>
      %swap3A_1912 = vector.shape_cast %get3A_1864 : vector<16xf32> to vector<1x16xf32>
      tpu.vector_store %arg6[%swap3A_1908, %swap3A_1909], %swap3A_1912 {strides = array<i32>} : memref<8x128xf32, #tpu.memory_space<vmem>>, vector<1x16xf32>,
      %sub3A_1913 = arith.constant 3 : i32
      %sub3A_1914 = arith.subi %mul3A_1600, %sub3A_1913 : i32
      %add3A_1915 = arith.constant 0 : i32
      %add3A_1916 = arith.addi %sub3A_1914, %add3A_1915 : i32
      %get3A_1917 = arith.index_cast %add3A_1916 : i32 to index
      %get3A_1918 = tpu.vector_load %arg4[%get3A_1917] {strides = array<i32>} : memref<4112xf32, #tpu.memory_space<vmem>>, vector<16xf32>,
      %get3A_1919 = vector.shape_cast %get3A_1918 : vector<16xf32> to vector<16xf32>
      %sub3A_1920 = arith.constant 3 : i32
      %sub3A_1921 = arith.subi %mul3A_1600, %sub3A_1920 : i32
      %add3A_1922 = arith.constant 16 : i32
      %add3A_1923 = arith.addi %sub3A_1921, %add3A_1922 : i32
      %get3A_1924 = arith.index_cast %add3A_1923 : i32 to index
      %get3A_1925 = tpu.vector_load %arg4[%get3A_1924] {strides = array<i32>} : memref<4112xf32, #tpu.memory_space<vmem>>, vector<16xf32>,
      %get3A_1926 = vector.shape_cast %get3A_1925 : vector<16xf32> to vector<16xf32>
      %sub3A_1927 = arith.constant 3 : i32
      %sub3A_1928 = arith.subi %mul3A_1600, %sub3A_1927 : i32
      %add3A_1929 = arith.constant 32 : i32
      %add3A_1930 = arith.addi %sub3A_1928, %add3A_1929 : i32
      %get3A_1931 = arith.index_cast %add3A_1930 : i32 to index
      %get3A_1932 = tpu.vector_load %arg4[%get3A_1931] {strides = array<i32>} : memref<4112xf32, #tpu.memory_space<vmem>>, vector<16xf32>,
      %get3A_1933 = vector.shape_cast %get3A_1932 : vector<16xf32> to vector<16xf32>
      %sub3A_1934 = arith.constant 3 : i32
      %sub3A_1935 = arith.subi %mul3A_1600, %sub3A_1934 : i32
      %add3A_1936 = arith.constant 48 : i32
      %add3A_1937 = arith.addi %sub3A_1935, %add3A_1936 : i32
      %get3A_1938 = arith.index_cast %add3A_1937 : i32 to index
      %get3A_1939 = tpu.vector_load %arg4[%get3A_1938] {strides = array<i32>} : memref<4112xf32, #tpu.memory_space<vmem>>, vector<16xf32>,
      %get3A_1940 = vector.shape_cast %get3A_1939 : vector<16xf32> to vector<16xf32>
      %sub3A_1941 = arith.constant 3 : i32
      %sub3A_1942 = arith.subi %mul3A_1600, %sub3A_1941 : i32
      %add3A_1943 = arith.constant 64 : i32
      %add3A_1944 = arith.addi %sub3A_1942, %add3A_1943 : i32
      %get3A_1945 = arith.index_cast %add3A_1944 : i32 to index
      %get3A_1946 = tpu.vector_load %arg4[%get3A_1945] {strides = array<i32>} : memref<4112xf32, #tpu.memory_space<vmem>>, vector<16xf32>,
      %get3A_1947 = vector.shape_cast %get3A_1946 : vector<16xf32> to vector<16xf32>
      %sub3A_1948 = arith.constant 3 : i32
      %sub3A_1949 = arith.subi %mul3A_1600, %sub3A_1948 : i32
      %add3A_1950 = arith.constant 80 : i32
      %add3A_1951 = arith.addi %sub3A_1949, %add3A_1950 : i32
      %get3A_1952 = arith.index_cast %add3A_1951 : i32 to index
      %get3A_1953 = tpu.vector_load %arg4[%get3A_1952] {strides = array<i32>} : memref<4112xf32, #tpu.memory_space<vmem>>, vector<16xf32>,
      %get3A_1954 = vector.shape_cast %get3A_1953 : vector<16xf32> to vector<16xf32>
      %sub3A_1955 = arith.constant 3 : i32
      %sub3A_1956 = arith.subi %mul3A_1600, %sub3A_1955 : i32
      %add3A_1957 = arith.constant 96 : i32
      %add3A_1958 = arith.addi %sub3A_1956, %add3A_1957 : i32
      %get3A_1959 = arith.index_cast %add3A_1958 : i32 to index
      %get3A_1960 = tpu.vector_load %arg4[%get3A_1959] {strides = array<i32>} : memref<4112xf32, #tpu.memory_space<vmem>>, vector<16xf32>,
      %get3A_1961 = vector.shape_cast %get3A_1960 : vector<16xf32> to vector<16xf32>
      %sub3A_1962 = arith.constant 3 : i32
      %sub3A_1963 = arith.subi %mul3A_1600, %sub3A_1962 : i32
      %add3A_1964 = arith.constant 112 : i32
      %add3A_1965 = arith.addi %sub3A_1963, %add3A_1964 : i32
      %get3A_1966 = arith.index_cast %add3A_1965 : i32 to index
      %get3A_1967 = tpu.vector_load %arg4[%get3A_1966] {strides = array<i32>} : memref<4112xf32, #tpu.memory_space<vmem>>, vector<16xf32>,
      %get3A_1968 = vector.shape_cast %get3A_1967 : vector<16xf32> to vector<16xf32>
      %swap3A_1969 = arith.constant 3 : i32
      %swap3A_1970 = arith.index_cast %swap3A_1969 : i32 to index
      %swap3A_1971 = arith.constant 0 : index
      %swap3A_1972 = tpu.vector_load %arg6[%swap3A_1970, %swap3A_1971] {strides = array<i32>} : memref<8x128xf32, #tpu.memory_space<vmem>>, vector<1x16xf32>,
      %swap3A_1973 = vector.shape_cast %swap3A_1972 : vector<1x16xf32> to vector<16xf32>
      %swap3A_1974 = vector.shape_cast %get3A_1919 : vector<16xf32> to vector<1x16xf32>
      tpu.vector_store %arg6[%swap3A_1970, %swap3A_1971], %swap3A_1974 {strides = array<i32>} : memref<8x128xf32, #tpu.memory_space<vmem>>, vector<1x16xf32>,
      %swap3A_1975 = arith.constant 3 : i32
      %swap3A_1976 = arith.index_cast %swap3A_1975 : i32 to index
      %swap3A_1977 = arith.constant 16 : index
      %swap3A_1978 = tpu.vector_load %arg6[%swap3A_1976, %swap3A_1977] {strides = array<i32>} : memref<8x128xf32, #tpu.memory_space<vmem>>, vector<1x16xf32>,
      %swap3A_1979 = vector.shape_cast %swap3A_1978 : vector<1x16xf32> to vector<16xf32>
      %swap3A_1980 = vector.shape_cast %get3A_1926 : vector<16xf32> to vector<1x16xf32>
      tpu.vector_store %arg6[%swap3A_1976, %swap3A_1977], %swap3A_1980 {strides = array<i32>} : memref<8x128xf32, #tpu.memory_space<vmem>>, vector<1x16xf32>,
      %swap3A_1981 = arith.constant 3 : i32
      %swap3A_1982 = arith.index_cast %swap3A_1981 : i32 to index
      %swap3A_1983 = arith.constant 32 : index
      %swap3A_1984 = tpu.vector_load %arg6[%swap3A_1982, %swap3A_1983] {strides = array<i32>} : memref<8x128xf32, #tpu.memory_space<vmem>>, vector<1x16xf32>,
      %swap3A_1985 = vector.shape_cast %swap3A_1984 : vector<1x16xf32> to vector<16xf32>
      %swap3A_1986 = vector.shape_cast %get3A_1933 : vector<16xf32> to vector<1x16xf32>
      tpu.vector_store %arg6[%swap3A_1982, %swap3A_1983], %swap3A_1986 {strides = array<i32>} : memref<8x128xf32, #tpu.memory_space<vmem>>, vector<1x16xf32>,
      %swap3A_1987 = arith.constant 3 : i32
      %swap3A_1988 = arith.index_cast %swap3A_1987 : i32 to index
      %swap3A_1989 = arith.constant 48 : index
      %swap3A_1990 = tpu.vector_load %arg6[%swap3A_1988, %swap3A_1989] {strides = array<i32>} : memref<8x128xf32, #tpu.memory_space<vmem>>, vector<1x16xf32>,
      %swap3A_1991 = vector.shape_cast %swap3A_1990 : vector<1x16xf32> to vector<16xf32>
      %swap3A_1992 = vector.shape_cast %get3A_1940 : vector<16xf32> to vector<1x16xf32>
      tpu.vector_store %arg6[%swap3A_1988, %swap3A_1989], %swap3A_1992 {strides = array<i32>} : memref<8x128xf32, #tpu.memory_space<vmem>>, vector<1x16xf32>,
      %swap3A_1993 = arith.constant 3 : i32
      %swap3A_1994 = arith.index_cast %swap3A_1993 : i32 to index
      %swap3A_1995 = arith.constant 64 : index
      %swap3A_1996 = tpu.vector_load %arg6[%swap3A_1994, %swap3A_1995] {strides = array<i32>} : memref<8x128xf32, #tpu.memory_space<vmem>>, vector<1x16xf32>,
      %swap3A_1997 = vector.shape_cast %swap3A_1996 : vector<1x16xf32> to vector<16xf32>
      %swap3A_1998 = vector.shape_cast %get3A_1947 : vector<16xf32> to vector<1x16xf32>
      tpu.vector_store %arg6[%swap3A_1994, %swap3A_1995], %swap3A_1998 {strides = array<i32>} : memref<8x128xf32, #tpu.memory_space<vmem>>, vector<1x16xf32>,
      %swap3A_1999 = arith.constant 3 : i32
      %swap3A_2000 = arith.index_cast %swap3A_1999 : i32 to index
      %swap3A_2001 = arith.constant 80 : index
      %swap3A_2002 = tpu.vector_load %arg6[%swap3A_2000, %swap3A_2001] {strides = array<i32>} : memref<8x128xf32, #tpu.memory_space<vmem>>, vector<1x16xf32>,
      %swap3A_2003 = vector.shape_cast %swap3A_2002 : vector<1x16xf32> to vector<16xf32>
      %swap3A_2004 = vector.shape_cast %get3A_1954 : vector<16xf32> to vector<1x16xf32>
      tpu.vector_store %arg6[%swap3A_2000, %swap3A_2001], %swap3A_2004 {strides = array<i32>} : memref<8x128xf32, #tpu.memory_space<vmem>>, vector<1x16xf32>,
      %swap3A_2005 = arith.constant 3 : i32
      %swap3A_2006 = arith.index_cast %swap3A_2005 : i32 to index
      %swap3A_2007 = arith.constant 96 : index
      %swap3A_2008 = tpu.vector_load %arg6[%swap3A_2006, %swap3A_2007] {strides = array<i32>} : memref<8x128xf32, #tpu.memory_space<vmem>>, vector<1x16xf32>,
      %swap3A_2009 = vector.shape_cast %swap3A_2008 : vector<1x16xf32> to vector<16xf32>
      %swap3A_2010 = vector.shape_cast %get3A_1961 : vector<16xf32> to vector<1x16xf32>
      tpu.vector_store %arg6[%swap3A_2006, %swap3A_2007], %swap3A_2010 {strides = array<i32>} : memref<8x128xf32, #tpu.memory_space<vmem>>, vector<1x16xf32>,
      %swap3A_2011 = arith.constant 3 : i32
      %swap3A_2012 = arith.index_cast %swap3A_2011 : i32 to index
      %swap3A_2013 = arith.constant 112 : index
      %swap3A_2014 = tpu.vector_load %arg6[%swap3A_2012, %swap3A_2013] {strides = array<i32>} : memref<8x128xf32, #tpu.memory_space<vmem>>, vector<1x16xf32>,
      %swap3A_2015 = vector.shape_cast %swap3A_2014 : vector<1x16xf32> to vector<16xf32>
      %swap3A_2016 = vector.shape_cast %get3A_1968 : vector<16xf32> to vector<1x16xf32>
      tpu.vector_store %arg6[%swap3A_2012, %swap3A_2013], %swap3A_2016 {strides = array<i32>} : memref<8x128xf32, #tpu.memory_space<vmem>>, vector<1x16xf32>,
      %sub3A_2017 = arith.constant 4 : i32
      %sub3A_2018 = arith.subi %mul3A_1600, %sub3A_2017 : i32
      %add3A_2019 = arith.constant 0 : i32
      %add3A_2020 = arith.addi %sub3A_2018, %add3A_2019 : i32
      %get3A_2021 = arith.index_cast %add3A_2020 : i32 to index
      %get3A_2022 = tpu.vector_load %arg4[%get3A_2021] {strides = array<i32>} : memref<4112xf32, #tpu.memory_space<vmem>>, vector<16xf32>,
      %get3A_2023 = vector.shape_cast %get3A_2022 : vector<16xf32> to vector<16xf32>
      %sub3A_2024 = arith.constant 4 : i32
      %sub3A_2025 = arith.subi %mul3A_1600, %sub3A_2024 : i32
      %add3A_2026 = arith.constant 16 : i32
      %add3A_2027 = arith.addi %sub3A_2025, %add3A_2026 : i32
      %get3A_2028 = arith.index_cast %add3A_2027 : i32 to index
      %get3A_2029 = tpu.vector_load %arg4[%get3A_2028] {strides = array<i32>} : memref<4112xf32, #tpu.memory_space<vmem>>, vector<16xf32>,
      %get3A_2030 = vector.shape_cast %get3A_2029 : vector<16xf32> to vector<16xf32>
      %sub3A_2031 = arith.constant 4 : i32
      %sub3A_2032 = arith.subi %mul3A_1600, %sub3A_2031 : i32
      %add3A_2033 = arith.constant 32 : i32
      %add3A_2034 = arith.addi %sub3A_2032, %add3A_2033 : i32
      %get3A_2035 = arith.index_cast %add3A_2034 : i32 to index
      %get3A_2036 = tpu.vector_load %arg4[%get3A_2035] {strides = array<i32>} : memref<4112xf32, #tpu.memory_space<vmem>>, vector<16xf32>,
      %get3A_2037 = vector.shape_cast %get3A_2036 : vector<16xf32> to vector<16xf32>
      %sub3A_2038 = arith.constant 4 : i32
      %sub3A_2039 = arith.subi %mul3A_1600, %sub3A_2038 : i32
      %add3A_2040 = arith.constant 48 : i32
      %add3A_2041 = arith.addi %sub3A_2039, %add3A_2040 : i32
      %get3A_2042 = arith.index_cast %add3A_2041 : i32 to index
      %get3A_2043 = tpu.vector_load %arg4[%get3A_2042] {strides = array<i32>} : memref<4112xf32, #tpu.memory_space<vmem>>, vector<16xf32>,
      %get3A_2044 = vector.shape_cast %get3A_2043 : vector<16xf32> to vector<16xf32>
      %sub3A_2045 = arith.constant 4 : i32
      %sub3A_2046 = arith.subi %mul3A_1600, %sub3A_2045 : i32
      %add3A_2047 = arith.constant 64 : i32
      %add3A_2048 = arith.addi %sub3A_2046, %add3A_2047 : i32
      %get3A_2049 = arith.index_cast %add3A_2048 : i32 to index
      %get3A_2050 = tpu.vector_load %arg4[%get3A_2049] {strides = array<i32>} : memref<4112xf32, #tpu.memory_space<vmem>>, vector<16xf32>,
      %get3A_2051 = vector.shape_cast %get3A_2050 : vector<16xf32> to vector<16xf32>
      %sub3A_2052 = arith.constant 4 : i32
      %sub3A_2053 = arith.subi %mul3A_1600, %sub3A_2052 : i32
      %add3A_2054 = arith.constant 80 : i32
      %add3A_2055 = arith.addi %sub3A_2053, %add3A_2054 : i32
      %get3A_2056 = arith.index_cast %add3A_2055 : i32 to index
      %get3A_2057 = tpu.vector_load %arg4[%get3A_2056] {strides = array<i32>} : memref<4112xf32, #tpu.memory_space<vmem>>, vector<16xf32>,
      %get3A_2058 = vector.shape_cast %get3A_2057 : vector<16xf32> to vector<16xf32>
      %sub3A_2059 = arith.constant 4 : i32
      %sub3A_2060 = arith.subi %mul3A_1600, %sub3A_2059 : i32
      %add3A_2061 = arith.constant 96 : i32
      %add3A_2062 = arith.addi %sub3A_2060, %add3A_2061 : i32
      %get3A_2063 = arith.index_cast %add3A_2062 : i32 to index
      %get3A_2064 = tpu.vector_load %arg4[%get3A_2063] {strides = array<i32>} : memref<4112xf32, #tpu.memory_space<vmem>>, vector<16xf32>,
      %get3A_2065 = vector.shape_cast %get3A_2064 : vector<16xf32> to vector<16xf32>
      %sub3A_2066 = arith.constant 4 : i32
      %sub3A_2067 = arith.subi %mul3A_1600, %sub3A_2066 : i32
      %add3A_2068 = arith.constant 112 : i32
      %add3A_2069 = arith.addi %sub3A_2067, %add3A_2068 : i32
      %get3A_2070 = arith.index_cast %add3A_2069 : i32 to index
      %get3A_2071 = tpu.vector_load %arg4[%get3A_2070] {strides = array<i32>} : memref<4112xf32, #tpu.memory_space<vmem>>, vector<16xf32>,
      %get3A_2072 = vector.shape_cast %get3A_2071 : vector<16xf32> to vector<16xf32>
      %swap3A_2073 = arith.constant 4 : i32
      %swap3A_2074 = arith.index_cast %swap3A_2073 : i32 to index
      %swap3A_2075 = arith.constant 0 : index
      %swap3A_2076 = tpu.vector_load %arg6[%swap3A_2074, %swap3A_2075] {strides = array<i32>} : memref<8x128xf32, #tpu.memory_space<vmem>>, vector<1x16xf32>,
      %swap3A_2077 = vector.shape_cast %swap3A_2076 : vector<1x16xf32> to vector<16xf32>
      %swap3A_2078 = vector.shape_cast %get3A_2023 : vector<16xf32> to vector<1x16xf32>
      tpu.vector_store %arg6[%swap3A_2074, %swap3A_2075], %swap3A_2078 {strides = array<i32>} : memref<8x128xf32, #tpu.memory_space<vmem>>, vector<1x16xf32>,
      %swap3A_2079 = arith.constant 4 : i32
      %swap3A_2080 = arith.index_cast %swap3A_2079 : i32 to index
      %swap3A_2081 = arith.constant 16 : index
      %swap3A_2082 = tpu.vector_load %arg6[%swap3A_2080, %swap3A_2081] {strides = array<i32>} : memref<8x128xf32, #tpu.memory_space<vmem>>, vector<1x16xf32>,
      %swap3A_2083 = vector.shape_cast %swap3A_2082 : vector<1x16xf32> to vector<16xf32>
      %swap3A_2084 = vector.shape_cast %get3A_2030 : vector<16xf32> to vector<1x16xf32>
      tpu.vector_store %arg6[%swap3A_2080, %swap3A_2081], %swap3A_2084 {strides = array<i32>} : memref<8x128xf32, #tpu.memory_space<vmem>>, vector<1x16xf32>,
      %swap3A_2085 = arith.constant 4 : i32
      %swap3A_2086 = arith.index_cast %swap3A_2085 : i32 to index
      %swap3A_2087 = arith.constant 32 : index
      %swap3A_2088 = tpu.vector_load %arg6[%swap3A_2086, %swap3A_2087] {strides = array<i32>} : memref<8x128xf32, #tpu.memory_space<vmem>>, vector<1x16xf32>,
      %swap3A_2089 = vector.shape_cast %swap3A_2088 : vector<1x16xf32> to vector<16xf32>
      %swap3A_2090 = vector.shape_cast %get3A_2037 : vector<16xf32> to vector<1x16xf32>
      tpu.vector_store %arg6[%swap3A_2086, %swap3A_2087], %swap3A_2090 {strides = array<i32>} : memref<8x128xf32, #tpu.memory_space<vmem>>, vector<1x16xf32>,
      %swap3A_2091 = arith.constant 4 : i32
      %swap3A_2092 = arith.index_cast %swap3A_2091 : i32 to index
      %swap3A_2093 = arith.constant 48 : index
      %swap3A_2094 = tpu.vector_load %arg6[%swap3A_2092, %swap3A_2093] {strides = array<i32>} : memref<8x128xf32, #tpu.memory_space<vmem>>, vector<1x16xf32>,
      %swap3A_2095 = vector.shape_cast %swap3A_2094 : vector<1x16xf32> to vector<16xf32>
      %swap3A_2096 = vector.shape_cast %get3A_2044 : vector<16xf32> to vector<1x16xf32>
      tpu.vector_store %arg6[%swap3A_2092, %swap3A_2093], %swap3A_2096 {strides = array<i32>} : memref<8x128xf32, #tpu.memory_space<vmem>>, vector<1x16xf32>,
      %swap3A_2097 = arith.constant 4 : i32
      %swap3A_2098 = arith.index_cast %swap3A_2097 : i32 to index
      %swap3A_2099 = arith.constant 64 : index
      %swap3A_2100 = tpu.vector_load %arg6[%swap3A_2098, %swap3A_2099] {strides = array<i32>} : memref<8x128xf32, #tpu.memory_space<vmem>>, vector<1x16xf32>,
      %swap3A_2101 = vector.shape_cast %swap3A_2100 : vector<1x16xf32> to vector<16xf32>
      %swap3A_2102 = vector.shape_cast %get3A_2051 : vector<16xf32> to vector<1x16xf32>
      tpu.vector_store %arg6[%swap3A_2098, %swap3A_2099], %swap3A_2102 {strides = array<i32>} : memref<8x128xf32, #tpu.memory_space<vmem>>, vector<1x16xf32>,
      %swap3A_2103 = arith.constant 4 : i32
      %swap3A_2104 = arith.index_cast %swap3A_2103 : i32 to index
      %swap3A_2105 = arith.constant 80 : index
      %swap3A_2106 = tpu.vector_load %arg6[%swap3A_2104, %swap3A_2105] {strides = array<i32>} : memref<8x128xf32, #tpu.memory_space<vmem>>, vector<1x16xf32>,
      %swap3A_2107 = vector.shape_cast %swap3A_2106 : vector<1x16xf32> to vector<16xf32>
      %swap3A_2108 = vector.shape_cast %get3A_2058 : vector<16xf32> to vector<1x16xf32>
      tpu.vector_store %arg6[%swap3A_2104, %swap3A_2105], %swap3A_2108 {strides = array<i32>} : memref<8x128xf32, #tpu.memory_space<vmem>>, vector<1x16xf32>,
      %swap3A_2109 = arith.constant 4 : i32
      %swap3A_2110 = arith.index_cast %swap3A_2109 : i32 to index
      %swap3A_2111 = arith.constant 96 : index
      %swap3A_2112 = tpu.vector_load %arg6[%swap3A_2110, %swap3A_2111] {strides = array<i32>} : memref<8x128xf32, #tpu.memory_space<vmem>>, vector<1x16xf32>,
      %swap3A_2113 = vector.shape_cast %swap3A_2112 : vector<1x16xf32> to vector<16xf32>
      %swap3A_2114 = vector.shape_cast %get3A_2065 : vector<16xf32> to vector<1x16xf32>
      tpu.vector_store %arg6[%swap3A_2110, %swap3A_2111], %swap3A_2114 {strides = array<i32>} : memref<8x128xf32, #tpu.memory_space<vmem>>, vector<1x16xf32>,
      %swap3A_2115 = arith.constant 4 : i32
      %swap3A_2116 = arith.index_cast %swap3A_2115 : i32 to index
      %swap3A_2117 = arith.constant 112 : index
      %swap3A_2118 = tpu.vector_load %arg6[%swap3A_2116, %swap3A_2117] {strides = array<i32>} : memref<8x128xf32, #tpu.memory_space<vmem>>, vector<1x16xf32>,
      %swap3A_2119 = vector.shape_cast %swap3A_2118 : vector<1x16xf32> to vector<16xf32>
      %swap3A_2120 = vector.shape_cast %get3A_2072 : vector<16xf32> to vector<1x16xf32>
      tpu.vector_store %arg6[%swap3A_2116, %swap3A_2117], %swap3A_2120 {strides = array<i32>} : memref<8x128xf32, #tpu.memory_space<vmem>>, vector<1x16xf32>,
      %sub3A_2121 = arith.constant 5 : i32
      %sub3A_2122 = arith.subi %mul3A_1600, %sub3A_2121 : i32
      %add3A_2123 = arith.constant 0 : i32
      %add3A_2124 = arith.addi %sub3A_2122, %add3A_2123 : i32
      %get3A_2125 = arith.index_cast %add3A_2124 : i32 to index
      %get3A_2126 = tpu.vector_load %arg4[%get3A_2125] {strides = array<i32>} : memref<4112xf32, #tpu.memory_space<vmem>>, vector<16xf32>,
      %get3A_2127 = vector.shape_cast %get3A_2126 : vector<16xf32> to vector<16xf32>
      %sub3A_2128 = arith.constant 5 : i32
      %sub3A_2129 = arith.subi %mul3A_1600, %sub3A_2128 : i32
      %add3A_2130 = arith.constant 16 : i32
      %add3A_2131 = arith.addi %sub3A_2129, %add3A_2130 : i32
      %get3A_2132 = arith.index_cast %add3A_2131 : i32 to index
      %get3A_2133 = tpu.vector_load %arg4[%get3A_2132] {strides = array<i32>} : memref<4112xf32, #tpu.memory_space<vmem>>, vector<16xf32>,
      %get3A_2134 = vector.shape_cast %get3A_2133 : vector<16xf32> to vector<16xf32>
      %sub3A_2135 = arith.constant 5 : i32
      %sub3A_2136 = arith.subi %mul3A_1600, %sub3A_2135 : i32
      %add3A_2137 = arith.constant 32 : i32
      %add3A_2138 = arith.addi %sub3A_2136, %add3A_2137 : i32
      %get3A_2139 = arith.index_cast %add3A_2138 : i32 to index
      %get3A_2140 = tpu.vector_load %arg4[%get3A_2139] {strides = array<i32>} : memref<4112xf32, #tpu.memory_space<vmem>>, vector<16xf32>,
      %get3A_2141 = vector.shape_cast %get3A_2140 : vector<16xf32> to vector<16xf32>
      %sub3A_2142 = arith.constant 5 : i32
      %sub3A_2143 = arith.subi %mul3A_1600, %sub3A_2142 : i32
      %add3A_2144 = arith.constant 48 : i32
      %add3A_2145 = arith.addi %sub3A_2143, %add3A_2144 : i32
      %get3A_2146 = arith.index_cast %add3A_2145 : i32 to index
      %get3A_2147 = tpu.vector_load %arg4[%get3A_2146] {strides = array<i32>} : memref<4112xf32, #tpu.memory_space<vmem>>, vector<16xf32>,
      %get3A_2148 = vector.shape_cast %get3A_2147 : vector<16xf32> to vector<16xf32>
      %sub3A_2149 = arith.constant 5 : i32
      %sub3A_2150 = arith.subi %mul3A_1600, %sub3A_2149 : i32
      %add3A_2151 = arith.constant 64 : i32
      %add3A_2152 = arith.addi %sub3A_2150, %add3A_2151 : i32
      %get3A_2153 = arith.index_cast %add3A_2152 : i32 to index
      %get3A_2154 = tpu.vector_load %arg4[%get3A_2153] {strides = array<i32>} : memref<4112xf32, #tpu.memory_space<vmem>>, vector<16xf32>,
      %get3A_2155 = vector.shape_cast %get3A_2154 : vector<16xf32> to vector<16xf32>
      %sub3A_2156 = arith.constant 5 : i32
      %sub3A_2157 = arith.subi %mul3A_1600, %sub3A_2156 : i32
      %add3A_2158 = arith.constant 80 : i32
      %add3A_2159 = arith.addi %sub3A_2157, %add3A_2158 : i32
      %get3A_2160 = arith.index_cast %add3A_2159 : i32 to index
      %get3A_2161 = tpu.vector_load %arg4[%get3A_2160] {strides = array<i32>} : memref<4112xf32, #tpu.memory_space<vmem>>, vector<16xf32>,
      %get3A_2162 = vector.shape_cast %get3A_2161 : vector<16xf32> to vector<16xf32>
      %sub3A_2163 = arith.constant 5 : i32
      %sub3A_2164 = arith.subi %mul3A_1600, %sub3A_2163 : i32
      %add3A_2165 = arith.constant 96 : i32
      %add3A_2166 = arith.addi %sub3A_2164, %add3A_2165 : i32
      %get3A_2167 = arith.index_cast %add3A_2166 : i32 to index
      %get3A_2168 = tpu.vector_load %arg4[%get3A_2167] {strides = array<i32>} : memref<4112xf32, #tpu.memory_space<vmem>>, vector<16xf32>,
      %get3A_2169 = vector.shape_cast %get3A_2168 : vector<16xf32> to vector<16xf32>
      %sub3A_2170 = arith.constant 5 : i32
      %sub3A_2171 = arith.subi %mul3A_1600, %sub3A_2170 : i32
      %add3A_2172 = arith.constant 112 : i32
      %add3A_2173 = arith.addi %sub3A_2171, %add3A_2172 : i32
      %get3A_2174 = arith.index_cast %add3A_2173 : i32 to index
      %get3A_2175 = tpu.vector_load %arg4[%get3A_2174] {strides = array<i32>} : memref<4112xf32, #tpu.memory_space<vmem>>, vector<16xf32>,
      %get3A_2176 = vector.shape_cast %get3A_2175 : vector<16xf32> to vector<16xf32>
      %swap3A_2177 = arith.constant 5 : i32
      %swap3A_2178 = arith.index_cast %swap3A_2177 : i32 to index
      %swap3A_2179 = arith.constant 0 : index
      %swap3A_2180 = tpu.vector_load %arg6[%swap3A_2178, %swap3A_2179] {strides = array<i32>} : memref<8x128xf32, #tpu.memory_space<vmem>>, vector<1x16xf32>,
      %swap3A_2181 = vector.shape_cast %swap3A_2180 : vector<1x16xf32> to vector<16xf32>
      %swap3A_2182 = vector.shape_cast %get3A_2127 : vector<16xf32> to vector<1x16xf32>
      tpu.vector_store %arg6[%swap3A_2178, %swap3A_2179], %swap3A_2182 {strides = array<i32>} : memref<8x128xf32, #tpu.memory_space<vmem>>, vector<1x16xf32>,
      %swap3A_2183 = arith.constant 5 : i32
      %swap3A_2184 = arith.index_cast %swap3A_2183 : i32 to index
      %swap3A_2185 = arith.constant 16 : index
      %swap3A_2186 = tpu.vector_load %arg6[%swap3A_2184, %swap3A_2185] {strides = array<i32>} : memref<8x128xf32, #tpu.memory_space<vmem>>, vector<1x16xf32>,
      %swap3A_2187 = vector.shape_cast %swap3A_2186 : vector<1x16xf32> to vector<16xf32>
      %swap3A_2188 = vector.shape_cast %get3A_2134 : vector<16xf32> to vector<1x16xf32>
      tpu.vector_store %arg6[%swap3A_2184, %swap3A_2185], %swap3A_2188 {strides = array<i32>} : memref<8x128xf32, #tpu.memory_space<vmem>>, vector<1x16xf32>,
      %swap3A_2189 = arith.constant 5 : i32
      %swap3A_2190 = arith.index_cast %swap3A_2189 : i32 to index
      %swap3A_2191 = arith.constant 32 : index
      %swap3A_2192 = tpu.vector_load %arg6[%swap3A_2190, %swap3A_2191] {strides = array<i32>} : memref<8x128xf32, #tpu.memory_space<vmem>>, vector<1x16xf32>,
      %swap3A_2193 = vector.shape_cast %swap3A_2192 : vector<1x16xf32> to vector<16xf32>
      %swap3A_2194 = vector.shape_cast %get3A_2141 : vector<16xf32> to vector<1x16xf32>
      tpu.vector_store %arg6[%swap3A_2190, %swap3A_2191], %swap3A_2194 {strides = array<i32>} : memref<8x128xf32, #tpu.memory_space<vmem>>, vector<1x16xf32>,
      %swap3A_2195 = arith.constant 5 : i32
      %swap3A_2196 = arith.index_cast %swap3A_2195 : i32 to index
      %swap3A_2197 = arith.constant 48 : index
      %swap3A_2198 = tpu.vector_load %arg6[%swap3A_2196, %swap3A_2197] {strides = array<i32>} : memref<8x128xf32, #tpu.memory_space<vmem>>, vector<1x16xf32>,
      %swap3A_2199 = vector.shape_cast %swap3A_2198 : vector<1x16xf32> to vector<16xf32>
      %swap3A_2200 = vector.shape_cast %get3A_2148 : vector<16xf32> to vector<1x16xf32>
      tpu.vector_store %arg6[%swap3A_2196, %swap3A_2197], %swap3A_2200 {strides = array<i32>} : memref<8x128xf32, #tpu.memory_space<vmem>>, vector<1x16xf32>,
      %swap3A_2201 = arith.constant 5 : i32
      %swap3A_2202 = arith.index_cast %swap3A_2201 : i32 to index
      %swap3A_2203 = arith.constant 64 : index
      %swap3A_2204 = tpu.vector_load %arg6[%swap3A_2202, %swap3A_2203] {strides = array<i32>} : memref<8x128xf32, #tpu.memory_space<vmem>>, vector<1x16xf32>,
      %swap3A_2205 = vector.shape_cast %swap3A_2204 : vector<1x16xf32> to vector<16xf32>
      %swap3A_2206 = vector.shape_cast %get3A_2155 : vector<16xf32> to vector<1x16xf32>
      tpu.vector_store %arg6[%swap3A_2202, %swap3A_2203], %swap3A_2206 {strides = array<i32>} : memref<8x128xf32, #tpu.memory_space<vmem>>, vector<1x16xf32>,
      %swap3A_2207 = arith.constant 5 : i32
      %swap3A_2208 = arith.index_cast %swap3A_2207 : i32 to index
      %swap3A_2209 = arith.constant 80 : index
      %swap3A_2210 = tpu.vector_load %arg6[%swap3A_2208, %swap3A_2209] {strides = array<i32>} : memref<8x128xf32, #tpu.memory_space<vmem>>, vector<1x16xf32>,
      %swap3A_2211 = vector.shape_cast %swap3A_2210 : vector<1x16xf32> to vector<16xf32>
      %swap3A_2212 = vector.shape_cast %get3A_2162 : vector<16xf32> to vector<1x16xf32>
      tpu.vector_store %arg6[%swap3A_2208, %swap3A_2209], %swap3A_2212 {strides = array<i32>} : memref<8x128xf32, #tpu.memory_space<vmem>>, vector<1x16xf32>,
      %swap3A_2213 = arith.constant 5 : i32
      %swap3A_2214 = arith.index_cast %swap3A_2213 : i32 to index
      %swap3A_2215 = arith.constant 96 : index
      %swap3A_2216 = tpu.vector_load %arg6[%swap3A_2214, %swap3A_2215] {strides = array<i32>} : memref<8x128xf32, #tpu.memory_space<vmem>>, vector<1x16xf32>,
      %swap3A_2217 = vector.shape_cast %swap3A_2216 : vector<1x16xf32> to vector<16xf32>
      %swap3A_2218 = vector.shape_cast %get3A_2169 : vector<16xf32> to vector<1x16xf32>
      tpu.vector_store %arg6[%swap3A_2214, %swap3A_2215], %swap3A_2218 {strides = array<i32>} : memref<8x128xf32, #tpu.memory_space<vmem>>, vector<1x16xf32>,
      %swap3A_2219 = arith.constant 5 : i32
      %swap3A_2220 = arith.index_cast %swap3A_2219 : i32 to index
      %swap3A_2221 = arith.constant 112 : index
      %swap3A_2222 = tpu.vector_load %arg6[%swap3A_2220, %swap3A_2221] {strides = array<i32>} : memref<8x128xf32, #tpu.memory_space<vmem>>, vector<1x16xf32>,
      %swap3A_2223 = vector.shape_cast %swap3A_2222 : vector<1x16xf32> to vector<16xf32>
      %swap3A_2224 = vector.shape_cast %get3A_2176 : vector<16xf32> to vector<1x16xf32>
      tpu.vector_store %arg6[%swap3A_2220, %swap3A_2221], %swap3A_2224 {strides = array<i32>} : memref<8x128xf32, #tpu.memory_space<vmem>>, vector<1x16xf32>,
      %sub3A_2225 = arith.constant 6 : i32
      %sub3A_2226 = arith.subi %mul3A_1600, %sub3A_2225 : i32
      %add3A_2227 = arith.constant 0 : i32
      %add3A_2228 = arith.addi %sub3A_2226, %add3A_2227 : i32
      %get3A_2229 = arith.index_cast %add3A_2228 : i32 to index
      %get3A_2230 = tpu.vector_load %arg4[%get3A_2229] {strides = array<i32>} : memref<4112xf32, #tpu.memory_space<vmem>>, vector<16xf32>,
      %get3A_2231 = vector.shape_cast %get3A_2230 : vector<16xf32> to vector<16xf32>
      %sub3A_2232 = arith.constant 6 : i32
      %sub3A_2233 = arith.subi %mul3A_1600, %sub3A_2232 : i32
      %add3A_2234 = arith.constant 16 : i32
      %add3A_2235 = arith.addi %sub3A_2233, %add3A_2234 : i32
      %get3A_2236 = arith.index_cast %add3A_2235 : i32 to index
      %get3A_2237 = tpu.vector_load %arg4[%get3A_2236] {strides = array<i32>} : memref<4112xf32, #tpu.memory_space<vmem>>, vector<16xf32>,
      %get3A_2238 = vector.shape_cast %get3A_2237 : vector<16xf32> to vector<16xf32>
      %sub3A_2239 = arith.constant 6 : i32
      %sub3A_2240 = arith.subi %mul3A_1600, %sub3A_2239 : i32
      %add3A_2241 = arith.constant 32 : i32
      %add3A_2242 = arith.addi %sub3A_2240, %add3A_2241 : i32
      %get3A_2243 = arith.index_cast %add3A_2242 : i32 to index
      %get3A_2244 = tpu.vector_load %arg4[%get3A_2243] {strides = array<i32>} : memref<4112xf32, #tpu.memory_space<vmem>>, vector<16xf32>,
      %get3A_2245 = vector.shape_cast %get3A_2244 : vector<16xf32> to vector<16xf32>
      %sub3A_2246 = arith.constant 6 : i32
      %sub3A_2247 = arith.subi %mul3A_1600, %sub3A_2246 : i32
      %add3A_2248 = arith.constant 48 : i32
      %add3A_2249 = arith.addi %sub3A_2247, %add3A_2248 : i32
      %get3A_2250 = arith.index_cast %add3A_2249 : i32 to index
      %get3A_2251 = tpu.vector_load %arg4[%get3A_2250] {strides = array<i32>} : memref<4112xf32, #tpu.memory_space<vmem>>, vector<16xf32>,
      %get3A_2252 = vector.shape_cast %get3A_2251 : vector<16xf32> to vector<16xf32>
      %sub3A_2253 = arith.constant 6 : i32
      %sub3A_2254 = arith.subi %mul3A_1600, %sub3A_2253 : i32
      %add3A_2255 = arith.constant 64 : i32
      %add3A_2256 = arith.addi %sub3A_2254, %add3A_2255 : i32
      %get3A_2257 = arith.index_cast %add3A_2256 : i32 to index
      %get3A_2258 = tpu.vector_load %arg4[%get3A_2257] {strides = array<i32>} : memref<4112xf32, #tpu.memory_space<vmem>>, vector<16xf32>,
      %get3A_2259 = vector.shape_cast %get3A_2258 : vector<16xf32> to vector<16xf32>
      %sub3A_2260 = arith.constant 6 : i32
      %sub3A_2261 = arith.subi %mul3A_1600, %sub3A_2260 : i32
      %add3A_2262 = arith.constant 80 : i32
      %add3A_2263 = arith.addi %sub3A_2261, %add3A_2262 : i32
      %get3A_2264 = arith.index_cast %add3A_2263 : i32 to index
      %get3A_2265 = tpu.vector_load %arg4[%get3A_2264] {strides = array<i32>} : memref<4112xf32, #tpu.memory_space<vmem>>, vector<16xf32>,
      %get3A_2266 = vector.shape_cast %get3A_2265 : vector<16xf32> to vector<16xf32>
      %sub3A_2267 = arith.constant 6 : i32
      %sub3A_2268 = arith.subi %mul3A_1600, %sub3A_2267 : i32
      %add3A_2269 = arith.constant 96 : i32
      %add3A_2270 = arith.addi %sub3A_2268, %add3A_2269 : i32
      %get3A_2271 = arith.index_cast %add3A_2270 : i32 to index
      %get3A_2272 = tpu.vector_load %arg4[%get3A_2271] {strides = array<i32>} : memref<4112xf32, #tpu.memory_space<vmem>>, vector<16xf32>,
      %get3A_2273 = vector.shape_cast %get3A_2272 : vector<16xf32> to vector<16xf32>
      %sub3A_2274 = arith.constant 6 : i32
      %sub3A_2275 = arith.subi %mul3A_1600, %sub3A_2274 : i32
      %add3A_2276 = arith.constant 112 : i32
      %add3A_2277 = arith.addi %sub3A_2275, %add3A_2276 : i32
      %get3A_2278 = arith.index_cast %add3A_2277 : i32 to index
      %get3A_2279 = tpu.vector_load %arg4[%get3A_2278] {strides = array<i32>} : memref<4112xf32, #tpu.memory_space<vmem>>, vector<16xf32>,
      %get3A_2280 = vector.shape_cast %get3A_2279 : vector<16xf32> to vector<16xf32>
      %swap3A_2281 = arith.constant 6 : i32
      %swap3A_2282 = arith.index_cast %swap3A_2281 : i32 to index
      %swap3A_2283 = arith.constant 0 : index
      %swap3A_2284 = tpu.vector_load %arg6[%swap3A_2282, %swap3A_2283] {strides = array<i32>} : memref<8x128xf32, #tpu.memory_space<vmem>>, vector<1x16xf32>,
      %swap3A_2285 = vector.shape_cast %swap3A_2284 : vector<1x16xf32> to vector<16xf32>
      %swap3A_2286 = vector.shape_cast %get3A_2231 : vector<16xf32> to vector<1x16xf32>
      tpu.vector_store %arg6[%swap3A_2282, %swap3A_2283], %swap3A_2286 {strides = array<i32>} : memref<8x128xf32, #tpu.memory_space<vmem>>, vector<1x16xf32>,
      %swap3A_2287 = arith.constant 6 : i32
      %swap3A_2288 = arith.index_cast %swap3A_2287 : i32 to index
      %swap3A_2289 = arith.constant 16 : index
      %swap3A_2290 = tpu.vector_load %arg6[%swap3A_2288, %swap3A_2289] {strides = array<i32>} : memref<8x128xf32, #tpu.memory_space<vmem>>, vector<1x16xf32>,
      %swap3A_2291 = vector.shape_cast %swap3A_2290 : vector<1x16xf32> to vector<16xf32>
      %swap3A_2292 = vector.shape_cast %get3A_2238 : vector<16xf32> to vector<1x16xf32>
      tpu.vector_store %arg6[%swap3A_2288, %swap3A_2289], %swap3A_2292 {strides = array<i32>} : memref<8x128xf32, #tpu.memory_space<vmem>>, vector<1x16xf32>,
      %swap3A_2293 = arith.constant 6 : i32
      %swap3A_2294 = arith.index_cast %swap3A_2293 : i32 to index
      %swap3A_2295 = arith.constant 32 : index
      %swap3A_2296 = tpu.vector_load %arg6[%swap3A_2294, %swap3A_2295] {strides = array<i32>} : memref<8x128xf32, #tpu.memory_space<vmem>>, vector<1x16xf32>,
      %swap3A_2297 = vector.shape_cast %swap3A_2296 : vector<1x16xf32> to vector<16xf32>
      %swap3A_2298 = vector.shape_cast %get3A_2245 : vector<16xf32> to vector<1x16xf32>
      tpu.vector_store %arg6[%swap3A_2294, %swap3A_2295], %swap3A_2298 {strides = array<i32>} : memref<8x128xf32, #tpu.memory_space<vmem>>, vector<1x16xf32>,
      %swap3A_2299 = arith.constant 6 : i32
      %swap3A_2300 = arith.index_cast %swap3A_2299 : i32 to index
      %swap3A_2301 = arith.constant 48 : index
      %swap3A_2302 = tpu.vector_load %arg6[%swap3A_2300, %swap3A_2301] {strides = array<i32>} : memref<8x128xf32, #tpu.memory_space<vmem>>, vector<1x16xf32>,
      %swap3A_2303 = vector.shape_cast %swap3A_2302 : vector<1x16xf32> to vector<16xf32>
      %swap3A_2304 = vector.shape_cast %get3A_2252 : vector<16xf32> to vector<1x16xf32>
      tpu.vector_store %arg6[%swap3A_2300, %swap3A_2301], %swap3A_2304 {strides = array<i32>} : memref<8x128xf32, #tpu.memory_space<vmem>>, vector<1x16xf32>,
      %swap3A_2305 = arith.constant 6 : i32
      %swap3A_2306 = arith.index_cast %swap3A_2305 : i32 to index
      %swap3A_2307 = arith.constant 64 : index
      %swap3A_2308 = tpu.vector_load %arg6[%swap3A_2306, %swap3A_2307] {strides = array<i32>} : memref<8x128xf32, #tpu.memory_space<vmem>>, vector<1x16xf32>,
      %swap3A_2309 = vector.shape_cast %swap3A_2308 : vector<1x16xf32> to vector<16xf32>
      %swap3A_2310 = vector.shape_cast %get3A_2259 : vector<16xf32> to vector<1x16xf32>
      tpu.vector_store %arg6[%swap3A_2306, %swap3A_2307], %swap3A_2310 {strides = array<i32>} : memref<8x128xf32, #tpu.memory_space<vmem>>, vector<1x16xf32>,
      %swap3A_2311 = arith.constant 6 : i32
      %swap3A_2312 = arith.index_cast %swap3A_2311 : i32 to index
      %swap3A_2313 = arith.constant 80 : index
      %swap3A_2314 = tpu.vector_load %arg6[%swap3A_2312, %swap3A_2313] {strides = array<i32>} : memref<8x128xf32, #tpu.memory_space<vmem>>, vector<1x16xf32>,
      %swap3A_2315 = vector.shape_cast %swap3A_2314 : vector<1x16xf32> to vector<16xf32>
      %swap3A_2316 = vector.shape_cast %get3A_2266 : vector<16xf32> to vector<1x16xf32>
      tpu.vector_store %arg6[%swap3A_2312, %swap3A_2313], %swap3A_2316 {strides = array<i32>} : memref<8x128xf32, #tpu.memory_space<vmem>>, vector<1x16xf32>,
      %swap3A_2317 = arith.constant 6 : i32
      %swap3A_2318 = arith.index_cast %swap3A_2317 : i32 to index
      %swap3A_2319 = arith.constant 96 : index
      %swap3A_2320 = tpu.vector_load %arg6[%swap3A_2318, %swap3A_2319] {strides = array<i32>} : memref<8x128xf32, #tpu.memory_space<vmem>>, vector<1x16xf32>,
      %swap3A_2321 = vector.shape_cast %swap3A_2320 : vector<1x16xf32> to vector<16xf32>
      %swap3A_2322 = vector.shape_cast %get3A_2273 : vector<16xf32> to vector<1x16xf32>
      tpu.vector_store %arg6[%swap3A_2318, %swap3A_2319], %swap3A_2322 {strides = array<i32>} : memref<8x128xf32, #tpu.memory_space<vmem>>, vector<1x16xf32>,
      %swap3A_2323 = arith.constant 6 : i32
      %swap3A_2324 = arith.index_cast %swap3A_2323 : i32 to index
      %swap3A_2325 = arith.constant 112 : index
      %swap3A_2326 = tpu.vector_load %arg6[%swap3A_2324, %swap3A_2325] {strides = array<i32>} : memref<8x128xf32, #tpu.memory_space<vmem>>, vector<1x16xf32>,
      %swap3A_2327 = vector.shape_cast %swap3A_2326 : vector<1x16xf32> to vector<16xf32>
      %swap3A_2328 = vector.shape_cast %get3A_2280 : vector<16xf32> to vector<1x16xf32>
      tpu.vector_store %arg6[%swap3A_2324, %swap3A_2325], %swap3A_2328 {strides = array<i32>} : memref<8x128xf32, #tpu.memory_space<vmem>>, vector<1x16xf32>,
      %sub3A_2329 = arith.constant 7 : i32
      %sub3A_2330 = arith.subi %mul3A_1600, %sub3A_2329 : i32
      %add3A_2331 = arith.constant 0 : i32
      %add3A_2332 = arith.addi %sub3A_2330, %add3A_2331 : i32
      %get3A_2333 = arith.index_cast %add3A_2332 : i32 to index
      %get3A_2334 = tpu.vector_load %arg4[%get3A_2333] {strides = array<i32>} : memref<4112xf32, #tpu.memory_space<vmem>>, vector<16xf32>,
      %get3A_2335 = vector.shape_cast %get3A_2334 : vector<16xf32> to vector<16xf32>
      %sub3A_2336 = arith.constant 7 : i32
      %sub3A_2337 = arith.subi %mul3A_1600, %sub3A_2336 : i32
      %add3A_2338 = arith.constant 16 : i32
      %add3A_2339 = arith.addi %sub3A_2337, %add3A_2338 : i32
      %get3A_2340 = arith.index_cast %add3A_2339 : i32 to index
      %get3A_2341 = tpu.vector_load %arg4[%get3A_2340] {strides = array<i32>} : memref<4112xf32, #tpu.memory_space<vmem>>, vector<16xf32>,
      %get3A_2342 = vector.shape_cast %get3A_2341 : vector<16xf32> to vector<16xf32>
      %sub3A_2343 = arith.constant 7 : i32
      %sub3A_2344 = arith.subi %mul3A_1600, %sub3A_2343 : i32
      %add3A_2345 = arith.constant 32 : i32
      %add3A_2346 = arith.addi %sub3A_2344, %add3A_2345 : i32
      %get3A_2347 = arith.index_cast %add3A_2346 : i32 to index
      %get3A_2348 = tpu.vector_load %arg4[%get3A_2347] {strides = array<i32>} : memref<4112xf32, #tpu.memory_space<vmem>>, vector<16xf32>,
      %get3A_2349 = vector.shape_cast %get3A_2348 : vector<16xf32> to vector<16xf32>
      %sub3A_2350 = arith.constant 7 : i32
      %sub3A_2351 = arith.subi %mul3A_1600, %sub3A_2350 : i32
      %add3A_2352 = arith.constant 48 : i32
      %add3A_2353 = arith.addi %sub3A_2351, %add3A_2352 : i32
      %get3A_2354 = arith.index_cast %add3A_2353 : i32 to index
      %get3A_2355 = tpu.vector_load %arg4[%get3A_2354] {strides = array<i32>} : memref<4112xf32, #tpu.memory_space<vmem>>, vector<16xf32>,
      %get3A_2356 = vector.shape_cast %get3A_2355 : vector<16xf32> to vector<16xf32>
      %sub3A_2357 = arith.constant 7 : i32
      %sub3A_2358 = arith.subi %mul3A_1600, %sub3A_2357 : i32
      %add3A_2359 = arith.constant 64 : i32
      %add3A_2360 = arith.addi %sub3A_2358, %add3A_2359 : i32
      %get3A_2361 = arith.index_cast %add3A_2360 : i32 to index
      %get3A_2362 = tpu.vector_load %arg4[%get3A_2361] {strides = array<i32>} : memref<4112xf32, #tpu.memory_space<vmem>>, vector<16xf32>,
      %get3A_2363 = vector.shape_cast %get3A_2362 : vector<16xf32> to vector<16xf32>
      %sub3A_2364 = arith.constant 7 : i32
      %sub3A_2365 = arith.subi %mul3A_1600, %sub3A_2364 : i32
      %add3A_2366 = arith.constant 80 : i32
      %add3A_2367 = arith.addi %sub3A_2365, %add3A_2366 : i32
      %get3A_2368 = arith.index_cast %add3A_2367 : i32 to index
      %get3A_2369 = tpu.vector_load %arg4[%get3A_2368] {strides = array<i32>} : memref<4112xf32, #tpu.memory_space<vmem>>, vector<16xf32>,
      %get3A_2370 = vector.shape_cast %get3A_2369 : vector<16xf32> to vector<16xf32>
      %sub3A_2371 = arith.constant 7 : i32
      %sub3A_2372 = arith.subi %mul3A_1600, %sub3A_2371 : i32
      %add3A_2373 = arith.constant 96 : i32
      %add3A_2374 = arith.addi %sub3A_2372, %add3A_2373 : i32
      %get3A_2375 = arith.index_cast %add3A_2374 : i32 to index
      %get3A_2376 = tpu.vector_load %arg4[%get3A_2375] {strides = array<i32>} : memref<4112xf32, #tpu.memory_space<vmem>>, vector<16xf32>,
      %get3A_2377 = vector.shape_cast %get3A_2376 : vector<16xf32> to vector<16xf32>
      %sub3A_2378 = arith.constant 7 : i32
      %sub3A_2379 = arith.subi %mul3A_1600, %sub3A_2378 : i32
      %add3A_2380 = arith.constant 112 : i32
      %add3A_2381 = arith.addi %sub3A_2379, %add3A_2380 : i32
      %get3A_2382 = arith.index_cast %add3A_2381 : i32 to index
      %get3A_2383 = tpu.vector_load %arg4[%get3A_2382] {strides = array<i32>} : memref<4112xf32, #tpu.memory_space<vmem>>, vector<16xf32>,
      %get3A_2384 = vector.shape_cast %get3A_2383 : vector<16xf32> to vector<16xf32>
      %swap3A_2385 = arith.constant 7 : i32
      %swap3A_2386 = arith.index_cast %swap3A_2385 : i32 to index
      %swap3A_2387 = arith.constant 0 : index
      %swap3A_2388 = tpu.vector_load %arg6[%swap3A_2386, %swap3A_2387] {strides = array<i32>} : memref<8x128xf32, #tpu.memory_space<vmem>>, vector<1x16xf32>,
      %swap3A_2389 = vector.shape_cast %swap3A_2388 : vector<1x16xf32> to vector<16xf32>
      %swap3A_2390 = vector.shape_cast %get3A_2335 : vector<16xf32> to vector<1x16xf32>
      tpu.vector_store %arg6[%swap3A_2386, %swap3A_2387], %swap3A_2390 {strides = array<i32>} : memref<8x128xf32, #tpu.memory_space<vmem>>, vector<1x16xf32>,
      %swap3A_2391 = arith.constant 7 : i32
      %swap3A_2392 = arith.index_cast %swap3A_2391 : i32 to index
      %swap3A_2393 = arith.constant 16 : index
      %swap3A_2394 = tpu.vector_load %arg6[%swap3A_2392, %swap3A_2393] {strides = array<i32>} : memref<8x128xf32, #tpu.memory_space<vmem>>, vector<1x16xf32>,
      %swap3A_2395 = vector.shape_cast %swap3A_2394 : vector<1x16xf32> to vector<16xf32>
      %swap3A_2396 = vector.shape_cast %get3A_2342 : vector<16xf32> to vector<1x16xf32>
      tpu.vector_store %arg6[%swap3A_2392, %swap3A_2393], %swap3A_2396 {strides = array<i32>} : memref<8x128xf32, #tpu.memory_space<vmem>>, vector<1x16xf32>,
      %swap3A_2397 = arith.constant 7 : i32
      %swap3A_2398 = arith.index_cast %swap3A_2397 : i32 to index
      %swap3A_2399 = arith.constant 32 : index
      %swap3A_2400 = tpu.vector_load %arg6[%swap3A_2398, %swap3A_2399] {strides = array<i32>} : memref<8x128xf32, #tpu.memory_space<vmem>>, vector<1x16xf32>,
      %swap3A_2401 = vector.shape_cast %swap3A_2400 : vector<1x16xf32> to vector<16xf32>
      %swap3A_2402 = vector.shape_cast %get3A_2349 : vector<16xf32> to vector<1x16xf32>
      tpu.vector_store %arg6[%swap3A_2398, %swap3A_2399], %swap3A_2402 {strides = array<i32>} : memref<8x128xf32, #tpu.memory_space<vmem>>, vector<1x16xf32>,
      %swap3A_2403 = arith.constant 7 : i32
      %swap3A_2404 = arith.index_cast %swap3A_2403 : i32 to index
      %swap3A_2405 = arith.constant 48 : index
      %swap3A_2406 = tpu.vector_load %arg6[%swap3A_2404, %swap3A_2405] {strides = array<i32>} : memref<8x128xf32, #tpu.memory_space<vmem>>, vector<1x16xf32>,
      %swap3A_2407 = vector.shape_cast %swap3A_2406 : vector<1x16xf32> to vector<16xf32>
      %swap3A_2408 = vector.shape_cast %get3A_2356 : vector<16xf32> to vector<1x16xf32>
      tpu.vector_store %arg6[%swap3A_2404, %swap3A_2405], %swap3A_2408 {strides = array<i32>} : memref<8x128xf32, #tpu.memory_space<vmem>>, vector<1x16xf32>,
      %swap3A_2409 = arith.constant 7 : i32
      %swap3A_2410 = arith.index_cast %swap3A_2409 : i32 to index
      %swap3A_2411 = arith.constant 64 : index
      %swap3A_2412 = tpu.vector_load %arg6[%swap3A_2410, %swap3A_2411] {strides = array<i32>} : memref<8x128xf32, #tpu.memory_space<vmem>>, vector<1x16xf32>,
      %swap3A_2413 = vector.shape_cast %swap3A_2412 : vector<1x16xf32> to vector<16xf32>
      %swap3A_2414 = vector.shape_cast %get3A_2363 : vector<16xf32> to vector<1x16xf32>
      tpu.vector_store %arg6[%swap3A_2410, %swap3A_2411], %swap3A_2414 {strides = array<i32>} : memref<8x128xf32, #tpu.memory_space<vmem>>, vector<1x16xf32>,
      %swap3A_2415 = arith.constant 7 : i32
      %swap3A_2416 = arith.index_cast %swap3A_2415 : i32 to index
      %swap3A_2417 = arith.constant 80 : index
      %swap3A_2418 = tpu.vector_load %arg6[%swap3A_2416, %swap3A_2417] {strides = array<i32>} : memref<8x128xf32, #tpu.memory_space<vmem>>, vector<1x16xf32>,
      %swap3A_2419 = vector.shape_cast %swap3A_2418 : vector<1x16xf32> to vector<16xf32>
      %swap3A_2420 = vector.shape_cast %get3A_2370 : vector<16xf32> to vector<1x16xf32>
      tpu.vector_store %arg6[%swap3A_2416, %swap3A_2417], %swap3A_2420 {strides = array<i32>} : memref<8x128xf32, #tpu.memory_space<vmem>>, vector<1x16xf32>,
      %swap3A_2421 = arith.constant 7 : i32
      %swap3A_2422 = arith.index_cast %swap3A_2421 : i32 to index
      %swap3A_2423 = arith.constant 96 : index
      %swap3A_2424 = tpu.vector_load %arg6[%swap3A_2422, %swap3A_2423] {strides = array<i32>} : memref<8x128xf32, #tpu.memory_space<vmem>>, vector<1x16xf32>,
      %swap3A_2425 = vector.shape_cast %swap3A_2424 : vector<1x16xf32> to vector<16xf32>
      %swap3A_2426 = vector.shape_cast %get3A_2377 : vector<16xf32> to vector<1x16xf32>
      tpu.vector_store %arg6[%swap3A_2422, %swap3A_2423], %swap3A_2426 {strides = array<i32>} : memref<8x128xf32, #tpu.memory_space<vmem>>, vector<1x16xf32>,
      %swap3A_2427 = arith.constant 7 : i32
      %swap3A_2428 = arith.index_cast %swap3A_2427 : i32 to index
      %swap3A_2429 = arith.constant 112 : index
      %swap3A_2430 = tpu.vector_load %arg6[%swap3A_2428, %swap3A_2429] {strides = array<i32>} : memref<8x128xf32, #tpu.memory_space<vmem>>, vector<1x16xf32>,
      %swap3A_2431 = vector.shape_cast %swap3A_2430 : vector<1x16xf32> to vector<16xf32>
      %swap3A_2432 = vector.shape_cast %get3A_2384 : vector<16xf32> to vector<1x16xf32>
      tpu.vector_store %arg6[%swap3A_2428, %swap3A_2429], %swap3A_2432 {strides = array<i32>} : memref<8x128xf32, #tpu.memory_space<vmem>>, vector<1x16xf32>,
      %add3A_2433 = arith.addi %add3A_1593, %mul3A_0 : i32
      %sub3A_2434 = arith.constant 256 : i32
      %sub3A_2435 = arith.subi %add3A_2433, %sub3A_2434 : i32
      %add3A_2436 = arith.constant 15 : i32
      %add3A_2437 = arith.addi %sub3A_2435, %add3A_2436 : i32
      %jit3A_2438 = arith.constant 16 : i32
      %div3A_2439 = arith.divsi %add3A_2437, %jit3A_2438 : i32
      %sign3A_2440 = arith.constant 0 : i32
      %sign3A_2441 = arith.cmpi sgt, %add3A_2437, %sign3A_2440 : i32
      %sign3A_2442 = arith.extui %sign3A_2441 : i1 to i32
      %sign3A_2443 = arith.constant 0 : i32
      %sign3A_2444 = arith.cmpi slt, %add3A_2437, %sign3A_2443 : i32
      %sign3A_2445 = arith.extui %sign3A_2444 : i1 to i32
      %sign3A_2446 = arith.subi %sign3A_2442, %sign3A_2445 : i32
      %sign3A_2447 = arith.constant 0 : i32
      %sign3A_2448 = arith.cmpi sgt, %jit3A_2438, %sign3A_2447 : i32
      %sign3A_2449 = arith.extui %sign3A_2448 : i1 to i32
      %sign3A_2450 = arith.constant 0 : i32
      %sign3A_2451 = arith.cmpi slt, %jit3A_2438, %sign3A_2450 : i32
      %sign3A_2452 = arith.extui %sign3A_2451 : i1 to i32
      %sign3A_2453 = arith.subi %sign3A_2449, %sign3A_2452 : i32
      %ne3A_2454 = arith.cmpi ne, %sign3A_2446, %sign3A_2453 : i32
      %rem3A_2455 = arith.remsi %add3A_2437, %jit3A_2438 : i32
      %ne3A_2456 = arith.constant 0 : i32
      %ne3A_2457 = arith.cmpi ne, %rem3A_2455, %ne3A_2456 : i32
      %and3A_2458 = arith.andi %ne3A_2454, %ne3A_2457 : i1
      %sub3A_2459 = arith.constant 1 : i32
      %sub3A_2460 = arith.subi %div3A_2439, %sub3A_2459 : i32
      %select_n3A_2461 = arith.select %and3A_2458, %sub3A_2460, %div3A_2439 : i32
      %add3A_2462 = arith.constant 0 : i32
      %add3A_2463 = arith.addi %select_n3A_2461, %add3A_2462 : i32
      %mul3A_2464 = arith.constant 16 : i32
      %mul3A_2465 = arith.muli %mul3A_2464, %add3A_2463 : i32
      %add3A_2466 = arith.constant 256 : i32
      %add3A_2467 = arith.addi %add3A_2466, %mul3A_2465 : i32
      %sub3A_2468 = arith.subi %add3A_2467, %add3A_1593 : i32
      %ge3A_2469 = arith.constant 0 : i32
      %ge3A_2470 = arith.cmpi sge, %add3A_2463, %ge3A_2469 : i32
      %lt3A_2471 = arith.constant 16 : i32
      %lt3A_2472 = arith.cmpi slt, %add3A_2463, %lt3A_2471 : i32
      %and3A_2473 = arith.andi %ge3A_2470, %lt3A_2472 : i1
      %ge3A_2474 = arith.cmpi sge, %sub3A_2468, %mul3A_0 : i32
      %and3A_2475 = arith.andi %and3A_2473, %ge3A_2474 : i1
      %add3A_2476 = arith.constant 128 : i32
      %add3A_2477 = arith.addi %mul3A_0, %add3A_2476 : i32
      %lt3A_2478 = arith.cmpi slt, %sub3A_2468, %add3A_2477 : i32
      %and3A_2479 = arith.andi %and3A_2475, %lt3A_2478 : i1
      %mul3A_2480 = arith.constant 8 : i32
      %mul3A_2481 = arith.muli %mul3A_2480, %sub3A_2468 : i32
      %multiple_of3A_2482 = tpu.assume_multiple %mul3A_2481, 8 : i32
      %mul3A_2483 = arith.constant 128 : i32
      %mul3A_2484 = arith.muli %mul3A_2483, %add3A_2463 : i32
      %multiple_of3A_2485 = tpu.assume_multiple %mul3A_2484, 8 : i32
      %convert_element_type3A_2486 = arith.extui %and3A_2479 : i1 to i32
      %cond3A_2487 = arith.constant 0 : i32
      %cond3A_2488 = arith.cmpi ne, %convert_element_type3A_2486, %cond3A_2487 : i32
      scf.if %cond3A_2488 {
        %dma_start3A = tpu.memref_slice %arg3[%arg1, %multiple_of3A_2482, %multiple_of3A_2485] : memref<16x2048x2048xf32, #tpu.memory_space<hbm>> -> memref<1x8x128xf32, #tpu.memory_space<hbm>>
        %dma_start3A_2678 = tpu.memref_squeeze %dma_start3A : memref<1x8x128xf32, #tpu.memory_space<hbm>> -> memref<8x128xf32, #tpu.memory_space<hbm>>
        %dma_start3A_2679 = tpu.memref_slice %arg3[%arg1, %multiple_of3A_2482, %multiple_of3A_2485] : memref<16x2048x2048xf32, #tpu.memory_space<hbm>> -> memref<1x8x128xf32, #tpu.memory_space<hbm>>
        %dma_start3A_2680 = tpu.memref_squeeze %dma_start3A_2679 : memref<1x8x128xf32, #tpu.memory_space<hbm>> -> memref<8x128xf32, #tpu.memory_space<hbm>>
        tpu.enqueue_dma source(%arg6 : memref<8x128xf32, #tpu.memory_space<vmem>>) target(%dma_start3A_2680 : memref<8x128xf32, #tpu.memory_space<hbm>>) target_semaphore(%arg8 : memref<!tpu.dma_semaphore, #tpu.memory_space<semaphore_mem>>)
      } else {
      }
      %add3A_2489 = arith.constant 1 : i32
      %add3A_2490 = arith.addi %select_n3A_2461, %add3A_2489 : i32
      %mul3A_2491 = arith.constant 16 : i32
      %mul3A_2492 = arith.muli %mul3A_2491, %add3A_2490 : i32
      %add3A_2493 = arith.constant 256 : i32
      %add3A_2494 = arith.addi %add3A_2493, %mul3A_2492 : i32
      %sub3A_2495 = arith.subi %add3A_2494, %add3A_1593 : i32
      %ge3A_2496 = arith.constant 0 : i32
      %ge3A_2497 = arith.cmpi sge, %add3A_2490, %ge3A_2496 : i32
      %lt3A_2498 = arith.constant 16 : i32
      %lt3A_2499 = arith.cmpi slt, %add3A_2490, %lt3A_2498 : i32
      %and3A_2500 = arith.andi %ge3A_2497, %lt3A_2499 : i1
      %ge3A_2501 = arith.cmpi sge, %sub3A_2495, %mul3A_0 : i32
      %and3A_2502 = arith.andi %and3A_2500, %ge3A_2501 : i1
      %add3A_2503 = arith.constant 128 : i32
      %add3A_2504 = arith.addi %mul3A_0, %add3A_2503 : i32
      %lt3A_2505 = arith.cmpi slt, %sub3A_2495, %add3A_2504 : i32
      %and3A_2506 = arith.andi %and3A_2502, %lt3A_2505 : i1
      %mul3A_2507 = arith.constant 8 : i32
      %mul3A_2508 = arith.muli %mul3A_2507, %sub3A_2495 : i32
      %multiple_of3A_2509 = tpu.assume_multiple %mul3A_2508, 8 : i32
      %mul3A_2510 = arith.constant 128 : i32
      %mul3A_2511 = arith.muli %mul3A_2510, %add3A_2490 : i32
      %multiple_of3A_2512 = tpu.assume_multiple %mul3A_2511, 8 : i32
      %convert_element_type3A_2513 = arith.extui %and3A_2506 : i1 to i32
      %cond3A_2514 = arith.constant 0 : i32
      %cond3A_2515 = arith.cmpi ne, %convert_element_type3A_2513, %cond3A_2514 : i32
      scf.if %cond3A_2515 {
        %dma_start3A = tpu.memref_slice %arg3[%arg1, %multiple_of3A_2509, %multiple_of3A_2512] : memref<16x2048x2048xf32, #tpu.memory_space<hbm>> -> memref<1x8x128xf32, #tpu.memory_space<hbm>>
        %dma_start3A_2678 = tpu.memref_squeeze %dma_start3A : memref<1x8x128xf32, #tpu.memory_space<hbm>> -> memref<8x128xf32, #tpu.memory_space<hbm>>
        %dma_start3A_2679 = tpu.memref_slice %arg3[%arg1, %multiple_of3A_2509, %multiple_of3A_2512] : memref<16x2048x2048xf32, #tpu.memory_space<hbm>> -> memref<1x8x128xf32, #tpu.memory_space<hbm>>
        %dma_start3A_2680 = tpu.memref_squeeze %dma_start3A_2679 : memref<1x8x128xf32, #tpu.memory_space<hbm>> -> memref<8x128xf32, #tpu.memory_space<hbm>>
        tpu.enqueue_dma source(%arg6 : memref<8x128xf32, #tpu.memory_space<vmem>>) target(%dma_start3A_2680 : memref<8x128xf32, #tpu.memory_space<hbm>>) target_semaphore(%arg8 : memref<!tpu.dma_semaphore, #tpu.memory_space<semaphore_mem>>)
      } else {
      }
      %add3A_2516 = arith.constant 2 : i32
      %add3A_2517 = arith.addi %select_n3A_2461, %add3A_2516 : i32
      %mul3A_2518 = arith.constant 16 : i32
      %mul3A_2519 = arith.muli %mul3A_2518, %add3A_2517 : i32
      %add3A_2520 = arith.constant 256 : i32
      %add3A_2521 = arith.addi %add3A_2520, %mul3A_2519 : i32
      %sub3A_2522 = arith.subi %add3A_2521, %add3A_1593 : i32
      %ge3A_2523 = arith.constant 0 : i32
      %ge3A_2524 = arith.cmpi sge, %add3A_2517, %ge3A_2523 : i32
      %lt3A_2525 = arith.constant 16 : i32
      %lt3A_2526 = arith.cmpi slt, %add3A_2517, %lt3A_2525 : i32
      %and3A_2527 = arith.andi %ge3A_2524, %lt3A_2526 : i1
      %ge3A_2528 = arith.cmpi sge, %sub3A_2522, %mul3A_0 : i32
      %and3A_2529 = arith.andi %and3A_2527, %ge3A_2528 : i1
      %add3A_2530 = arith.constant 128 : i32
      %add3A_2531 = arith.addi %mul3A_0, %add3A_2530 : i32
      %lt3A_2532 = arith.cmpi slt, %sub3A_2522, %add3A_2531 : i32
      %and3A_2533 = arith.andi %and3A_2529, %lt3A_2532 : i1
      %mul3A_2534 = arith.constant 8 : i32
      %mul3A_2535 = arith.muli %mul3A_2534, %sub3A_2522 : i32
      %multiple_of3A_2536 = tpu.assume_multiple %mul3A_2535, 8 : i32
      %mul3A_2537 = arith.constant 128 : i32
      %mul3A_2538 = arith.muli %mul3A_2537, %add3A_2517 : i32
      %multiple_of3A_2539 = tpu.assume_multiple %mul3A_2538, 8 : i32
      %convert_element_type3A_2540 = arith.extui %and3A_2533 : i1 to i32
      %cond3A_2541 = arith.constant 0 : i32
      %cond3A_2542 = arith.cmpi ne, %convert_element_type3A_2540, %cond3A_2541 : i32
      scf.if %cond3A_2542 {
        %dma_start3A = tpu.memref_slice %arg3[%arg1, %multiple_of3A_2536, %multiple_of3A_2539] : memref<16x2048x2048xf32, #tpu.memory_space<hbm>> -> memref<1x8x128xf32, #tpu.memory_space<hbm>>
        %dma_start3A_2678 = tpu.memref_squeeze %dma_start3A : memref<1x8x128xf32, #tpu.memory_space<hbm>> -> memref<8x128xf32, #tpu.memory_space<hbm>>
        %dma_start3A_2679 = tpu.memref_slice %arg3[%arg1, %multiple_of3A_2536, %multiple_of3A_2539] : memref<16x2048x2048xf32, #tpu.memory_space<hbm>> -> memref<1x8x128xf32, #tpu.memory_space<hbm>>
        %dma_start3A_2680 = tpu.memref_squeeze %dma_start3A_2679 : memref<1x8x128xf32, #tpu.memory_space<hbm>> -> memref<8x128xf32, #tpu.memory_space<hbm>>
        tpu.enqueue_dma source(%arg6 : memref<8x128xf32, #tpu.memory_space<vmem>>) target(%dma_start3A_2680 : memref<8x128xf32, #tpu.memory_space<hbm>>) target_semaphore(%arg8 : memref<!tpu.dma_semaphore, #tpu.memory_space<semaphore_mem>>)
      } else {
      }
      %add3A_2543 = arith.constant 3 : i32
      %add3A_2544 = arith.addi %select_n3A_2461, %add3A_2543 : i32
      %mul3A_2545 = arith.constant 16 : i32
      %mul3A_2546 = arith.muli %mul3A_2545, %add3A_2544 : i32
      %add3A_2547 = arith.constant 256 : i32
      %add3A_2548 = arith.addi %add3A_2547, %mul3A_2546 : i32
      %sub3A_2549 = arith.subi %add3A_2548, %add3A_1593 : i32
      %ge3A_2550 = arith.constant 0 : i32
      %ge3A_2551 = arith.cmpi sge, %add3A_2544, %ge3A_2550 : i32
      %lt3A_2552 = arith.constant 16 : i32
      %lt3A_2553 = arith.cmpi slt, %add3A_2544, %lt3A_2552 : i32
      %and3A_2554 = arith.andi %ge3A_2551, %lt3A_2553 : i1
      %ge3A_2555 = arith.cmpi sge, %sub3A_2549, %mul3A_0 : i32
      %and3A_2556 = arith.andi %and3A_2554, %ge3A_2555 : i1
      %add3A_2557 = arith.constant 128 : i32
      %add3A_2558 = arith.addi %mul3A_0, %add3A_2557 : i32
      %lt3A_2559 = arith.cmpi slt, %sub3A_2549, %add3A_2558 : i32
      %and3A_2560 = arith.andi %and3A_2556, %lt3A_2559 : i1
      %mul3A_2561 = arith.constant 8 : i32
      %mul3A_2562 = arith.muli %mul3A_2561, %sub3A_2549 : i32
      %multiple_of3A_2563 = tpu.assume_multiple %mul3A_2562, 8 : i32
      %mul3A_2564 = arith.constant 128 : i32
      %mul3A_2565 = arith.muli %mul3A_2564, %add3A_2544 : i32
      %multiple_of3A_2566 = tpu.assume_multiple %mul3A_2565, 8 : i32
      %convert_element_type3A_2567 = arith.extui %and3A_2560 : i1 to i32
      %cond3A_2568 = arith.constant 0 : i32
      %cond3A_2569 = arith.cmpi ne, %convert_element_type3A_2567, %cond3A_2568 : i32
      scf.if %cond3A_2569 {
        %dma_start3A = tpu.memref_slice %arg3[%arg1, %multiple_of3A_2563, %multiple_of3A_2566] : memref<16x2048x2048xf32, #tpu.memory_space<hbm>> -> memref<1x8x128xf32, #tpu.memory_space<hbm>>
        %dma_start3A_2678 = tpu.memref_squeeze %dma_start3A : memref<1x8x128xf32, #tpu.memory_space<hbm>> -> memref<8x128xf32, #tpu.memory_space<hbm>>
        %dma_start3A_2679 = tpu.memref_slice %arg3[%arg1, %multiple_of3A_2563, %multiple_of3A_2566] : memref<16x2048x2048xf32, #tpu.memory_space<hbm>> -> memref<1x8x128xf32, #tpu.memory_space<hbm>>
        %dma_start3A_2680 = tpu.memref_squeeze %dma_start3A_2679 : memref<1x8x128xf32, #tpu.memory_space<hbm>> -> memref<8x128xf32, #tpu.memory_space<hbm>>
        tpu.enqueue_dma source(%arg6 : memref<8x128xf32, #tpu.memory_space<vmem>>) target(%dma_start3A_2680 : memref<8x128xf32, #tpu.memory_space<hbm>>) target_semaphore(%arg8 : memref<!tpu.dma_semaphore, #tpu.memory_space<semaphore_mem>>)
      } else {
      }
      %add3A_2570 = arith.constant 4 : i32
      %add3A_2571 = arith.addi %select_n3A_2461, %add3A_2570 : i32
      %mul3A_2572 = arith.constant 16 : i32
      %mul3A_2573 = arith.muli %mul3A_2572, %add3A_2571 : i32
      %add3A_2574 = arith.constant 256 : i32
      %add3A_2575 = arith.addi %add3A_2574, %mul3A_2573 : i32
      %sub3A_2576 = arith.subi %add3A_2575, %add3A_1593 : i32
      %ge3A_2577 = arith.constant 0 : i32
      %ge3A_2578 = arith.cmpi sge, %add3A_2571, %ge3A_2577 : i32
      %lt3A_2579 = arith.constant 16 : i32
      %lt3A_2580 = arith.cmpi slt, %add3A_2571, %lt3A_2579 : i32
      %and3A_2581 = arith.andi %ge3A_2578, %lt3A_2580 : i1
      %ge3A_2582 = arith.cmpi sge, %sub3A_2576, %mul3A_0 : i32
      %and3A_2583 = arith.andi %and3A_2581, %ge3A_2582 : i1
      %add3A_2584 = arith.constant 128 : i32
      %add3A_2585 = arith.addi %mul3A_0, %add3A_2584 : i32
      %lt3A_2586 = arith.cmpi slt, %sub3A_2576, %add3A_2585 : i32
      %and3A_2587 = arith.andi %and3A_2583, %lt3A_2586 : i1
      %mul3A_2588 = arith.constant 8 : i32
      %mul3A_2589 = arith.muli %mul3A_2588, %sub3A_2576 : i32
      %multiple_of3A_2590 = tpu.assume_multiple %mul3A_2589, 8 : i32
      %mul3A_2591 = arith.constant 128 : i32
      %mul3A_2592 = arith.muli %mul3A_2591, %add3A_2571 : i32
      %multiple_of3A_2593 = tpu.assume_multiple %mul3A_2592, 8 : i32
      %convert_element_type3A_2594 = arith.extui %and3A_2587 : i1 to i32
      %cond3A_2595 = arith.constant 0 : i32
      %cond3A_2596 = arith.cmpi ne, %convert_element_type3A_2594, %cond3A_2595 : i32
      scf.if %cond3A_2596 {
        %dma_start3A = tpu.memref_slice %arg3[%arg1, %multiple_of3A_2590, %multiple_of3A_2593] : memref<16x2048x2048xf32, #tpu.memory_space<hbm>> -> memref<1x8x128xf32, #tpu.memory_space<hbm>>
        %dma_start3A_2678 = tpu.memref_squeeze %dma_start3A : memref<1x8x128xf32, #tpu.memory_space<hbm>> -> memref<8x128xf32, #tpu.memory_space<hbm>>
        %dma_start3A_2679 = tpu.memref_slice %arg3[%arg1, %multiple_of3A_2590, %multiple_of3A_2593] : memref<16x2048x2048xf32, #tpu.memory_space<hbm>> -> memref<1x8x128xf32, #tpu.memory_space<hbm>>
        %dma_start3A_2680 = tpu.memref_squeeze %dma_start3A_2679 : memref<1x8x128xf32, #tpu.memory_space<hbm>> -> memref<8x128xf32, #tpu.memory_space<hbm>>
        tpu.enqueue_dma source(%arg6 : memref<8x128xf32, #tpu.memory_space<vmem>>) target(%dma_start3A_2680 : memref<8x128xf32, #tpu.memory_space<hbm>>) target_semaphore(%arg8 : memref<!tpu.dma_semaphore, #tpu.memory_space<semaphore_mem>>)
      } else {
      }
      %add3A_2597 = arith.constant 5 : i32
      %add3A_2598 = arith.addi %select_n3A_2461, %add3A_2597 : i32
      %mul3A_2599 = arith.constant 16 : i32
      %mul3A_2600 = arith.muli %mul3A_2599, %add3A_2598 : i32
      %add3A_2601 = arith.constant 256 : i32
      %add3A_2602 = arith.addi %add3A_2601, %mul3A_2600 : i32
      %sub3A_2603 = arith.subi %add3A_2602, %add3A_1593 : i32
      %ge3A_2604 = arith.constant 0 : i32
      %ge3A_2605 = arith.cmpi sge, %add3A_2598, %ge3A_2604 : i32
      %lt3A_2606 = arith.constant 16 : i32
      %lt3A_2607 = arith.cmpi slt, %add3A_2598, %lt3A_2606 : i32
      %and3A_2608 = arith.andi %ge3A_2605, %lt3A_2607 : i1
      %ge3A_2609 = arith.cmpi sge, %sub3A_2603, %mul3A_0 : i32
      %and3A_2610 = arith.andi %and3A_2608, %ge3A_2609 : i1
      %add3A_2611 = arith.constant 128 : i32
      %add3A_2612 = arith.addi %mul3A_0, %add3A_2611 : i32
      %lt3A_2613 = arith.cmpi slt, %sub3A_2603, %add3A_2612 : i32
      %and3A_2614 = arith.andi %and3A_2610, %lt3A_2613 : i1
      %mul3A_2615 = arith.constant 8 : i32
      %mul3A_2616 = arith.muli %mul3A_2615, %sub3A_2603 : i32
      %multiple_of3A_2617 = tpu.assume_multiple %mul3A_2616, 8 : i32
      %mul3A_2618 = arith.constant 128 : i32
      %mul3A_2619 = arith.muli %mul3A_2618, %add3A_2598 : i32
      %multiple_of3A_2620 = tpu.assume_multiple %mul3A_2619, 8 : i32
      %convert_element_type3A_2621 = arith.extui %and3A_2614 : i1 to i32
      %cond3A_2622 = arith.constant 0 : i32
      %cond3A_2623 = arith.cmpi ne, %convert_element_type3A_2621, %cond3A_2622 : i32
      scf.if %cond3A_2623 {
        %dma_start3A = tpu.memref_slice %arg3[%arg1, %multiple_of3A_2617, %multiple_of3A_2620] : memref<16x2048x2048xf32, #tpu.memory_space<hbm>> -> memref<1x8x128xf32, #tpu.memory_space<hbm>>
        %dma_start3A_2678 = tpu.memref_squeeze %dma_start3A : memref<1x8x128xf32, #tpu.memory_space<hbm>> -> memref<8x128xf32, #tpu.memory_space<hbm>>
        %dma_start3A_2679 = tpu.memref_slice %arg3[%arg1, %multiple_of3A_2617, %multiple_of3A_2620] : memref<16x2048x2048xf32, #tpu.memory_space<hbm>> -> memref<1x8x128xf32, #tpu.memory_space<hbm>>
        %dma_start3A_2680 = tpu.memref_squeeze %dma_start3A_2679 : memref<1x8x128xf32, #tpu.memory_space<hbm>> -> memref<8x128xf32, #tpu.memory_space<hbm>>
        tpu.enqueue_dma source(%arg6 : memref<8x128xf32, #tpu.memory_space<vmem>>) target(%dma_start3A_2680 : memref<8x128xf32, #tpu.memory_space<hbm>>) target_semaphore(%arg8 : memref<!tpu.dma_semaphore, #tpu.memory_space<semaphore_mem>>)
      } else {
      }
      %add3A_2624 = arith.constant 6 : i32
      %add3A_2625 = arith.addi %select_n3A_2461, %add3A_2624 : i32
      %mul3A_2626 = arith.constant 16 : i32
      %mul3A_2627 = arith.muli %mul3A_2626, %add3A_2625 : i32
      %add3A_2628 = arith.constant 256 : i32
      %add3A_2629 = arith.addi %add3A_2628, %mul3A_2627 : i32
      %sub3A_2630 = arith.subi %add3A_2629, %add3A_1593 : i32
      %ge3A_2631 = arith.constant 0 : i32
      %ge3A_2632 = arith.cmpi sge, %add3A_2625, %ge3A_2631 : i32
      %lt3A_2633 = arith.constant 16 : i32
      %lt3A_2634 = arith.cmpi slt, %add3A_2625, %lt3A_2633 : i32
      %and3A_2635 = arith.andi %ge3A_2632, %lt3A_2634 : i1
      %ge3A_2636 = arith.cmpi sge, %sub3A_2630, %mul3A_0 : i32
      %and3A_2637 = arith.andi %and3A_2635, %ge3A_2636 : i1
      %add3A_2638 = arith.constant 128 : i32
      %add3A_2639 = arith.addi %mul3A_0, %add3A_2638 : i32
      %lt3A_2640 = arith.cmpi slt, %sub3A_2630, %add3A_2639 : i32
      %and3A_2641 = arith.andi %and3A_2637, %lt3A_2640 : i1
      %mul3A_2642 = arith.constant 8 : i32
      %mul3A_2643 = arith.muli %mul3A_2642, %sub3A_2630 : i32
      %multiple_of3A_2644 = tpu.assume_multiple %mul3A_2643, 8 : i32
      %mul3A_2645 = arith.constant 128 : i32
      %mul3A_2646 = arith.muli %mul3A_2645, %add3A_2625 : i32
      %multiple_of3A_2647 = tpu.assume_multiple %mul3A_2646, 8 : i32
      %convert_element_type3A_2648 = arith.extui %and3A_2641 : i1 to i32
      %cond3A_2649 = arith.constant 0 : i32
      %cond3A_2650 = arith.cmpi ne, %convert_element_type3A_2648, %cond3A_2649 : i32
      scf.if %cond3A_2650 {
        %dma_start3A = tpu.memref_slice %arg3[%arg1, %multiple_of3A_2644, %multiple_of3A_2647] : memref<16x2048x2048xf32, #tpu.memory_space<hbm>> -> memref<1x8x128xf32, #tpu.memory_space<hbm>>
        %dma_start3A_2678 = tpu.memref_squeeze %dma_start3A : memref<1x8x128xf32, #tpu.memory_space<hbm>> -> memref<8x128xf32, #tpu.memory_space<hbm>>
        %dma_start3A_2679 = tpu.memref_slice %arg3[%arg1, %multiple_of3A_2644, %multiple_of3A_2647] : memref<16x2048x2048xf32, #tpu.memory_space<hbm>> -> memref<1x8x128xf32, #tpu.memory_space<hbm>>
        %dma_start3A_2680 = tpu.memref_squeeze %dma_start3A_2679 : memref<1x8x128xf32, #tpu.memory_space<hbm>> -> memref<8x128xf32, #tpu.memory_space<hbm>>
        tpu.enqueue_dma source(%arg6 : memref<8x128xf32, #tpu.memory_space<vmem>>) target(%dma_start3A_2680 : memref<8x128xf32, #tpu.memory_space<hbm>>) target_semaphore(%arg8 : memref<!tpu.dma_semaphore, #tpu.memory_space<semaphore_mem>>)
      } else {
      }
      %add3A_2651 = arith.constant 7 : i32
      %add3A_2652 = arith.addi %select_n3A_2461, %add3A_2651 : i32
      %mul3A_2653 = arith.constant 16 : i32
      %mul3A_2654 = arith.muli %mul3A_2653, %add3A_2652 : i32
      %add3A_2655 = arith.constant 256 : i32
      %add3A_2656 = arith.addi %add3A_2655, %mul3A_2654 : i32
      %sub3A_2657 = arith.subi %add3A_2656, %add3A_1593 : i32
      %ge3A_2658 = arith.constant 0 : i32
      %ge3A_2659 = arith.cmpi sge, %add3A_2652, %ge3A_2658 : i32
      %lt3A_2660 = arith.constant 16 : i32
      %lt3A_2661 = arith.cmpi slt, %add3A_2652, %lt3A_2660 : i32
      %and3A_2662 = arith.andi %ge3A_2659, %lt3A_2661 : i1
      %ge3A_2663 = arith.cmpi sge, %sub3A_2657, %mul3A_0 : i32
      %and3A_2664 = arith.andi %and3A_2662, %ge3A_2663 : i1
      %add3A_2665 = arith.constant 128 : i32
      %add3A_2666 = arith.addi %mul3A_0, %add3A_2665 : i32
      %lt3A_2667 = arith.cmpi slt, %sub3A_2657, %add3A_2666 : i32
      %and3A_2668 = arith.andi %and3A_2664, %lt3A_2667 : i1
      %mul3A_2669 = arith.constant 8 : i32
      %mul3A_2670 = arith.muli %mul3A_2669, %sub3A_2657 : i32
      %multiple_of3A_2671 = tpu.assume_multiple %mul3A_2670, 8 : i32
      %mul3A_2672 = arith.constant 128 : i32
      %mul3A_2673 = arith.muli %mul3A_2672, %add3A_2652 : i32
      %multiple_of3A_2674 = tpu.assume_multiple %mul3A_2673, 8 : i32
      %convert_element_type3A_2675 = arith.extui %and3A_2668 : i1 to i32
      %cond3A_2676 = arith.constant 0 : i32
      %cond3A_2677 = arith.cmpi ne, %convert_element_type3A_2675, %cond3A_2676 : i32
      scf.if %cond3A_2677 {
        %dma_start3A = tpu.memref_slice %arg3[%arg1, %multiple_of3A_2671, %multiple_of3A_2674] : memref<16x2048x2048xf32, #tpu.memory_space<hbm>> -> memref<1x8x128xf32, #tpu.memory_space<hbm>>
        %dma_start3A_2678 = tpu.memref_squeeze %dma_start3A : memref<1x8x128xf32, #tpu.memory_space<hbm>> -> memref<8x128xf32, #tpu.memory_space<hbm>>
        %dma_start3A_2679 = tpu.memref_slice %arg3[%arg1, %multiple_of3A_2671, %multiple_of3A_2674] : memref<16x2048x2048xf32, #tpu.memory_space<hbm>> -> memref<1x8x128xf32, #tpu.memory_space<hbm>>
        %dma_start3A_2680 = tpu.memref_squeeze %dma_start3A_2679 : memref<1x8x128xf32, #tpu.memory_space<hbm>> -> memref<8x128xf32, #tpu.memory_space<hbm>>
        tpu.enqueue_dma source(%arg6 : memref<8x128xf32, #tpu.memory_space<vmem>>) target(%dma_start3A_2680 : memref<8x128xf32, #tpu.memory_space<hbm>>) target_semaphore(%arg8 : memref<!tpu.dma_semaphore, #tpu.memory_space<semaphore_mem>>)
      } else {
      }
    }
    %scan3A_12 = arith.constant 184 : i32
    %add3A = arith.constant 368 : i32
    %add3A_13 = arith.addi %sub3A_1, %add3A : i32
    %sub3A_14 = arith.constant 2 : i32
    %sub3A_15 = arith.subi %add3A_13, %sub3A_14 : i32
    %add3A_16 = arith.constant 0 : i32
    %add3A_17 = arith.addi %sub3A_15, %add3A_16 : i32
    %add3A_18 = arith.addi %add3A_17, %mul3A_0 : i32
    %sub3A_19 = arith.constant 256 : i32
    %sub3A_20 = arith.subi %add3A_18, %sub3A_19 : i32
    %add3A_21 = arith.constant 15 : i32
    %add3A_22 = arith.addi %sub3A_20, %add3A_21 : i32
    %jit3A = arith.constant 16 : i32
    %div3A = arith.divsi %add3A_22, %jit3A : i32
    %sign3A = arith.constant 0 : i32
    %sign3A_23 = arith.cmpi sgt, %add3A_22, %sign3A : i32
    %sign3A_24 = arith.extui %sign3A_23 : i1 to i32
    %sign3A_25 = arith.constant 0 : i32
    %sign3A_26 = arith.cmpi slt, %add3A_22, %sign3A_25 : i32
    %sign3A_27 = arith.extui %sign3A_26 : i1 to i32
    %sign3A_28 = arith.subi %sign3A_24, %sign3A_27 : i32
    %sign3A_29 = arith.constant 0 : i32
    %sign3A_30 = arith.cmpi sgt, %jit3A, %sign3A_29 : i32
    %sign3A_31 = arith.extui %sign3A_30 : i1 to i32
    %sign3A_32 = arith.constant 0 : i32
    %sign3A_33 = arith.cmpi slt, %jit3A, %sign3A_32 : i32
    %sign3A_34 = arith.extui %sign3A_33 : i1 to i32
    %sign3A_35 = arith.subi %sign3A_31, %sign3A_34 : i32
    %ne3A = arith.cmpi ne, %sign3A_28, %sign3A_35 : i32
    %rem3A = arith.remsi %add3A_22, %jit3A : i32
    %ne3A_36 = arith.constant 0 : i32
    %ne3A_37 = arith.cmpi ne, %rem3A, %ne3A_36 : i32
    %and3A = arith.andi %ne3A, %ne3A_37 : i1
    %sub3A_38 = arith.constant 1 : i32
    %sub3A_39 = arith.subi %div3A, %sub3A_38 : i32
    %select_n3A = arith.select %and3A, %sub3A_39, %div3A : i32
    %add3A_40 = arith.constant 0 : i32
    %add3A_41 = arith.addi %select_n3A, %add3A_40 : i32
    %mul3A_42 = arith.constant 16 : i32
    %mul3A_43 = arith.muli %mul3A_42, %add3A_41 : i32
    %add3A_44 = arith.constant 256 : i32
    %add3A_45 = arith.addi %add3A_44, %mul3A_43 : i32
    %sub3A_46 = arith.subi %add3A_45, %add3A_17 : i32
    %ge3A = arith.constant 0 : i32
    %ge3A_47 = arith.cmpi sge, %add3A_41, %ge3A : i32
    %lt3A = arith.constant 16 : i32
    %lt3A_48 = arith.cmpi slt, %add3A_41, %lt3A : i32
    %and3A_49 = arith.andi %ge3A_47, %lt3A_48 : i1
    %ge3A_50 = arith.cmpi sge, %sub3A_46, %mul3A_0 : i32
    %and3A_51 = arith.andi %and3A_49, %ge3A_50 : i1
    %add3A_52 = arith.constant 128 : i32
    %add3A_53 = arith.addi %mul3A_0, %add3A_52 : i32
    %lt3A_54 = arith.cmpi slt, %sub3A_46, %add3A_53 : i32
    %and3A_55 = arith.andi %and3A_51, %lt3A_54 : i1
    %mul3A_56 = arith.constant 8 : i32
    %mul3A_57 = arith.muli %mul3A_56, %sub3A_46 : i32
    %multiple_of3A = tpu.assume_multiple %mul3A_57, 8 : i32
    %mul3A_58 = arith.constant 128 : i32
    %mul3A_59 = arith.muli %mul3A_58, %add3A_41 : i32
    %multiple_of3A_60 = tpu.assume_multiple %mul3A_59, 8 : i32
    %convert_element_type3A = arith.extui %and3A_55 : i1 to i32
    %cond3A = arith.constant 0 : i32
    %cond3A_61 = arith.cmpi ne, %convert_element_type3A, %cond3A : i32
    scf.if %cond3A_61 {
      %dma_wait3A = tpu.memref_slice %arg3[%arg1, %multiple_of3A, %multiple_of3A_60] : memref<16x2048x2048xf32, #tpu.memory_space<hbm>> -> memref<1x8x128xf32, #tpu.memory_space<hbm>>
      %dma_wait3A_502 = tpu.memref_squeeze %dma_wait3A : memref<1x8x128xf32, #tpu.memory_space<hbm>> -> memref<8x128xf32, #tpu.memory_space<hbm>>
      %dma_wait3A_503 = tpu.memref_slice %arg3[%arg1, %multiple_of3A, %multiple_of3A_60] : memref<16x2048x2048xf32, #tpu.memory_space<hbm>> -> memref<1x8x128xf32, #tpu.memory_space<hbm>>
      %dma_wait3A_504 = tpu.memref_squeeze %dma_wait3A_503 : memref<1x8x128xf32, #tpu.memory_space<hbm>> -> memref<8x128xf32, #tpu.memory_space<hbm>>
      tpu.wait_dma2 semaphore(%arg7 : memref<!tpu.dma_semaphore, #tpu.memory_space<semaphore_mem>>) src(%arg5 : memref<8x128xf32, #tpu.memory_space<vmem>>) dst(%dma_wait3A_504 : memref<8x128xf32, #tpu.memory_space<hbm>>)
    } else {
    }
    %add3A_62 = arith.constant 1 : i32
    %add3A_63 = arith.addi %select_n3A, %add3A_62 : i32
    %mul3A_64 = arith.constant 16 : i32
    %mul3A_65 = arith.muli %mul3A_64, %add3A_63 : i32
    %add3A_66 = arith.constant 256 : i32
    %add3A_67 = arith.addi %add3A_66, %mul3A_65 : i32
    %sub3A_68 = arith.subi %add3A_67, %add3A_17 : i32
    %ge3A_69 = arith.constant 0 : i32
    %ge3A_70 = arith.cmpi sge, %add3A_63, %ge3A_69 : i32
    %lt3A_71 = arith.constant 16 : i32
    %lt3A_72 = arith.cmpi slt, %add3A_63, %lt3A_71 : i32
    %and3A_73 = arith.andi %ge3A_70, %lt3A_72 : i1
    %ge3A_74 = arith.cmpi sge, %sub3A_68, %mul3A_0 : i32
    %and3A_75 = arith.andi %and3A_73, %ge3A_74 : i1
    %add3A_76 = arith.constant 128 : i32
    %add3A_77 = arith.addi %mul3A_0, %add3A_76 : i32
    %lt3A_78 = arith.cmpi slt, %sub3A_68, %add3A_77 : i32
    %and3A_79 = arith.andi %and3A_75, %lt3A_78 : i1
    %mul3A_80 = arith.constant 8 : i32
    %mul3A_81 = arith.muli %mul3A_80, %sub3A_68 : i32
    %multiple_of3A_82 = tpu.assume_multiple %mul3A_81, 8 : i32
    %mul3A_83 = arith.constant 128 : i32
    %mul3A_84 = arith.muli %mul3A_83, %add3A_63 : i32
    %multiple_of3A_85 = tpu.assume_multiple %mul3A_84, 8 : i32
    %convert_element_type3A_86 = arith.extui %and3A_79 : i1 to i32
    %cond3A_87 = arith.constant 0 : i32
    %cond3A_88 = arith.cmpi ne, %convert_element_type3A_86, %cond3A_87 : i32
    scf.if %cond3A_88 {
      %dma_wait3A = tpu.memref_slice %arg3[%arg1, %multiple_of3A_82, %multiple_of3A_85] : memref<16x2048x2048xf32, #tpu.memory_space<hbm>> -> memref<1x8x128xf32, #tpu.memory_space<hbm>>
      %dma_wait3A_502 = tpu.memref_squeeze %dma_wait3A : memref<1x8x128xf32, #tpu.memory_space<hbm>> -> memref<8x128xf32, #tpu.memory_space<hbm>>
      %dma_wait3A_503 = tpu.memref_slice %arg3[%arg1, %multiple_of3A_82, %multiple_of3A_85] : memref<16x2048x2048xf32, #tpu.memory_space<hbm>> -> memref<1x8x128xf32, #tpu.memory_space<hbm>>
      %dma_wait3A_504 = tpu.memref_squeeze %dma_wait3A_503 : memref<1x8x128xf32, #tpu.memory_space<hbm>> -> memref<8x128xf32, #tpu.memory_space<hbm>>
      tpu.wait_dma2 semaphore(%arg7 : memref<!tpu.dma_semaphore, #tpu.memory_space<semaphore_mem>>) src(%arg5 : memref<8x128xf32, #tpu.memory_space<vmem>>) dst(%dma_wait3A_504 : memref<8x128xf32, #tpu.memory_space<hbm>>)
    } else {
    }
    %add3A_89 = arith.constant 2 : i32
    %add3A_90 = arith.addi %select_n3A, %add3A_89 : i32
    %mul3A_91 = arith.constant 16 : i32
    %mul3A_92 = arith.muli %mul3A_91, %add3A_90 : i32
    %add3A_93 = arith.constant 256 : i32
    %add3A_94 = arith.addi %add3A_93, %mul3A_92 : i32
    %sub3A_95 = arith.subi %add3A_94, %add3A_17 : i32
    %ge3A_96 = arith.constant 0 : i32
    %ge3A_97 = arith.cmpi sge, %add3A_90, %ge3A_96 : i32
    %lt3A_98 = arith.constant 16 : i32
    %lt3A_99 = arith.cmpi slt, %add3A_90, %lt3A_98 : i32
    %and3A_100 = arith.andi %ge3A_97, %lt3A_99 : i1
    %ge3A_101 = arith.cmpi sge, %sub3A_95, %mul3A_0 : i32
    %and3A_102 = arith.andi %and3A_100, %ge3A_101 : i1
    %add3A_103 = arith.constant 128 : i32
    %add3A_104 = arith.addi %mul3A_0, %add3A_103 : i32
    %lt3A_105 = arith.cmpi slt, %sub3A_95, %add3A_104 : i32
    %and3A_106 = arith.andi %and3A_102, %lt3A_105 : i1
    %mul3A_107 = arith.constant 8 : i32
    %mul3A_108 = arith.muli %mul3A_107, %sub3A_95 : i32
    %multiple_of3A_109 = tpu.assume_multiple %mul3A_108, 8 : i32
    %mul3A_110 = arith.constant 128 : i32
    %mul3A_111 = arith.muli %mul3A_110, %add3A_90 : i32
    %multiple_of3A_112 = tpu.assume_multiple %mul3A_111, 8 : i32
    %convert_element_type3A_113 = arith.extui %and3A_106 : i1 to i32
    %cond3A_114 = arith.constant 0 : i32
    %cond3A_115 = arith.cmpi ne, %convert_element_type3A_113, %cond3A_114 : i32
    scf.if %cond3A_115 {
      %dma_wait3A = tpu.memref_slice %arg3[%arg1, %multiple_of3A_109, %multiple_of3A_112] : memref<16x2048x2048xf32, #tpu.memory_space<hbm>> -> memref<1x8x128xf32, #tpu.memory_space<hbm>>
      %dma_wait3A_502 = tpu.memref_squeeze %dma_wait3A : memref<1x8x128xf32, #tpu.memory_space<hbm>> -> memref<8x128xf32, #tpu.memory_space<hbm>>
      %dma_wait3A_503 = tpu.memref_slice %arg3[%arg1, %multiple_of3A_109, %multiple_of3A_112] : memref<16x2048x2048xf32, #tpu.memory_space<hbm>> -> memref<1x8x128xf32, #tpu.memory_space<hbm>>
      %dma_wait3A_504 = tpu.memref_squeeze %dma_wait3A_503 : memref<1x8x128xf32, #tpu.memory_space<hbm>> -> memref<8x128xf32, #tpu.memory_space<hbm>>
      tpu.wait_dma2 semaphore(%arg7 : memref<!tpu.dma_semaphore, #tpu.memory_space<semaphore_mem>>) src(%arg5 : memref<8x128xf32, #tpu.memory_space<vmem>>) dst(%dma_wait3A_504 : memref<8x128xf32, #tpu.memory_space<hbm>>)
    } else {
    }
    %add3A_116 = arith.constant 3 : i32
    %add3A_117 = arith.addi %select_n3A, %add3A_116 : i32
    %mul3A_118 = arith.constant 16 : i32
    %mul3A_119 = arith.muli %mul3A_118, %add3A_117 : i32
    %add3A_120 = arith.constant 256 : i32
    %add3A_121 = arith.addi %add3A_120, %mul3A_119 : i32
    %sub3A_122 = arith.subi %add3A_121, %add3A_17 : i32
    %ge3A_123 = arith.constant 0 : i32
    %ge3A_124 = arith.cmpi sge, %add3A_117, %ge3A_123 : i32
    %lt3A_125 = arith.constant 16 : i32
    %lt3A_126 = arith.cmpi slt, %add3A_117, %lt3A_125 : i32
    %and3A_127 = arith.andi %ge3A_124, %lt3A_126 : i1
    %ge3A_128 = arith.cmpi sge, %sub3A_122, %mul3A_0 : i32
    %and3A_129 = arith.andi %and3A_127, %ge3A_128 : i1
    %add3A_130 = arith.constant 128 : i32
    %add3A_131 = arith.addi %mul3A_0, %add3A_130 : i32
    %lt3A_132 = arith.cmpi slt, %sub3A_122, %add3A_131 : i32
    %and3A_133 = arith.andi %and3A_129, %lt3A_132 : i1
    %mul3A_134 = arith.constant 8 : i32
    %mul3A_135 = arith.muli %mul3A_134, %sub3A_122 : i32
    %multiple_of3A_136 = tpu.assume_multiple %mul3A_135, 8 : i32
    %mul3A_137 = arith.constant 128 : i32
    %mul3A_138 = arith.muli %mul3A_137, %add3A_117 : i32
    %multiple_of3A_139 = tpu.assume_multiple %mul3A_138, 8 : i32
    %convert_element_type3A_140 = arith.extui %and3A_133 : i1 to i32
    %cond3A_141 = arith.constant 0 : i32
    %cond3A_142 = arith.cmpi ne, %convert_element_type3A_140, %cond3A_141 : i32
    scf.if %cond3A_142 {
      %dma_wait3A = tpu.memref_slice %arg3[%arg1, %multiple_of3A_136, %multiple_of3A_139] : memref<16x2048x2048xf32, #tpu.memory_space<hbm>> -> memref<1x8x128xf32, #tpu.memory_space<hbm>>
      %dma_wait3A_502 = tpu.memref_squeeze %dma_wait3A : memref<1x8x128xf32, #tpu.memory_space<hbm>> -> memref<8x128xf32, #tpu.memory_space<hbm>>
      %dma_wait3A_503 = tpu.memref_slice %arg3[%arg1, %multiple_of3A_136, %multiple_of3A_139] : memref<16x2048x2048xf32, #tpu.memory_space<hbm>> -> memref<1x8x128xf32, #tpu.memory_space<hbm>>
      %dma_wait3A_504 = tpu.memref_squeeze %dma_wait3A_503 : memref<1x8x128xf32, #tpu.memory_space<hbm>> -> memref<8x128xf32, #tpu.memory_space<hbm>>
      tpu.wait_dma2 semaphore(%arg7 : memref<!tpu.dma_semaphore, #tpu.memory_space<semaphore_mem>>) src(%arg5 : memref<8x128xf32, #tpu.memory_space<vmem>>) dst(%dma_wait3A_504 : memref<8x128xf32, #tpu.memory_space<hbm>>)
    } else {
    }
    %add3A_143 = arith.constant 4 : i32
    %add3A_144 = arith.addi %select_n3A, %add3A_143 : i32
    %mul3A_145 = arith.constant 16 : i32
    %mul3A_146 = arith.muli %mul3A_145, %add3A_144 : i32
    %add3A_147 = arith.constant 256 : i32
    %add3A_148 = arith.addi %add3A_147, %mul3A_146 : i32
    %sub3A_149 = arith.subi %add3A_148, %add3A_17 : i32
    %ge3A_150 = arith.constant 0 : i32
    %ge3A_151 = arith.cmpi sge, %add3A_144, %ge3A_150 : i32
    %lt3A_152 = arith.constant 16 : i32
    %lt3A_153 = arith.cmpi slt, %add3A_144, %lt3A_152 : i32
    %and3A_154 = arith.andi %ge3A_151, %lt3A_153 : i1
    %ge3A_155 = arith.cmpi sge, %sub3A_149, %mul3A_0 : i32
    %and3A_156 = arith.andi %and3A_154, %ge3A_155 : i1
    %add3A_157 = arith.constant 128 : i32
    %add3A_158 = arith.addi %mul3A_0, %add3A_157 : i32
    %lt3A_159 = arith.cmpi slt, %sub3A_149, %add3A_158 : i32
    %and3A_160 = arith.andi %and3A_156, %lt3A_159 : i1
    %mul3A_161 = arith.constant 8 : i32
    %mul3A_162 = arith.muli %mul3A_161, %sub3A_149 : i32
    %multiple_of3A_163 = tpu.assume_multiple %mul3A_162, 8 : i32
    %mul3A_164 = arith.constant 128 : i32
    %mul3A_165 = arith.muli %mul3A_164, %add3A_144 : i32
    %multiple_of3A_166 = tpu.assume_multiple %mul3A_165, 8 : i32
    %convert_element_type3A_167 = arith.extui %and3A_160 : i1 to i32
    %cond3A_168 = arith.constant 0 : i32
    %cond3A_169 = arith.cmpi ne, %convert_element_type3A_167, %cond3A_168 : i32
    scf.if %cond3A_169 {
      %dma_wait3A = tpu.memref_slice %arg3[%arg1, %multiple_of3A_163, %multiple_of3A_166] : memref<16x2048x2048xf32, #tpu.memory_space<hbm>> -> memref<1x8x128xf32, #tpu.memory_space<hbm>>
      %dma_wait3A_502 = tpu.memref_squeeze %dma_wait3A : memref<1x8x128xf32, #tpu.memory_space<hbm>> -> memref<8x128xf32, #tpu.memory_space<hbm>>
      %dma_wait3A_503 = tpu.memref_slice %arg3[%arg1, %multiple_of3A_163, %multiple_of3A_166] : memref<16x2048x2048xf32, #tpu.memory_space<hbm>> -> memref<1x8x128xf32, #tpu.memory_space<hbm>>
      %dma_wait3A_504 = tpu.memref_squeeze %dma_wait3A_503 : memref<1x8x128xf32, #tpu.memory_space<hbm>> -> memref<8x128xf32, #tpu.memory_space<hbm>>
      tpu.wait_dma2 semaphore(%arg7 : memref<!tpu.dma_semaphore, #tpu.memory_space<semaphore_mem>>) src(%arg5 : memref<8x128xf32, #tpu.memory_space<vmem>>) dst(%dma_wait3A_504 : memref<8x128xf32, #tpu.memory_space<hbm>>)
    } else {
    }
    %add3A_170 = arith.constant 5 : i32
    %add3A_171 = arith.addi %select_n3A, %add3A_170 : i32
    %mul3A_172 = arith.constant 16 : i32
    %mul3A_173 = arith.muli %mul3A_172, %add3A_171 : i32
    %add3A_174 = arith.constant 256 : i32
    %add3A_175 = arith.addi %add3A_174, %mul3A_173 : i32
    %sub3A_176 = arith.subi %add3A_175, %add3A_17 : i32
    %ge3A_177 = arith.constant 0 : i32
    %ge3A_178 = arith.cmpi sge, %add3A_171, %ge3A_177 : i32
    %lt3A_179 = arith.constant 16 : i32
    %lt3A_180 = arith.cmpi slt, %add3A_171, %lt3A_179 : i32
    %and3A_181 = arith.andi %ge3A_178, %lt3A_180 : i1
    %ge3A_182 = arith.cmpi sge, %sub3A_176, %mul3A_0 : i32
    %and3A_183 = arith.andi %and3A_181, %ge3A_182 : i1
    %add3A_184 = arith.constant 128 : i32
    %add3A_185 = arith.addi %mul3A_0, %add3A_184 : i32
    %lt3A_186 = arith.cmpi slt, %sub3A_176, %add3A_185 : i32
    %and3A_187 = arith.andi %and3A_183, %lt3A_186 : i1
    %mul3A_188 = arith.constant 8 : i32
    %mul3A_189 = arith.muli %mul3A_188, %sub3A_176 : i32
    %multiple_of3A_190 = tpu.assume_multiple %mul3A_189, 8 : i32
    %mul3A_191 = arith.constant 128 : i32
    %mul3A_192 = arith.muli %mul3A_191, %add3A_171 : i32
    %multiple_of3A_193 = tpu.assume_multiple %mul3A_192, 8 : i32
    %convert_element_type3A_194 = arith.extui %and3A_187 : i1 to i32
    %cond3A_195 = arith.constant 0 : i32
    %cond3A_196 = arith.cmpi ne, %convert_element_type3A_194, %cond3A_195 : i32
    scf.if %cond3A_196 {
      %dma_wait3A = tpu.memref_slice %arg3[%arg1, %multiple_of3A_190, %multiple_of3A_193] : memref<16x2048x2048xf32, #tpu.memory_space<hbm>> -> memref<1x8x128xf32, #tpu.memory_space<hbm>>
      %dma_wait3A_502 = tpu.memref_squeeze %dma_wait3A : memref<1x8x128xf32, #tpu.memory_space<hbm>> -> memref<8x128xf32, #tpu.memory_space<hbm>>
      %dma_wait3A_503 = tpu.memref_slice %arg3[%arg1, %multiple_of3A_190, %multiple_of3A_193] : memref<16x2048x2048xf32, #tpu.memory_space<hbm>> -> memref<1x8x128xf32, #tpu.memory_space<hbm>>
      %dma_wait3A_504 = tpu.memref_squeeze %dma_wait3A_503 : memref<1x8x128xf32, #tpu.memory_space<hbm>> -> memref<8x128xf32, #tpu.memory_space<hbm>>
      tpu.wait_dma2 semaphore(%arg7 : memref<!tpu.dma_semaphore, #tpu.memory_space<semaphore_mem>>) src(%arg5 : memref<8x128xf32, #tpu.memory_space<vmem>>) dst(%dma_wait3A_504 : memref<8x128xf32, #tpu.memory_space<hbm>>)
    } else {
    }
    %add3A_197 = arith.constant 6 : i32
    %add3A_198 = arith.addi %select_n3A, %add3A_197 : i32
    %mul3A_199 = arith.constant 16 : i32
    %mul3A_200 = arith.muli %mul3A_199, %add3A_198 : i32
    %add3A_201 = arith.constant 256 : i32
    %add3A_202 = arith.addi %add3A_201, %mul3A_200 : i32
    %sub3A_203 = arith.subi %add3A_202, %add3A_17 : i32
    %ge3A_204 = arith.constant 0 : i32
    %ge3A_205 = arith.cmpi sge, %add3A_198, %ge3A_204 : i32
    %lt3A_206 = arith.constant 16 : i32
    %lt3A_207 = arith.cmpi slt, %add3A_198, %lt3A_206 : i32
    %and3A_208 = arith.andi %ge3A_205, %lt3A_207 : i1
    %ge3A_209 = arith.cmpi sge, %sub3A_203, %mul3A_0 : i32
    %and3A_210 = arith.andi %and3A_208, %ge3A_209 : i1
    %add3A_211 = arith.constant 128 : i32
    %add3A_212 = arith.addi %mul3A_0, %add3A_211 : i32
    %lt3A_213 = arith.cmpi slt, %sub3A_203, %add3A_212 : i32
    %and3A_214 = arith.andi %and3A_210, %lt3A_213 : i1
    %mul3A_215 = arith.constant 8 : i32
    %mul3A_216 = arith.muli %mul3A_215, %sub3A_203 : i32
    %multiple_of3A_217 = tpu.assume_multiple %mul3A_216, 8 : i32
    %mul3A_218 = arith.constant 128 : i32
    %mul3A_219 = arith.muli %mul3A_218, %add3A_198 : i32
    %multiple_of3A_220 = tpu.assume_multiple %mul3A_219, 8 : i32
    %convert_element_type3A_221 = arith.extui %and3A_214 : i1 to i32
    %cond3A_222 = arith.constant 0 : i32
    %cond3A_223 = arith.cmpi ne, %convert_element_type3A_221, %cond3A_222 : i32
    scf.if %cond3A_223 {
      %dma_wait3A = tpu.memref_slice %arg3[%arg1, %multiple_of3A_217, %multiple_of3A_220] : memref<16x2048x2048xf32, #tpu.memory_space<hbm>> -> memref<1x8x128xf32, #tpu.memory_space<hbm>>
      %dma_wait3A_502 = tpu.memref_squeeze %dma_wait3A : memref<1x8x128xf32, #tpu.memory_space<hbm>> -> memref<8x128xf32, #tpu.memory_space<hbm>>
      %dma_wait3A_503 = tpu.memref_slice %arg3[%arg1, %multiple_of3A_217, %multiple_of3A_220] : memref<16x2048x2048xf32, #tpu.memory_space<hbm>> -> memref<1x8x128xf32, #tpu.memory_space<hbm>>
      %dma_wait3A_504 = tpu.memref_squeeze %dma_wait3A_503 : memref<1x8x128xf32, #tpu.memory_space<hbm>> -> memref<8x128xf32, #tpu.memory_space<hbm>>
      tpu.wait_dma2 semaphore(%arg7 : memref<!tpu.dma_semaphore, #tpu.memory_space<semaphore_mem>>) src(%arg5 : memref<8x128xf32, #tpu.memory_space<vmem>>) dst(%dma_wait3A_504 : memref<8x128xf32, #tpu.memory_space<hbm>>)
    } else {
    }
    %add3A_224 = arith.constant 7 : i32
    %add3A_225 = arith.addi %select_n3A, %add3A_224 : i32
    %mul3A_226 = arith.constant 16 : i32
    %mul3A_227 = arith.muli %mul3A_226, %add3A_225 : i32
    %add3A_228 = arith.constant 256 : i32
    %add3A_229 = arith.addi %add3A_228, %mul3A_227 : i32
    %sub3A_230 = arith.subi %add3A_229, %add3A_17 : i32
    %ge3A_231 = arith.constant 0 : i32
    %ge3A_232 = arith.cmpi sge, %add3A_225, %ge3A_231 : i32
    %lt3A_233 = arith.constant 16 : i32
    %lt3A_234 = arith.cmpi slt, %add3A_225, %lt3A_233 : i32
    %and3A_235 = arith.andi %ge3A_232, %lt3A_234 : i1
    %ge3A_236 = arith.cmpi sge, %sub3A_230, %mul3A_0 : i32
    %and3A_237 = arith.andi %and3A_235, %ge3A_236 : i1
    %add3A_238 = arith.constant 128 : i32
    %add3A_239 = arith.addi %mul3A_0, %add3A_238 : i32
    %lt3A_240 = arith.cmpi slt, %sub3A_230, %add3A_239 : i32
    %and3A_241 = arith.andi %and3A_237, %lt3A_240 : i1
    %mul3A_242 = arith.constant 8 : i32
    %mul3A_243 = arith.muli %mul3A_242, %sub3A_230 : i32
    %multiple_of3A_244 = tpu.assume_multiple %mul3A_243, 8 : i32
    %mul3A_245 = arith.constant 128 : i32
    %mul3A_246 = arith.muli %mul3A_245, %add3A_225 : i32
    %multiple_of3A_247 = tpu.assume_multiple %mul3A_246, 8 : i32
    %convert_element_type3A_248 = arith.extui %and3A_241 : i1 to i32
    %cond3A_249 = arith.constant 0 : i32
    %cond3A_250 = arith.cmpi ne, %convert_element_type3A_248, %cond3A_249 : i32
    scf.if %cond3A_250 {
      %dma_wait3A = tpu.memref_slice %arg3[%arg1, %multiple_of3A_244, %multiple_of3A_247] : memref<16x2048x2048xf32, #tpu.memory_space<hbm>> -> memref<1x8x128xf32, #tpu.memory_space<hbm>>
      %dma_wait3A_502 = tpu.memref_squeeze %dma_wait3A : memref<1x8x128xf32, #tpu.memory_space<hbm>> -> memref<8x128xf32, #tpu.memory_space<hbm>>
      %dma_wait3A_503 = tpu.memref_slice %arg3[%arg1, %multiple_of3A_244, %multiple_of3A_247] : memref<16x2048x2048xf32, #tpu.memory_space<hbm>> -> memref<1x8x128xf32, #tpu.memory_space<hbm>>
      %dma_wait3A_504 = tpu.memref_squeeze %dma_wait3A_503 : memref<1x8x128xf32, #tpu.memory_space<hbm>> -> memref<8x128xf32, #tpu.memory_space<hbm>>
      tpu.wait_dma2 semaphore(%arg7 : memref<!tpu.dma_semaphore, #tpu.memory_space<semaphore_mem>>) src(%arg5 : memref<8x128xf32, #tpu.memory_space<vmem>>) dst(%dma_wait3A_504 : memref<8x128xf32, #tpu.memory_space<hbm>>)
    } else {
    }
    %add3A_251 = arith.constant 368 : i32
    %add3A_252 = arith.addi %sub3A_1, %add3A_251 : i32
    %sub3A_253 = arith.constant 2 : i32
    %sub3A_254 = arith.subi %add3A_252, %sub3A_253 : i32
    %add3A_255 = arith.constant 1 : i32
    %add3A_256 = arith.addi %sub3A_254, %add3A_255 : i32
    %add3A_257 = arith.addi %add3A_256, %mul3A_0 : i32
    %sub3A_258 = arith.constant 256 : i32
    %sub3A_259 = arith.subi %add3A_257, %sub3A_258 : i32
    %add3A_260 = arith.constant 15 : i32
    %add3A_261 = arith.addi %sub3A_259, %add3A_260 : i32
    %jit3A_262 = arith.constant 16 : i32
    %div3A_263 = arith.divsi %add3A_261, %jit3A_262 : i32
    %sign3A_264 = arith.constant 0 : i32
    %sign3A_265 = arith.cmpi sgt, %add3A_261, %sign3A_264 : i32
    %sign3A_266 = arith.extui %sign3A_265 : i1 to i32
    %sign3A_267 = arith.constant 0 : i32
    %sign3A_268 = arith.cmpi slt, %add3A_261, %sign3A_267 : i32
    %sign3A_269 = arith.extui %sign3A_268 : i1 to i32
    %sign3A_270 = arith.subi %sign3A_266, %sign3A_269 : i32
    %sign3A_271 = arith.constant 0 : i32
    %sign3A_272 = arith.cmpi sgt, %jit3A_262, %sign3A_271 : i32
    %sign3A_273 = arith.extui %sign3A_272 : i1 to i32
    %sign3A_274 = arith.constant 0 : i32
    %sign3A_275 = arith.cmpi slt, %jit3A_262, %sign3A_274 : i32
    %sign3A_276 = arith.extui %sign3A_275 : i1 to i32
    %sign3A_277 = arith.subi %sign3A_273, %sign3A_276 : i32
    %ne3A_278 = arith.cmpi ne, %sign3A_270, %sign3A_277 : i32
    %rem3A_279 = arith.remsi %add3A_261, %jit3A_262 : i32
    %ne3A_280 = arith.constant 0 : i32
    %ne3A_281 = arith.cmpi ne, %rem3A_279, %ne3A_280 : i32
    %and3A_282 = arith.andi %ne3A_278, %ne3A_281 : i1
    %sub3A_283 = arith.constant 1 : i32
    %sub3A_284 = arith.subi %div3A_263, %sub3A_283 : i32
    %select_n3A_285 = arith.select %and3A_282, %sub3A_284, %div3A_263 : i32
    %add3A_286 = arith.constant 0 : i32
    %add3A_287 = arith.addi %select_n3A_285, %add3A_286 : i32
    %mul3A_288 = arith.constant 16 : i32
    %mul3A_289 = arith.muli %mul3A_288, %add3A_287 : i32
    %add3A_290 = arith.constant 256 : i32
    %add3A_291 = arith.addi %add3A_290, %mul3A_289 : i32
    %sub3A_292 = arith.subi %add3A_291, %add3A_256 : i32
    %ge3A_293 = arith.constant 0 : i32
    %ge3A_294 = arith.cmpi sge, %add3A_287, %ge3A_293 : i32
    %lt3A_295 = arith.constant 16 : i32
    %lt3A_296 = arith.cmpi slt, %add3A_287, %lt3A_295 : i32
    %and3A_297 = arith.andi %ge3A_294, %lt3A_296 : i1
    %ge3A_298 = arith.cmpi sge, %sub3A_292, %mul3A_0 : i32
    %and3A_299 = arith.andi %and3A_297, %ge3A_298 : i1
    %add3A_300 = arith.constant 128 : i32
    %add3A_301 = arith.addi %mul3A_0, %add3A_300 : i32
    %lt3A_302 = arith.cmpi slt, %sub3A_292, %add3A_301 : i32
    %and3A_303 = arith.andi %and3A_299, %lt3A_302 : i1
    %mul3A_304 = arith.constant 8 : i32
    %mul3A_305 = arith.muli %mul3A_304, %sub3A_292 : i32
    %multiple_of3A_306 = tpu.assume_multiple %mul3A_305, 8 : i32
    %mul3A_307 = arith.constant 128 : i32
    %mul3A_308 = arith.muli %mul3A_307, %add3A_287 : i32
    %multiple_of3A_309 = tpu.assume_multiple %mul3A_308, 8 : i32
    %convert_element_type3A_310 = arith.extui %and3A_303 : i1 to i32
    %cond3A_311 = arith.constant 0 : i32
    %cond3A_312 = arith.cmpi ne, %convert_element_type3A_310, %cond3A_311 : i32
    scf.if %cond3A_312 {
      %dma_wait3A = tpu.memref_slice %arg3[%arg1, %multiple_of3A_306, %multiple_of3A_309] : memref<16x2048x2048xf32, #tpu.memory_space<hbm>> -> memref<1x8x128xf32, #tpu.memory_space<hbm>>
      %dma_wait3A_502 = tpu.memref_squeeze %dma_wait3A : memref<1x8x128xf32, #tpu.memory_space<hbm>> -> memref<8x128xf32, #tpu.memory_space<hbm>>
      %dma_wait3A_503 = tpu.memref_slice %arg3[%arg1, %multiple_of3A_306, %multiple_of3A_309] : memref<16x2048x2048xf32, #tpu.memory_space<hbm>> -> memref<1x8x128xf32, #tpu.memory_space<hbm>>
      %dma_wait3A_504 = tpu.memref_squeeze %dma_wait3A_503 : memref<1x8x128xf32, #tpu.memory_space<hbm>> -> memref<8x128xf32, #tpu.memory_space<hbm>>
      tpu.wait_dma2 semaphore(%arg8 : memref<!tpu.dma_semaphore, #tpu.memory_space<semaphore_mem>>) src(%arg6 : memref<8x128xf32, #tpu.memory_space<vmem>>) dst(%dma_wait3A_504 : memref<8x128xf32, #tpu.memory_space<hbm>>)
    } else {
    }
    %add3A_313 = arith.constant 1 : i32
    %add3A_314 = arith.addi %select_n3A_285, %add3A_313 : i32
    %mul3A_315 = arith.constant 16 : i32
    %mul3A_316 = arith.muli %mul3A_315, %add3A_314 : i32
    %add3A_317 = arith.constant 256 : i32
    %add3A_318 = arith.addi %add3A_317, %mul3A_316 : i32
    %sub3A_319 = arith.subi %add3A_318, %add3A_256 : i32
    %ge3A_320 = arith.constant 0 : i32
    %ge3A_321 = arith.cmpi sge, %add3A_314, %ge3A_320 : i32
    %lt3A_322 = arith.constant 16 : i32
    %lt3A_323 = arith.cmpi slt, %add3A_314, %lt3A_322 : i32
    %and3A_324 = arith.andi %ge3A_321, %lt3A_323 : i1
    %ge3A_325 = arith.cmpi sge, %sub3A_319, %mul3A_0 : i32
    %and3A_326 = arith.andi %and3A_324, %ge3A_325 : i1
    %add3A_327 = arith.constant 128 : i32
    %add3A_328 = arith.addi %mul3A_0, %add3A_327 : i32
    %lt3A_329 = arith.cmpi slt, %sub3A_319, %add3A_328 : i32
    %and3A_330 = arith.andi %and3A_326, %lt3A_329 : i1
    %mul3A_331 = arith.constant 8 : i32
    %mul3A_332 = arith.muli %mul3A_331, %sub3A_319 : i32
    %multiple_of3A_333 = tpu.assume_multiple %mul3A_332, 8 : i32
    %mul3A_334 = arith.constant 128 : i32
    %mul3A_335 = arith.muli %mul3A_334, %add3A_314 : i32
    %multiple_of3A_336 = tpu.assume_multiple %mul3A_335, 8 : i32
    %convert_element_type3A_337 = arith.extui %and3A_330 : i1 to i32
    %cond3A_338 = arith.constant 0 : i32
    %cond3A_339 = arith.cmpi ne, %convert_element_type3A_337, %cond3A_338 : i32
    scf.if %cond3A_339 {
      %dma_wait3A = tpu.memref_slice %arg3[%arg1, %multiple_of3A_333, %multiple_of3A_336] : memref<16x2048x2048xf32, #tpu.memory_space<hbm>> -> memref<1x8x128xf32, #tpu.memory_space<hbm>>
      %dma_wait3A_502 = tpu.memref_squeeze %dma_wait3A : memref<1x8x128xf32, #tpu.memory_space<hbm>> -> memref<8x128xf32, #tpu.memory_space<hbm>>
      %dma_wait3A_503 = tpu.memref_slice %arg3[%arg1, %multiple_of3A_333, %multiple_of3A_336] : memref<16x2048x2048xf32, #tpu.memory_space<hbm>> -> memref<1x8x128xf32, #tpu.memory_space<hbm>>
      %dma_wait3A_504 = tpu.memref_squeeze %dma_wait3A_503 : memref<1x8x128xf32, #tpu.memory_space<hbm>> -> memref<8x128xf32, #tpu.memory_space<hbm>>
      tpu.wait_dma2 semaphore(%arg8 : memref<!tpu.dma_semaphore, #tpu.memory_space<semaphore_mem>>) src(%arg6 : memref<8x128xf32, #tpu.memory_space<vmem>>) dst(%dma_wait3A_504 : memref<8x128xf32, #tpu.memory_space<hbm>>)
    } else {
    }
    %add3A_340 = arith.constant 2 : i32
    %add3A_341 = arith.addi %select_n3A_285, %add3A_340 : i32
    %mul3A_342 = arith.constant 16 : i32
    %mul3A_343 = arith.muli %mul3A_342, %add3A_341 : i32
    %add3A_344 = arith.constant 256 : i32
    %add3A_345 = arith.addi %add3A_344, %mul3A_343 : i32
    %sub3A_346 = arith.subi %add3A_345, %add3A_256 : i32
    %ge3A_347 = arith.constant 0 : i32
    %ge3A_348 = arith.cmpi sge, %add3A_341, %ge3A_347 : i32
    %lt3A_349 = arith.constant 16 : i32
    %lt3A_350 = arith.cmpi slt, %add3A_341, %lt3A_349 : i32
    %and3A_351 = arith.andi %ge3A_348, %lt3A_350 : i1
    %ge3A_352 = arith.cmpi sge, %sub3A_346, %mul3A_0 : i32
    %and3A_353 = arith.andi %and3A_351, %ge3A_352 : i1
    %add3A_354 = arith.constant 128 : i32
    %add3A_355 = arith.addi %mul3A_0, %add3A_354 : i32
    %lt3A_356 = arith.cmpi slt, %sub3A_346, %add3A_355 : i32
    %and3A_357 = arith.andi %and3A_353, %lt3A_356 : i1
    %mul3A_358 = arith.constant 8 : i32
    %mul3A_359 = arith.muli %mul3A_358, %sub3A_346 : i32
    %multiple_of3A_360 = tpu.assume_multiple %mul3A_359, 8 : i32
    %mul3A_361 = arith.constant 128 : i32
    %mul3A_362 = arith.muli %mul3A_361, %add3A_341 : i32
    %multiple_of3A_363 = tpu.assume_multiple %mul3A_362, 8 : i32
    %convert_element_type3A_364 = arith.extui %and3A_357 : i1 to i32
    %cond3A_365 = arith.constant 0 : i32
    %cond3A_366 = arith.cmpi ne, %convert_element_type3A_364, %cond3A_365 : i32
    scf.if %cond3A_366 {
      %dma_wait3A = tpu.memref_slice %arg3[%arg1, %multiple_of3A_360, %multiple_of3A_363] : memref<16x2048x2048xf32, #tpu.memory_space<hbm>> -> memref<1x8x128xf32, #tpu.memory_space<hbm>>
      %dma_wait3A_502 = tpu.memref_squeeze %dma_wait3A : memref<1x8x128xf32, #tpu.memory_space<hbm>> -> memref<8x128xf32, #tpu.memory_space<hbm>>
      %dma_wait3A_503 = tpu.memref_slice %arg3[%arg1, %multiple_of3A_360, %multiple_of3A_363] : memref<16x2048x2048xf32, #tpu.memory_space<hbm>> -> memref<1x8x128xf32, #tpu.memory_space<hbm>>
      %dma_wait3A_504 = tpu.memref_squeeze %dma_wait3A_503 : memref<1x8x128xf32, #tpu.memory_space<hbm>> -> memref<8x128xf32, #tpu.memory_space<hbm>>
      tpu.wait_dma2 semaphore(%arg8 : memref<!tpu.dma_semaphore, #tpu.memory_space<semaphore_mem>>) src(%arg6 : memref<8x128xf32, #tpu.memory_space<vmem>>) dst(%dma_wait3A_504 : memref<8x128xf32, #tpu.memory_space<hbm>>)
    } else {
    }
    %add3A_367 = arith.constant 3 : i32
    %add3A_368 = arith.addi %select_n3A_285, %add3A_367 : i32
    %mul3A_369 = arith.constant 16 : i32
    %mul3A_370 = arith.muli %mul3A_369, %add3A_368 : i32
    %add3A_371 = arith.constant 256 : i32
    %add3A_372 = arith.addi %add3A_371, %mul3A_370 : i32
    %sub3A_373 = arith.subi %add3A_372, %add3A_256 : i32
    %ge3A_374 = arith.constant 0 : i32
    %ge3A_375 = arith.cmpi sge, %add3A_368, %ge3A_374 : i32
    %lt3A_376 = arith.constant 16 : i32
    %lt3A_377 = arith.cmpi slt, %add3A_368, %lt3A_376 : i32
    %and3A_378 = arith.andi %ge3A_375, %lt3A_377 : i1
    %ge3A_379 = arith.cmpi sge, %sub3A_373, %mul3A_0 : i32
    %and3A_380 = arith.andi %and3A_378, %ge3A_379 : i1
    %add3A_381 = arith.constant 128 : i32
    %add3A_382 = arith.addi %mul3A_0, %add3A_381 : i32
    %lt3A_383 = arith.cmpi slt, %sub3A_373, %add3A_382 : i32
    %and3A_384 = arith.andi %and3A_380, %lt3A_383 : i1
    %mul3A_385 = arith.constant 8 : i32
    %mul3A_386 = arith.muli %mul3A_385, %sub3A_373 : i32
    %multiple_of3A_387 = tpu.assume_multiple %mul3A_386, 8 : i32
    %mul3A_388 = arith.constant 128 : i32
    %mul3A_389 = arith.muli %mul3A_388, %add3A_368 : i32
    %multiple_of3A_390 = tpu.assume_multiple %mul3A_389, 8 : i32
    %convert_element_type3A_391 = arith.extui %and3A_384 : i1 to i32
    %cond3A_392 = arith.constant 0 : i32
    %cond3A_393 = arith.cmpi ne, %convert_element_type3A_391, %cond3A_392 : i32
    scf.if %cond3A_393 {
      %dma_wait3A = tpu.memref_slice %arg3[%arg1, %multiple_of3A_387, %multiple_of3A_390] : memref<16x2048x2048xf32, #tpu.memory_space<hbm>> -> memref<1x8x128xf32, #tpu.memory_space<hbm>>
      %dma_wait3A_502 = tpu.memref_squeeze %dma_wait3A : memref<1x8x128xf32, #tpu.memory_space<hbm>> -> memref<8x128xf32, #tpu.memory_space<hbm>>
      %dma_wait3A_503 = tpu.memref_slice %arg3[%arg1, %multiple_of3A_387, %multiple_of3A_390] : memref<16x2048x2048xf32, #tpu.memory_space<hbm>> -> memref<1x8x128xf32, #tpu.memory_space<hbm>>
      %dma_wait3A_504 = tpu.memref_squeeze %dma_wait3A_503 : memref<1x8x128xf32, #tpu.memory_space<hbm>> -> memref<8x128xf32, #tpu.memory_space<hbm>>
      tpu.wait_dma2 semaphore(%arg8 : memref<!tpu.dma_semaphore, #tpu.memory_space<semaphore_mem>>) src(%arg6 : memref<8x128xf32, #tpu.memory_space<vmem>>) dst(%dma_wait3A_504 : memref<8x128xf32, #tpu.memory_space<hbm>>)
    } else {
    }
    %add3A_394 = arith.constant 4 : i32
    %add3A_395 = arith.addi %select_n3A_285, %add3A_394 : i32
    %mul3A_396 = arith.constant 16 : i32
    %mul3A_397 = arith.muli %mul3A_396, %add3A_395 : i32
    %add3A_398 = arith.constant 256 : i32
    %add3A_399 = arith.addi %add3A_398, %mul3A_397 : i32
    %sub3A_400 = arith.subi %add3A_399, %add3A_256 : i32
    %ge3A_401 = arith.constant 0 : i32
    %ge3A_402 = arith.cmpi sge, %add3A_395, %ge3A_401 : i32
    %lt3A_403 = arith.constant 16 : i32
    %lt3A_404 = arith.cmpi slt, %add3A_395, %lt3A_403 : i32
    %and3A_405 = arith.andi %ge3A_402, %lt3A_404 : i1
    %ge3A_406 = arith.cmpi sge, %sub3A_400, %mul3A_0 : i32
    %and3A_407 = arith.andi %and3A_405, %ge3A_406 : i1
    %add3A_408 = arith.constant 128 : i32
    %add3A_409 = arith.addi %mul3A_0, %add3A_408 : i32
    %lt3A_410 = arith.cmpi slt, %sub3A_400, %add3A_409 : i32
    %and3A_411 = arith.andi %and3A_407, %lt3A_410 : i1
    %mul3A_412 = arith.constant 8 : i32
    %mul3A_413 = arith.muli %mul3A_412, %sub3A_400 : i32
    %multiple_of3A_414 = tpu.assume_multiple %mul3A_413, 8 : i32
    %mul3A_415 = arith.constant 128 : i32
    %mul3A_416 = arith.muli %mul3A_415, %add3A_395 : i32
    %multiple_of3A_417 = tpu.assume_multiple %mul3A_416, 8 : i32
    %convert_element_type3A_418 = arith.extui %and3A_411 : i1 to i32
    %cond3A_419 = arith.constant 0 : i32
    %cond3A_420 = arith.cmpi ne, %convert_element_type3A_418, %cond3A_419 : i32
    scf.if %cond3A_420 {
      %dma_wait3A = tpu.memref_slice %arg3[%arg1, %multiple_of3A_414, %multiple_of3A_417] : memref<16x2048x2048xf32, #tpu.memory_space<hbm>> -> memref<1x8x128xf32, #tpu.memory_space<hbm>>
      %dma_wait3A_502 = tpu.memref_squeeze %dma_wait3A : memref<1x8x128xf32, #tpu.memory_space<hbm>> -> memref<8x128xf32, #tpu.memory_space<hbm>>
      %dma_wait3A_503 = tpu.memref_slice %arg3[%arg1, %multiple_of3A_414, %multiple_of3A_417] : memref<16x2048x2048xf32, #tpu.memory_space<hbm>> -> memref<1x8x128xf32, #tpu.memory_space<hbm>>
      %dma_wait3A_504 = tpu.memref_squeeze %dma_wait3A_503 : memref<1x8x128xf32, #tpu.memory_space<hbm>> -> memref<8x128xf32, #tpu.memory_space<hbm>>
      tpu.wait_dma2 semaphore(%arg8 : memref<!tpu.dma_semaphore, #tpu.memory_space<semaphore_mem>>) src(%arg6 : memref<8x128xf32, #tpu.memory_space<vmem>>) dst(%dma_wait3A_504 : memref<8x128xf32, #tpu.memory_space<hbm>>)
    } else {
    }
    %add3A_421 = arith.constant 5 : i32
    %add3A_422 = arith.addi %select_n3A_285, %add3A_421 : i32
    %mul3A_423 = arith.constant 16 : i32
    %mul3A_424 = arith.muli %mul3A_423, %add3A_422 : i32
    %add3A_425 = arith.constant 256 : i32
    %add3A_426 = arith.addi %add3A_425, %mul3A_424 : i32
    %sub3A_427 = arith.subi %add3A_426, %add3A_256 : i32
    %ge3A_428 = arith.constant 0 : i32
    %ge3A_429 = arith.cmpi sge, %add3A_422, %ge3A_428 : i32
    %lt3A_430 = arith.constant 16 : i32
    %lt3A_431 = arith.cmpi slt, %add3A_422, %lt3A_430 : i32
    %and3A_432 = arith.andi %ge3A_429, %lt3A_431 : i1
    %ge3A_433 = arith.cmpi sge, %sub3A_427, %mul3A_0 : i32
    %and3A_434 = arith.andi %and3A_432, %ge3A_433 : i1
    %add3A_435 = arith.constant 128 : i32
    %add3A_436 = arith.addi %mul3A_0, %add3A_435 : i32
    %lt3A_437 = arith.cmpi slt, %sub3A_427, %add3A_436 : i32
    %and3A_438 = arith.andi %and3A_434, %lt3A_437 : i1
    %mul3A_439 = arith.constant 8 : i32
    %mul3A_440 = arith.muli %mul3A_439, %sub3A_427 : i32
    %multiple_of3A_441 = tpu.assume_multiple %mul3A_440, 8 : i32
    %mul3A_442 = arith.constant 128 : i32
    %mul3A_443 = arith.muli %mul3A_442, %add3A_422 : i32
    %multiple_of3A_444 = tpu.assume_multiple %mul3A_443, 8 : i32
    %convert_element_type3A_445 = arith.extui %and3A_438 : i1 to i32
    %cond3A_446 = arith.constant 0 : i32
    %cond3A_447 = arith.cmpi ne, %convert_element_type3A_445, %cond3A_446 : i32
    scf.if %cond3A_447 {
      %dma_wait3A = tpu.memref_slice %arg3[%arg1, %multiple_of3A_441, %multiple_of3A_444] : memref<16x2048x2048xf32, #tpu.memory_space<hbm>> -> memref<1x8x128xf32, #tpu.memory_space<hbm>>
      %dma_wait3A_502 = tpu.memref_squeeze %dma_wait3A : memref<1x8x128xf32, #tpu.memory_space<hbm>> -> memref<8x128xf32, #tpu.memory_space<hbm>>
      %dma_wait3A_503 = tpu.memref_slice %arg3[%arg1, %multiple_of3A_441, %multiple_of3A_444] : memref<16x2048x2048xf32, #tpu.memory_space<hbm>> -> memref<1x8x128xf32, #tpu.memory_space<hbm>>
      %dma_wait3A_504 = tpu.memref_squeeze %dma_wait3A_503 : memref<1x8x128xf32, #tpu.memory_space<hbm>> -> memref<8x128xf32, #tpu.memory_space<hbm>>
      tpu.wait_dma2 semaphore(%arg8 : memref<!tpu.dma_semaphore, #tpu.memory_space<semaphore_mem>>) src(%arg6 : memref<8x128xf32, #tpu.memory_space<vmem>>) dst(%dma_wait3A_504 : memref<8x128xf32, #tpu.memory_space<hbm>>)
    } else {
    }
    %add3A_448 = arith.constant 6 : i32
    %add3A_449 = arith.addi %select_n3A_285, %add3A_448 : i32
    %mul3A_450 = arith.constant 16 : i32
    %mul3A_451 = arith.muli %mul3A_450, %add3A_449 : i32
    %add3A_452 = arith.constant 256 : i32
    %add3A_453 = arith.addi %add3A_452, %mul3A_451 : i32
    %sub3A_454 = arith.subi %add3A_453, %add3A_256 : i32
    %ge3A_455 = arith.constant 0 : i32
    %ge3A_456 = arith.cmpi sge, %add3A_449, %ge3A_455 : i32
    %lt3A_457 = arith.constant 16 : i32
    %lt3A_458 = arith.cmpi slt, %add3A_449, %lt3A_457 : i32
    %and3A_459 = arith.andi %ge3A_456, %lt3A_458 : i1
    %ge3A_460 = arith.cmpi sge, %sub3A_454, %mul3A_0 : i32
    %and3A_461 = arith.andi %and3A_459, %ge3A_460 : i1
    %add3A_462 = arith.constant 128 : i32
    %add3A_463 = arith.addi %mul3A_0, %add3A_462 : i32
    %lt3A_464 = arith.cmpi slt, %sub3A_454, %add3A_463 : i32
    %and3A_465 = arith.andi %and3A_461, %lt3A_464 : i1
    %mul3A_466 = arith.constant 8 : i32
    %mul3A_467 = arith.muli %mul3A_466, %sub3A_454 : i32
    %multiple_of3A_468 = tpu.assume_multiple %mul3A_467, 8 : i32
    %mul3A_469 = arith.constant 128 : i32
    %mul3A_470 = arith.muli %mul3A_469, %add3A_449 : i32
    %multiple_of3A_471 = tpu.assume_multiple %mul3A_470, 8 : i32
    %convert_element_type3A_472 = arith.extui %and3A_465 : i1 to i32
    %cond3A_473 = arith.constant 0 : i32
    %cond3A_474 = arith.cmpi ne, %convert_element_type3A_472, %cond3A_473 : i32
    scf.if %cond3A_474 {
      %dma_wait3A = tpu.memref_slice %arg3[%arg1, %multiple_of3A_468, %multiple_of3A_471] : memref<16x2048x2048xf32, #tpu.memory_space<hbm>> -> memref<1x8x128xf32, #tpu.memory_space<hbm>>
      %dma_wait3A_502 = tpu.memref_squeeze %dma_wait3A : memref<1x8x128xf32, #tpu.memory_space<hbm>> -> memref<8x128xf32, #tpu.memory_space<hbm>>
      %dma_wait3A_503 = tpu.memref_slice %arg3[%arg1, %multiple_of3A_468, %multiple_of3A_471] : memref<16x2048x2048xf32, #tpu.memory_space<hbm>> -> memref<1x8x128xf32, #tpu.memory_space<hbm>>
      %dma_wait3A_504 = tpu.memref_squeeze %dma_wait3A_503 : memref<1x8x128xf32, #tpu.memory_space<hbm>> -> memref<8x128xf32, #tpu.memory_space<hbm>>
      tpu.wait_dma2 semaphore(%arg8 : memref<!tpu.dma_semaphore, #tpu.memory_space<semaphore_mem>>) src(%arg6 : memref<8x128xf32, #tpu.memory_space<vmem>>) dst(%dma_wait3A_504 : memref<8x128xf32, #tpu.memory_space<hbm>>)
    } else {
    }
    %add3A_475 = arith.constant 7 : i32
    %add3A_476 = arith.addi %select_n3A_285, %add3A_475 : i32
    %mul3A_477 = arith.constant 16 : i32
    %mul3A_478 = arith.muli %mul3A_477, %add3A_476 : i32
    %add3A_479 = arith.constant 256 : i32
    %add3A_480 = arith.addi %add3A_479, %mul3A_478 : i32
    %sub3A_481 = arith.subi %add3A_480, %add3A_256 : i32
    %ge3A_482 = arith.constant 0 : i32
    %ge3A_483 = arith.cmpi sge, %add3A_476, %ge3A_482 : i32
    %lt3A_484 = arith.constant 16 : i32
    %lt3A_485 = arith.cmpi slt, %add3A_476, %lt3A_484 : i32
    %and3A_486 = arith.andi %ge3A_483, %lt3A_485 : i1
    %ge3A_487 = arith.cmpi sge, %sub3A_481, %mul3A_0 : i32
    %and3A_488 = arith.andi %and3A_486, %ge3A_487 : i1
    %add3A_489 = arith.constant 128 : i32
    %add3A_490 = arith.addi %mul3A_0, %add3A_489 : i32
    %lt3A_491 = arith.cmpi slt, %sub3A_481, %add3A_490 : i32
    %and3A_492 = arith.andi %and3A_488, %lt3A_491 : i1
    %mul3A_493 = arith.constant 8 : i32
    %mul3A_494 = arith.muli %mul3A_493, %sub3A_481 : i32
    %multiple_of3A_495 = tpu.assume_multiple %mul3A_494, 8 : i32
    %mul3A_496 = arith.constant 128 : i32
    %mul3A_497 = arith.muli %mul3A_496, %add3A_476 : i32
    %multiple_of3A_498 = tpu.assume_multiple %mul3A_497, 8 : i32
    %convert_element_type3A_499 = arith.extui %and3A_492 : i1 to i32
    %cond3A_500 = arith.constant 0 : i32
    %cond3A_501 = arith.cmpi ne, %convert_element_type3A_499, %cond3A_500 : i32
    scf.if %cond3A_501 {
      %dma_wait3A = tpu.memref_slice %arg3[%arg1, %multiple_of3A_495, %multiple_of3A_498] : memref<16x2048x2048xf32, #tpu.memory_space<hbm>> -> memref<1x8x128xf32, #tpu.memory_space<hbm>>
      %dma_wait3A_502 = tpu.memref_squeeze %dma_wait3A : memref<1x8x128xf32, #tpu.memory_space<hbm>> -> memref<8x128xf32, #tpu.memory_space<hbm>>
      %dma_wait3A_503 = tpu.memref_slice %arg3[%arg1, %multiple_of3A_495, %multiple_of3A_498] : memref<16x2048x2048xf32, #tpu.memory_space<hbm>> -> memref<1x8x128xf32, #tpu.memory_space<hbm>>
      %dma_wait3A_504 = tpu.memref_squeeze %dma_wait3A_503 : memref<1x8x128xf32, #tpu.memory_space<hbm>> -> memref<8x128xf32, #tpu.memory_space<hbm>>
      tpu.wait_dma2 semaphore(%arg8 : memref<!tpu.dma_semaphore, #tpu.memory_space<semaphore_mem>>) src(%arg6 : memref<8x128xf32, #tpu.memory_space<vmem>>) dst(%dma_wait3A_504 : memref<8x128xf32, #tpu.memory_space<hbm>>)
    } else {
    }
    return
  }
}

</mosaic_0001>

<sc_bundles>
// kernel: kernel.3.cloned.1.call-start
scs
__scs_entry_jumppad:
0x0: {  	(pc) =	sbr.rel $0x88, $3  }
0x1: {  	(tag) =	ssettag $0x0;
	lr =	simm.s32 $0x1  }
0x2: {  	[smem:$0x3FA0] =	sst lr;
	_ =	strace $0xD0000000  }
0x3: {  	_ = 	snop  }
0x4: {  	_ = 	snop  }
0x5: {  	_ = 	snop  }
0x6: {  	_ = 	snop  }
0x7: {  	_ = 	snop  }
__scs_overlays_trampoline_lowered:
0x8: {  	[smem:$0x3FAF] =	sst s0  }
0x9: {  	[smem:$0x3FB0] =	sst s1  }
0xa: {  	[smem:$0x3FB1] =	sst s2  }
0xb: {  	[smem:$0x3FB2] =	sst s3  }
0xc: {  	[smem:$0x3FB3] =	sst s4  }
0xd: {  	[smem:$0x3FB4] =	sst s5  }
0xe: {  	[smem:$0x3FB5] =	sst s6  }
0xf: {  	[smem:$0x3FB6] =	sst s7  }
0x10: {  	[smem:$0x3FB7] =	sst s8  }
0x11: {  	[smem:$0x3FB8] =	sst s9;
	s0 =	simm.s32 @!p0 $0x0  }
0x12: {  	s1 =	sld [smem:$0x3F9E];
	s0 =	simm.s32 @p0 $0x1  }
0x13: {  	[smem:$0x3FB9] =	sst s0;
	s0 =	simm.s32 @!p1 $0x0  }
0x14: {  	s2 =	sld [smem:$0x3F9D];
	s0 =	simm.s32 @p1 $0x1  }
0x15: {  	[smem:$0x3FBA] =	sst s0;
	s0 =	simm.s32 @!p2 $0x0  }
0x16: {  	s3 =	sld [smem:$0x3FDB];
	s0 =	simm.s32 @p2 $0x1  }
0x17: {  	s4 =	simm.s32 $0x1BF5;
	[smem:$0x3FBC] =	sst s0  }
0x18: {  	s0 =	sld [smem:$0x3F9F];
	_ =	swait.ge [sflag:s4], $0x0  }
0x19: {  	s7 =	sld [smem:$0x3FA0]  }
0x1a: {  	s8 =	sadd.s32 $0xFFFFE003, lr  }
0x1b: {  	s9 =	sadd.s32 $0xFFFFFEF7, lr;
	s5 =	simm.s32 $0xFFFFFFFF;
	p2 =	slt.u32 s8, $0xFFFFF086  }
0x1c: {  	p1 =	slt.u32 s9, $0xF7A;
	s5 =	simm.s32 @!p2 $0x0  }
0x1d: {  	s5 =	simm.s32 @p1 $0x1;
	p0 =	seq.s32 s7, s2  }
0x1e: {  	s7 =	smul.u32 @!p0 $0xF7A, s2;
	p2 =	seq.s32 @!p0 s5, $0x0  }
0x1f: {  	s9 =	smul.u32 $0xF7A, s1;
	s8 =	simm.s32 @!p0 $0x1BF5;
	p2 =	por !p2, p0  }
0x20: {  	[sflag:s8] =	ssyncset.s32 @!p0 $0xFFFFF086;
	s6 =	sadd.s32 @!p0 s3, s7;
	s7 =	simm.s32 @!p0 $0x108  }
0x21: {  	s3 =	sadd.s32 s3, s9;
	s6 =	sadd.s32 @!p0 $0x88, s6;
	s7 =	simm.s32 @p2 $0x1082  }
0x22: {  	[simem:s7], [sflag:s8] =	dma.local @!p0 [hbm:s6], $0xF7A  }
0x23: {  	s9 =	sor.u32 $0xD0000000, s2;
	s6 =	simm.s32 $0x108;
	_ =	swait.ge @!p0 [sflag:s8], $0x0  }
0x24: {  	s3 =	sadd.s32 $0x88, s3;
	s6 =	simm.s32 @!p1 $0x1082;
	[sflag:s4] =	ssyncset.s32 $0xFFFFF086  }
0x25: {  	[simem:s6], [sflag:s4] =	dma.local [hbm:s3], $0xF7A  }
0x26: {  	[smem:$0x3FA0] =	sst s1;
	(tag) =	ssettag s2;
	_ =	strace s9  }
0x27: {  	s1 =	sld [smem:$0x3FB0]  }
0x28: {  	s2 =	sld [smem:$0x3FB1]  }
0x29: {  	s4 =	sld [smem:$0x3FB3]  }
0x2a: {  	p0 =	seq.s32 s5, $0x0;
	s5 =	sld [smem:$0x3FB4]  }
0x2b: {  	s6 =	sld [smem:$0x3FB5]  }
0x2c: {  	s7 =	sld [smem:$0x3FB6]  }
0x2d: {  	s3 =	simm.s32 $0x108;
	s8 =	sld [smem:$0x3FB7]  }
0x2e: {  	s3 =	simm.s32 @!p0 $0x1082;
	s9 =	sld [smem:$0x3FB8]  }
0x2f: {  	lr =	sadd.s32 s0, s3;
	s0 =	sld [smem:$0x3FAF]  }
0x30: {  	s3 =	sld [smem:$0x3FB2]  }
0x31: {  	[smem:$0x3FBB] =	sst s10  }
0x32: {  	s10 =	sld [smem:$0x3FB9];
	_ =	sdelay $0x3  }
0x33: {  	p0 =	seq.s32 s10, $0x1;
	s10 =	sld [smem:$0x3FBB];
	_ =	sdelay $0x3  }
0x34: {  	[smem:$0x3FBB] =	sst s10  }
0x35: {  	s10 =	sld [smem:$0x3FBA];
	_ =	sdelay $0x3  }
0x36: {  	p1 =	seq.s32 s10, $0x1;
	s10 =	sld [smem:$0x3FBB];
	_ =	sdelay $0x3  }
0x37: {  	[smem:$0x3FBB] =	sst s10  }
0x38: {  	s10 =	sld [smem:$0x3FBC]  }
0x39: {  	_ = 	snop;
	(pc) =	sbr.ind lr, $3  }
0x3a: {  	_ = 	snop  }
0x3b: {  	_ = 	snop  }
0x3c: {  	p2 =	seq.s32 s10, $0x1;
	s10 =	sld [smem:$0x3FBB]  }
0x3d: {  	_ =	shalt  }
0x3e: {  	_ =	shalt  }
0x3f: {  	_ =	shalt  }
0x40: {  	_ =	shalt  }
0x41: {  	_ =	shalt  }
0x42: {  	_ =	shalt  }
0x43: {  	_ =	shalt  }
0x44: {  	_ =	shalt  }
0x45: {  	_ =	shalt  }
0x46: {  	_ =	shalt  }
0x47: {  	_ =	shalt  }
0x48: {  	_ =	shalt  }
0x49: {  	_ =	shalt  }
0x4a: {  	_ =	shalt  }
0x4b: {  	_ =	shalt  }
0x4c: {  	_ =	shalt  }
0x4d: {  	_ =	shalt  }
0x4e: {  	_ =	shalt  }
0x4f: {  	_ =	shalt  }
0x50: {  	_ =	shalt  }
0x51: {  	_ =	shalt  }
0x52: {  	_ =	shalt  }
0x53: {  	_ =	shalt  }
0x54: {  	_ =	shalt  }
0x55: {  	_ =	shalt  }
0x56: {  	_ =	shalt  }
0x57: {  	_ =	shalt  }
0x58: {  	_ =	shalt  }
0x59: {  	_ =	shalt  }
0x5a: {  	_ =	shalt  }
0x5b: {  	_ =	shalt  }
0x5c: {  	_ =	shalt  }
0x5d: {  	_ =	shalt  }
0x5e: {  	_ =	shalt  }
0x5f: {  	_ =	shalt  }
0x60: {  	_ =	shalt  }
0x61: {  	_ =	shalt  }
0x62: {  	_ =	shalt  }
0x63: {  	_ =	shalt  }
0x64: {  	_ =	shalt  }
0x65: {  	_ =	shalt  }
0x66: {  	_ =	shalt  }
0x67: {  	_ =	shalt  }
0x68: {  	_ =	shalt  }
0x69: {  	_ =	shalt  }
0x6a: {  	_ =	shalt  }
0x6b: {  	_ =	shalt  }
0x6c: {  	_ =	shalt  }
0x6d: {  	_ =	shalt  }
0x6e: {  	_ =	shalt  }
0x6f: {  	_ =	shalt  }
0x70: {  	_ =	shalt  }
0x71: {  	_ =	shalt  }
0x72: {  	_ =	shalt  }
0x73: {  	_ =	shalt  }
0x74: {  	_ =	shalt  }
0x75: {  	_ =	shalt  }
0x76: {  	_ =	shalt  }
0x77: {  	_ =	shalt  }
0x78: {  	_ =	shalt  }
0x79: {  	_ =	shalt  }
0x7a: {  	_ =	shalt  }
0x7b: {  	_ =	shalt  }
0x7c: {  	_ =	shalt  }
0x7d: {  	_ =	shalt  }
0x7e: {  	_ =	shalt  }
0x7f: {  	_ =	shalt  }
0x80: {  	_ =	shalt  }
0x81: {  	_ =	shalt  }
0x82: {  	_ =	shalt  }
0x83: {  	_ =	shalt  }
0x84: {  	_ =	shalt  }
0x85: {  	_ =	shalt  }
0x86: {  	_ =	shalt  }
0x87: {  	_ =	shalt  }
.Lfunc_end0:
.L_simem_size_0:
called_computation_lowered:
.L_overlay_start_0:
0x88: {  	s2 =	sld [smem:$0x3FD9]  }
0x89: {  	s3 =	sld [smem:$0x3FFE];
	_ =	sdelay $0x1  }
0x8a: {  	s1 =	srdreg.scid  }
0x8b: {  	s0 =	sand.u32 $0x1, s1  }
0x8c: {  	s17 =	sshll.u32 s0, $0xA;
	s2 =	sadd.s32 s3, s2  }
0x8d: {  	s2 =	sadd.s32 s2, s17  }
0x8e: {  	[smem:$0x3FC7] =	sst s2  }
0x8f: {  	_ = 	snop  }
0x90: {  	s2 =	sld [smem:$0x3FD0];
	(tm) =	ssettm $0x1  }
0x91: {  	s18 =	sld [smem:$0x3FFB];
	_ =	sdelay $0x3  }
0x92: {  	_ =	strace s18  }
0x93: {  	s3 =	sld [smem:$0x3FFC];
	_ =	sdelay $0x3  }
0x94: {  	_ =	strace s3  }
0x95: {  	s3 =	sld [smem:$0x3FFD];
	_ =	sdelay $0x3  }
0x96: {  	_ =	strace s3  }
0x97: {  	_ =	strace $0x8FFFFFFF  }
0x98: {  	s19 =	sld [smem:$0x3FDB];
	_ =	sdelay $0x1  }
0x99: {  	s4 =	simm.s32 $_scs_section_size  }
0x9a: {  	s5 =	simm.s32 $_size__tile_overlayer_lowered;
	s6 =	simm.s32 $_tile_overlayer_lowered  }
0x9b: {  	s22 =	simm.s32 $0x1BFF;
	s21 =	sshll.u32 s6, $0x1;
	s3 =	sadd.s32 s4, s19  }
0x9c: {  	s7 =	simm.s32 $0x0;
	s20 =	sshll.u32 s5, $0x1;
	s5 =	sadd.s32 s21, s3  }
0x9d: {  	[timem:s7], [sflag:s22] =	dma.local [hbm:s5], s20  }
0x9e: {  	_ =	swait.ge [sflag:s22], s20  }
0x9f: {  	s4 =	ssub.s32 $0x0, s20;
	[sflag:s22] =	ssyncset.done $0x0  }
0xa0: {  	[sflag:s22] =	ssyncadd.s32 s4;
	_ =	sdelay $0x1  }
0xa1: {  	s23 =	simm.s32 $0x1B8B  }
0xa2: {  	_ =	swait.ge [sflag:s23], $0x1  }
0xa3: {  	[sflag:s23] =	ssyncset.done $0x0  }
0xa4: {  	s25 =	simm.s32 $0x1B8E;
	s24 =	sld [smem:$0x3FFE];
	[sflag:s23] =	ssyncadd.s32 $0xFFFFFFFF  }
0xa5: {  	s26 =	simm.s32 $execute0_lowered;
	[smem:$0x3FD2] =	sst s25  }
0xa6: {  	s5 =	sshll.u32 s26, $0x1;
	_ =	strace $0x80000046;
	[dreg:$0x1] =	wrdreg $0xFFFFFFFF  }
0xa7: {  	s28 =	simm.s32 $_size_execute0_lowered;
	s3 =	sadd.s32 s3, s5;
	[dreg:$0x0] =	wrdreg $0x0  }
0xa8: {  	s5 =	sshll.u32 s28, $0x1;
	[dreg:$0x2] =	wrdreg s3  }
0xa9: {  	[dreg:$0x3] =	wrdreg s5  }
0xaa: {  	[dreg:$0x4] =	wrdreg $0xC0  }
0xab: {  	_ =	task [dreg:s7], $0x5FFFF  }
0xac: {  	[dreg:$0x1] =	wrdreg $0xFFFFFFFF  }
0xad: {  	[dreg:$0x0] =	wrdreg $0x60  }
0xae: {  	[dreg:$0x2] =	wrdreg s24  }
0xaf: {  	[dreg:$0x3] =	wrdreg s2  }
0xb0: {  	[dreg:$0x4] =	wrdreg $0x9  }
0xb1: {  	_ =	task.clear_ibuf [dreg:s7], $0x5FFFF;
	_ =	strace $0x90000046  }
0xb2: {  	s29 =	simm.s32 $0x9;
	_ =	strace $0x80000048  }
0xb3: {  	_ =	swait.ge [sflag:s29], $0x1  }
0xb4: {  	[sflag:s29] =	ssyncadd.s32 $0xFFFFFFFF  }
0xb5: {  	_ =	strace $0x90000048  }
0xb6: {  	_ =	sfence  }
0xb7: {  	s30 =	sld [smem:$0x0];
	_ =	sdelay $0x2  }
0xb8: {  	s31 =	sshll.u32 s1, $0xD;
	s1 =	sshrl.u32 s1, $0x2  }
0xb9: {  	s3 =	sand.u32 $0x4000, s31;
	s1 =	sadd.s32 s1, s30  }
0xba: {  	s0 =	sor.u32 s3, s0;
	s1 =	sshll.u32 s1, $0x11  }
0xbb: {  	s0 =	sor.u32 s1, s0  }
0xbc: {  	s0 =	sadd.s32 $0x8F2B, s0  }
0xbd: {  	[sflag:s0] =	ssyncadd.remote.s32 $0x1  }
0xbe: {  	_ =	sfence.sel $0xFFFF  }
0xbf: {  	[dreg:$0x0] =	wrdreg $0xFFFFFFFF;
	(pc) =	sbr.abs _section_cstart, $3  }
0xc0: {  	[dreg:$0x1] =	wrdreg $0xFFFFFFFF  }
0xc1: {  	_ =	task.clear_ibuf [dreg:s7], $0x2FFFF;
	_ =	strace $0x9FFFFFFF  }
0xc2: {  	(tm) =	ssettm $0x7FFFFFFF  }
0xc3: {  	_ =	shalt  }
tec
execute0_lowered:
.L_overlay_start_1:
0x0: {  	(tag) =	ssettag $0x1  }
0x1: {  	s4 =	rddreg [dreg:$0x0]  }
0x2: {  	s0 =	stileid.u32;
	s2 =	rddreg [dreg:$0x1]  }
0x3: {  	s1 =	rddreg [dreg:$0x2];
	s7 =	srdreg.scid  }
0x4: {  	s10 =	simm.s32 $0x80;
	s11 =	simm.s32 $0x400;
	s12 =	simm.s32 $0x3  }
0x5: {  	s13 =	simm.s32 $0x1;
	s14 =	simm.s32 $0x2;
	s3 =	sshrl.u32 s0, $0x3  }
0x6: {  	s15 =	simm.s32 $0x0;
	s6 =	sshll.u32 s0, $0x7;
	s5 =	smul.u32 $0x8400, s3  }
0x7: {  	s30 =	sand.u32 $0x1, s7;
	s3 =	simm.s32 $0x0;
	s6 =	sand.u32 $0x380, s6  }
.Ltmp0:
0x8: {  	s7 =	ssub.s32 $0x2, s30;
	s5 =	sor.u32 s6, s5;
	(pc) =	sbr.rel .LBB2_1-.Ltmp0, $4  }
0x9: {  	[smem:$0x7FF] =	sst s3;
	s31 =	sshrl.u32 s7, $0x1;
	s5 =	sshrl.u32 s5, $0x3  }
0xa: {  	s9 =	ssub.s32 s7, s31;
	s8 =	sadd.s32 s5, s4;
	s4 =	sshll.u32 s30, $0x7  }
0xb: {  	_ =	strace $0x80000047;
	s9 =	smax.u32 s9, $0x1;
	s5 =	sxor.u32 $0x81, s4  }
0xc: {  	s6 =	sadd.s32 $0x400, s8;
	s7 =	sadd.s32 $0x80, s4;
	s8 =	sshll.u32 s0, $0x16  }
.LBB2_9:
0xd: {  	s15 =	sadd.s32 $0x1, s15  }
0xe: {  	_ =	swait.ge [sflag:s13], $0x400;
	p0 =	sne.s32 s15, s9  }
.Ltmp1:
0xf: {  	[sflag:s13] =	ssyncset.done $0x0;
	(pc) =	sbr.rel @!p0 .LBB2_10-.Ltmp1, $4  }
0x10: {  	[sflag:s13] =	ssyncadd.s32 $0xFFFFFC00  }
0x11: {  	_ =	swait.ge [sflag:s14], $0x400  }
0x12: {  	[sflag:s14] =	ssyncset.done $0x0  }
0x13: {  	[sflag:s14] =	ssyncadd.s32 $0xFFFFFC00  }
.LBB2_1:
0x14: {  	[tilespmem:s3], [sflag:$0x3] =	stream.strided.gather [hbm4b:s6+s10], $0x1080, s11, s10, $0x38;
	[tilespmem:$0x1880] =	vst v63  }
0x15: {  	_ =	swait.ge [sflag:s12], $0x1080  }
0x16: {  	[sflag:s12] =	ssyncset.done $0x0  }
0x17: {  	s16 =	simm.s32 $0x0;
	s17 =	simm.s32 $0x40;
	[sflag:s12] =	ssyncadd.s32 $0xFFFFEF80  }
.LBB2_2:
0x18: {  	p0 =	sne.s32 s17, $0x4000;
	v0 =	vld [tilespmem:s16+$0x0];
	_ =	sdelay $0x4  }
0x19: {  	v1 =	vsub.f32 $0.0e+00, v0;
	_ =	sdelay $0x1  }
0x1a: {  	v1 =	vmul.f32 $1.442695020e+00, v1;
	_ =	sdelay $0x1  }
0x1b: {  	(erf) = vpow2.f32 v1;
	_ =	sdelay $0x8  }
0x1c: {  	v1 =	vpop (erf)  }
0x1d: {  	v1 =	vadd.f32 $1.000000000e+00, v1;
	_ =	sdelay $0x1  }
0x1e: {  	(erf) = vrcp.f32 v1;
	_ =	sdelay $0x7  }
.Ltmp2:
0x1f: {  	(pc) =	sbr.rel @p0 .LBB2_2-.Ltmp2, $3  }
0x20: {  	v1 =	vpop (erf)  }
0x21: {  	v0 =	vmul.f32 v1, v0;
	_ =	sdelay $0x1  }
0x22: {  	[tilespmem:s16+$0x0] =	vst v0;
	s16 =	sshra.s32 s17, $0x2;
	s17 =	sadd.s32 $0x40, s17  }
0x23: {  	v0 =	vld [tilespmem:s16+$0x0];
	_ =	sdelay $0x4  }
0x24: {  	v1 =	vsub.f32 $0.0e+00, v0;
	_ =	sdelay $0x1  }
0x25: {  	v1 =	vmul.f32 $1.442695020e+00, v1;
	_ =	sdelay $0x1  }
0x26: {  	(erf) = vpow2.f32 v1;
	_ =	sdelay $0x8  }
0x27: {  	v1 =	vpop (erf)  }
0x28: {  	v1 =	vadd.f32 $1.000000000e+00, v1;
	_ =	sdelay $0x1  }
0x29: {  	(erf) = vrcp.f32 v1;
	_ =	sdelay $0x7  }
.Ltmp3:
0x2a: {  	_ = 	snop;
	(pc) =	sbr.rel .LBB2_4-.Ltmp3, $3  }
0x2b: {  	v1 =	vpop (erf)  }
0x2c: {  	v0 =	vmul.f32 v1, v0;
	_ =	sdelay $0x1  }
0x2d: {  	[tilespmem:s16+$0x0] =	vst v0;
	s16 =	simm.s32 $0x0  }
.LBB2_8:
0x2e: {  	s19 =	sshll.u32 s18, $0x3  }
0x2f: {  	s19 =	sand.u32 $0x3FFFFFF8, s19  }
0x30: {  	v0 =	vld [tilespmem:s19+$0x0]  }
0x31: {  	v1 =	vld [tilespmem:s19+$0x10]  }
0x32: {  	v2 =	vld [tilespmem:s19+$0x20]  }
0x33: {  	v3 =	vld [tilespmem:s19+$0x30]  }
0x34: {  	v4 =	vld [tilespmem:s19+$0x40]  }
0x35: {  	v5 =	vld [tilespmem:s19+$0x50]  }
0x36: {  	v6 =	vld [tilespmem:s19+$0x60]  }
0x37: {  	v7 =	vld [tilespmem:s19+$0x70];
	[tilespmem:$0x1480] =	vst v0  }
0x38: {  	[tilespmem:$0x1490] =	vst v1  }
0x39: {  	[tilespmem:$0x14A0] =	vst v2  }
0x3a: {  	[tilespmem:$0x14B0] =	vst v3  }
0x3b: {  	[tilespmem:$0x14C0] =	vst v4  }
0x3c: {  	[tilespmem:$0x14D0] =	vst v5  }
0x3d: {  	[tilespmem:$0x14E0] =	vst v6  }
0x3e: {  	[tilespmem:$0x14F0] =	vst v7  }
0x3f: {  	v0 =	vld [tilespmem:s19+$0xFFFFFFFF]  }
0x40: {  	v1 =	vld [tilespmem:s19+$0xF]  }
0x41: {  	v2 =	vld [tilespmem:s19+$0x1F]  }
0x42: {  	v3 =	vld [tilespmem:s19+$0x2F]  }
0x43: {  	v4 =	vld [tilespmem:s19+$0x3F]  }
0x44: {  	v5 =	vld [tilespmem:s19+$0x4F]  }
0x45: {  	v6 =	vld [tilespmem:s19+$0x5F]  }
0x46: {  	v7 =	vld [tilespmem:s19+$0x6F];
	[tilespmem:$0x1500] =	vst v0  }
0x47: {  	[tilespmem:$0x1510] =	vst v1  }
0x48: {  	[tilespmem:$0x1520] =	vst v2  }
0x49: {  	[tilespmem:$0x1530] =	vst v3  }
0x4a: {  	[tilespmem:$0x1540] =	vst v4  }
0x4b: {  	[tilespmem:$0x1550] =	vst v5  }
0x4c: {  	[tilespmem:$0x1560] =	vst v6  }
0x4d: {  	[tilespmem:$0x1570] =	vst v7  }
0x4e: {  	v0 =	vld [tilespmem:s19+$0xFFFFFFFE]  }
0x4f: {  	v1 =	vld [tilespmem:s19+$0xE]  }
0x50: {  	v2 =	vld [tilespmem:s19+$0x1E]  }
0x51: {  	v3 =	vld [tilespmem:s19+$0x2E]  }
0x52: {  	v4 =	vld [tilespmem:s19+$0x3E]  }
0x53: {  	v5 =	vld [tilespmem:s19+$0x4E]  }
0x54: {  	v6 =	vld [tilespmem:s19+$0x5E]  }
0x55: {  	v7 =	vld [tilespmem:s19+$0x6E];
	[tilespmem:$0x1580] =	vst v0  }
0x56: {  	[tilespmem:$0x1590] =	vst v1  }
0x57: {  	[tilespmem:$0x15A0] =	vst v2  }
0x58: {  	[tilespmem:$0x15B0] =	vst v3  }
0x59: {  	[tilespmem:$0x15C0] =	vst v4  }
0x5a: {  	[tilespmem:$0x15D0] =	vst v5  }
0x5b: {  	[tilespmem:$0x15E0] =	vst v6  }
0x5c: {  	[tilespmem:$0x15F0] =	vst v7  }
0x5d: {  	v0 =	vld [tilespmem:s19+$0xFFFFFFFD]  }
0x5e: {  	v1 =	vld [tilespmem:s19+$0xD]  }
0x5f: {  	v2 =	vld [tilespmem:s19+$0x1D]  }
0x60: {  	v3 =	vld [tilespmem:s19+$0x2D]  }
0x61: {  	v4 =	vld [tilespmem:s19+$0x3D]  }
0x62: {  	v5 =	vld [tilespmem:s19+$0x4D]  }
0x63: {  	v6 =	vld [tilespmem:s19+$0x5D]  }
0x64: {  	v7 =	vld [tilespmem:s19+$0x6D];
	[tilespmem:$0x1600] =	vst v0  }
0x65: {  	[tilespmem:$0x1610] =	vst v1  }
0x66: {  	[tilespmem:$0x1620] =	vst v2  }
0x67: {  	[tilespmem:$0x1630] =	vst v3  }
0x68: {  	[tilespmem:$0x1640] =	vst v4  }
0x69: {  	[tilespmem:$0x1650] =	vst v5  }
0x6a: {  	[tilespmem:$0x1660] =	vst v6  }
0x6b: {  	[tilespmem:$0x1670] =	vst v7  }
0x6c: {  	v0 =	vld [tilespmem:s19+$0xFFFFFFFC]  }
0x6d: {  	v1 =	vld [tilespmem:s19+$0xC]  }
0x6e: {  	v2 =	vld [tilespmem:s19+$0x1C]  }
0x6f: {  	v3 =	vld [tilespmem:s19+$0x2C]  }
0x70: {  	v4 =	vld [tilespmem:s19+$0x3C]  }
0x71: {  	v5 =	vld [tilespmem:s19+$0x4C]  }
0x72: {  	v6 =	vld [tilespmem:s19+$0x5C]  }
0x73: {  	v7 =	vld [tilespmem:s19+$0x6C];
	[tilespmem:$0x1680] =	vst v0  }
0x74: {  	[tilespmem:$0x1690] =	vst v1  }
0x75: {  	[tilespmem:$0x16A0] =	vst v2  }
0x76: {  	[tilespmem:$0x16B0] =	vst v3  }
0x77: {  	[tilespmem:$0x16C0] =	vst v4  }
0x78: {  	[tilespmem:$0x16D0] =	vst v5  }
0x79: {  	[tilespmem:$0x16E0] =	vst v6  }
0x7a: {  	[tilespmem:$0x16F0] =	vst v7  }
0x7b: {  	v0 =	vld [tilespmem:s19+$0xFFFFFFFB]  }
0x7c: {  	v1 =	vld [tilespmem:s19+$0xB]  }
0x7d: {  	v2 =	vld [tilespmem:s19+$0x1B]  }
0x7e: {  	v3 =	vld [tilespmem:s19+$0x2B]  }
0x7f: {  	v4 =	vld [tilespmem:s19+$0x3B]  }
0x80: {  	v5 =	vld [tilespmem:s19+$0x4B]  }
0x81: {  	v6 =	vld [tilespmem:s19+$0x5B]  }
0x82: {  	v7 =	vld [tilespmem:s19+$0x6B];
	[tilespmem:$0x1700] =	vst v0  }
0x83: {  	[tilespmem:$0x1710] =	vst v1  }
0x84: {  	[tilespmem:$0x1720] =	vst v2  }
0x85: {  	[tilespmem:$0x1730] =	vst v3  }
0x86: {  	[tilespmem:$0x1740] =	vst v4  }
0x87: {  	[tilespmem:$0x1750] =	vst v5  }
0x88: {  	[tilespmem:$0x1760] =	vst v6  }
0x89: {  	[tilespmem:$0x1770] =	vst v7  }
0x8a: {  	v0 =	vld [tilespmem:s19+$0xFFFFFFFA]  }
0x8b: {  	v1 =	vld [tilespmem:s19+$0xA]  }
0x8c: {  	v2 =	vld [tilespmem:s19+$0x1A]  }
0x8d: {  	v3 =	vld [tilespmem:s19+$0x2A]  }
0x8e: {  	v4 =	vld [tilespmem:s19+$0x3A]  }
0x8f: {  	v5 =	vld [tilespmem:s19+$0x4A]  }
0x90: {  	v6 =	vld [tilespmem:s19+$0x5A]  }
0x91: {  	v7 =	vld [tilespmem:s19+$0x6A];
	[tilespmem:$0x1780] =	vst v0  }
0x92: {  	s17 =	sadd.s32 $0xFFFFFF91, s17;
	[tilespmem:$0x1790] =	vst v1  }
0x93: {  	s20 =	sshll.u32 s17, $0x10;
	[tilespmem:$0x17A0] =	vst v2  }
0x94: {  	s20 =	sshra.s32 s20, $0x1F;
	[tilespmem:$0x17B0] =	vst v3  }
0x95: {  	s20 =	sand.u32 $0xF, s20;
	[tilespmem:$0x17C0] =	vst v4  }
0x96: {  	s20 =	sadd.s32 s20, s17;
	[tilespmem:$0x17D0] =	vst v5  }
0x97: {  	s20 =	sshll.u32 s20, $0x10;
	[tilespmem:$0x17E0] =	vst v6  }
0x98: {  	s17 =	sshra.s32 s17, $0x1F;
	s20 =	sshra.s32 s20, $0x14;
	[tilespmem:$0x17F0] =	vst v7  }
0x99: {  	s17 =	sadd.s32 s20, s17;
	v0 =	vld [tilespmem:s19+$0xFFFFFFF9]  }
0x9a: {  	s20 =	sshll.u32 s17, $0x4;
	v1 =	vld [tilespmem:s19+$0x9]  }
0x9b: {  	s20 =	ssub.s32 s20, s18;
	v2 =	vld [tilespmem:s19+$0x19]  }
0x9c: {  	s20 =	sadd.s32 $0x100, s20;
	v3 =	vld [tilespmem:s19+$0x29]  }
0x9d: {  	p0 =	sge.s32 s20, s7;
	v4 =	vld [tilespmem:s19+$0x39]  }
0x9e: {  	p1 =	sgt.u32 @!p0 s17, $0xF;
	v5 =	vld [tilespmem:s19+$0x49]  }
0x9f: {  	p2 =	por p1, p0;
	v6 =	vld [tilespmem:s19+$0x59]  }
0xa0: {  	p2 =	slt.s32 @!p2 s20, s4;
	v7 =	vld [tilespmem:s19+$0x69];
	[tilespmem:$0x1800] =	vst v0  }
0xa1: {  	p1 =	por @!p0 p2, p1;
	[tilespmem:$0x1810] =	vst v1  }
0xa2: {  	p0 =	por p1, p0;
	[tilespmem:$0x1820] =	vst v2  }
0xa3: {  	s19 =	sshll.u32 @!p0 s20, $0xE;
	[tilespmem:$0x1830] =	vst v3  }
0xa4: {  	s20 =	sshll.u32 @!p0 s17, $0xA;
	s19 =	sadd.s32 @!p0 s8, s19;
	[tilespmem:$0x1840] =	vst v4  }
0xa5: {  	s19 =	sor.u32 @!p0 s20, s19;
	[tilespmem:$0x1850] =	vst v5  }
0xa6: {  	s19 =	sshrl.u32 @!p0 s19, $0x3;
	[tilespmem:$0x1860] =	vst v6  }
0xa7: {  	s21 =	simm.s32 @!p0 $0x1480;
	s20 =	simm.s32 @!p0 $0x0;
	s19 =	sadd.s32 @!p0 s2, s19;
	[tilespmem:$0x1870] =	vst v7  }
0xa8: {  	[hbm4b:s19+s20] =	stream.linear.scatter @!p0 [tilespmem:s21], [sflag:$0x2], $0x400, $0x38;
	[tilespmem:$0x1880] =	vst v63  }
0xa9: {  	s19 =	sadd.s32 $0x1, s17  }
0xaa: {  	s23 =	sshll.u32 s19, $0x4  }
0xab: {  	s20 =	ssub.s32 s23, s18  }
0xac: {  	s20 =	sadd.s32 $0x100, s20  }
0xad: {  	p0 =	sge.s32 s20, s7  }
0xae: {  	p1 =	sgt.u32 @!p0 s19, $0xF  }
0xaf: {  	p2 =	por p1, p0  }
0xb0: {  	p2 =	slt.s32 @!p2 s20, s4  }
0xb1: {  	p1 =	por @!p0 p2, p1  }
0xb2: {  	p0 =	por p1, p0  }
0xb3: {  	s20 =	sshll.u32 @!p0 s20, $0xE  }
0xb4: {  	s19 =	sshll.u32 @!p0 s19, $0xA;
	s20 =	sadd.s32 @!p0 s8, s20  }
0xb5: {  	s19 =	sor.u32 @!p0 s19, s20  }
0xb6: {  	s19 =	sshrl.u32 @!p0 s19, $0x3  }
0xb7: {  	s21 =	simm.s32 @!p0 $0x1480;
	s20 =	simm.s32 @!p0 $0x0;
	s19 =	sadd.s32 @!p0 s2, s19  }
0xb8: {  	[hbm4b:s19+s20] =	stream.linear.scatter @!p0 [tilespmem:s21], [sflag:$0x2], $0x400, $0x38;
	[tilespmem:$0x1880] =	vst v63  }
0xb9: {  	s19 =	sadd.s32 $0x2, s17  }
0xba: {  	s24 =	sshll.u32 s19, $0x4  }
0xbb: {  	s20 =	ssub.s32 s24, s18  }
0xbc: {  	s20 =	sadd.s32 $0x100, s20  }
0xbd: {  	p0 =	sge.s32 s20, s7  }
0xbe: {  	p1 =	sgt.u32 @!p0 s19, $0xF  }
0xbf: {  	p2 =	por p1, p0  }
0xc0: {  	p2 =	slt.s32 @!p2 s20, s4  }
0xc1: {  	p1 =	por @!p0 p2, p1  }
0xc2: {  	p0 =	por p1, p0  }
0xc3: {  	s20 =	sshll.u32 @!p0 s20, $0xE  }
0xc4: {  	s19 =	sshll.u32 @!p0 s19, $0xA;
	s20 =	sadd.s32 @!p0 s8, s20  }
0xc5: {  	s19 =	sor.u32 @!p0 s19, s20  }
0xc6: {  	s19 =	sshrl.u32 @!p0 s19, $0x3  }
0xc7: {  	s21 =	simm.s32 @!p0 $0x1480;
	s20 =	simm.s32 @!p0 $0x0;
	s19 =	sadd.s32 @!p0 s2, s19  }
0xc8: {  	[hbm4b:s19+s20] =	stream.linear.scatter @!p0 [tilespmem:s21], [sflag:$0x2], $0x400, $0x38;
	[tilespmem:$0x1880] =	vst v63  }
0xc9: {  	s19 =	sadd.s32 $0x3, s17  }
0xca: {  	s25 =	sshll.u32 s19, $0x4  }
0xcb: {  	s20 =	ssub.s32 s25, s18  }
0xcc: {  	s20 =	sadd.s32 $0x100, s20  }
0xcd: {  	p0 =	sge.s32 s20, s7  }
0xce: {  	p1 =	sgt.u32 @!p0 s19, $0xF  }
0xcf: {  	p2 =	por p1, p0  }
0xd0: {  	p2 =	slt.s32 @!p2 s20, s4  }
0xd1: {  	p1 =	por @!p0 p2, p1  }
0xd2: {  	p0 =	por p1, p0  }
0xd3: {  	s20 =	sshll.u32 @!p0 s20, $0xE  }
0xd4: {  	s19 =	sshll.u32 @!p0 s19, $0xA;
	s20 =	sadd.s32 @!p0 s8, s20  }
0xd5: {  	s19 =	sor.u32 @!p0 s19, s20  }
0xd6: {  	s19 =	sshrl.u32 @!p0 s19, $0x3  }
0xd7: {  	s21 =	simm.s32 @!p0 $0x1480;
	s20 =	simm.s32 @!p0 $0x0;
	s19 =	sadd.s32 @!p0 s2, s19  }
0xd8: {  	[hbm4b:s19+s20] =	stream.linear.scatter @!p0 [tilespmem:s21], [sflag:$0x2], $0x400, $0x38;
	[tilespmem:$0x1880] =	vst v63  }
0xd9: {  	s19 =	sadd.s32 $0x4, s17  }
0xda: {  	s26 =	sshll.u32 s19, $0x4  }
0xdb: {  	s20 =	ssub.s32 s26, s18  }
0xdc: {  	s20 =	sadd.s32 $0x100, s20  }
0xdd: {  	p0 =	sge.s32 s20, s7  }
0xde: {  	p1 =	sgt.u32 @!p0 s19, $0xF  }
0xdf: {  	p2 =	por p1, p0  }
0xe0: {  	p2 =	slt.s32 @!p2 s20, s4  }
0xe1: {  	p1 =	por @!p0 p2, p1  }
0xe2: {  	p0 =	por p1, p0  }
0xe3: {  	s20 =	sshll.u32 @!p0 s20, $0xE  }
0xe4: {  	s19 =	sshll.u32 @!p0 s19, $0xA;
	s20 =	sadd.s32 @!p0 s8, s20  }
0xe5: {  	s19 =	sor.u32 @!p0 s19, s20  }
0xe6: {  	s19 =	sshrl.u32 @!p0 s19, $0x3  }
0xe7: {  	s21 =	simm.s32 @!p0 $0x1480;
	s20 =	simm.s32 @!p0 $0x0;
	s19 =	sadd.s32 @!p0 s2, s19  }
0xe8: {  	[hbm4b:s19+s20] =	stream.linear.scatter @!p0 [tilespmem:s21], [sflag:$0x2], $0x400, $0x38;
	[tilespmem:$0x1880] =	vst v63  }
0xe9: {  	s19 =	sadd.s32 $0x5, s17  }
0xea: {  	s28 =	sshll.u32 s19, $0x4  }
0xeb: {  	s20 =	ssub.s32 s28, s18  }
0xec: {  	s20 =	sadd.s32 $0x100, s20  }
0xed: {  	p0 =	sge.s32 s20, s7  }
0xee: {  	p1 =	sgt.u32 @!p0 s19, $0xF  }
0xef: {  	p2 =	por p1, p0  }
0xf0: {  	p2 =	slt.s32 @!p2 s20, s4  }
0xf1: {  	p1 =	por @!p0 p2, p1  }
0xf2: {  	p0 =	por p1, p0  }
0xf3: {  	s20 =	sshll.u32 @!p0 s20, $0xE  }
0xf4: {  	s19 =	sshll.u32 @!p0 s19, $0xA;
	s20 =	sadd.s32 @!p0 s8, s20  }
0xf5: {  	s19 =	sor.u32 @!p0 s19, s20  }
0xf6: {  	s19 =	sshrl.u32 @!p0 s19, $0x3  }
0xf7: {  	s21 =	simm.s32 @!p0 $0x1480;
	s20 =	simm.s32 @!p0 $0x0;
	s19 =	sadd.s32 @!p0 s2, s19  }
0xf8: {  	[hbm4b:s19+s20] =	stream.linear.scatter @!p0 [tilespmem:s21], [sflag:$0x2], $0x400, $0x38;
	[tilespmem:$0x1880] =	vst v63  }
0xf9: {  	s19 =	sadd.s32 $0x6, s17  }
0xfa: {  	s29 =	sshll.u32 s19, $0x4  }
0xfb: {  	s20 =	ssub.s32 s29, s18  }
0xfc: {  	s20 =	sadd.s32 $0x100, s20  }
0xfd: {  	p0 =	sge.s32 s20, s7  }
0xfe: {  	p1 =	sgt.u32 @!p0 s19, $0xF  }
0xff: {  	p2 =	por p1, p0  }
0x100: {  	p2 =	slt.s32 @!p2 s20, s4  }
0x101: {  	p1 =	por @!p0 p2, p1  }
0x102: {  	p0 =	por p1, p0  }
0x103: {  	s20 =	sshll.u32 @!p0 s20, $0xE  }
0x104: {  	s19 =	sshll.u32 @!p0 s19, $0xA;
	s20 =	sadd.s32 @!p0 s8, s20  }
0x105: {  	s19 =	sor.u32 @!p0 s19, s20  }
0x106: {  	s19 =	sshrl.u32 @!p0 s19, $0x3  }
0x107: {  	s21 =	simm.s32 @!p0 $0x1480;
	s20 =	simm.s32 @!p0 $0x0;
	s19 =	sadd.s32 @!p0 s2, s19  }
0x108: {  	[hbm4b:s19+s20] =	stream.linear.scatter @!p0 [tilespmem:s21], [sflag:$0x2], $0x400, $0x38;
	[tilespmem:$0x1880] =	vst v63  }
0x109: {  	s19 =	sadd.s32 $0x7, s17  }
0x10a: {  	s30 =	sshll.u32 s19, $0x4  }
0x10b: {  	s31 =	ssub.s32 s30, s18  }
0x10c: {  	s18 =	sadd.s32 $0x100, s31  }
0x10d: {  	p0 =	sge.s32 s18, s7  }
0x10e: {  	p1 =	sgt.s32 @!p0 s17, $0x8  }
0x10f: {  	p2 =	por p1, p0  }
0x110: {  	p2 =	slt.s32 @!p2 s18, s4  }
0x111: {  	p1 =	por @!p0 p2, p1  }
0x112: {  	p0 =	por p1, p0  }
0x113: {  	s17 =	sshll.u32 @!p0 s19, $0xA  }
0x114: {  	s18 =	sshll.u32 @!p0 s18, $0xE;
	s17 =	sadd.s32 @!p0 s8, s17  }
0x115: {  	s17 =	sadd.s32 @!p0 s18, s17  }
0x116: {  	s16 =	sadd.s32 $0x1, s16;
	s17 =	sshrl.u32 @!p0 s17, $0x3  }
0x117: {  	s19 =	simm.s32 @!p0 $0x1480;
	s18 =	simm.s32 @!p0 $0x0;
	s17 =	sadd.s32 @!p0 s2, s17  }
0x118: {  	[hbm4b:s17+s18] =	stream.linear.scatter @!p0 [tilespmem:s19], [sflag:$0x2], $0x400, $0x38;
	[tilespmem:$0x1880] =	vst v63  }
0x119: {  	p0 =	sne.s32 s16, $0xB8  }
.Ltmp4:
0x11a: {  	_ = 	snop;
	(pc) =	sbr.rel @!p0 .LBB2_9-.Ltmp4, $1  }
0x11b: {  	_ =	sdelay $0x3  }
.LBB2_4:
0x11c: {  	p0 =	seq.s32 s16, $0x0  }
.Ltmp5:
0x11d: {  	_ = 	snop;
	(pc) =	sbr.rel @p0 .LBB2_6-.Ltmp5, $3  }
0x11e: {  	_ =	sdelay $0x1  }
0x11f: {  	s17 =	sshll.u32 s16, $0x1  }
0x120: {  	s18 =	sadd.s32 s5, s17  }
0x121: {  	s19 =	sadd.s32 $0xFFFFFF8E, s17  }
0x122: {  	s20 =	sand.u32 $0xE, s19  }
0x123: {  	p1 =	slt.u32 s16, $0x3A;
	s21 =	sshra.s32 s19, $0x1F;
	p2 =	sne.s32 s20, $0x0  }
0x124: {  	s31 =	sshrl.u32 s21, $0x1C;
	p1 =	por !p1, !p2  }
0x125: {  	s20 =	simm.s32 $0x1;
	s19 =	sadd.s32 s31, s19;
	p1 =	por !p1, !p1  }
0x126: {  	s19 =	sshra.s32 s19, $0x4;
	s20 =	simm.s32 @!p1 $0x0  }
0x127: {  	s19 =	ssub.s32 s19, s20  }
0x128: {  	s20 =	sshll.u32 s19, $0x4  }
0x129: {  	s20 =	ssub.s32 s20, s18  }
0x12a: {  	s21 =	sadd.s32 $0x102, s20  }
0x12b: {  	p1 =	sge.s32 s21, s7  }
0x12c: {  	p2 =	sgt.u32 @!p1 s19, $0xF  }
0x12d: {  	p3 =	por p2, p1  }
0x12e: {  	p3 =	slt.s32 @!p3 s21, s4;
	s21 =	sadd.s32 $0x112, s20  }
0x12f: {  	s22 =	sadd.s32 $0x1, s19;
	p2 =	por @!p1 p3, p2;
	p3 =	sge.s32 s21, s7  }
0x130: {  	p1 =	por p2, p1;
	p2 =	sgt.u32 @!p3 s22, $0xF  }
0x131: {  	s23 =	sadd.s32 $0x2, s19;
	s22 =	simm.s32 @!p1 $0x1;
	p4 =	por p2, p3  }
0x132: {  	_ =	swait.ge @!p1 [sflag:s22], $0x400;
	p4 =	slt.s32 @!p4 s21, s4;
	s21 =	sadd.s32 $0x122, s20  }
0x133: {  	p2 =	por @!p3 p4, p2;
	p4 =	sge.s32 s21, s7;
	[sflag:s22] =	ssyncset.done @!p1 $0x0  }
0x134: {  	p2 =	por p2, p3;
	p3 =	sgt.u32 @!p4 s23, $0xF;
	[sflag:s22] =	ssyncadd.s32 @!p1 $0xFFFFFC00  }
0x135: {  	s23 =	sadd.s32 $0x3, s19;
	s22 =	simm.s32 @!p2 $0x1;
	p1 =	por p3, p4  }
0x136: {  	_ =	swait.ge @!p2 [sflag:s22], $0x400;
	p1 =	slt.s32 @!p1 s21, s4;
	s21 =	sadd.s32 $0x132, s20  }
0x137: {  	p1 =	por @!p4 p1, p3;
	p3 =	sge.s32 s21, s7;
	[sflag:s22] =	ssyncset.done @!p2 $0x0  }
0x138: {  	p1 =	por p1, p4;
	p4 =	sgt.u32 @!p3 s23, $0xF;
	[sflag:s22] =	ssyncadd.s32 @!p2 $0xFFFFFC00  }
0x139: {  	s23 =	sadd.s32 $0x4, s19;
	s22 =	simm.s32 @!p1 $0x1;
	p2 =	por p4, p3  }
0x13a: {  	_ =	swait.ge @!p1 [sflag:s22], $0x400;
	p2 =	slt.s32 @!p2 s21, s4;
	s21 =	sadd.s32 $0x142, s20  }
0x13b: {  	p2 =	por @!p3 p2, p4;
	p4 =	sge.s32 s21, s7;
	[sflag:s22] =	ssyncset.done @!p1 $0x0  }
0x13c: {  	p2 =	por p2, p3;
	p3 =	sgt.u32 @!p4 s23, $0xF;
	[sflag:s22] =	ssyncadd.s32 @!p1 $0xFFFFFC00  }
0x13d: {  	s23 =	sadd.s32 $0x5, s19;
	s22 =	simm.s32 @!p2 $0x1;
	p1 =	por p3, p4  }
0x13e: {  	_ =	swait.ge @!p2 [sflag:s22], $0x400;
	p1 =	slt.s32 @!p1 s21, s4;
	s21 =	sadd.s32 $0x152, s20  }
0x13f: {  	[sflag:s22] =	ssyncset.done @!p2 $0x0;
	p1 =	por @!p4 p1, p3;
	p3 =	sge.s32 s21, s7  }
0x140: {  	p1 =	por p1, p4;
	[sflag:s22] =	ssyncadd.s32 @!p2 $0xFFFFFC00;
	p2 =	sgt.u32 @!p3 s23, $0xF  }
0x141: {  	s23 =	sadd.s32 $0x6, s19;
	s22 =	simm.s32 @!p1 $0x1;
	p4 =	por p2, p3  }
0x142: {  	_ =	swait.ge @!p1 [sflag:s22], $0x400;
	p4 =	slt.s32 @!p4 s21, s4;
	s21 =	sadd.s32 $0x162, s20  }
0x143: {  	[sflag:s22] =	ssyncset.done @!p1 $0x0;
	p2 =	por @!p3 p4, p2;
	p4 =	sge.s32 s21, s7  }
0x144: {  	[sflag:s22] =	ssyncadd.s32 @!p1 $0xFFFFFC00;
	p1 =	por p2, p3;
	p2 =	sgt.u32 @!p4 s23, $0xF  }
0x145: {  	s19 =	sadd.s32 $0x7, s19;
	s20 =	sadd.s32 $0x172, s20;
	p3 =	por p2, p4  }
0x146: {  	p5 =	sge.s32 s20, s7;
	s22 =	simm.s32 @!p1 $0x1;
	p3 =	slt.s32 @!p3 s21, s4  }
0x147: {  	_ =	swait.ge @!p1 [sflag:s22], $0x400;
	p2 =	por @!p4 p3, p2;
	p3 =	sgt.u32 @!p5 s19, $0xF  }
0x148: {  	[sflag:s22] =	ssyncset.done @!p1 $0x0;
	p2 =	por p2, p4;
	p4 =	por p3, p5  }
0x149: {  	[sflag:s22] =	ssyncadd.s32 @!p1 $0xFFFFFC00;
	s19 =	simm.s32 @!p2 $0x1;
	p1 =	slt.s32 @!p4 s20, s4  }
0x14a: {  	p1 =	por @!p5 p1, p3;
	_ =	swait.ge @!p2 [sflag:s19], $0x400  }
0x14b: {  	[sflag:s19] =	ssyncset.done @!p2 $0x0;
	p1 =	por p1, p5  }
0x14c: {  	[sflag:s19] =	ssyncadd.s32 @!p2 $0xFFFFFC00;
	s19 =	simm.s32 @!p1 $0x1  }
0x14d: {  	_ =	swait.ge @!p1 [sflag:s19], $0x400  }
0x14e: {  	[sflag:s19] =	ssyncset.done @!p1 $0x0  }
0x14f: {  	[sflag:s19] =	ssyncadd.s32 @!p1 $0xFFFFFC00  }
.LBB2_6:
0x150: {  	s19 =	sshll.u32 s18, $0x3  }
0x151: {  	s20 =	sand.u32 $0x3FFFFFF8, s19  }
0x152: {  	v0 =	vld [tilespmem:s20+$0x0]  }
0x153: {  	v1 =	vld [tilespmem:s20+$0x10]  }
0x154: {  	v2 =	vld [tilespmem:s20+$0x20]  }
0x155: {  	v3 =	vld [tilespmem:s20+$0x30]  }
0x156: {  	v4 =	vld [tilespmem:s20+$0x40]  }
0x157: {  	v5 =	vld [tilespmem:s20+$0x50]  }
0x158: {  	v6 =	vld [tilespmem:s20+$0x60]  }
0x159: {  	v7 =	vld [tilespmem:s20+$0x70];
	[tilespmem:$0x1080] =	vst v0  }
0x15a: {  	[tilespmem:$0x1090] =	vst v1  }
0x15b: {  	[tilespmem:$0x10A0] =	vst v2  }
0x15c: {  	[tilespmem:$0x10B0] =	vst v3  }
0x15d: {  	[tilespmem:$0x10C0] =	vst v4  }
0x15e: {  	[tilespmem:$0x10D0] =	vst v5  }
0x15f: {  	[tilespmem:$0x10E0] =	vst v6  }
0x160: {  	[tilespmem:$0x10F0] =	vst v7  }
0x161: {  	v0 =	vld [tilespmem:s20+$0xFFFFFFFF]  }
0x162: {  	v1 =	vld [tilespmem:s20+$0xF]  }
0x163: {  	v2 =	vld [tilespmem:s20+$0x1F]  }
0x164: {  	v3 =	vld [tilespmem:s20+$0x2F]  }
0x165: {  	v4 =	vld [tilespmem:s20+$0x3F]  }
0x166: {  	v5 =	vld [tilespmem:s20+$0x4F]  }
0x167: {  	v6 =	vld [tilespmem:s20+$0x5F]  }
0x168: {  	v7 =	vld [tilespmem:s20+$0x6F];
	[tilespmem:$0x1100] =	vst v0  }
0x169: {  	[tilespmem:$0x1110] =	vst v1  }
0x16a: {  	[tilespmem:$0x1120] =	vst v2  }
0x16b: {  	[tilespmem:$0x1130] =	vst v3  }
0x16c: {  	[tilespmem:$0x1140] =	vst v4  }
0x16d: {  	[tilespmem:$0x1150] =	vst v5  }
0x16e: {  	[tilespmem:$0x1160] =	vst v6  }
0x16f: {  	[tilespmem:$0x1170] =	vst v7  }
0x170: {  	v0 =	vld [tilespmem:s20+$0xFFFFFFFE]  }
0x171: {  	v1 =	vld [tilespmem:s20+$0xE]  }
0x172: {  	v2 =	vld [tilespmem:s20+$0x1E]  }
0x173: {  	v3 =	vld [tilespmem:s20+$0x2E]  }
0x174: {  	v4 =	vld [tilespmem:s20+$0x3E]  }
0x175: {  	v5 =	vld [tilespmem:s20+$0x4E]  }
0x176: {  	v6 =	vld [tilespmem:s20+$0x5E]  }
0x177: {  	v7 =	vld [tilespmem:s20+$0x6E];
	[tilespmem:$0x1180] =	vst v0  }
0x178: {  	[tilespmem:$0x1190] =	vst v1  }
0x179: {  	[tilespmem:$0x11A0] =	vst v2  }
0x17a: {  	[tilespmem:$0x11B0] =	vst v3  }
0x17b: {  	[tilespmem:$0x11C0] =	vst v4  }
0x17c: {  	[tilespmem:$0x11D0] =	vst v5  }
0x17d: {  	[tilespmem:$0x11E0] =	vst v6  }
0x17e: {  	[tilespmem:$0x11F0] =	vst v7  }
0x17f: {  	v0 =	vld [tilespmem:s20+$0xFFFFFFFD]  }
0x180: {  	v1 =	vld [tilespmem:s20+$0xD]  }
0x181: {  	v2 =	vld [tilespmem:s20+$0x1D]  }
0x182: {  	v3 =	vld [tilespmem:s20+$0x2D]  }
0x183: {  	v4 =	vld [tilespmem:s20+$0x3D]  }
0x184: {  	v5 =	vld [tilespmem:s20+$0x4D]  }
0x185: {  	v6 =	vld [tilespmem:s20+$0x5D]  }
0x186: {  	v7 =	vld [tilespmem:s20+$0x6D];
	[tilespmem:$0x1200] =	vst v0  }
0x187: {  	[tilespmem:$0x1210] =	vst v1  }
0x188: {  	[tilespmem:$0x1220] =	vst v2  }
0x189: {  	[tilespmem:$0x1230] =	vst v3  }
0x18a: {  	[tilespmem:$0x1240] =	vst v4  }
0x18b: {  	[tilespmem:$0x1250] =	vst v5  }
0x18c: {  	[tilespmem:$0x1260] =	vst v6  }
0x18d: {  	[tilespmem:$0x1270] =	vst v7  }
0x18e: {  	v0 =	vld [tilespmem:s20+$0xFFFFFFFC]  }
0x18f: {  	v1 =	vld [tilespmem:s20+$0xC]  }
0x190: {  	v2 =	vld [tilespmem:s20+$0x1C]  }
0x191: {  	v3 =	vld [tilespmem:s20+$0x2C]  }
0x192: {  	v4 =	vld [tilespmem:s20+$0x3C]  }
0x193: {  	v5 =	vld [tilespmem:s20+$0x4C]  }
0x194: {  	v6 =	vld [tilespmem:s20+$0x5C]  }
0x195: {  	v7 =	vld [tilespmem:s20+$0x6C];
	[tilespmem:$0x1280] =	vst v0  }
0x196: {  	[tilespmem:$0x1290] =	vst v1  }
0x197: {  	[tilespmem:$0x12A0] =	vst v2  }
0x198: {  	[tilespmem:$0x12B0] =	vst v3  }
0x199: {  	[tilespmem:$0x12C0] =	vst v4  }
0x19a: {  	[tilespmem:$0x12D0] =	vst v5  }
0x19b: {  	[tilespmem:$0x12E0] =	vst v6  }
0x19c: {  	[tilespmem:$0x12F0] =	vst v7  }
0x19d: {  	v0 =	vld [tilespmem:s20+$0xFFFFFFFB]  }
0x19e: {  	v1 =	vld [tilespmem:s20+$0xB]  }
0x19f: {  	v2 =	vld [tilespmem:s20+$0x1B]  }
0x1a0: {  	v3 =	vld [tilespmem:s20+$0x2B]  }
0x1a1: {  	v4 =	vld [tilespmem:s20+$0x3B]  }
0x1a2: {  	v5 =	vld [tilespmem:s20+$0x4B]  }
0x1a3: {  	v6 =	vld [tilespmem:s20+$0x5B]  }
0x1a4: {  	v7 =	vld [tilespmem:s20+$0x6B];
	[tilespmem:$0x1300] =	vst v0  }
0x1a5: {  	[tilespmem:$0x1310] =	vst v1  }
0x1a6: {  	[tilespmem:$0x1320] =	vst v2  }
0x1a7: {  	[tilespmem:$0x1330] =	vst v3  }
0x1a8: {  	[tilespmem:$0x1340] =	vst v4  }
0x1a9: {  	[tilespmem:$0x1350] =	vst v5  }
0x1aa: {  	[tilespmem:$0x1360] =	vst v6  }
0x1ab: {  	[tilespmem:$0x1370] =	vst v7  }
0x1ac: {  	v0 =	vld [tilespmem:s20+$0xFFFFFFFA]  }
0x1ad: {  	v1 =	vld [tilespmem:s20+$0xA]  }
0x1ae: {  	v2 =	vld [tilespmem:s20+$0x1A]  }
0x1af: {  	v3 =	vld [tilespmem:s20+$0x2A]  }
0x1b0: {  	v4 =	vld [tilespmem:s20+$0x3A]  }
0x1b1: {  	v5 =	vld [tilespmem:s20+$0x4A]  }
0x1b2: {  	v6 =	vld [tilespmem:s20+$0x5A]  }
0x1b3: {  	v7 =	vld [tilespmem:s20+$0x6A];
	[tilespmem:$0x1380] =	vst v0  }
0x1b4: {  	s31 =	sadd.s32 $0xFFFFFF90, s17;
	[tilespmem:$0x1390] =	vst v1  }
0x1b5: {  	s21 =	sshll.u32 s31, $0x10;
	[tilespmem:$0x13A0] =	vst v2  }
0x1b6: {  	s22 =	sand.u32 $0x7, s16;
	s21 =	sshra.s32 s21, $0x1F;
	[tilespmem:$0x13B0] =	vst v3  }
0x1b7: {  	p1 =	slt.u32 s16, $0x39;
	p2 =	sne.s32 s22, $0x0;
	s21 =	sand.u32 $0xF, s21;
	[tilespmem:$0x13C0] =	vst v4  }
0x1b8: {  	p2 =	por !p1, !p2;
	s19 =	sadd.s32 s21, s31;
	[tilespmem:$0x13D0] =	vst v5  }
0x1b9: {  	p2 =	por !p2, !p2;
	s21 =	simm.s32 $0x1;
	s19 =	sshll.u32 s19, $0x10;
	[tilespmem:$0x13E0] =	vst v6  }
0x1ba: {  	s21 =	simm.s32 @!p2 $0x0;
	s19 =	sshra.s32 s19, $0x14;
	[tilespmem:$0x13F0] =	vst v7  }
0x1bb: {  	s19 =	ssub.s32 s19, s21;
	v0 =	vld [tilespmem:s20+$0xFFFFFFF9]  }
0x1bc: {  	s21 =	sshll.u32 s19, $0x4;
	v1 =	vld [tilespmem:s20+$0x9]  }
0x1bd: {  	s21 =	ssub.s32 s21, s18;
	v2 =	vld [tilespmem:s20+$0x19]  }
0x1be: {  	s21 =	sadd.s32 $0x100, s21;
	v3 =	vld [tilespmem:s20+$0x29]  }
0x1bf: {  	p2 =	sge.s32 s21, s7;
	v4 =	vld [tilespmem:s20+$0x39]  }
0x1c0: {  	p3 =	sgt.u32 @!p2 s19, $0xF;
	v5 =	vld [tilespmem:s20+$0x49]  }
0x1c1: {  	p4 =	por p3, p2;
	v6 =	vld [tilespmem:s20+$0x59]  }
0x1c2: {  	p4 =	slt.s32 @!p4 s21, s4;
	v7 =	vld [tilespmem:s20+$0x69];
	[tilespmem:$0x1400] =	vst v0  }
0x1c3: {  	p3 =	por @!p2 p4, p3;
	[tilespmem:$0x1410] =	vst v1  }
0x1c4: {  	p2 =	por p3, p2;
	[tilespmem:$0x1420] =	vst v2  }
0x1c5: {  	s20 =	sshll.u32 @!p2 s21, $0xE;
	[tilespmem:$0x1430] =	vst v3  }
0x1c6: {  	s21 =	sshll.u32 @!p2 s19, $0xA;
	s20 =	sadd.s32 @!p2 s8, s20;
	[tilespmem:$0x1440] =	vst v4  }
0x1c7: {  	s20 =	sor.u32 @!p2 s21, s20;
	[tilespmem:$0x1450] =	vst v5  }
0x1c8: {  	s20 =	sshrl.u32 @!p2 s20, $0x3;
	[tilespmem:$0x1460] =	vst v6  }
0x1c9: {  	s22 =	simm.s32 @!p2 $0x1080;
	s21 =	simm.s32 @!p2 $0x0;
	s20 =	sadd.s32 @!p2 s2, s20;
	[tilespmem:$0x1470] =	vst v7  }
0x1ca: {  	[hbm4b:s20+s21] =	stream.linear.scatter @!p2 [tilespmem:s22], [sflag:$0x1], $0x400, $0x38;
	[tilespmem:$0x1880] =	vst v63  }
0x1cb: {  	s20 =	sadd.s32 $0x1, s19  }
0x1cc: {  	s22 =	sshll.u32 s20, $0x4  }
0x1cd: {  	s21 =	ssub.s32 s22, s18  }
0x1ce: {  	s21 =	sadd.s32 $0x100, s21  }
0x1cf: {  	p2 =	sge.s32 s21, s7  }
0x1d0: {  	p3 =	sgt.u32 @!p2 s20, $0xF  }
0x1d1: {  	p4 =	por p3, p2  }
0x1d2: {  	p4 =	slt.s32 @!p4 s21, s4  }
0x1d3: {  	p3 =	por @!p2 p4, p3  }
0x1d4: {  	p2 =	por p3, p2  }
0x1d5: {  	s21 =	sshll.u32 @!p2 s21, $0xE  }
0x1d6: {  	s20 =	sshll.u32 @!p2 s20, $0xA;
	s21 =	sadd.s32 @!p2 s8, s21  }
0x1d7: {  	s20 =	sor.u32 @!p2 s20, s21  }
0x1d8: {  	s20 =	sshrl.u32 @!p2 s20, $0x3  }
0x1d9: {  	s22 =	simm.s32 @!p2 $0x1080;
	s21 =	simm.s32 @!p2 $0x0;
	s20 =	sadd.s32 @!p2 s2, s20  }
0x1da: {  	[hbm4b:s20+s21] =	stream.linear.scatter @!p2 [tilespmem:s22], [sflag:$0x1], $0x400, $0x38;
	[tilespmem:$0x1880] =	vst v63  }
0x1db: {  	s20 =	sadd.s32 $0x2, s19  }
0x1dc: {  	s23 =	sshll.u32 s20, $0x4  }
0x1dd: {  	s21 =	ssub.s32 s23, s18  }
0x1de: {  	s21 =	sadd.s32 $0x100, s21  }
0x1df: {  	p2 =	sge.s32 s21, s7  }
0x1e0: {  	p3 =	sgt.u32 @!p2 s20, $0xF  }
0x1e1: {  	p4 =	por p3, p2  }
0x1e2: {  	p4 =	slt.s32 @!p4 s21, s4  }
0x1e3: {  	p3 =	por @!p2 p4, p3  }
0x1e4: {  	p2 =	por p3, p2  }
0x1e5: {  	s21 =	sshll.u32 @!p2 s21, $0xE  }
0x1e6: {  	s20 =	sshll.u32 @!p2 s20, $0xA;
	s21 =	sadd.s32 @!p2 s8, s21  }
0x1e7: {  	s20 =	sor.u32 @!p2 s20, s21  }
0x1e8: {  	s20 =	sshrl.u32 @!p2 s20, $0x3  }
0x1e9: {  	s22 =	simm.s32 @!p2 $0x1080;
	s21 =	simm.s32 @!p2 $0x0;
	s20 =	sadd.s32 @!p2 s2, s20  }
0x1ea: {  	[hbm4b:s20+s21] =	stream.linear.scatter @!p2 [tilespmem:s22], [sflag:$0x1], $0x400, $0x38;
	[tilespmem:$0x1880] =	vst v63  }
0x1eb: {  	s20 =	sadd.s32 $0x3, s19  }
0x1ec: {  	s24 =	sshll.u32 s20, $0x4  }
0x1ed: {  	s21 =	ssub.s32 s24, s18  }
0x1ee: {  	s21 =	sadd.s32 $0x100, s21  }
0x1ef: {  	p2 =	sge.s32 s21, s7  }
0x1f0: {  	p3 =	sgt.u32 @!p2 s20, $0xF  }
0x1f1: {  	p4 =	por p3, p2  }
0x1f2: {  	p4 =	slt.s32 @!p4 s21, s4  }
0x1f3: {  	p3 =	por @!p2 p4, p3  }
0x1f4: {  	p2 =	por p3, p2  }
0x1f5: {  	s21 =	sshll.u32 @!p2 s21, $0xE  }
0x1f6: {  	s20 =	sshll.u32 @!p2 s20, $0xA;
	s21 =	sadd.s32 @!p2 s8, s21  }
0x1f7: {  	s20 =	sor.u32 @!p2 s20, s21  }
0x1f8: {  	s20 =	sshrl.u32 @!p2 s20, $0x3  }
0x1f9: {  	s22 =	simm.s32 @!p2 $0x1080;
	s21 =	simm.s32 @!p2 $0x0;
	s20 =	sadd.s32 @!p2 s2, s20  }
0x1fa: {  	[hbm4b:s20+s21] =	stream.linear.scatter @!p2 [tilespmem:s22], [sflag:$0x1], $0x400, $0x38;
	[tilespmem:$0x1880] =	vst v63  }
0x1fb: {  	s20 =	sadd.s32 $0x4, s19  }
0x1fc: {  	s25 =	sshll.u32 s20, $0x4  }
0x1fd: {  	s21 =	ssub.s32 s25, s18  }
0x1fe: {  	s21 =	sadd.s32 $0x100, s21  }
0x1ff: {  	p2 =	sge.s32 s21, s7  }
0x200: {  	p3 =	sgt.u32 @!p2 s20, $0xF  }
0x201: {  	p4 =	por p3, p2  }
0x202: {  	p4 =	slt.s32 @!p4 s21, s4  }
0x203: {  	p3 =	por @!p2 p4, p3  }
0x204: {  	p2 =	por p3, p2  }
0x205: {  	s21 =	sshll.u32 @!p2 s21, $0xE  }
0x206: {  	s20 =	sshll.u32 @!p2 s20, $0xA;
	s21 =	sadd.s32 @!p2 s8, s21  }
0x207: {  	s20 =	sor.u32 @!p2 s20, s21  }
0x208: {  	s20 =	sshrl.u32 @!p2 s20, $0x3  }
0x209: {  	s22 =	simm.s32 @!p2 $0x1080;
	s21 =	simm.s32 @!p2 $0x0;
	s20 =	sadd.s32 @!p2 s2, s20  }
0x20a: {  	[hbm4b:s20+s21] =	stream.linear.scatter @!p2 [tilespmem:s22], [sflag:$0x1], $0x400, $0x38;
	[tilespmem:$0x1880] =	vst v63  }
0x20b: {  	s20 =	sadd.s32 $0x5, s19  }
0x20c: {  	s26 =	sshll.u32 s20, $0x4  }
0x20d: {  	s21 =	ssub.s32 s26, s18  }
0x20e: {  	s21 =	sadd.s32 $0x100, s21  }
0x20f: {  	p2 =	sge.s32 s21, s7  }
0x210: {  	p3 =	sgt.u32 @!p2 s20, $0xF  }
0x211: {  	p4 =	por p3, p2  }
0x212: {  	p4 =	slt.s32 @!p4 s21, s4  }
0x213: {  	p3 =	por @!p2 p4, p3  }
0x214: {  	p2 =	por p3, p2  }
0x215: {  	s21 =	sshll.u32 @!p2 s21, $0xE  }
0x216: {  	s20 =	sshll.u32 @!p2 s20, $0xA;
	s21 =	sadd.s32 @!p2 s8, s21  }
0x217: {  	s20 =	sor.u32 @!p2 s20, s21  }
0x218: {  	s20 =	sshrl.u32 @!p2 s20, $0x3  }
0x219: {  	s22 =	simm.s32 @!p2 $0x1080;
	s21 =	simm.s32 @!p2 $0x0;
	s20 =	sadd.s32 @!p2 s2, s20  }
0x21a: {  	[hbm4b:s20+s21] =	stream.linear.scatter @!p2 [tilespmem:s22], [sflag:$0x1], $0x400, $0x38;
	[tilespmem:$0x1880] =	vst v63  }
0x21b: {  	s20 =	sadd.s32 $0x6, s19  }
0x21c: {  	s28 =	sshll.u32 s20, $0x4  }
0x21d: {  	s21 =	ssub.s32 s28, s18  }
0x21e: {  	s21 =	sadd.s32 $0x100, s21  }
0x21f: {  	p2 =	sge.s32 s21, s7  }
0x220: {  	p3 =	sgt.u32 @!p2 s20, $0xF  }
0x221: {  	p4 =	por p3, p2  }
0x222: {  	p4 =	slt.s32 @!p4 s21, s4  }
0x223: {  	p3 =	por @!p2 p4, p3  }
0x224: {  	p2 =	por p3, p2  }
0x225: {  	s19 =	sadd.s32 $0x7, s19;
	s21 =	sshll.u32 @!p2 s21, $0xE  }
0x226: {  	s29 =	sshll.u32 s19, $0x4;
	s20 =	sshll.u32 @!p2 s20, $0xA;
	s21 =	sadd.s32 @!p2 s8, s21  }
0x227: {  	s30 =	ssub.s32 s29, s18;
	s20 =	sor.u32 @!p2 s20, s21  }
0x228: {  	s18 =	sadd.s32 $0x100, s30;
	s20 =	sshrl.u32 @!p2 s20, $0x3  }
0x229: {  	s22 =	simm.s32 @!p2 $0x1080;
	s21 =	simm.s32 @!p2 $0x0;
	s20 =	sadd.s32 @!p2 s2, s20  }
0x22a: {  	[hbm4b:s20+s21] =	stream.linear.scatter @!p2 [tilespmem:s22], [sflag:$0x1], $0x400, $0x38;
	[tilespmem:$0x1880] =	vst v63  }
0x22b: {  	p2 =	sge.s32 s18, s7  }
0x22c: {  	p3 =	sgt.u32 @!p2 s19, $0xF  }
0x22d: {  	p4 =	por p3, p2  }
0x22e: {  	p4 =	slt.s32 @!p4 s18, s4  }
0x22f: {  	p3 =	por @!p2 p4, p3  }
0x230: {  	p2 =	por p3, p2  }
0x231: {  	s18 =	sshll.u32 @!p2 s18, $0xE  }
0x232: {  	s19 =	sshll.u32 @!p2 s19, $0xA;
	s18 =	sadd.s32 @!p2 s8, s18  }
.Ltmp6:
0x233: {  	s18 =	sor.u32 @!p2 s19, s18;
	(pc) =	sbr.rel @p0 .LBB2_8-.Ltmp6, $4  }
0x234: {  	s31 =	sadd.s32 s17, s5;
	s18 =	sshrl.u32 @!p2 s18, $0x3  }
0x235: {  	s20 =	simm.s32 @!p2 $0x1080;
	s19 =	simm.s32 @!p2 $0x0;
	s18 =	sadd.s32 @!p2 s2, s18  }
0x236: {  	[hbm4b:s18+s19] =	stream.linear.scatter @!p2 [tilespmem:s20], [sflag:$0x1], $0x400, $0x38;
	[tilespmem:$0x1880] =	vst v63  }
0x237: {  	s18 =	sadd.s32 $0x1, s31  }
0x238: {  	s19 =	sadd.s32 $0xFFFFFF8F, s17  }
0x239: {  	s20 =	sshra.s32 s19, $0x1F  }
0x23a: {  	s20 =	sshrl.u32 s20, $0x1C  }
0x23b: {  	s19 =	sadd.s32 s20, s19;
	s20 =	simm.s32 $0x1  }
0x23c: {  	s19 =	sshra.s32 s19, $0x4;
	s20 =	simm.s32 @!p1 $0x0  }
0x23d: {  	s19 =	ssub.s32 s19, s20  }
0x23e: {  	s20 =	sshll.u32 s19, $0x4  }
0x23f: {  	s20 =	ssub.s32 s20, s18  }
0x240: {  	s21 =	sadd.s32 $0x102, s20  }
0x241: {  	p0 =	sge.s32 s21, s7  }
0x242: {  	p1 =	sgt.u32 @!p0 s19, $0xF  }
0x243: {  	p2 =	por p1, p0  }
0x244: {  	p2 =	slt.s32 @!p2 s21, s4;
	s21 =	sadd.s32 $0x112, s20  }
0x245: {  	s22 =	sadd.s32 $0x1, s19;
	p1 =	por @!p0 p2, p1;
	p2 =	sge.s32 s21, s7  }
0x246: {  	p0 =	por p1, p0;
	p1 =	sgt.u32 @!p2 s22, $0xF  }
0x247: {  	s23 =	sadd.s32 $0x2, s19;
	s22 =	simm.s32 @!p0 $0x2;
	p3 =	por p1, p2  }
0x248: {  	_ =	swait.ge @!p0 [sflag:s22], $0x400;
	p3 =	slt.s32 @!p3 s21, s4;
	s21 =	sadd.s32 $0x122, s20  }
0x249: {  	p1 =	por @!p2 p3, p1;
	p3 =	sge.s32 s21, s7;
	[sflag:s22] =	ssyncset.done @!p0 $0x0  }
0x24a: {  	p1 =	por p1, p2;
	p2 =	sgt.u32 @!p3 s23, $0xF;
	[sflag:s22] =	ssyncadd.s32 @!p0 $0xFFFFFC00  }
0x24b: {  	s23 =	sadd.s32 $0x3, s19;
	s22 =	simm.s32 @!p1 $0x2;
	p0 =	por p2, p3  }
0x24c: {  	_ =	swait.ge @!p1 [sflag:s22], $0x400;
	p0 =	slt.s32 @!p0 s21, s4;
	s21 =	sadd.s32 $0x132, s20  }
0x24d: {  	p0 =	por @!p3 p0, p2;
	p2 =	sge.s32 s21, s7;
	[sflag:s22] =	ssyncset.done @!p1 $0x0  }
0x24e: {  	p0 =	por p0, p3;
	p3 =	sgt.u32 @!p2 s23, $0xF;
	[sflag:s22] =	ssyncadd.s32 @!p1 $0xFFFFFC00  }
0x24f: {  	s23 =	sadd.s32 $0x4, s19;
	s22 =	simm.s32 @!p0 $0x2;
	p1 =	por p3, p2  }
0x250: {  	_ =	swait.ge @!p0 [sflag:s22], $0x400;
	p1 =	slt.s32 @!p1 s21, s4;
	s21 =	sadd.s32 $0x142, s20  }
0x251: {  	p1 =	por @!p2 p1, p3;
	p3 =	sge.s32 s21, s7;
	[sflag:s22] =	ssyncset.done @!p0 $0x0  }
0x252: {  	p1 =	por p1, p2;
	p2 =	sgt.u32 @!p3 s23, $0xF;
	[sflag:s22] =	ssyncadd.s32 @!p0 $0xFFFFFC00  }
0x253: {  	s23 =	sadd.s32 $0x5, s19;
	s22 =	simm.s32 @!p1 $0x2;
	p0 =	por p2, p3  }
0x254: {  	_ =	swait.ge @!p1 [sflag:s22], $0x400;
	p0 =	slt.s32 @!p0 s21, s4;
	s21 =	sadd.s32 $0x152, s20  }
0x255: {  	[sflag:s22] =	ssyncset.done @!p1 $0x0;
	p0 =	por @!p3 p0, p2;
	p2 =	sge.s32 s21, s7  }
0x256: {  	p0 =	por p0, p3;
	[sflag:s22] =	ssyncadd.s32 @!p1 $0xFFFFFC00;
	p1 =	sgt.u32 @!p2 s23, $0xF  }
0x257: {  	s23 =	sadd.s32 $0x6, s19;
	s22 =	simm.s32 @!p0 $0x2;
	p3 =	por p1, p2  }
0x258: {  	_ =	swait.ge @!p0 [sflag:s22], $0x400;
	p3 =	slt.s32 @!p3 s21, s4;
	s21 =	sadd.s32 $0x162, s20  }
0x259: {  	[sflag:s22] =	ssyncset.done @!p0 $0x0;
	p1 =	por @!p2 p3, p1;
	p3 =	sge.s32 s21, s7  }
0x25a: {  	[sflag:s22] =	ssyncadd.s32 @!p0 $0xFFFFFC00;
	p0 =	por p1, p2;
	p1 =	sgt.u32 @!p3 s23, $0xF  }
0x25b: {  	s19 =	sadd.s32 $0x7, s19;
	s20 =	sadd.s32 $0x172, s20;
	p2 =	por p1, p3  }
0x25c: {  	p4 =	sge.s32 s20, s7;
	s22 =	simm.s32 @!p0 $0x2;
	p2 =	slt.s32 @!p2 s21, s4  }
0x25d: {  	_ =	swait.ge @!p0 [sflag:s22], $0x400;
	p1 =	por @!p3 p2, p1;
	p2 =	sgt.u32 @!p4 s19, $0xF  }
0x25e: {  	[sflag:s22] =	ssyncset.done @!p0 $0x0;
	p1 =	por p1, p3;
	p3 =	por p2, p4  }
0x25f: {  	[sflag:s22] =	ssyncadd.s32 @!p0 $0xFFFFFC00;
	s19 =	simm.s32 @!p1 $0x2;
	p0 =	slt.s32 @!p3 s20, s4  }
0x260: {  	p0 =	por @!p4 p0, p2;
	_ =	swait.ge @!p1 [sflag:s19], $0x400  }
.Ltmp7:
0x261: {  	[sflag:s19] =	ssyncset.done @!p1 $0x0;
	p0 =	por p0, p4;
	(pc) =	sbr.rel .LBB2_8-.Ltmp7, $4  }
0x262: {  	[sflag:s19] =	ssyncadd.s32 @!p1 $0xFFFFFC00;
	s19 =	simm.s32 @!p0 $0x2  }
0x263: {  	_ =	swait.ge @!p0 [sflag:s19], $0x400  }
0x264: {  	[sflag:s19] =	ssyncset.done @!p0 $0x0  }
0x265: {  	[sflag:s19] =	ssyncadd.s32 @!p0 $0xFFFFFC00  }
.LBB2_10:
0x266: {  	_ =	sfence.sel $0x180000  }
0x267: {  	[bflag:$0x0] =	sbarrier.arrive $0xFFFF  }
0x268: {  	p0 =	sne.s32 s0, $0x0;
	_ =	strace $0x90000047  }
0x269: {  	s0 =	sadd.s32 @!p0 $0x100000, s1;
	[bflag:$0x2] =	sbarrier.arrive $0xFFFF  }
0x26a: {  	[sflag:s0] =	ssyncadd.tile.s32 @!p0 $0x1;
	_ =	shalt  }
.Lfunc_end2:
_tile_overlayer_lowered:
.L_overlay_start_2:
0x26b: {  	(tag) =	ssettag $0x2  }
0x26c: {  	s0 =	rddreg [dreg:$0x0];
	s2 =	stileid.u32  }
0x26d: {  	s1 =	rddreg [dreg:$0x1];
	p0 =	sne.s32 s2, $0x0  }
0x26e: {  	s3 =	rddreg [dreg:$0x2];
	[bflag:$0x3] =	sbarrier.arrive $0xFFFF;
	s2 =	simm.s32 @!p0 $0x1C03  }
0x26f: {  	[timem:s3], [sflag:s2] =	dma.local @!p0 [hbm:s0], s1  }
0x270: {  	s0 =	simm.s32 @!p0 $0x3  }
0x271: {  	_ =	swait.ge @!p0 [sflag:s0], s1  }
0x272: {  	s1 =	ssub.s32 @!p0 $0x0, s1;
	[sflag:s0] =	ssyncset.done @!p0 $0x0  }
0x273: {  	[sflag:s0] =	ssyncadd.s32 @!p0 s1  }
0x274: {  	[bflag:$0x3] =	sbarrier.arrive $0xFFFF  }
0x275: {  	_ =	shalt  }

</sc_bundles>
